<compile_context>
chip_gen: v7x
topology: tpu7x:2x2x1
jax: 0.10.2.dev20260603
libtpu: 0.0.44.dev20260713+nightly
codegen_flags: <defaults>
</compile_context>

<pallas_src>
import functools

import jax
import jax.numpy as jnp
from jax import lax
from jax.experimental import pallas as pl
from jax.experimental.pallas import tpu as pltpu
from jax.experimental.pallas import tpu_sc as plsc

NC = 2
NS = 16
NW = NC * NS
L = 16

BATCH = 16384
D = 128
CB = 128
BPW = BATCH // NW
CH = BPW // CB
GROUPS = D // L
UNROLL = 8


def _sc_partials(x, labels, centers):
  mesh = plsc.VectorSubcoreMesh(core_axis_name="c", subcore_axis_name="s")

  @functools.partial(
      pl.kernel,
      out_type=jax.ShapeDtypeStruct((NW, L), jnp.float32),
      mesh=mesh,
      scratch_types=[
          pltpu.VMEM((BPW,), jnp.int32),
          pltpu.VMEM((CB, D), jnp.float32),
          pltpu.VMEM((CB, D), jnp.float32),
          pltpu.VMEM((CB, D), jnp.float32),
          pltpu.VMEM((CB, D), jnp.float32),
          pltpu.VMEM((L,), jnp.float32),
          pltpu.SemaphoreType.DMA,
          pltpu.SemaphoreType.DMA,
          pltpu.SemaphoreType.DMA,
          pltpu.SemaphoreType.DMA,
      ],
      compiler_params=pltpu.CompilerParams(needs_layout_passes=False),
  )
  def sc_kernel(x_hbm, lab_hbm, cen_hbm, out_hbm, idx_v, x0, x1, c0, c1,
                acc_v, semx0, semx1, semc0, semc1):
    wid = lax.axis_index("s") * NC + lax.axis_index("c")
    base = wid * BPW
    xbufs = [x0, x1]
    cbufs = [c0, c1]
    semx = [semx0, semx1]
    semc = [semc0, semc1]

    def start(kk):
      sl = kk % 2
      hx = pltpu.async_copy(x_hbm.at[pl.ds(base + kk * CB, CB)],
                            xbufs[sl], semx[sl])
      hc = pltpu.async_copy(cen_hbm.at[idx_v.at[pl.ds(kk * CB, CB)]],
                            cbufs[sl], semc[sl])
      return hx, hc

    pltpu.sync_copy(lab_hbm.at[pl.ds(base, CB)], idx_v.at[pl.ds(0, CB)])
    handles = [start(0), None]
    pltpu.sync_copy(lab_hbm.at[pl.ds(base + CB, BPW - CB)],
                    idx_v.at[pl.ds(CB, BPW - CB)])
    handles[1] = start(1)

    def chunk_compute(accs, sl):
      xb = xbufs[sl]
      cb = cbufs[sl]

      def blk_body(b, accs):
        s0 = b * UNROLL
        accs = list(accs)
        for i in range(UNROLL):
          s = s0 + i
          for g in range(GROUPS):
            dv = xb[s, pl.ds(g * L, L)] - cb[s, pl.ds(g * L, L)]
            accs[g] = accs[g] + dv * dv
        return tuple(accs)

      return lax.fori_loop(0, CB // UNROLL, blk_body, accs)

    accs = tuple(jnp.zeros((L,), jnp.float32) for _ in range(GROUPS))
    for kk in range(CH):
      hx, hc = handles[kk % 2]
      hx.wait()
      hc.wait()
      accs = chunk_compute(accs, kk % 2)
      if kk + 2 < CH:
        handles[kk % 2] = start(kk + 2)

    acc = ((accs[0] + accs[1]) + (accs[2] + accs[3])) + (
        (accs[4] + accs[5]) + (accs[6] + accs[7]))
    acc_v[...] = acc
    pltpu.sync_copy(acc_v, out_hbm.at[wid])

  return sc_kernel(x, labels, centers)


def _final_mean(partials):
  def body(p_ref, o_ref):
    o_ref[...] = jnp.sum(p_ref[...]).reshape(1, 1) * (1.0 / BATCH)

  return pl.pallas_call(
      body,
      out_shape=jax.ShapeDtypeStruct((1, 1), jnp.float32),
  )(partials)


def kernel(x, labels, centers):
  partials = _sc_partials(x, labels.astype(jnp.int32), centers)
  return _final_mean(partials)[0, 0]

# --- scband reference (transcript-rebuilt; emitter-appended) ---
"""Pipeline reference for scband-center-loss-79525614453205 (READ-ONLY COPY).

The authoritative reference and input builder live on the scoring server;
editing this copy changes nothing except your own understanding.
"""

import jax, jax.numpy as jnp
import numpy as np

NUM_CLASSES = 100000
FEAT_DIM = 128
BATCH = 16384

def setup_inputs(seed: int = 0) -> dict:
    key = jax.random.key(seed)
    k_x, k_lab, k_c = jax.random.split(key, 3)
    x = jax.random.normal(k_x, (BATCH, FEAT_DIM), dtype=jnp.float32)
    labels = jax.random.randint(k_lab, (BATCH,), 0, NUM_CLASSES, dtype=jnp.int64 if jax.config.jax_enable_x64 else jnp.int32)
    centers = jax.random.normal(k_c, (NUM_CLASSES, FEAT_DIM), dtype=jnp.float32)
    return {"x": x, "labels": labels, "centers": centers}

def reference(x, labels, centers):
    # centers_batch = self.centers[labels]  -> gather
    centers_batch = jnp.take(centers, labels, axis=0)
    dist = jnp.sum(jnp.square(x - centers_batch), axis=1)
    loss = jnp.mean(jnp.clip(dist, 1e-12, 1000000000000.0))
    return loss

if __name__ == "__main__":
    import jax
    _d = setup_inputs()
    print(jax.jit(kernel)(*tuple(_d.values())))

</pallas_src>

<mosaic_0001>
#map = affine_map<(d0, d1) -> (0, 0)>
#map1 = affine_map<(d0, d1) -> (0)>
module attributes {stable_mosaic.version = 14 : i64} {
  func.func @sc_kernel(%arg0: i32, %arg1: i32, %arg2: memref<16384x128xf32, #tpu.memory_space<hbm>>, %arg3: memref<16384xi32, #tpu.memory_space<hbm>>, %arg4: memref<100000x128xf32, #tpu.memory_space<hbm>>, %arg5: memref<32x16xf32, #tpu.memory_space<hbm>>, %arg6: memref<512xi32, #tpu.memory_space<vmem>>, %arg7: memref<128x128xf32, #tpu.memory_space<vmem>>, %arg8: memref<128x128xf32, #tpu.memory_space<vmem>>, %arg9: memref<128x128xf32, #tpu.memory_space<vmem>>, %arg10: memref<128x128xf32, #tpu.memory_space<vmem>>, %arg11: memref<16xf32, #tpu.memory_space<vmem>>, %arg12: memref<!tpu.dma_semaphore, #tpu.memory_space<semaphore_mem>>, %arg13: memref<!tpu.dma_semaphore, #tpu.memory_space<semaphore_mem>>, %arg14: memref<!tpu.dma_semaphore, #tpu.memory_space<semaphore_mem>>, %arg15: memref<!tpu.dma_semaphore, #tpu.memory_space<semaphore_mem>>) attributes {dimension_semantics = [#tpu.dimension_semantics<core_parallel>, #tpu.dimension_semantics<subcore_parallel>], iteration_bounds = array<i64: 2, 16>, scalar_prefetch = 0 : i64, scratch_operands = 10 : i64, tpu.core_type = #tpu.core_type<sc_vector_subcore>, window_params = [{transform_indices = #map}, {transform_indices = #map1}, {transform_indices = #map}, {transform_indices = #map}]} {
    %mul3A = arith.constant 2 : i32
    %mul3A_0 = arith.muli %arg1, %mul3A : i32
    %add3A = arith.addi %mul3A_0, %arg0 : i32
    %mul3A_1 = arith.constant 512 : i32
    %mul3A_2 = arith.muli %add3A, %mul3A_1 : i32
    "tpu.region"() ({
      %run_scoped3A = tpu.sem_alloc : memref<!tpu.dma_semaphore, #tpu.memory_space<semaphore_mem>>
      %dma_start3A_129 = arith.constant 0 : i32
      %dma_start3A_130 = tpu.memref_slice %arg6[%dma_start3A_129] : memref<512xi32, #tpu.memory_space<vmem>> -> memref<128xi32, #tpu.memory_space<vmem>>
      %dma_start3A_131 = tpu.memref_slice %arg3[%mul3A_2] : memref<16384xi32, #tpu.memory_space<hbm>> -> memref<128xi32, #tpu.memory_space<hbm>>
      %dma_start3A_132 = arith.constant 0 : i32
      %dma_start3A_133 = tpu.memref_slice %arg6[%dma_start3A_132] : memref<512xi32, #tpu.memory_space<vmem>> -> memref<128xi32, #tpu.memory_space<vmem>>
      %dma_start3A_134 = tpu.memref_slice %arg3[%mul3A_2] : memref<16384xi32, #tpu.memory_space<hbm>> -> memref<128xi32, #tpu.memory_space<hbm>>
      tpu.enqueue_dma source(%dma_start3A_134 : memref<128xi32, #tpu.memory_space<hbm>>) target(%dma_start3A_133 : memref<128xi32, #tpu.memory_space<vmem>>) target_semaphore(%run_scoped3A : memref<!tpu.dma_semaphore, #tpu.memory_space<semaphore_mem>>)
      %dma_wait3A_135 = arith.constant 0 : i32
      %dma_wait3A_136 = tpu.memref_slice %arg6[%dma_wait3A_135] : memref<512xi32, #tpu.memory_space<vmem>> -> memref<128xi32, #tpu.memory_space<vmem>>
      %dma_wait3A_137 = tpu.memref_slice %arg3[%mul3A_2] : memref<16384xi32, #tpu.memory_space<hbm>> -> memref<128xi32, #tpu.memory_space<hbm>>
      %dma_wait3A_138 = arith.constant 0 : i32
      %dma_wait3A_139 = tpu.memref_slice %arg6[%dma_wait3A_138] : memref<512xi32, #tpu.memory_space<vmem>> -> memref<128xi32, #tpu.memory_space<vmem>>
      %dma_wait3A_140 = tpu.memref_slice %arg3[%mul3A_2] : memref<16384xi32, #tpu.memory_space<hbm>> -> memref<128xi32, #tpu.memory_space<hbm>>
      tpu.wait_dma2 semaphore(%run_scoped3A : memref<!tpu.dma_semaphore, #tpu.memory_space<semaphore_mem>>) src(%dma_wait3A_140 : memref<128xi32, #tpu.memory_space<hbm>>) dst(%dma_wait3A_139 : memref<128xi32, #tpu.memory_space<vmem>>)
      tpu.yield
    }) : () -> ()
    %add3A_3 = arith.constant 0 : i32
    %add3A_4 = arith.addi %mul3A_2, %add3A_3 : i32
    %dma_start3A = arith.constant 0 : i32
    %dma_start3A_5 = tpu.memref_slice %arg2[%add3A_4, %dma_start3A] : memref<16384x128xf32, #tpu.memory_space<hbm>> -> memref<128x128xf32, #tpu.memory_space<hbm>>
    %dma_start3A_6 = arith.constant 0 : i32
    %dma_start3A_7 = tpu.memref_slice %arg2[%add3A_4, %dma_start3A_6] : memref<16384x128xf32, #tpu.memory_space<hbm>> -> memref<128x128xf32, #tpu.memory_space<hbm>>
    tpu.enqueue_dma source(%dma_start3A_7 : memref<128x128xf32, #tpu.memory_space<hbm>>) target(%arg7 : memref<128x128xf32, #tpu.memory_space<vmem>>) target_semaphore(%arg12 : memref<!tpu.dma_semaphore, #tpu.memory_space<semaphore_mem>>)
    %dma_start3A_8 = arith.constant 0 : i32
    %dma_start3A_9 = tpu.memref_slice %arg6[%dma_start3A_8] : memref<512xi32, #tpu.memory_space<vmem>> -> memref<128xi32, #tpu.memory_space<vmem>>
    %dma_start3A_10 = arith.constant 0 : i32
    %dma_start3A_11 = arith.constant 0 : i32
    %dma_start3A_12 = tpu.memref_slice %arg4[%dma_start3A_10, %dma_start3A_11] : memref<100000x128xf32, #tpu.memory_space<hbm>> -> memref<100000x128xf32, #tpu.memory_space<hbm>>
    tpu.enqueue_indirect_dma source(%dma_start3A_12 : memref<100000x128xf32, #tpu.memory_space<hbm>>) target(%arg9 : memref<128x128xf32, #tpu.memory_space<vmem>>) offsets(%dma_start3A_9 : memref<128xi32, #tpu.memory_space<vmem>>) semaphore(%arg14 : memref<!tpu.dma_semaphore, #tpu.memory_space<semaphore_mem>>)
    %add3A_13 = arith.constant 128 : i32
    %add3A_14 = arith.addi %mul3A_2, %add3A_13 : i32
    "tpu.region"() ({
      %run_scoped3A = tpu.sem_alloc : memref<!tpu.dma_semaphore, #tpu.memory_space<semaphore_mem>>
      %dma_start3A_129 = arith.constant 128 : i32
      %dma_start3A_130 = tpu.memref_slice %arg6[%dma_start3A_129] : memref<512xi32, #tpu.memory_space<vmem>> -> memref<384xi32, #tpu.memory_space<vmem>>
      %dma_start3A_131 = tpu.memref_slice %arg3[%add3A_14] : memref<16384xi32, #tpu.memory_space<hbm>> -> memref<384xi32, #tpu.memory_space<hbm>>
      %dma_start3A_132 = arith.constant 128 : i32
      %dma_start3A_133 = tpu.memref_slice %arg6[%dma_start3A_132] : memref<512xi32, #tpu.memory_space<vmem>> -> memref<384xi32, #tpu.memory_space<vmem>>
      %dma_start3A_134 = tpu.memref_slice %arg3[%add3A_14] : memref<16384xi32, #tpu.memory_space<hbm>> -> memref<384xi32, #tpu.memory_space<hbm>>
      tpu.enqueue_dma source(%dma_start3A_134 : memref<384xi32, #tpu.memory_space<hbm>>) target(%dma_start3A_133 : memref<384xi32, #tpu.memory_space<vmem>>) target_semaphore(%run_scoped3A : memref<!tpu.dma_semaphore, #tpu.memory_space<semaphore_mem>>)
      %dma_wait3A_135 = arith.constant 128 : i32
      %dma_wait3A_136 = tpu.memref_slice %arg6[%dma_wait3A_135] : memref<512xi32, #tpu.memory_space<vmem>> -> memref<384xi32, #tpu.memory_space<vmem>>
      %dma_wait3A_137 = tpu.memref_slice %arg3[%add3A_14] : memref<16384xi32, #tpu.memory_space<hbm>> -> memref<384xi32, #tpu.memory_space<hbm>>
      %dma_wait3A_138 = arith.constant 128 : i32
      %dma_wait3A_139 = tpu.memref_slice %arg6[%dma_wait3A_138] : memref<512xi32, #tpu.memory_space<vmem>> -> memref<384xi32, #tpu.memory_space<vmem>>
      %dma_wait3A_140 = tpu.memref_slice %arg3[%add3A_14] : memref<16384xi32, #tpu.memory_space<hbm>> -> memref<384xi32, #tpu.memory_space<hbm>>
      tpu.wait_dma2 semaphore(%run_scoped3A : memref<!tpu.dma_semaphore, #tpu.memory_space<semaphore_mem>>) src(%dma_wait3A_140 : memref<384xi32, #tpu.memory_space<hbm>>) dst(%dma_wait3A_139 : memref<384xi32, #tpu.memory_space<vmem>>)
      tpu.yield
    }) : () -> ()
    %add3A_15 = arith.constant 128 : i32
    %add3A_16 = arith.addi %mul3A_2, %add3A_15 : i32
    %dma_start3A_17 = arith.constant 0 : i32
    %dma_start3A_18 = tpu.memref_slice %arg2[%add3A_16, %dma_start3A_17] : memref<16384x128xf32, #tpu.memory_space<hbm>> -> memref<128x128xf32, #tpu.memory_space<hbm>>
    %dma_start3A_19 = arith.constant 0 : i32
    %dma_start3A_20 = tpu.memref_slice %arg2[%add3A_16, %dma_start3A_19] : memref<16384x128xf32, #tpu.memory_space<hbm>> -> memref<128x128xf32, #tpu.memory_space<hbm>>
    tpu.enqueue_dma source(%dma_start3A_20 : memref<128x128xf32, #tpu.memory_space<hbm>>) target(%arg8 : memref<128x128xf32, #tpu.memory_space<vmem>>) target_semaphore(%arg13 : memref<!tpu.dma_semaphore, #tpu.memory_space<semaphore_mem>>)
    %dma_start3A_21 = arith.constant 128 : i32
    %dma_start3A_22 = tpu.memref_slice %arg6[%dma_start3A_21] : memref<512xi32, #tpu.memory_space<vmem>> -> memref<128xi32, #tpu.memory_space<vmem>>
    %dma_start3A_23 = arith.constant 0 : i32
    %dma_start3A_24 = arith.constant 0 : i32
    %dma_start3A_25 = tpu.memref_slice %arg4[%dma_start3A_23, %dma_start3A_24] : memref<100000x128xf32, #tpu.memory_space<hbm>> -> memref<100000x128xf32, #tpu.memory_space<hbm>>
    tpu.enqueue_indirect_dma source(%dma_start3A_25 : memref<100000x128xf32, #tpu.memory_space<hbm>>) target(%arg10 : memref<128x128xf32, #tpu.memory_space<vmem>>) offsets(%dma_start3A_22 : memref<128xi32, #tpu.memory_space<vmem>>) semaphore(%arg15 : memref<!tpu.dma_semaphore, #tpu.memory_space<semaphore_mem>>)
    %broadcast_in_dim3A = arith.constant 0.000000e+00 : f32
    %broadcast_in_dim3A_26 = vector.broadcast %broadcast_in_dim3A : f32 to vector<16xf32>
    %broadcast_in_dim3A_27 = arith.constant 0.000000e+00 : f32
    %broadcast_in_dim3A_28 = vector.broadcast %broadcast_in_dim3A_27 : f32 to vector<16xf32>
    %broadcast_in_dim3A_29 = arith.constant 0.000000e+00 : f32
    %broadcast_in_dim3A_30 = vector.broadcast %broadcast_in_dim3A_29 : f32 to vector<16xf32>
    %broadcast_in_dim3A_31 = arith.constant 0.000000e+00 : f32
    %broadcast_in_dim3A_32 = vector.broadcast %broadcast_in_dim3A_31 : f32 to vector<16xf32>
    %broadcast_in_dim3A_33 = arith.constant 0.000000e+00 : f32
    %broadcast_in_dim3A_34 = vector.broadcast %broadcast_in_dim3A_33 : f32 to vector<16xf32>
    %broadcast_in_dim3A_35 = arith.constant 0.000000e+00 : f32
    %broadcast_in_dim3A_36 = vector.broadcast %broadcast_in_dim3A_35 : f32 to vector<16xf32>
    %broadcast_in_dim3A_37 = arith.constant 0.000000e+00 : f32
    %broadcast_in_dim3A_38 = vector.broadcast %broadcast_in_dim3A_37 : f32 to vector<16xf32>
    %broadcast_in_dim3A_39 = arith.constant 0.000000e+00 : f32
    %broadcast_in_dim3A_40 = vector.broadcast %broadcast_in_dim3A_39 : f32 to vector<16xf32>
    %dma_wait3A = arith.constant 0 : i32
    %dma_wait3A_41 = tpu.memref_slice %arg2[%add3A_4, %dma_wait3A] : memref<16384x128xf32, #tpu.memory_space<hbm>> -> memref<128x128xf32, #tpu.memory_space<hbm>>
    %dma_wait3A_42 = arith.constant 0 : i32
    %dma_wait3A_43 = tpu.memref_slice %arg2[%add3A_4, %dma_wait3A_42] : memref<16384x128xf32, #tpu.memory_space<hbm>> -> memref<128x128xf32, #tpu.memory_space<hbm>>
    tpu.wait_dma2 semaphore(%arg12 : memref<!tpu.dma_semaphore, #tpu.memory_space<semaphore_mem>>) src(%dma_wait3A_43 : memref<128x128xf32, #tpu.memory_space<hbm>>) dst(%arg7 : memref<128x128xf32, #tpu.memory_space<vmem>>)
    %dma_wait3A_44 = arith.constant 0 : i32
    %dma_wait3A_45 = tpu.memref_slice %arg6[%dma_wait3A_44] : memref<512xi32, #tpu.memory_space<vmem>> -> memref<128xi32, #tpu.memory_space<vmem>>
    %dma_wait3A_46 = arith.constant 0 : i32
    %dma_wait3A_47 = arith.constant 0 : i32
    %dma_wait3A_48 = tpu.memref_slice %arg4[%dma_wait3A_46, %dma_wait3A_47] : memref<100000x128xf32, #tpu.memory_space<hbm>> -> memref<100000x128xf32, #tpu.memory_space<hbm>>
    tpu.wait_indirect_dma semaphore(%arg14 : memref<!tpu.dma_semaphore, #tpu.memory_space<semaphore_mem>>) src(%dma_wait3A_48 : memref<100000x128xf32, #tpu.memory_space<hbm>>) dst(%arg9 : memref<128x128xf32, #tpu.memory_space<vmem>>)
    %scan3A = arith.constant 0 : i32
    %scan3A_49 = arith.constant 16 : i32
    %scan3A_50 = arith.addi %scan3A, %scan3A_49 : i32
    %scan3A_51 = arith.constant 1 : i32
    %scan3A_52:8 = scf.for %scan3A_129 = %scan3A to %scan3A_50 step %scan3A_51 iter_args(%scan3A_130 = %broadcast_in_dim3A_26, %scan3A_131 = %broadcast_in_dim3A_28, %scan3A_132 = %broadcast_in_dim3A_30, %scan3A_133 = %broadcast_in_dim3A_32, %scan3A_134 = %broadcast_in_dim3A_34, %scan3A_135 = %broadcast_in_dim3A_36, %scan3A_136 = %broadcast_in_dim3A_38, %scan3A_137 = %broadcast_in_dim3A_40) -> (vector<16xf32>, vector<16xf32>, vector<16xf32>, vector<16xf32>, vector<16xf32>, vector<16xf32>, vector<16xf32>, vector<16xf32>)  : i32 {
      %mul3A_138 = arith.constant 8 : i32
      %mul3A_139 = arith.muli %scan3A_129, %mul3A_138 : i32
      %add3A_140 = arith.constant 0 : i32
      %add3A_141 = arith.addi %mul3A_139, %add3A_140 : i32
      %get3A = arith.index_cast %add3A_141 : i32 to index
      %get3A_142 = arith.constant 0 : index
      %get3A_143 = tpu.vector_load %arg7[%get3A, %get3A_142] {strides = array<i32>} : memref<128x128xf32, #tpu.memory_space<vmem>>, vector<16xf32>,
      %get3A_144 = arith.index_cast %add3A_141 : i32 to index
      %get3A_145 = arith.constant 0 : index
      %get3A_146 = tpu.vector_load %arg9[%get3A_144, %get3A_145] {strides = array<i32>} : memref<128x128xf32, #tpu.memory_space<vmem>>, vector<16xf32>,
      %sub3A = arith.subf %get3A_143, %get3A_146 : vector<16xf32>
      %mul3A_147 = arith.mulf %sub3A, %sub3A : vector<16xf32>
      %add3A_148 = arith.addf %scan3A_130, %mul3A_147 : vector<16xf32>
      %get3A_149 = arith.index_cast %add3A_141 : i32 to index
      %get3A_150 = arith.constant 16 : index
      %get3A_151 = tpu.vector_load %arg7[%get3A_149, %get3A_150] {strides = array<i32>} : memref<128x128xf32, #tpu.memory_space<vmem>>, vector<16xf32>,
      %get3A_152 = arith.index_cast %add3A_141 : i32 to index
      %get3A_153 = arith.constant 16 : index
      %get3A_154 = tpu.vector_load %arg9[%get3A_152, %get3A_153] {strides = array<i32>} : memref<128x128xf32, #tpu.memory_space<vmem>>, vector<16xf32>,
      %sub3A_155 = arith.subf %get3A_151, %get3A_154 : vector<16xf32>
      %mul3A_156 = arith.mulf %sub3A_155, %sub3A_155 : vector<16xf32>
      %add3A_157 = arith.addf %scan3A_131, %mul3A_156 : vector<16xf32>
      %get3A_158 = arith.index_cast %add3A_141 : i32 to index
      %get3A_159 = arith.constant 32 : index
      %get3A_160 = tpu.vector_load %arg7[%get3A_158, %get3A_159] {strides = array<i32>} : memref<128x128xf32, #tpu.memory_space<vmem>>, vector<16xf32>,
      %get3A_161 = arith.index_cast %add3A_141 : i32 to index
      %get3A_162 = arith.constant 32 : index
      %get3A_163 = tpu.vector_load %arg9[%get3A_161, %get3A_162] {strides = array<i32>} : memref<128x128xf32, #tpu.memory_space<vmem>>, vector<16xf32>,
      %sub3A_164 = arith.subf %get3A_160, %get3A_163 : vector<16xf32>
      %mul3A_165 = arith.mulf %sub3A_164, %sub3A_164 : vector<16xf32>
      %add3A_166 = arith.addf %scan3A_132, %mul3A_165 : vector<16xf32>
      %get3A_167 = arith.index_cast %add3A_141 : i32 to index
      %get3A_168 = arith.constant 48 : index
      %get3A_169 = tpu.vector_load %arg7[%get3A_167, %get3A_168] {strides = array<i32>} : memref<128x128xf32, #tpu.memory_space<vmem>>, vector<16xf32>,
      %get3A_170 = arith.index_cast %add3A_141 : i32 to index
      %get3A_171 = arith.constant 48 : index
      %get3A_172 = tpu.vector_load %arg9[%get3A_170, %get3A_171] {strides = array<i32>} : memref<128x128xf32, #tpu.memory_space<vmem>>, vector<16xf32>,
      %sub3A_173 = arith.subf %get3A_169, %get3A_172 : vector<16xf32>
      %mul3A_174 = arith.mulf %sub3A_173, %sub3A_173 : vector<16xf32>
      %add3A_175 = arith.addf %scan3A_133, %mul3A_174 : vector<16xf32>
      %get3A_176 = arith.index_cast %add3A_141 : i32 to index
      %get3A_177 = arith.constant 64 : index
      %get3A_178 = tpu.vector_load %arg7[%get3A_176, %get3A_177] {strides = array<i32>} : memref<128x128xf32, #tpu.memory_space<vmem>>, vector<16xf32>,
      %get3A_179 = arith.index_cast %add3A_141 : i32 to index
      %get3A_180 = arith.constant 64 : index
      %get3A_181 = tpu.vector_load %arg9[%get3A_179, %get3A_180] {strides = array<i32>} : memref<128x128xf32, #tpu.memory_space<vmem>>, vector<16xf32>,
      %sub3A_182 = arith.subf %get3A_178, %get3A_181 : vector<16xf32>
      %mul3A_183 = arith.mulf %sub3A_182, %sub3A_182 : vector<16xf32>
      %add3A_184 = arith.addf %scan3A_134, %mul3A_183 : vector<16xf32>
      %get3A_185 = arith.index_cast %add3A_141 : i32 to index
      %get3A_186 = arith.constant 80 : index
      %get3A_187 = tpu.vector_load %arg7[%get3A_185, %get3A_186] {strides = array<i32>} : memref<128x128xf32, #tpu.memory_space<vmem>>, vector<16xf32>,
      %get3A_188 = arith.index_cast %add3A_141 : i32 to index
      %get3A_189 = arith.constant 80 : index
      %get3A_190 = tpu.vector_load %arg9[%get3A_188, %get3A_189] {strides = array<i32>} : memref<128x128xf32, #tpu.memory_space<vmem>>, vector<16xf32>,
      %sub3A_191 = arith.subf %get3A_187, %get3A_190 : vector<16xf32>
      %mul3A_192 = arith.mulf %sub3A_191, %sub3A_191 : vector<16xf32>
      %add3A_193 = arith.addf %scan3A_135, %mul3A_192 : vector<16xf32>
      %get3A_194 = arith.index_cast %add3A_141 : i32 to index
      %get3A_195 = arith.constant 96 : index
      %get3A_196 = tpu.vector_load %arg7[%get3A_194, %get3A_195] {strides = array<i32>} : memref<128x128xf32, #tpu.memory_space<vmem>>, vector<16xf32>,
      %get3A_197 = arith.index_cast %add3A_141 : i32 to index
      %get3A_198 = arith.constant 96 : index
      %get3A_199 = tpu.vector_load %arg9[%get3A_197, %get3A_198] {strides = array<i32>} : memref<128x128xf32, #tpu.memory_space<vmem>>, vector<16xf32>,
      %sub3A_200 = arith.subf %get3A_196, %get3A_199 : vector<16xf32>
      %mul3A_201 = arith.mulf %sub3A_200, %sub3A_200 : vector<16xf32>
      %add3A_202 = arith.addf %scan3A_136, %mul3A_201 : vector<16xf32>
      %get3A_203 = arith.index_cast %add3A_141 : i32 to index
      %get3A_204 = arith.constant 112 : index
      %get3A_205 = tpu.vector_load %arg7[%get3A_203, %get3A_204] {strides = array<i32>} : memref<128x128xf32, #tpu.memory_space<vmem>>, vector<16xf32>,
      %get3A_206 = arith.index_cast %add3A_141 : i32 to index
      %get3A_207 = arith.constant 112 : index
      %get3A_208 = tpu.vector_load %arg9[%get3A_206, %get3A_207] {strides = array<i32>} : memref<128x128xf32, #tpu.memory_space<vmem>>, vector<16xf32>,
      %sub3A_209 = arith.subf %get3A_205, %get3A_208 : vector<16xf32>
      %mul3A_210 = arith.mulf %sub3A_209, %sub3A_209 : vector<16xf32>
      %add3A_211 = arith.addf %scan3A_137, %mul3A_210 : vector<16xf32>
      %add3A_212 = arith.constant 1 : i32
      %add3A_213 = arith.addi %mul3A_139, %add3A_212 : i32
      %get3A_214 = arith.index_cast %add3A_213 : i32 to index
      %get3A_215 = arith.constant 0 : index
      %get3A_216 = tpu.vector_load %arg7[%get3A_214, %get3A_215] {strides = array<i32>} : memref<128x128xf32, #tpu.memory_space<vmem>>, vector<16xf32>,
      %get3A_217 = arith.index_cast %add3A_213 : i32 to index
      %get3A_218 = arith.constant 0 : index
      %get3A_219 = tpu.vector_load %arg9[%get3A_217, %get3A_218] {strides = array<i32>} : memref<128x128xf32, #tpu.memory_space<vmem>>, vector<16xf32>,
      %sub3A_220 = arith.subf %get3A_216, %get3A_219 : vector<16xf32>
      %mul3A_221 = arith.mulf %sub3A_220, %sub3A_220 : vector<16xf32>
      %add3A_222 = arith.addf %add3A_148, %mul3A_221 : vector<16xf32>
      %get3A_223 = arith.index_cast %add3A_213 : i32 to index
      %get3A_224 = arith.constant 16 : index
      %get3A_225 = tpu.vector_load %arg7[%get3A_223, %get3A_224] {strides = array<i32>} : memref<128x128xf32, #tpu.memory_space<vmem>>, vector<16xf32>,
      %get3A_226 = arith.index_cast %add3A_213 : i32 to index
      %get3A_227 = arith.constant 16 : index
      %get3A_228 = tpu.vector_load %arg9[%get3A_226, %get3A_227] {strides = array<i32>} : memref<128x128xf32, #tpu.memory_space<vmem>>, vector<16xf32>,
      %sub3A_229 = arith.subf %get3A_225, %get3A_228 : vector<16xf32>
      %mul3A_230 = arith.mulf %sub3A_229, %sub3A_229 : vector<16xf32>
      %add3A_231 = arith.addf %add3A_157, %mul3A_230 : vector<16xf32>
      %get3A_232 = arith.index_cast %add3A_213 : i32 to index
      %get3A_233 = arith.constant 32 : index
      %get3A_234 = tpu.vector_load %arg7[%get3A_232, %get3A_233] {strides = array<i32>} : memref<128x128xf32, #tpu.memory_space<vmem>>, vector<16xf32>,
      %get3A_235 = arith.index_cast %add3A_213 : i32 to index
      %get3A_236 = arith.constant 32 : index
      %get3A_237 = tpu.vector_load %arg9[%get3A_235, %get3A_236] {strides = array<i32>} : memref<128x128xf32, #tpu.memory_space<vmem>>, vector<16xf32>,
      %sub3A_238 = arith.subf %get3A_234, %get3A_237 : vector<16xf32>
      %mul3A_239 = arith.mulf %sub3A_238, %sub3A_238 : vector<16xf32>
      %add3A_240 = arith.addf %add3A_166, %mul3A_239 : vector<16xf32>
      %get3A_241 = arith.index_cast %add3A_213 : i32 to index
      %get3A_242 = arith.constant 48 : index
      %get3A_243 = tpu.vector_load %arg7[%get3A_241, %get3A_242] {strides = array<i32>} : memref<128x128xf32, #tpu.memory_space<vmem>>, vector<16xf32>,
      %get3A_244 = arith.index_cast %add3A_213 : i32 to index
      %get3A_245 = arith.constant 48 : index
      %get3A_246 = tpu.vector_load %arg9[%get3A_244, %get3A_245] {strides = array<i32>} : memref<128x128xf32, #tpu.memory_space<vmem>>, vector<16xf32>,
      %sub3A_247 = arith.subf %get3A_243, %get3A_246 : vector<16xf32>
      %mul3A_248 = arith.mulf %sub3A_247, %sub3A_247 : vector<16xf32>
      %add3A_249 = arith.addf %add3A_175, %mul3A_248 : vector<16xf32>
      %get3A_250 = arith.index_cast %add3A_213 : i32 to index
      %get3A_251 = arith.constant 64 : index
      %get3A_252 = tpu.vector_load %arg7[%get3A_250, %get3A_251] {strides = array<i32>} : memref<128x128xf32, #tpu.memory_space<vmem>>, vector<16xf32>,
      %get3A_253 = arith.index_cast %add3A_213 : i32 to index
      %get3A_254 = arith.constant 64 : index
      %get3A_255 = tpu.vector_load %arg9[%get3A_253, %get3A_254] {strides = array<i32>} : memref<128x128xf32, #tpu.memory_space<vmem>>, vector<16xf32>,
      %sub3A_256 = arith.subf %get3A_252, %get3A_255 : vector<16xf32>
      %mul3A_257 = arith.mulf %sub3A_256, %sub3A_256 : vector<16xf32>
      %add3A_258 = arith.addf %add3A_184, %mul3A_257 : vector<16xf32>
      %get3A_259 = arith.index_cast %add3A_213 : i32 to index
      %get3A_260 = arith.constant 80 : index
      %get3A_261 = tpu.vector_load %arg7[%get3A_259, %get3A_260] {strides = array<i32>} : memref<128x128xf32, #tpu.memory_space<vmem>>, vector<16xf32>,
      %get3A_262 = arith.index_cast %add3A_213 : i32 to index
      %get3A_263 = arith.constant 80 : index
      %get3A_264 = tpu.vector_load %arg9[%get3A_262, %get3A_263] {strides = array<i32>} : memref<128x128xf32, #tpu.memory_space<vmem>>, vector<16xf32>,
      %sub3A_265 = arith.subf %get3A_261, %get3A_264 : vector<16xf32>
      %mul3A_266 = arith.mulf %sub3A_265, %sub3A_265 : vector<16xf32>
      %add3A_267 = arith.addf %add3A_193, %mul3A_266 : vector<16xf32>
      %get3A_268 = arith.index_cast %add3A_213 : i32 to index
      %get3A_269 = arith.constant 96 : index
      %get3A_270 = tpu.vector_load %arg7[%get3A_268, %get3A_269] {strides = array<i32>} : memref<128x128xf32, #tpu.memory_space<vmem>>, vector<16xf32>,
      %get3A_271 = arith.index_cast %add3A_213 : i32 to index
      %get3A_272 = arith.constant 96 : index
      %get3A_273 = tpu.vector_load %arg9[%get3A_271, %get3A_272] {strides = array<i32>} : memref<128x128xf32, #tpu.memory_space<vmem>>, vector<16xf32>,
      %sub3A_274 = arith.subf %get3A_270, %get3A_273 : vector<16xf32>
      %mul3A_275 = arith.mulf %sub3A_274, %sub3A_274 : vector<16xf32>
      %add3A_276 = arith.addf %add3A_202, %mul3A_275 : vector<16xf32>
      %get3A_277 = arith.index_cast %add3A_213 : i32 to index
      %get3A_278 = arith.constant 112 : index
      %get3A_279 = tpu.vector_load %arg7[%get3A_277, %get3A_278] {strides = array<i32>} : memref<128x128xf32, #tpu.memory_space<vmem>>, vector<16xf32>,
      %get3A_280 = arith.index_cast %add3A_213 : i32 to index
      %get3A_281 = arith.constant 112 : index
      %get3A_282 = tpu.vector_load %arg9[%get3A_280, %get3A_281] {strides = array<i32>} : memref<128x128xf32, #tpu.memory_space<vmem>>, vector<16xf32>,
      %sub3A_283 = arith.subf %get3A_279, %get3A_282 : vector<16xf32>
      %mul3A_284 = arith.mulf %sub3A_283, %sub3A_283 : vector<16xf32>
      %add3A_285 = arith.addf %add3A_211, %mul3A_284 : vector<16xf32>
      %add3A_286 = arith.constant 2 : i32
      %add3A_287 = arith.addi %mul3A_139, %add3A_286 : i32
      %get3A_288 = arith.index_cast %add3A_287 : i32 to index
      %get3A_289 = arith.constant 0 : index
      %get3A_290 = tpu.vector_load %arg7[%get3A_288, %get3A_289] {strides = array<i32>} : memref<128x128xf32, #tpu.memory_space<vmem>>, vector<16xf32>,
      %get3A_291 = arith.index_cast %add3A_287 : i32 to index
      %get3A_292 = arith.constant 0 : index
      %get3A_293 = tpu.vector_load %arg9[%get3A_291, %get3A_292] {strides = array<i32>} : memref<128x128xf32, #tpu.memory_space<vmem>>, vector<16xf32>,
      %sub3A_294 = arith.subf %get3A_290, %get3A_293 : vector<16xf32>
      %mul3A_295 = arith.mulf %sub3A_294, %sub3A_294 : vector<16xf32>
      %add3A_296 = arith.addf %add3A_222, %mul3A_295 : vector<16xf32>
      %get3A_297 = arith.index_cast %add3A_287 : i32 to index
      %get3A_298 = arith.constant 16 : index
      %get3A_299 = tpu.vector_load %arg7[%get3A_297, %get3A_298] {strides = array<i32>} : memref<128x128xf32, #tpu.memory_space<vmem>>, vector<16xf32>,
      %get3A_300 = arith.index_cast %add3A_287 : i32 to index
      %get3A_301 = arith.constant 16 : index
      %get3A_302 = tpu.vector_load %arg9[%get3A_300, %get3A_301] {strides = array<i32>} : memref<128x128xf32, #tpu.memory_space<vmem>>, vector<16xf32>,
      %sub3A_303 = arith.subf %get3A_299, %get3A_302 : vector<16xf32>
      %mul3A_304 = arith.mulf %sub3A_303, %sub3A_303 : vector<16xf32>
      %add3A_305 = arith.addf %add3A_231, %mul3A_304 : vector<16xf32>
      %get3A_306 = arith.index_cast %add3A_287 : i32 to index
      %get3A_307 = arith.constant 32 : index
      %get3A_308 = tpu.vector_load %arg7[%get3A_306, %get3A_307] {strides = array<i32>} : memref<128x128xf32, #tpu.memory_space<vmem>>, vector<16xf32>,
      %get3A_309 = arith.index_cast %add3A_287 : i32 to index
      %get3A_310 = arith.constant 32 : index
      %get3A_311 = tpu.vector_load %arg9[%get3A_309, %get3A_310] {strides = array<i32>} : memref<128x128xf32, #tpu.memory_space<vmem>>, vector<16xf32>,
      %sub3A_312 = arith.subf %get3A_308, %get3A_311 : vector<16xf32>
      %mul3A_313 = arith.mulf %sub3A_312, %sub3A_312 : vector<16xf32>
      %add3A_314 = arith.addf %add3A_240, %mul3A_313 : vector<16xf32>
      %get3A_315 = arith.index_cast %add3A_287 : i32 to index
      %get3A_316 = arith.constant 48 : index
      %get3A_317 = tpu.vector_load %arg7[%get3A_315, %get3A_316] {strides = array<i32>} : memref<128x128xf32, #tpu.memory_space<vmem>>, vector<16xf32>,
      %get3A_318 = arith.index_cast %add3A_287 : i32 to index
      %get3A_319 = arith.constant 48 : index
      %get3A_320 = tpu.vector_load %arg9[%get3A_318, %get3A_319] {strides = array<i32>} : memref<128x128xf32, #tpu.memory_space<vmem>>, vector<16xf32>,
      %sub3A_321 = arith.subf %get3A_317, %get3A_320 : vector<16xf32>
      %mul3A_322 = arith.mulf %sub3A_321, %sub3A_321 : vector<16xf32>
      %add3A_323 = arith.addf %add3A_249, %mul3A_322 : vector<16xf32>
      %get3A_324 = arith.index_cast %add3A_287 : i32 to index
      %get3A_325 = arith.constant 64 : index
      %get3A_326 = tpu.vector_load %arg7[%get3A_324, %get3A_325] {strides = array<i32>} : memref<128x128xf32, #tpu.memory_space<vmem>>, vector<16xf32>,
      %get3A_327 = arith.index_cast %add3A_287 : i32 to index
      %get3A_328 = arith.constant 64 : index
      %get3A_329 = tpu.vector_load %arg9[%get3A_327, %get3A_328] {strides = array<i32>} : memref<128x128xf32, #tpu.memory_space<vmem>>, vector<16xf32>,
      %sub3A_330 = arith.subf %get3A_326, %get3A_329 : vector<16xf32>
      %mul3A_331 = arith.mulf %sub3A_330, %sub3A_330 : vector<16xf32>
      %add3A_332 = arith.addf %add3A_258, %mul3A_331 : vector<16xf32>
      %get3A_333 = arith.index_cast %add3A_287 : i32 to index
      %get3A_334 = arith.constant 80 : index
      %get3A_335 = tpu.vector_load %arg7[%get3A_333, %get3A_334] {strides = array<i32>} : memref<128x128xf32, #tpu.memory_space<vmem>>, vector<16xf32>,
      %get3A_336 = arith.index_cast %add3A_287 : i32 to index
      %get3A_337 = arith.constant 80 : index
      %get3A_338 = tpu.vector_load %arg9[%get3A_336, %get3A_337] {strides = array<i32>} : memref<128x128xf32, #tpu.memory_space<vmem>>, vector<16xf32>,
      %sub3A_339 = arith.subf %get3A_335, %get3A_338 : vector<16xf32>
      %mul3A_340 = arith.mulf %sub3A_339, %sub3A_339 : vector<16xf32>
      %add3A_341 = arith.addf %add3A_267, %mul3A_340 : vector<16xf32>
      %get3A_342 = arith.index_cast %add3A_287 : i32 to index
      %get3A_343 = arith.constant 96 : index
      %get3A_344 = tpu.vector_load %arg7[%get3A_342, %get3A_343] {strides = array<i32>} : memref<128x128xf32, #tpu.memory_space<vmem>>, vector<16xf32>,
      %get3A_345 = arith.index_cast %add3A_287 : i32 to index
      %get3A_346 = arith.constant 96 : index
      %get3A_347 = tpu.vector_load %arg9[%get3A_345, %get3A_346] {strides = array<i32>} : memref<128x128xf32, #tpu.memory_space<vmem>>, vector<16xf32>,
      %sub3A_348 = arith.subf %get3A_344, %get3A_347 : vector<16xf32>
      %mul3A_349 = arith.mulf %sub3A_348, %sub3A_348 : vector<16xf32>
      %add3A_350 = arith.addf %add3A_276, %mul3A_349 : vector<16xf32>
      %get3A_351 = arith.index_cast %add3A_287 : i32 to index
      %get3A_352 = arith.constant 112 : index
      %get3A_353 = tpu.vector_load %arg7[%get3A_351, %get3A_352] {strides = array<i32>} : memref<128x128xf32, #tpu.memory_space<vmem>>, vector<16xf32>,
      %get3A_354 = arith.index_cast %add3A_287 : i32 to index
      %get3A_355 = arith.constant 112 : index
      %get3A_356 = tpu.vector_load %arg9[%get3A_354, %get3A_355] {strides = array<i32>} : memref<128x128xf32, #tpu.memory_space<vmem>>, vector<16xf32>,
      %sub3A_357 = arith.subf %get3A_353, %get3A_356 : vector<16xf32>
      %mul3A_358 = arith.mulf %sub3A_357, %sub3A_357 : vector<16xf32>
      %add3A_359 = arith.addf %add3A_285, %mul3A_358 : vector<16xf32>
      %add3A_360 = arith.constant 3 : i32
      %add3A_361 = arith.addi %mul3A_139, %add3A_360 : i32
      %get3A_362 = arith.index_cast %add3A_361 : i32 to index
      %get3A_363 = arith.constant 0 : index
      %get3A_364 = tpu.vector_load %arg7[%get3A_362, %get3A_363] {strides = array<i32>} : memref<128x128xf32, #tpu.memory_space<vmem>>, vector<16xf32>,
      %get3A_365 = arith.index_cast %add3A_361 : i32 to index
      %get3A_366 = arith.constant 0 : index
      %get3A_367 = tpu.vector_load %arg9[%get3A_365, %get3A_366] {strides = array<i32>} : memref<128x128xf32, #tpu.memory_space<vmem>>, vector<16xf32>,
      %sub3A_368 = arith.subf %get3A_364, %get3A_367 : vector<16xf32>
      %mul3A_369 = arith.mulf %sub3A_368, %sub3A_368 : vector<16xf32>
      %add3A_370 = arith.addf %add3A_296, %mul3A_369 : vector<16xf32>
      %get3A_371 = arith.index_cast %add3A_361 : i32 to index
      %get3A_372 = arith.constant 16 : index
      %get3A_373 = tpu.vector_load %arg7[%get3A_371, %get3A_372] {strides = array<i32>} : memref<128x128xf32, #tpu.memory_space<vmem>>, vector<16xf32>,
      %get3A_374 = arith.index_cast %add3A_361 : i32 to index
      %get3A_375 = arith.constant 16 : index
      %get3A_376 = tpu.vector_load %arg9[%get3A_374, %get3A_375] {strides = array<i32>} : memref<128x128xf32, #tpu.memory_space<vmem>>, vector<16xf32>,
      %sub3A_377 = arith.subf %get3A_373, %get3A_376 : vector<16xf32>
      %mul3A_378 = arith.mulf %sub3A_377, %sub3A_377 : vector<16xf32>
      %add3A_379 = arith.addf %add3A_305, %mul3A_378 : vector<16xf32>
      %get3A_380 = arith.index_cast %add3A_361 : i32 to index
      %get3A_381 = arith.constant 32 : index
      %get3A_382 = tpu.vector_load %arg7[%get3A_380, %get3A_381] {strides = array<i32>} : memref<128x128xf32, #tpu.memory_space<vmem>>, vector<16xf32>,
      %get3A_383 = arith.index_cast %add3A_361 : i32 to index
      %get3A_384 = arith.constant 32 : index
      %get3A_385 = tpu.vector_load %arg9[%get3A_383, %get3A_384] {strides = array<i32>} : memref<128x128xf32, #tpu.memory_space<vmem>>, vector<16xf32>,
      %sub3A_386 = arith.subf %get3A_382, %get3A_385 : vector<16xf32>
      %mul3A_387 = arith.mulf %sub3A_386, %sub3A_386 : vector<16xf32>
      %add3A_388 = arith.addf %add3A_314, %mul3A_387 : vector<16xf32>
      %get3A_389 = arith.index_cast %add3A_361 : i32 to index
      %get3A_390 = arith.constant 48 : index
      %get3A_391 = tpu.vector_load %arg7[%get3A_389, %get3A_390] {strides = array<i32>} : memref<128x128xf32, #tpu.memory_space<vmem>>, vector<16xf32>,
      %get3A_392 = arith.index_cast %add3A_361 : i32 to index
      %get3A_393 = arith.constant 48 : index
      %get3A_394 = tpu.vector_load %arg9[%get3A_392, %get3A_393] {strides = array<i32>} : memref<128x128xf32, #tpu.memory_space<vmem>>, vector<16xf32>,
      %sub3A_395 = arith.subf %get3A_391, %get3A_394 : vector<16xf32>
      %mul3A_396 = arith.mulf %sub3A_395, %sub3A_395 : vector<16xf32>
      %add3A_397 = arith.addf %add3A_323, %mul3A_396 : vector<16xf32>
      %get3A_398 = arith.index_cast %add3A_361 : i32 to index
      %get3A_399 = arith.constant 64 : index
      %get3A_400 = tpu.vector_load %arg7[%get3A_398, %get3A_399] {strides = array<i32>} : memref<128x128xf32, #tpu.memory_space<vmem>>, vector<16xf32>,
      %get3A_401 = arith.index_cast %add3A_361 : i32 to index
      %get3A_402 = arith.constant 64 : index
      %get3A_403 = tpu.vector_load %arg9[%get3A_401, %get3A_402] {strides = array<i32>} : memref<128x128xf32, #tpu.memory_space<vmem>>, vector<16xf32>,
      %sub3A_404 = arith.subf %get3A_400, %get3A_403 : vector<16xf32>
      %mul3A_405 = arith.mulf %sub3A_404, %sub3A_404 : vector<16xf32>
      %add3A_406 = arith.addf %add3A_332, %mul3A_405 : vector<16xf32>
      %get3A_407 = arith.index_cast %add3A_361 : i32 to index
      %get3A_408 = arith.constant 80 : index
      %get3A_409 = tpu.vector_load %arg7[%get3A_407, %get3A_408] {strides = array<i32>} : memref<128x128xf32, #tpu.memory_space<vmem>>, vector<16xf32>,
      %get3A_410 = arith.index_cast %add3A_361 : i32 to index
      %get3A_411 = arith.constant 80 : index
      %get3A_412 = tpu.vector_load %arg9[%get3A_410, %get3A_411] {strides = array<i32>} : memref<128x128xf32, #tpu.memory_space<vmem>>, vector<16xf32>,
      %sub3A_413 = arith.subf %get3A_409, %get3A_412 : vector<16xf32>
      %mul3A_414 = arith.mulf %sub3A_413, %sub3A_413 : vector<16xf32>
      %add3A_415 = arith.addf %add3A_341, %mul3A_414 : vector<16xf32>
      %get3A_416 = arith.index_cast %add3A_361 : i32 to index
      %get3A_417 = arith.constant 96 : index
      %get3A_418 = tpu.vector_load %arg7[%get3A_416, %get3A_417] {strides = array<i32>} : memref<128x128xf32, #tpu.memory_space<vmem>>, vector<16xf32>,
      %get3A_419 = arith.index_cast %add3A_361 : i32 to index
      %get3A_420 = arith.constant 96 : index
      %get3A_421 = tpu.vector_load %arg9[%get3A_419, %get3A_420] {strides = array<i32>} : memref<128x128xf32, #tpu.memory_space<vmem>>, vector<16xf32>,
      %sub3A_422 = arith.subf %get3A_418, %get3A_421 : vector<16xf32>
      %mul3A_423 = arith.mulf %sub3A_422, %sub3A_422 : vector<16xf32>
      %add3A_424 = arith.addf %add3A_350, %mul3A_423 : vector<16xf32>
      %get3A_425 = arith.index_cast %add3A_361 : i32 to index
      %get3A_426 = arith.constant 112 : index
      %get3A_427 = tpu.vector_load %arg7[%get3A_425, %get3A_426] {strides = array<i32>} : memref<128x128xf32, #tpu.memory_space<vmem>>, vector<16xf32>,
      %get3A_428 = arith.index_cast %add3A_361 : i32 to index
      %get3A_429 = arith.constant 112 : index
      %get3A_430 = tpu.vector_load %arg9[%get3A_428, %get3A_429] {strides = array<i32>} : memref<128x128xf32, #tpu.memory_space<vmem>>, vector<16xf32>,
      %sub3A_431 = arith.subf %get3A_427, %get3A_430 : vector<16xf32>
      %mul3A_432 = arith.mulf %sub3A_431, %sub3A_431 : vector<16xf32>
      %add3A_433 = arith.addf %add3A_359, %mul3A_432 : vector<16xf32>
      %add3A_434 = arith.constant 4 : i32
      %add3A_435 = arith.addi %mul3A_139, %add3A_434 : i32
      %get3A_436 = arith.index_cast %add3A_435 : i32 to index
      %get3A_437 = arith.constant 0 : index
      %get3A_438 = tpu.vector_load %arg7[%get3A_436, %get3A_437] {strides = array<i32>} : memref<128x128xf32, #tpu.memory_space<vmem>>, vector<16xf32>,
      %get3A_439 = arith.index_cast %add3A_435 : i32 to index
      %get3A_440 = arith.constant 0 : index
      %get3A_441 = tpu.vector_load %arg9[%get3A_439, %get3A_440] {strides = array<i32>} : memref<128x128xf32, #tpu.memory_space<vmem>>, vector<16xf32>,
      %sub3A_442 = arith.subf %get3A_438, %get3A_441 : vector<16xf32>
      %mul3A_443 = arith.mulf %sub3A_442, %sub3A_442 : vector<16xf32>
      %add3A_444 = arith.addf %add3A_370, %mul3A_443 : vector<16xf32>
      %get3A_445 = arith.index_cast %add3A_435 : i32 to index
      %get3A_446 = arith.constant 16 : index
      %get3A_447 = tpu.vector_load %arg7[%get3A_445, %get3A_446] {strides = array<i32>} : memref<128x128xf32, #tpu.memory_space<vmem>>, vector<16xf32>,
      %get3A_448 = arith.index_cast %add3A_435 : i32 to index
      %get3A_449 = arith.constant 16 : index
      %get3A_450 = tpu.vector_load %arg9[%get3A_448, %get3A_449] {strides = array<i32>} : memref<128x128xf32, #tpu.memory_space<vmem>>, vector<16xf32>,
      %sub3A_451 = arith.subf %get3A_447, %get3A_450 : vector<16xf32>
      %mul3A_452 = arith.mulf %sub3A_451, %sub3A_451 : vector<16xf32>
      %add3A_453 = arith.addf %add3A_379, %mul3A_452 : vector<16xf32>
      %get3A_454 = arith.index_cast %add3A_435 : i32 to index
      %get3A_455 = arith.constant 32 : index
      %get3A_456 = tpu.vector_load %arg7[%get3A_454, %get3A_455] {strides = array<i32>} : memref<128x128xf32, #tpu.memory_space<vmem>>, vector<16xf32>,
      %get3A_457 = arith.index_cast %add3A_435 : i32 to index
      %get3A_458 = arith.constant 32 : index
      %get3A_459 = tpu.vector_load %arg9[%get3A_457, %get3A_458] {strides = array<i32>} : memref<128x128xf32, #tpu.memory_space<vmem>>, vector<16xf32>,
      %sub3A_460 = arith.subf %get3A_456, %get3A_459 : vector<16xf32>
      %mul3A_461 = arith.mulf %sub3A_460, %sub3A_460 : vector<16xf32>
      %add3A_462 = arith.addf %add3A_388, %mul3A_461 : vector<16xf32>
      %get3A_463 = arith.index_cast %add3A_435 : i32 to index
      %get3A_464 = arith.constant 48 : index
      %get3A_465 = tpu.vector_load %arg7[%get3A_463, %get3A_464] {strides = array<i32>} : memref<128x128xf32, #tpu.memory_space<vmem>>, vector<16xf32>,
      %get3A_466 = arith.index_cast %add3A_435 : i32 to index
      %get3A_467 = arith.constant 48 : index
      %get3A_468 = tpu.vector_load %arg9[%get3A_466, %get3A_467] {strides = array<i32>} : memref<128x128xf32, #tpu.memory_space<vmem>>, vector<16xf32>,
      %sub3A_469 = arith.subf %get3A_465, %get3A_468 : vector<16xf32>
      %mul3A_470 = arith.mulf %sub3A_469, %sub3A_469 : vector<16xf32>
      %add3A_471 = arith.addf %add3A_397, %mul3A_470 : vector<16xf32>
      %get3A_472 = arith.index_cast %add3A_435 : i32 to index
      %get3A_473 = arith.constant 64 : index
      %get3A_474 = tpu.vector_load %arg7[%get3A_472, %get3A_473] {strides = array<i32>} : memref<128x128xf32, #tpu.memory_space<vmem>>, vector<16xf32>,
      %get3A_475 = arith.index_cast %add3A_435 : i32 to index
      %get3A_476 = arith.constant 64 : index
      %get3A_477 = tpu.vector_load %arg9[%get3A_475, %get3A_476] {strides = array<i32>} : memref<128x128xf32, #tpu.memory_space<vmem>>, vector<16xf32>,
      %sub3A_478 = arith.subf %get3A_474, %get3A_477 : vector<16xf32>
      %mul3A_479 = arith.mulf %sub3A_478, %sub3A_478 : vector<16xf32>
      %add3A_480 = arith.addf %add3A_406, %mul3A_479 : vector<16xf32>
      %get3A_481 = arith.index_cast %add3A_435 : i32 to index
      %get3A_482 = arith.constant 80 : index
      %get3A_483 = tpu.vector_load %arg7[%get3A_481, %get3A_482] {strides = array<i32>} : memref<128x128xf32, #tpu.memory_space<vmem>>, vector<16xf32>,
      %get3A_484 = arith.index_cast %add3A_435 : i32 to index
      %get3A_485 = arith.constant 80 : index
      %get3A_486 = tpu.vector_load %arg9[%get3A_484, %get3A_485] {strides = array<i32>} : memref<128x128xf32, #tpu.memory_space<vmem>>, vector<16xf32>,
      %sub3A_487 = arith.subf %get3A_483, %get3A_486 : vector<16xf32>
      %mul3A_488 = arith.mulf %sub3A_487, %sub3A_487 : vector<16xf32>
      %add3A_489 = arith.addf %add3A_415, %mul3A_488 : vector<16xf32>
      %get3A_490 = arith.index_cast %add3A_435 : i32 to index
      %get3A_491 = arith.constant 96 : index
      %get3A_492 = tpu.vector_load %arg7[%get3A_490, %get3A_491] {strides = array<i32>} : memref<128x128xf32, #tpu.memory_space<vmem>>, vector<16xf32>,
      %get3A_493 = arith.index_cast %add3A_435 : i32 to index
      %get3A_494 = arith.constant 96 : index
      %get3A_495 = tpu.vector_load %arg9[%get3A_493, %get3A_494] {strides = array<i32>} : memref<128x128xf32, #tpu.memory_space<vmem>>, vector<16xf32>,
      %sub3A_496 = arith.subf %get3A_492, %get3A_495 : vector<16xf32>
      %mul3A_497 = arith.mulf %sub3A_496, %sub3A_496 : vector<16xf32>
      %add3A_498 = arith.addf %add3A_424, %mul3A_497 : vector<16xf32>
      %get3A_499 = arith.index_cast %add3A_435 : i32 to index
      %get3A_500 = arith.constant 112 : index
      %get3A_501 = tpu.vector_load %arg7[%get3A_499, %get3A_500] {strides = array<i32>} : memref<128x128xf32, #tpu.memory_space<vmem>>, vector<16xf32>,
      %get3A_502 = arith.index_cast %add3A_435 : i32 to index
      %get3A_503 = arith.constant 112 : index
      %get3A_504 = tpu.vector_load %arg9[%get3A_502, %get3A_503] {strides = array<i32>} : memref<128x128xf32, #tpu.memory_space<vmem>>, vector<16xf32>,
      %sub3A_505 = arith.subf %get3A_501, %get3A_504 : vector<16xf32>
      %mul3A_506 = arith.mulf %sub3A_505, %sub3A_505 : vector<16xf32>
      %add3A_507 = arith.addf %add3A_433, %mul3A_506 : vector<16xf32>
      %add3A_508 = arith.constant 5 : i32
      %add3A_509 = arith.addi %mul3A_139, %add3A_508 : i32
      %get3A_510 = arith.index_cast %add3A_509 : i32 to index
      %get3A_511 = arith.constant 0 : index
      %get3A_512 = tpu.vector_load %arg7[%get3A_510, %get3A_511] {strides = array<i32>} : memref<128x128xf32, #tpu.memory_space<vmem>>, vector<16xf32>,
      %get3A_513 = arith.index_cast %add3A_509 : i32 to index
      %get3A_514 = arith.constant 0 : index
      %get3A_515 = tpu.vector_load %arg9[%get3A_513, %get3A_514] {strides = array<i32>} : memref<128x128xf32, #tpu.memory_space<vmem>>, vector<16xf32>,
      %sub3A_516 = arith.subf %get3A_512, %get3A_515 : vector<16xf32>
      %mul3A_517 = arith.mulf %sub3A_516, %sub3A_516 : vector<16xf32>
      %add3A_518 = arith.addf %add3A_444, %mul3A_517 : vector<16xf32>
      %get3A_519 = arith.index_cast %add3A_509 : i32 to index
      %get3A_520 = arith.constant 16 : index
      %get3A_521 = tpu.vector_load %arg7[%get3A_519, %get3A_520] {strides = array<i32>} : memref<128x128xf32, #tpu.memory_space<vmem>>, vector<16xf32>,
      %get3A_522 = arith.index_cast %add3A_509 : i32 to index
      %get3A_523 = arith.constant 16 : index
      %get3A_524 = tpu.vector_load %arg9[%get3A_522, %get3A_523] {strides = array<i32>} : memref<128x128xf32, #tpu.memory_space<vmem>>, vector<16xf32>,
      %sub3A_525 = arith.subf %get3A_521, %get3A_524 : vector<16xf32>
      %mul3A_526 = arith.mulf %sub3A_525, %sub3A_525 : vector<16xf32>
      %add3A_527 = arith.addf %add3A_453, %mul3A_526 : vector<16xf32>
      %get3A_528 = arith.index_cast %add3A_509 : i32 to index
      %get3A_529 = arith.constant 32 : index
      %get3A_530 = tpu.vector_load %arg7[%get3A_528, %get3A_529] {strides = array<i32>} : memref<128x128xf32, #tpu.memory_space<vmem>>, vector<16xf32>,
      %get3A_531 = arith.index_cast %add3A_509 : i32 to index
      %get3A_532 = arith.constant 32 : index
      %get3A_533 = tpu.vector_load %arg9[%get3A_531, %get3A_532] {strides = array<i32>} : memref<128x128xf32, #tpu.memory_space<vmem>>, vector<16xf32>,
      %sub3A_534 = arith.subf %get3A_530, %get3A_533 : vector<16xf32>
      %mul3A_535 = arith.mulf %sub3A_534, %sub3A_534 : vector<16xf32>
      %add3A_536 = arith.addf %add3A_462, %mul3A_535 : vector<16xf32>
      %get3A_537 = arith.index_cast %add3A_509 : i32 to index
      %get3A_538 = arith.constant 48 : index
      %get3A_539 = tpu.vector_load %arg7[%get3A_537, %get3A_538] {strides = array<i32>} : memref<128x128xf32, #tpu.memory_space<vmem>>, vector<16xf32>,
      %get3A_540 = arith.index_cast %add3A_509 : i32 to index
      %get3A_541 = arith.constant 48 : index
      %get3A_542 = tpu.vector_load %arg9[%get3A_540, %get3A_541] {strides = array<i32>} : memref<128x128xf32, #tpu.memory_space<vmem>>, vector<16xf32>,
      %sub3A_543 = arith.subf %get3A_539, %get3A_542 : vector<16xf32>
      %mul3A_544 = arith.mulf %sub3A_543, %sub3A_543 : vector<16xf32>
      %add3A_545 = arith.addf %add3A_471, %mul3A_544 : vector<16xf32>
      %get3A_546 = arith.index_cast %add3A_509 : i32 to index
      %get3A_547 = arith.constant 64 : index
      %get3A_548 = tpu.vector_load %arg7[%get3A_546, %get3A_547] {strides = array<i32>} : memref<128x128xf32, #tpu.memory_space<vmem>>, vector<16xf32>,
      %get3A_549 = arith.index_cast %add3A_509 : i32 to index
      %get3A_550 = arith.constant 64 : index
      %get3A_551 = tpu.vector_load %arg9[%get3A_549, %get3A_550] {strides = array<i32>} : memref<128x128xf32, #tpu.memory_space<vmem>>, vector<16xf32>,
      %sub3A_552 = arith.subf %get3A_548, %get3A_551 : vector<16xf32>
      %mul3A_553 = arith.mulf %sub3A_552, %sub3A_552 : vector<16xf32>
      %add3A_554 = arith.addf %add3A_480, %mul3A_553 : vector<16xf32>
      %get3A_555 = arith.index_cast %add3A_509 : i32 to index
      %get3A_556 = arith.constant 80 : index
      %get3A_557 = tpu.vector_load %arg7[%get3A_555, %get3A_556] {strides = array<i32>} : memref<128x128xf32, #tpu.memory_space<vmem>>, vector<16xf32>,
      %get3A_558 = arith.index_cast %add3A_509 : i32 to index
      %get3A_559 = arith.constant 80 : index
      %get3A_560 = tpu.vector_load %arg9[%get3A_558, %get3A_559] {strides = array<i32>} : memref<128x128xf32, #tpu.memory_space<vmem>>, vector<16xf32>,
      %sub3A_561 = arith.subf %get3A_557, %get3A_560 : vector<16xf32>
      %mul3A_562 = arith.mulf %sub3A_561, %sub3A_561 : vector<16xf32>
      %add3A_563 = arith.addf %add3A_489, %mul3A_562 : vector<16xf32>
      %get3A_564 = arith.index_cast %add3A_509 : i32 to index
      %get3A_565 = arith.constant 96 : index
      %get3A_566 = tpu.vector_load %arg7[%get3A_564, %get3A_565] {strides = array<i32>} : memref<128x128xf32, #tpu.memory_space<vmem>>, vector<16xf32>,
      %get3A_567 = arith.index_cast %add3A_509 : i32 to index
      %get3A_568 = arith.constant 96 : index
      %get3A_569 = tpu.vector_load %arg9[%get3A_567, %get3A_568] {strides = array<i32>} : memref<128x128xf32, #tpu.memory_space<vmem>>, vector<16xf32>,
      %sub3A_570 = arith.subf %get3A_566, %get3A_569 : vector<16xf32>
      %mul3A_571 = arith.mulf %sub3A_570, %sub3A_570 : vector<16xf32>
      %add3A_572 = arith.addf %add3A_498, %mul3A_571 : vector<16xf32>
      %get3A_573 = arith.index_cast %add3A_509 : i32 to index
      %get3A_574 = arith.constant 112 : index
      %get3A_575 = tpu.vector_load %arg7[%get3A_573, %get3A_574] {strides = array<i32>} : memref<128x128xf32, #tpu.memory_space<vmem>>, vector<16xf32>,
      %get3A_576 = arith.index_cast %add3A_509 : i32 to index
      %get3A_577 = arith.constant 112 : index
      %get3A_578 = tpu.vector_load %arg9[%get3A_576, %get3A_577] {strides = array<i32>} : memref<128x128xf32, #tpu.memory_space<vmem>>, vector<16xf32>,
      %sub3A_579 = arith.subf %get3A_575, %get3A_578 : vector<16xf32>
      %mul3A_580 = arith.mulf %sub3A_579, %sub3A_579 : vector<16xf32>
      %add3A_581 = arith.addf %add3A_507, %mul3A_580 : vector<16xf32>
      %add3A_582 = arith.constant 6 : i32
      %add3A_583 = arith.addi %mul3A_139, %add3A_582 : i32
      %get3A_584 = arith.index_cast %add3A_583 : i32 to index
      %get3A_585 = arith.constant 0 : index
      %get3A_586 = tpu.vector_load %arg7[%get3A_584, %get3A_585] {strides = array<i32>} : memref<128x128xf32, #tpu.memory_space<vmem>>, vector<16xf32>,
      %get3A_587 = arith.index_cast %add3A_583 : i32 to index
      %get3A_588 = arith.constant 0 : index
      %get3A_589 = tpu.vector_load %arg9[%get3A_587, %get3A_588] {strides = array<i32>} : memref<128x128xf32, #tpu.memory_space<vmem>>, vector<16xf32>,
      %sub3A_590 = arith.subf %get3A_586, %get3A_589 : vector<16xf32>
      %mul3A_591 = arith.mulf %sub3A_590, %sub3A_590 : vector<16xf32>
      %add3A_592 = arith.addf %add3A_518, %mul3A_591 : vector<16xf32>
      %get3A_593 = arith.index_cast %add3A_583 : i32 to index
      %get3A_594 = arith.constant 16 : index
      %get3A_595 = tpu.vector_load %arg7[%get3A_593, %get3A_594] {strides = array<i32>} : memref<128x128xf32, #tpu.memory_space<vmem>>, vector<16xf32>,
      %get3A_596 = arith.index_cast %add3A_583 : i32 to index
      %get3A_597 = arith.constant 16 : index
      %get3A_598 = tpu.vector_load %arg9[%get3A_596, %get3A_597] {strides = array<i32>} : memref<128x128xf32, #tpu.memory_space<vmem>>, vector<16xf32>,
      %sub3A_599 = arith.subf %get3A_595, %get3A_598 : vector<16xf32>
      %mul3A_600 = arith.mulf %sub3A_599, %sub3A_599 : vector<16xf32>
      %add3A_601 = arith.addf %add3A_527, %mul3A_600 : vector<16xf32>
      %get3A_602 = arith.index_cast %add3A_583 : i32 to index
      %get3A_603 = arith.constant 32 : index
      %get3A_604 = tpu.vector_load %arg7[%get3A_602, %get3A_603] {strides = array<i32>} : memref<128x128xf32, #tpu.memory_space<vmem>>, vector<16xf32>,
      %get3A_605 = arith.index_cast %add3A_583 : i32 to index
      %get3A_606 = arith.constant 32 : index
      %get3A_607 = tpu.vector_load %arg9[%get3A_605, %get3A_606] {strides = array<i32>} : memref<128x128xf32, #tpu.memory_space<vmem>>, vector<16xf32>,
      %sub3A_608 = arith.subf %get3A_604, %get3A_607 : vector<16xf32>
      %mul3A_609 = arith.mulf %sub3A_608, %sub3A_608 : vector<16xf32>
      %add3A_610 = arith.addf %add3A_536, %mul3A_609 : vector<16xf32>
      %get3A_611 = arith.index_cast %add3A_583 : i32 to index
      %get3A_612 = arith.constant 48 : index
      %get3A_613 = tpu.vector_load %arg7[%get3A_611, %get3A_612] {strides = array<i32>} : memref<128x128xf32, #tpu.memory_space<vmem>>, vector<16xf32>,
      %get3A_614 = arith.index_cast %add3A_583 : i32 to index
      %get3A_615 = arith.constant 48 : index
      %get3A_616 = tpu.vector_load %arg9[%get3A_614, %get3A_615] {strides = array<i32>} : memref<128x128xf32, #tpu.memory_space<vmem>>, vector<16xf32>,
      %sub3A_617 = arith.subf %get3A_613, %get3A_616 : vector<16xf32>
      %mul3A_618 = arith.mulf %sub3A_617, %sub3A_617 : vector<16xf32>
      %add3A_619 = arith.addf %add3A_545, %mul3A_618 : vector<16xf32>
      %get3A_620 = arith.index_cast %add3A_583 : i32 to index
      %get3A_621 = arith.constant 64 : index
      %get3A_622 = tpu.vector_load %arg7[%get3A_620, %get3A_621] {strides = array<i32>} : memref<128x128xf32, #tpu.memory_space<vmem>>, vector<16xf32>,
      %get3A_623 = arith.index_cast %add3A_583 : i32 to index
      %get3A_624 = arith.constant 64 : index
      %get3A_625 = tpu.vector_load %arg9[%get3A_623, %get3A_624] {strides = array<i32>} : memref<128x128xf32, #tpu.memory_space<vmem>>, vector<16xf32>,
      %sub3A_626 = arith.subf %get3A_622, %get3A_625 : vector<16xf32>
      %mul3A_627 = arith.mulf %sub3A_626, %sub3A_626 : vector<16xf32>
      %add3A_628 = arith.addf %add3A_554, %mul3A_627 : vector<16xf32>
      %get3A_629 = arith.index_cast %add3A_583 : i32 to index
      %get3A_630 = arith.constant 80 : index
      %get3A_631 = tpu.vector_load %arg7[%get3A_629, %get3A_630] {strides = array<i32>} : memref<128x128xf32, #tpu.memory_space<vmem>>, vector<16xf32>,
      %get3A_632 = arith.index_cast %add3A_583 : i32 to index
      %get3A_633 = arith.constant 80 : index
      %get3A_634 = tpu.vector_load %arg9[%get3A_632, %get3A_633] {strides = array<i32>} : memref<128x128xf32, #tpu.memory_space<vmem>>, vector<16xf32>,
      %sub3A_635 = arith.subf %get3A_631, %get3A_634 : vector<16xf32>
      %mul3A_636 = arith.mulf %sub3A_635, %sub3A_635 : vector<16xf32>
      %add3A_637 = arith.addf %add3A_563, %mul3A_636 : vector<16xf32>
      %get3A_638 = arith.index_cast %add3A_583 : i32 to index
      %get3A_639 = arith.constant 96 : index
      %get3A_640 = tpu.vector_load %arg7[%get3A_638, %get3A_639] {strides = array<i32>} : memref<128x128xf32, #tpu.memory_space<vmem>>, vector<16xf32>,
      %get3A_641 = arith.index_cast %add3A_583 : i32 to index
      %get3A_642 = arith.constant 96 : index
      %get3A_643 = tpu.vector_load %arg9[%get3A_641, %get3A_642] {strides = array<i32>} : memref<128x128xf32, #tpu.memory_space<vmem>>, vector<16xf32>,
      %sub3A_644 = arith.subf %get3A_640, %get3A_643 : vector<16xf32>
      %mul3A_645 = arith.mulf %sub3A_644, %sub3A_644 : vector<16xf32>
      %add3A_646 = arith.addf %add3A_572, %mul3A_645 : vector<16xf32>
      %get3A_647 = arith.index_cast %add3A_583 : i32 to index
      %get3A_648 = arith.constant 112 : index
      %get3A_649 = tpu.vector_load %arg7[%get3A_647, %get3A_648] {strides = array<i32>} : memref<128x128xf32, #tpu.memory_space<vmem>>, vector<16xf32>,
      %get3A_650 = arith.index_cast %add3A_583 : i32 to index
      %get3A_651 = arith.constant 112 : index
      %get3A_652 = tpu.vector_load %arg9[%get3A_650, %get3A_651] {strides = array<i32>} : memref<128x128xf32, #tpu.memory_space<vmem>>, vector<16xf32>,
      %sub3A_653 = arith.subf %get3A_649, %get3A_652 : vector<16xf32>
      %mul3A_654 = arith.mulf %sub3A_653, %sub3A_653 : vector<16xf32>
      %add3A_655 = arith.addf %add3A_581, %mul3A_654 : vector<16xf32>
      %add3A_656 = arith.constant 7 : i32
      %add3A_657 = arith.addi %mul3A_139, %add3A_656 : i32
      %get3A_658 = arith.index_cast %add3A_657 : i32 to index
      %get3A_659 = arith.constant 0 : index
      %get3A_660 = tpu.vector_load %arg7[%get3A_658, %get3A_659] {strides = array<i32>} : memref<128x128xf32, #tpu.memory_space<vmem>>, vector<16xf32>,
      %get3A_661 = arith.index_cast %add3A_657 : i32 to index
      %get3A_662 = arith.constant 0 : index
      %get3A_663 = tpu.vector_load %arg9[%get3A_661, %get3A_662] {strides = array<i32>} : memref<128x128xf32, #tpu.memory_space<vmem>>, vector<16xf32>,
      %sub3A_664 = arith.subf %get3A_660, %get3A_663 : vector<16xf32>
      %mul3A_665 = arith.mulf %sub3A_664, %sub3A_664 : vector<16xf32>
      %add3A_666 = arith.addf %add3A_592, %mul3A_665 : vector<16xf32>
      %get3A_667 = arith.index_cast %add3A_657 : i32 to index
      %get3A_668 = arith.constant 16 : index
      %get3A_669 = tpu.vector_load %arg7[%get3A_667, %get3A_668] {strides = array<i32>} : memref<128x128xf32, #tpu.memory_space<vmem>>, vector<16xf32>,
      %get3A_670 = arith.index_cast %add3A_657 : i32 to index
      %get3A_671 = arith.constant 16 : index
      %get3A_672 = tpu.vector_load %arg9[%get3A_670, %get3A_671] {strides = array<i32>} : memref<128x128xf32, #tpu.memory_space<vmem>>, vector<16xf32>,
      %sub3A_673 = arith.subf %get3A_669, %get3A_672 : vector<16xf32>
      %mul3A_674 = arith.mulf %sub3A_673, %sub3A_673 : vector<16xf32>
      %add3A_675 = arith.addf %add3A_601, %mul3A_674 : vector<16xf32>
      %get3A_676 = arith.index_cast %add3A_657 : i32 to index
      %get3A_677 = arith.constant 32 : index
      %get3A_678 = tpu.vector_load %arg7[%get3A_676, %get3A_677] {strides = array<i32>} : memref<128x128xf32, #tpu.memory_space<vmem>>, vector<16xf32>,
      %get3A_679 = arith.index_cast %add3A_657 : i32 to index
      %get3A_680 = arith.constant 32 : index
      %get3A_681 = tpu.vector_load %arg9[%get3A_679, %get3A_680] {strides = array<i32>} : memref<128x128xf32, #tpu.memory_space<vmem>>, vector<16xf32>,
      %sub3A_682 = arith.subf %get3A_678, %get3A_681 : vector<16xf32>
      %mul3A_683 = arith.mulf %sub3A_682, %sub3A_682 : vector<16xf32>
      %add3A_684 = arith.addf %add3A_610, %mul3A_683 : vector<16xf32>
      %get3A_685 = arith.index_cast %add3A_657 : i32 to index
      %get3A_686 = arith.constant 48 : index
      %get3A_687 = tpu.vector_load %arg7[%get3A_685, %get3A_686] {strides = array<i32>} : memref<128x128xf32, #tpu.memory_space<vmem>>, vector<16xf32>,
      %get3A_688 = arith.index_cast %add3A_657 : i32 to index
      %get3A_689 = arith.constant 48 : index
      %get3A_690 = tpu.vector_load %arg9[%get3A_688, %get3A_689] {strides = array<i32>} : memref<128x128xf32, #tpu.memory_space<vmem>>, vector<16xf32>,
      %sub3A_691 = arith.subf %get3A_687, %get3A_690 : vector<16xf32>
      %mul3A_692 = arith.mulf %sub3A_691, %sub3A_691 : vector<16xf32>
      %add3A_693 = arith.addf %add3A_619, %mul3A_692 : vector<16xf32>
      %get3A_694 = arith.index_cast %add3A_657 : i32 to index
      %get3A_695 = arith.constant 64 : index
      %get3A_696 = tpu.vector_load %arg7[%get3A_694, %get3A_695] {strides = array<i32>} : memref<128x128xf32, #tpu.memory_space<vmem>>, vector<16xf32>,
      %get3A_697 = arith.index_cast %add3A_657 : i32 to index
      %get3A_698 = arith.constant 64 : index
      %get3A_699 = tpu.vector_load %arg9[%get3A_697, %get3A_698] {strides = array<i32>} : memref<128x128xf32, #tpu.memory_space<vmem>>, vector<16xf32>,
      %sub3A_700 = arith.subf %get3A_696, %get3A_699 : vector<16xf32>
      %mul3A_701 = arith.mulf %sub3A_700, %sub3A_700 : vector<16xf32>
      %add3A_702 = arith.addf %add3A_628, %mul3A_701 : vector<16xf32>
      %get3A_703 = arith.index_cast %add3A_657 : i32 to index
      %get3A_704 = arith.constant 80 : index
      %get3A_705 = tpu.vector_load %arg7[%get3A_703, %get3A_704] {strides = array<i32>} : memref<128x128xf32, #tpu.memory_space<vmem>>, vector<16xf32>,
      %get3A_706 = arith.index_cast %add3A_657 : i32 to index
      %get3A_707 = arith.constant 80 : index
      %get3A_708 = tpu.vector_load %arg9[%get3A_706, %get3A_707] {strides = array<i32>} : memref<128x128xf32, #tpu.memory_space<vmem>>, vector<16xf32>,
      %sub3A_709 = arith.subf %get3A_705, %get3A_708 : vector<16xf32>
      %mul3A_710 = arith.mulf %sub3A_709, %sub3A_709 : vector<16xf32>
      %add3A_711 = arith.addf %add3A_637, %mul3A_710 : vector<16xf32>
      %get3A_712 = arith.index_cast %add3A_657 : i32 to index
      %get3A_713 = arith.constant 96 : index
      %get3A_714 = tpu.vector_load %arg7[%get3A_712, %get3A_713] {strides = array<i32>} : memref<128x128xf32, #tpu.memory_space<vmem>>, vector<16xf32>,
      %get3A_715 = arith.index_cast %add3A_657 : i32 to index
      %get3A_716 = arith.constant 96 : index
      %get3A_717 = tpu.vector_load %arg9[%get3A_715, %get3A_716] {strides = array<i32>} : memref<128x128xf32, #tpu.memory_space<vmem>>, vector<16xf32>,
      %sub3A_718 = arith.subf %get3A_714, %get3A_717 : vector<16xf32>
      %mul3A_719 = arith.mulf %sub3A_718, %sub3A_718 : vector<16xf32>
      %add3A_720 = arith.addf %add3A_646, %mul3A_719 : vector<16xf32>
      %get3A_721 = arith.index_cast %add3A_657 : i32 to index
      %get3A_722 = arith.constant 112 : index
      %get3A_723 = tpu.vector_load %arg7[%get3A_721, %get3A_722] {strides = array<i32>} : memref<128x128xf32, #tpu.memory_space<vmem>>, vector<16xf32>,
      %get3A_724 = arith.index_cast %add3A_657 : i32 to index
      %get3A_725 = arith.constant 112 : index
      %get3A_726 = tpu.vector_load %arg9[%get3A_724, %get3A_725] {strides = array<i32>} : memref<128x128xf32, #tpu.memory_space<vmem>>, vector<16xf32>,
      %sub3A_727 = arith.subf %get3A_723, %get3A_726 : vector<16xf32>
      %mul3A_728 = arith.mulf %sub3A_727, %sub3A_727 : vector<16xf32>
      %add3A_729 = arith.addf %add3A_655, %mul3A_728 : vector<16xf32>
      scf.yield %add3A_666, %add3A_675, %add3A_684, %add3A_693, %add3A_702, %add3A_711, %add3A_720, %add3A_729 : vector<16xf32>, vector<16xf32>, vector<16xf32>, vector<16xf32>, vector<16xf32>, vector<16xf32>, vector<16xf32>, vector<16xf32>
    }
    %scan3A_53 = arith.constant 16 : i32
    %add3A_54 = arith.constant 256 : i32
    %add3A_55 = arith.addi %mul3A_2, %add3A_54 : i32
    %dma_start3A_56 = arith.constant 0 : i32
    %dma_start3A_57 = tpu.memref_slice %arg2[%add3A_55, %dma_start3A_56] : memref<16384x128xf32, #tpu.memory_space<hbm>> -> memref<128x128xf32, #tpu.memory_space<hbm>>
    %dma_start3A_58 = arith.constant 0 : i32
    %dma_start3A_59 = tpu.memref_slice %arg2[%add3A_55, %dma_start3A_58] : memref<16384x128xf32, #tpu.memory_space<hbm>> -> memref<128x128xf32, #tpu.memory_space<hbm>>
    tpu.enqueue_dma source(%dma_start3A_59 : memref<128x128xf32, #tpu.memory_space<hbm>>) target(%arg7 : memref<128x128xf32, #tpu.memory_space<vmem>>) target_semaphore(%arg12 : memref<!tpu.dma_semaphore, #tpu.memory_space<semaphore_mem>>)
    %dma_start3A_60 = arith.constant 256 : i32
    %dma_start3A_61 = tpu.memref_slice %arg6[%dma_start3A_60] : memref<512xi32, #tpu.memory_space<vmem>> -> memref<128xi32, #tpu.memory_space<vmem>>
    %dma_start3A_62 = arith.constant 0 : i32
    %dma_start3A_63 = arith.constant 0 : i32
    %dma_start3A_64 = tpu.memref_slice %arg4[%dma_start3A_62, %dma_start3A_63] : memref<100000x128xf32, #tpu.memory_space<hbm>> -> memref<100000x128xf32, #tpu.memory_space<hbm>>
    tpu.enqueue_indirect_dma source(%dma_start3A_64 : memref<100000x128xf32, #tpu.memory_space<hbm>>) target(%arg9 : memref<128x128xf32, #tpu.memory_space<vmem>>) offsets(%dma_start3A_61 : memref<128xi32, #tpu.memory_space<vmem>>) semaphore(%arg14 : memref<!tpu.dma_semaphore, #tpu.memory_space<semaphore_mem>>)
    %dma_wait3A_65 = arith.constant 0 : i32
    %dma_wait3A_66 = tpu.memref_slice %arg2[%add3A_16, %dma_wait3A_65] : memref<16384x128xf32, #tpu.memory_space<hbm>> -> memref<128x128xf32, #tpu.memory_space<hbm>>
    %dma_wait3A_67 = arith.constant 0 : i32
    %dma_wait3A_68 = tpu.memref_slice %arg2[%add3A_16, %dma_wait3A_67] : memref<16384x128xf32, #tpu.memory_space<hbm>> -> memref<128x128xf32, #tpu.memory_space<hbm>>
    tpu.wait_dma2 semaphore(%arg13 : memref<!tpu.dma_semaphore, #tpu.memory_space<semaphore_mem>>) src(%dma_wait3A_68 : memref<128x128xf32, #tpu.memory_space<hbm>>) dst(%arg8 : memref<128x128xf32, #tpu.memory_space<vmem>>)
    %dma_wait3A_69 = arith.constant 128 : i32
    %dma_wait3A_70 = tpu.memref_slice %arg6[%dma_wait3A_69] : memref<512xi32, #tpu.memory_space<vmem>> -> memref<128xi32, #tpu.memory_space<vmem>>
    %dma_wait3A_71 = arith.constant 0 : i32
    %dma_wait3A_72 = arith.constant 0 : i32
    %dma_wait3A_73 = tpu.memref_slice %arg4[%dma_wait3A_71, %dma_wait3A_72] : memref<100000x128xf32, #tpu.memory_space<hbm>> -> memref<100000x128xf32, #tpu.memory_space<hbm>>
    tpu.wait_indirect_dma semaphore(%arg15 : memref<!tpu.dma_semaphore, #tpu.memory_space<semaphore_mem>>) src(%dma_wait3A_73 : memref<100000x128xf32, #tpu.memory_space<hbm>>) dst(%arg10 : memref<128x128xf32, #tpu.memory_space<vmem>>)
    %scan3A_74 = arith.constant 0 : i32
    %scan3A_75 = arith.constant 16 : i32
    %scan3A_76 = arith.addi %scan3A_74, %scan3A_75 : i32
    %scan3A_77 = arith.constant 1 : i32
    %scan3A_78:8 = scf.for %scan3A_129 = %scan3A_74 to %scan3A_76 step %scan3A_77 iter_args(%scan3A_130 = %scan3A_52#0, %scan3A_131 = %scan3A_52#1, %scan3A_132 = %scan3A_52#2, %scan3A_133 = %scan3A_52#3, %scan3A_134 = %scan3A_52#4, %scan3A_135 = %scan3A_52#5, %scan3A_136 = %scan3A_52#6, %scan3A_137 = %scan3A_52#7) -> (vector<16xf32>, vector<16xf32>, vector<16xf32>, vector<16xf32>, vector<16xf32>, vector<16xf32>, vector<16xf32>, vector<16xf32>)  : i32 {
      %mul3A_138 = arith.constant 8 : i32
      %mul3A_139 = arith.muli %scan3A_129, %mul3A_138 : i32
      %add3A_140 = arith.constant 0 : i32
      %add3A_141 = arith.addi %mul3A_139, %add3A_140 : i32
      %get3A = arith.index_cast %add3A_141 : i32 to index
      %get3A_142 = arith.constant 0 : index
      %get3A_143 = tpu.vector_load %arg8[%get3A, %get3A_142] {strides = array<i32>} : memref<128x128xf32, #tpu.memory_space<vmem>>, vector<16xf32>,
      %get3A_144 = arith.index_cast %add3A_141 : i32 to index
      %get3A_145 = arith.constant 0 : index
      %get3A_146 = tpu.vector_load %arg10[%get3A_144, %get3A_145] {strides = array<i32>} : memref<128x128xf32, #tpu.memory_space<vmem>>, vector<16xf32>,
      %sub3A = arith.subf %get3A_143, %get3A_146 : vector<16xf32>
      %mul3A_147 = arith.mulf %sub3A, %sub3A : vector<16xf32>
      %add3A_148 = arith.addf %scan3A_130, %mul3A_147 : vector<16xf32>
      %get3A_149 = arith.index_cast %add3A_141 : i32 to index
      %get3A_150 = arith.constant 16 : index
      %get3A_151 = tpu.vector_load %arg8[%get3A_149, %get3A_150] {strides = array<i32>} : memref<128x128xf32, #tpu.memory_space<vmem>>, vector<16xf32>,
      %get3A_152 = arith.index_cast %add3A_141 : i32 to index
      %get3A_153 = arith.constant 16 : index
      %get3A_154 = tpu.vector_load %arg10[%get3A_152, %get3A_153] {strides = array<i32>} : memref<128x128xf32, #tpu.memory_space<vmem>>, vector<16xf32>,
      %sub3A_155 = arith.subf %get3A_151, %get3A_154 : vector<16xf32>
      %mul3A_156 = arith.mulf %sub3A_155, %sub3A_155 : vector<16xf32>
      %add3A_157 = arith.addf %scan3A_131, %mul3A_156 : vector<16xf32>
      %get3A_158 = arith.index_cast %add3A_141 : i32 to index
      %get3A_159 = arith.constant 32 : index
      %get3A_160 = tpu.vector_load %arg8[%get3A_158, %get3A_159] {strides = array<i32>} : memref<128x128xf32, #tpu.memory_space<vmem>>, vector<16xf32>,
      %get3A_161 = arith.index_cast %add3A_141 : i32 to index
      %get3A_162 = arith.constant 32 : index
      %get3A_163 = tpu.vector_load %arg10[%get3A_161, %get3A_162] {strides = array<i32>} : memref<128x128xf32, #tpu.memory_space<vmem>>, vector<16xf32>,
      %sub3A_164 = arith.subf %get3A_160, %get3A_163 : vector<16xf32>
      %mul3A_165 = arith.mulf %sub3A_164, %sub3A_164 : vector<16xf32>
      %add3A_166 = arith.addf %scan3A_132, %mul3A_165 : vector<16xf32>
      %get3A_167 = arith.index_cast %add3A_141 : i32 to index
      %get3A_168 = arith.constant 48 : index
      %get3A_169 = tpu.vector_load %arg8[%get3A_167, %get3A_168] {strides = array<i32>} : memref<128x128xf32, #tpu.memory_space<vmem>>, vector<16xf32>,
      %get3A_170 = arith.index_cast %add3A_141 : i32 to index
      %get3A_171 = arith.constant 48 : index
      %get3A_172 = tpu.vector_load %arg10[%get3A_170, %get3A_171] {strides = array<i32>} : memref<128x128xf32, #tpu.memory_space<vmem>>, vector<16xf32>,
      %sub3A_173 = arith.subf %get3A_169, %get3A_172 : vector<16xf32>
      %mul3A_174 = arith.mulf %sub3A_173, %sub3A_173 : vector<16xf32>
      %add3A_175 = arith.addf %scan3A_133, %mul3A_174 : vector<16xf32>
      %get3A_176 = arith.index_cast %add3A_141 : i32 to index
      %get3A_177 = arith.constant 64 : index
      %get3A_178 = tpu.vector_load %arg8[%get3A_176, %get3A_177] {strides = array<i32>} : memref<128x128xf32, #tpu.memory_space<vmem>>, vector<16xf32>,
      %get3A_179 = arith.index_cast %add3A_141 : i32 to index
      %get3A_180 = arith.constant 64 : index
      %get3A_181 = tpu.vector_load %arg10[%get3A_179, %get3A_180] {strides = array<i32>} : memref<128x128xf32, #tpu.memory_space<vmem>>, vector<16xf32>,
      %sub3A_182 = arith.subf %get3A_178, %get3A_181 : vector<16xf32>
      %mul3A_183 = arith.mulf %sub3A_182, %sub3A_182 : vector<16xf32>
      %add3A_184 = arith.addf %scan3A_134, %mul3A_183 : vector<16xf32>
      %get3A_185 = arith.index_cast %add3A_141 : i32 to index
      %get3A_186 = arith.constant 80 : index
      %get3A_187 = tpu.vector_load %arg8[%get3A_185, %get3A_186] {strides = array<i32>} : memref<128x128xf32, #tpu.memory_space<vmem>>, vector<16xf32>,
      %get3A_188 = arith.index_cast %add3A_141 : i32 to index
      %get3A_189 = arith.constant 80 : index
      %get3A_190 = tpu.vector_load %arg10[%get3A_188, %get3A_189] {strides = array<i32>} : memref<128x128xf32, #tpu.memory_space<vmem>>, vector<16xf32>,
      %sub3A_191 = arith.subf %get3A_187, %get3A_190 : vector<16xf32>
      %mul3A_192 = arith.mulf %sub3A_191, %sub3A_191 : vector<16xf32>
      %add3A_193 = arith.addf %scan3A_135, %mul3A_192 : vector<16xf32>
      %get3A_194 = arith.index_cast %add3A_141 : i32 to index
      %get3A_195 = arith.constant 96 : index
      %get3A_196 = tpu.vector_load %arg8[%get3A_194, %get3A_195] {strides = array<i32>} : memref<128x128xf32, #tpu.memory_space<vmem>>, vector<16xf32>,
      %get3A_197 = arith.index_cast %add3A_141 : i32 to index
      %get3A_198 = arith.constant 96 : index
      %get3A_199 = tpu.vector_load %arg10[%get3A_197, %get3A_198] {strides = array<i32>} : memref<128x128xf32, #tpu.memory_space<vmem>>, vector<16xf32>,
      %sub3A_200 = arith.subf %get3A_196, %get3A_199 : vector<16xf32>
      %mul3A_201 = arith.mulf %sub3A_200, %sub3A_200 : vector<16xf32>
      %add3A_202 = arith.addf %scan3A_136, %mul3A_201 : vector<16xf32>
      %get3A_203 = arith.index_cast %add3A_141 : i32 to index
      %get3A_204 = arith.constant 112 : index
      %get3A_205 = tpu.vector_load %arg8[%get3A_203, %get3A_204] {strides = array<i32>} : memref<128x128xf32, #tpu.memory_space<vmem>>, vector<16xf32>,
      %get3A_206 = arith.index_cast %add3A_141 : i32 to index
      %get3A_207 = arith.constant 112 : index
      %get3A_208 = tpu.vector_load %arg10[%get3A_206, %get3A_207] {strides = array<i32>} : memref<128x128xf32, #tpu.memory_space<vmem>>, vector<16xf32>,
      %sub3A_209 = arith.subf %get3A_205, %get3A_208 : vector<16xf32>
      %mul3A_210 = arith.mulf %sub3A_209, %sub3A_209 : vector<16xf32>
      %add3A_211 = arith.addf %scan3A_137, %mul3A_210 : vector<16xf32>
      %add3A_212 = arith.constant 1 : i32
      %add3A_213 = arith.addi %mul3A_139, %add3A_212 : i32
      %get3A_214 = arith.index_cast %add3A_213 : i32 to index
      %get3A_215 = arith.constant 0 : index
      %get3A_216 = tpu.vector_load %arg8[%get3A_214, %get3A_215] {strides = array<i32>} : memref<128x128xf32, #tpu.memory_space<vmem>>, vector<16xf32>,
      %get3A_217 = arith.index_cast %add3A_213 : i32 to index
      %get3A_218 = arith.constant 0 : index
      %get3A_219 = tpu.vector_load %arg10[%get3A_217, %get3A_218] {strides = array<i32>} : memref<128x128xf32, #tpu.memory_space<vmem>>, vector<16xf32>,
      %sub3A_220 = arith.subf %get3A_216, %get3A_219 : vector<16xf32>
      %mul3A_221 = arith.mulf %sub3A_220, %sub3A_220 : vector<16xf32>
      %add3A_222 = arith.addf %add3A_148, %mul3A_221 : vector<16xf32>
      %get3A_223 = arith.index_cast %add3A_213 : i32 to index
      %get3A_224 = arith.constant 16 : index
      %get3A_225 = tpu.vector_load %arg8[%get3A_223, %get3A_224] {strides = array<i32>} : memref<128x128xf32, #tpu.memory_space<vmem>>, vector<16xf32>,
      %get3A_226 = arith.index_cast %add3A_213 : i32 to index
      %get3A_227 = arith.constant 16 : index
      %get3A_228 = tpu.vector_load %arg10[%get3A_226, %get3A_227] {strides = array<i32>} : memref<128x128xf32, #tpu.memory_space<vmem>>, vector<16xf32>,
      %sub3A_229 = arith.subf %get3A_225, %get3A_228 : vector<16xf32>
      %mul3A_230 = arith.mulf %sub3A_229, %sub3A_229 : vector<16xf32>
      %add3A_231 = arith.addf %add3A_157, %mul3A_230 : vector<16xf32>
      %get3A_232 = arith.index_cast %add3A_213 : i32 to index
      %get3A_233 = arith.constant 32 : index
      %get3A_234 = tpu.vector_load %arg8[%get3A_232, %get3A_233] {strides = array<i32>} : memref<128x128xf32, #tpu.memory_space<vmem>>, vector<16xf32>,
      %get3A_235 = arith.index_cast %add3A_213 : i32 to index
      %get3A_236 = arith.constant 32 : index
      %get3A_237 = tpu.vector_load %arg10[%get3A_235, %get3A_236] {strides = array<i32>} : memref<128x128xf32, #tpu.memory_space<vmem>>, vector<16xf32>,
      %sub3A_238 = arith.subf %get3A_234, %get3A_237 : vector<16xf32>
      %mul3A_239 = arith.mulf %sub3A_238, %sub3A_238 : vector<16xf32>
      %add3A_240 = arith.addf %add3A_166, %mul3A_239 : vector<16xf32>
      %get3A_241 = arith.index_cast %add3A_213 : i32 to index
      %get3A_242 = arith.constant 48 : index
      %get3A_243 = tpu.vector_load %arg8[%get3A_241, %get3A_242] {strides = array<i32>} : memref<128x128xf32, #tpu.memory_space<vmem>>, vector<16xf32>,
      %get3A_244 = arith.index_cast %add3A_213 : i32 to index
      %get3A_245 = arith.constant 48 : index
      %get3A_246 = tpu.vector_load %arg10[%get3A_244, %get3A_245] {strides = array<i32>} : memref<128x128xf32, #tpu.memory_space<vmem>>, vector<16xf32>,
      %sub3A_247 = arith.subf %get3A_243, %get3A_246 : vector<16xf32>
      %mul3A_248 = arith.mulf %sub3A_247, %sub3A_247 : vector<16xf32>
      %add3A_249 = arith.addf %add3A_175, %mul3A_248 : vector<16xf32>
      %get3A_250 = arith.index_cast %add3A_213 : i32 to index
      %get3A_251 = arith.constant 64 : index
      %get3A_252 = tpu.vector_load %arg8[%get3A_250, %get3A_251] {strides = array<i32>} : memref<128x128xf32, #tpu.memory_space<vmem>>, vector<16xf32>,
      %get3A_253 = arith.index_cast %add3A_213 : i32 to index
      %get3A_254 = arith.constant 64 : index
      %get3A_255 = tpu.vector_load %arg10[%get3A_253, %get3A_254] {strides = array<i32>} : memref<128x128xf32, #tpu.memory_space<vmem>>, vector<16xf32>,
      %sub3A_256 = arith.subf %get3A_252, %get3A_255 : vector<16xf32>
      %mul3A_257 = arith.mulf %sub3A_256, %sub3A_256 : vector<16xf32>
      %add3A_258 = arith.addf %add3A_184, %mul3A_257 : vector<16xf32>
      %get3A_259 = arith.index_cast %add3A_213 : i32 to index
      %get3A_260 = arith.constant 80 : index
      %get3A_261 = tpu.vector_load %arg8[%get3A_259, %get3A_260] {strides = array<i32>} : memref<128x128xf32, #tpu.memory_space<vmem>>, vector<16xf32>,
      %get3A_262 = arith.index_cast %add3A_213 : i32 to index
      %get3A_263 = arith.constant 80 : index
      %get3A_264 = tpu.vector_load %arg10[%get3A_262, %get3A_263] {strides = array<i32>} : memref<128x128xf32, #tpu.memory_space<vmem>>, vector<16xf32>,
      %sub3A_265 = arith.subf %get3A_261, %get3A_264 : vector<16xf32>
      %mul3A_266 = arith.mulf %sub3A_265, %sub3A_265 : vector<16xf32>
      %add3A_267 = arith.addf %add3A_193, %mul3A_266 : vector<16xf32>
      %get3A_268 = arith.index_cast %add3A_213 : i32 to index
      %get3A_269 = arith.constant 96 : index
      %get3A_270 = tpu.vector_load %arg8[%get3A_268, %get3A_269] {strides = array<i32>} : memref<128x128xf32, #tpu.memory_space<vmem>>, vector<16xf32>,
      %get3A_271 = arith.index_cast %add3A_213 : i32 to index
      %get3A_272 = arith.constant 96 : index
      %get3A_273 = tpu.vector_load %arg10[%get3A_271, %get3A_272] {strides = array<i32>} : memref<128x128xf32, #tpu.memory_space<vmem>>, vector<16xf32>,
      %sub3A_274 = arith.subf %get3A_270, %get3A_273 : vector<16xf32>
      %mul3A_275 = arith.mulf %sub3A_274, %sub3A_274 : vector<16xf32>
      %add3A_276 = arith.addf %add3A_202, %mul3A_275 : vector<16xf32>
      %get3A_277 = arith.index_cast %add3A_213 : i32 to index
      %get3A_278 = arith.constant 112 : index
      %get3A_279 = tpu.vector_load %arg8[%get3A_277, %get3A_278] {strides = array<i32>} : memref<128x128xf32, #tpu.memory_space<vmem>>, vector<16xf32>,
      %get3A_280 = arith.index_cast %add3A_213 : i32 to index
      %get3A_281 = arith.constant 112 : index
      %get3A_282 = tpu.vector_load %arg10[%get3A_280, %get3A_281] {strides = array<i32>} : memref<128x128xf32, #tpu.memory_space<vmem>>, vector<16xf32>,
      %sub3A_283 = arith.subf %get3A_279, %get3A_282 : vector<16xf32>
      %mul3A_284 = arith.mulf %sub3A_283, %sub3A_283 : vector<16xf32>
      %add3A_285 = arith.addf %add3A_211, %mul3A_284 : vector<16xf32>
      %add3A_286 = arith.constant 2 : i32
      %add3A_287 = arith.addi %mul3A_139, %add3A_286 : i32
      %get3A_288 = arith.index_cast %add3A_287 : i32 to index
      %get3A_289 = arith.constant 0 : index
      %get3A_290 = tpu.vector_load %arg8[%get3A_288, %get3A_289] {strides = array<i32>} : memref<128x128xf32, #tpu.memory_space<vmem>>, vector<16xf32>,
      %get3A_291 = arith.index_cast %add3A_287 : i32 to index
      %get3A_292 = arith.constant 0 : index
      %get3A_293 = tpu.vector_load %arg10[%get3A_291, %get3A_292] {strides = array<i32>} : memref<128x128xf32, #tpu.memory_space<vmem>>, vector<16xf32>,
      %sub3A_294 = arith.subf %get3A_290, %get3A_293 : vector<16xf32>
      %mul3A_295 = arith.mulf %sub3A_294, %sub3A_294 : vector<16xf32>
      %add3A_296 = arith.addf %add3A_222, %mul3A_295 : vector<16xf32>
      %get3A_297 = arith.index_cast %add3A_287 : i32 to index
      %get3A_298 = arith.constant 16 : index
      %get3A_299 = tpu.vector_load %arg8[%get3A_297, %get3A_298] {strides = array<i32>} : memref<128x128xf32, #tpu.memory_space<vmem>>, vector<16xf32>,
      %get3A_300 = arith.index_cast %add3A_287 : i32 to index
      %get3A_301 = arith.constant 16 : index
      %get3A_302 = tpu.vector_load %arg10[%get3A_300, %get3A_301] {strides = array<i32>} : memref<128x128xf32, #tpu.memory_space<vmem>>, vector<16xf32>,
      %sub3A_303 = arith.subf %get3A_299, %get3A_302 : vector<16xf32>
      %mul3A_304 = arith.mulf %sub3A_303, %sub3A_303 : vector<16xf32>
      %add3A_305 = arith.addf %add3A_231, %mul3A_304 : vector<16xf32>
      %get3A_306 = arith.index_cast %add3A_287 : i32 to index
      %get3A_307 = arith.constant 32 : index
      %get3A_308 = tpu.vector_load %arg8[%get3A_306, %get3A_307] {strides = array<i32>} : memref<128x128xf32, #tpu.memory_space<vmem>>, vector<16xf32>,
      %get3A_309 = arith.index_cast %add3A_287 : i32 to index
      %get3A_310 = arith.constant 32 : index
      %get3A_311 = tpu.vector_load %arg10[%get3A_309, %get3A_310] {strides = array<i32>} : memref<128x128xf32, #tpu.memory_space<vmem>>, vector<16xf32>,
      %sub3A_312 = arith.subf %get3A_308, %get3A_311 : vector<16xf32>
      %mul3A_313 = arith.mulf %sub3A_312, %sub3A_312 : vector<16xf32>
      %add3A_314 = arith.addf %add3A_240, %mul3A_313 : vector<16xf32>
      %get3A_315 = arith.index_cast %add3A_287 : i32 to index
      %get3A_316 = arith.constant 48 : index
      %get3A_317 = tpu.vector_load %arg8[%get3A_315, %get3A_316] {strides = array<i32>} : memref<128x128xf32, #tpu.memory_space<vmem>>, vector<16xf32>,
      %get3A_318 = arith.index_cast %add3A_287 : i32 to index
      %get3A_319 = arith.constant 48 : index
      %get3A_320 = tpu.vector_load %arg10[%get3A_318, %get3A_319] {strides = array<i32>} : memref<128x128xf32, #tpu.memory_space<vmem>>, vector<16xf32>,
      %sub3A_321 = arith.subf %get3A_317, %get3A_320 : vector<16xf32>
      %mul3A_322 = arith.mulf %sub3A_321, %sub3A_321 : vector<16xf32>
      %add3A_323 = arith.addf %add3A_249, %mul3A_322 : vector<16xf32>
      %get3A_324 = arith.index_cast %add3A_287 : i32 to index
      %get3A_325 = arith.constant 64 : index
      %get3A_326 = tpu.vector_load %arg8[%get3A_324, %get3A_325] {strides = array<i32>} : memref<128x128xf32, #tpu.memory_space<vmem>>, vector<16xf32>,
      %get3A_327 = arith.index_cast %add3A_287 : i32 to index
      %get3A_328 = arith.constant 64 : index
      %get3A_329 = tpu.vector_load %arg10[%get3A_327, %get3A_328] {strides = array<i32>} : memref<128x128xf32, #tpu.memory_space<vmem>>, vector<16xf32>,
      %sub3A_330 = arith.subf %get3A_326, %get3A_329 : vector<16xf32>
      %mul3A_331 = arith.mulf %sub3A_330, %sub3A_330 : vector<16xf32>
      %add3A_332 = arith.addf %add3A_258, %mul3A_331 : vector<16xf32>
      %get3A_333 = arith.index_cast %add3A_287 : i32 to index
      %get3A_334 = arith.constant 80 : index
      %get3A_335 = tpu.vector_load %arg8[%get3A_333, %get3A_334] {strides = array<i32>} : memref<128x128xf32, #tpu.memory_space<vmem>>, vector<16xf32>,
      %get3A_336 = arith.index_cast %add3A_287 : i32 to index
      %get3A_337 = arith.constant 80 : index
      %get3A_338 = tpu.vector_load %arg10[%get3A_336, %get3A_337] {strides = array<i32>} : memref<128x128xf32, #tpu.memory_space<vmem>>, vector<16xf32>,
      %sub3A_339 = arith.subf %get3A_335, %get3A_338 : vector<16xf32>
      %mul3A_340 = arith.mulf %sub3A_339, %sub3A_339 : vector<16xf32>
      %add3A_341 = arith.addf %add3A_267, %mul3A_340 : vector<16xf32>
      %get3A_342 = arith.index_cast %add3A_287 : i32 to index
      %get3A_343 = arith.constant 96 : index
      %get3A_344 = tpu.vector_load %arg8[%get3A_342, %get3A_343] {strides = array<i32>} : memref<128x128xf32, #tpu.memory_space<vmem>>, vector<16xf32>,
      %get3A_345 = arith.index_cast %add3A_287 : i32 to index
      %get3A_346 = arith.constant 96 : index
      %get3A_347 = tpu.vector_load %arg10[%get3A_345, %get3A_346] {strides = array<i32>} : memref<128x128xf32, #tpu.memory_space<vmem>>, vector<16xf32>,
      %sub3A_348 = arith.subf %get3A_344, %get3A_347 : vector<16xf32>
      %mul3A_349 = arith.mulf %sub3A_348, %sub3A_348 : vector<16xf32>
      %add3A_350 = arith.addf %add3A_276, %mul3A_349 : vector<16xf32>
      %get3A_351 = arith.index_cast %add3A_287 : i32 to index
      %get3A_352 = arith.constant 112 : index
      %get3A_353 = tpu.vector_load %arg8[%get3A_351, %get3A_352] {strides = array<i32>} : memref<128x128xf32, #tpu.memory_space<vmem>>, vector<16xf32>,
      %get3A_354 = arith.index_cast %add3A_287 : i32 to index
      %get3A_355 = arith.constant 112 : index
      %get3A_356 = tpu.vector_load %arg10[%get3A_354, %get3A_355] {strides = array<i32>} : memref<128x128xf32, #tpu.memory_space<vmem>>, vector<16xf32>,
      %sub3A_357 = arith.subf %get3A_353, %get3A_356 : vector<16xf32>
      %mul3A_358 = arith.mulf %sub3A_357, %sub3A_357 : vector<16xf32>
      %add3A_359 = arith.addf %add3A_285, %mul3A_358 : vector<16xf32>
      %add3A_360 = arith.constant 3 : i32
      %add3A_361 = arith.addi %mul3A_139, %add3A_360 : i32
      %get3A_362 = arith.index_cast %add3A_361 : i32 to index
      %get3A_363 = arith.constant 0 : index
      %get3A_364 = tpu.vector_load %arg8[%get3A_362, %get3A_363] {strides = array<i32>} : memref<128x128xf32, #tpu.memory_space<vmem>>, vector<16xf32>,
      %get3A_365 = arith.index_cast %add3A_361 : i32 to index
      %get3A_366 = arith.constant 0 : index
      %get3A_367 = tpu.vector_load %arg10[%get3A_365, %get3A_366] {strides = array<i32>} : memref<128x128xf32, #tpu.memory_space<vmem>>, vector<16xf32>,
      %sub3A_368 = arith.subf %get3A_364, %get3A_367 : vector<16xf32>
      %mul3A_369 = arith.mulf %sub3A_368, %sub3A_368 : vector<16xf32>
      %add3A_370 = arith.addf %add3A_296, %mul3A_369 : vector<16xf32>
      %get3A_371 = arith.index_cast %add3A_361 : i32 to index
      %get3A_372 = arith.constant 16 : index
      %get3A_373 = tpu.vector_load %arg8[%get3A_371, %get3A_372] {strides = array<i32>} : memref<128x128xf32, #tpu.memory_space<vmem>>, vector<16xf32>,
      %get3A_374 = arith.index_cast %add3A_361 : i32 to index
      %get3A_375 = arith.constant 16 : index
      %get3A_376 = tpu.vector_load %arg10[%get3A_374, %get3A_375] {strides = array<i32>} : memref<128x128xf32, #tpu.memory_space<vmem>>, vector<16xf32>,
      %sub3A_377 = arith.subf %get3A_373, %get3A_376 : vector<16xf32>
      %mul3A_378 = arith.mulf %sub3A_377, %sub3A_377 : vector<16xf32>
      %add3A_379 = arith.addf %add3A_305, %mul3A_378 : vector<16xf32>
      %get3A_380 = arith.index_cast %add3A_361 : i32 to index
      %get3A_381 = arith.constant 32 : index
      %get3A_382 = tpu.vector_load %arg8[%get3A_380, %get3A_381] {strides = array<i32>} : memref<128x128xf32, #tpu.memory_space<vmem>>, vector<16xf32>,
      %get3A_383 = arith.index_cast %add3A_361 : i32 to index
      %get3A_384 = arith.constant 32 : index
      %get3A_385 = tpu.vector_load %arg10[%get3A_383, %get3A_384] {strides = array<i32>} : memref<128x128xf32, #tpu.memory_space<vmem>>, vector<16xf32>,
      %sub3A_386 = arith.subf %get3A_382, %get3A_385 : vector<16xf32>
      %mul3A_387 = arith.mulf %sub3A_386, %sub3A_386 : vector<16xf32>
      %add3A_388 = arith.addf %add3A_314, %mul3A_387 : vector<16xf32>
      %get3A_389 = arith.index_cast %add3A_361 : i32 to index
      %get3A_390 = arith.constant 48 : index
      %get3A_391 = tpu.vector_load %arg8[%get3A_389, %get3A_390] {strides = array<i32>} : memref<128x128xf32, #tpu.memory_space<vmem>>, vector<16xf32>,
      %get3A_392 = arith.index_cast %add3A_361 : i32 to index
      %get3A_393 = arith.constant 48 : index
      %get3A_394 = tpu.vector_load %arg10[%get3A_392, %get3A_393] {strides = array<i32>} : memref<128x128xf32, #tpu.memory_space<vmem>>, vector<16xf32>,
      %sub3A_395 = arith.subf %get3A_391, %get3A_394 : vector<16xf32>
      %mul3A_396 = arith.mulf %sub3A_395, %sub3A_395 : vector<16xf32>
      %add3A_397 = arith.addf %add3A_323, %mul3A_396 : vector<16xf32>
      %get3A_398 = arith.index_cast %add3A_361 : i32 to index
      %get3A_399 = arith.constant 64 : index
      %get3A_400 = tpu.vector_load %arg8[%get3A_398, %get3A_399] {strides = array<i32>} : memref<128x128xf32, #tpu.memory_space<vmem>>, vector<16xf32>,
      %get3A_401 = arith.index_cast %add3A_361 : i32 to index
      %get3A_402 = arith.constant 64 : index
      %get3A_403 = tpu.vector_load %arg10[%get3A_401, %get3A_402] {strides = array<i32>} : memref<128x128xf32, #tpu.memory_space<vmem>>, vector<16xf32>,
      %sub3A_404 = arith.subf %get3A_400, %get3A_403 : vector<16xf32>
      %mul3A_405 = arith.mulf %sub3A_404, %sub3A_404 : vector<16xf32>
      %add3A_406 = arith.addf %add3A_332, %mul3A_405 : vector<16xf32>
      %get3A_407 = arith.index_cast %add3A_361 : i32 to index
      %get3A_408 = arith.constant 80 : index
      %get3A_409 = tpu.vector_load %arg8[%get3A_407, %get3A_408] {strides = array<i32>} : memref<128x128xf32, #tpu.memory_space<vmem>>, vector<16xf32>,
      %get3A_410 = arith.index_cast %add3A_361 : i32 to index
      %get3A_411 = arith.constant 80 : index
      %get3A_412 = tpu.vector_load %arg10[%get3A_410, %get3A_411] {strides = array<i32>} : memref<128x128xf32, #tpu.memory_space<vmem>>, vector<16xf32>,
      %sub3A_413 = arith.subf %get3A_409, %get3A_412 : vector<16xf32>
      %mul3A_414 = arith.mulf %sub3A_413, %sub3A_413 : vector<16xf32>
      %add3A_415 = arith.addf %add3A_341, %mul3A_414 : vector<16xf32>
      %get3A_416 = arith.index_cast %add3A_361 : i32 to index
      %get3A_417 = arith.constant 96 : index
      %get3A_418 = tpu.vector_load %arg8[%get3A_416, %get3A_417] {strides = array<i32>} : memref<128x128xf32, #tpu.memory_space<vmem>>, vector<16xf32>,
      %get3A_419 = arith.index_cast %add3A_361 : i32 to index
      %get3A_420 = arith.constant 96 : index
      %get3A_421 = tpu.vector_load %arg10[%get3A_419, %get3A_420] {strides = array<i32>} : memref<128x128xf32, #tpu.memory_space<vmem>>, vector<16xf32>,
      %sub3A_422 = arith.subf %get3A_418, %get3A_421 : vector<16xf32>
      %mul3A_423 = arith.mulf %sub3A_422, %sub3A_422 : vector<16xf32>
      %add3A_424 = arith.addf %add3A_350, %mul3A_423 : vector<16xf32>
      %get3A_425 = arith.index_cast %add3A_361 : i32 to index
      %get3A_426 = arith.constant 112 : index
      %get3A_427 = tpu.vector_load %arg8[%get3A_425, %get3A_426] {strides = array<i32>} : memref<128x128xf32, #tpu.memory_space<vmem>>, vector<16xf32>,
      %get3A_428 = arith.index_cast %add3A_361 : i32 to index
      %get3A_429 = arith.constant 112 : index
      %get3A_430 = tpu.vector_load %arg10[%get3A_428, %get3A_429] {strides = array<i32>} : memref<128x128xf32, #tpu.memory_space<vmem>>, vector<16xf32>,
      %sub3A_431 = arith.subf %get3A_427, %get3A_430 : vector<16xf32>
      %mul3A_432 = arith.mulf %sub3A_431, %sub3A_431 : vector<16xf32>
      %add3A_433 = arith.addf %add3A_359, %mul3A_432 : vector<16xf32>
      %add3A_434 = arith.constant 4 : i32
      %add3A_435 = arith.addi %mul3A_139, %add3A_434 : i32
      %get3A_436 = arith.index_cast %add3A_435 : i32 to index
      %get3A_437 = arith.constant 0 : index
      %get3A_438 = tpu.vector_load %arg8[%get3A_436, %get3A_437] {strides = array<i32>} : memref<128x128xf32, #tpu.memory_space<vmem>>, vector<16xf32>,
      %get3A_439 = arith.index_cast %add3A_435 : i32 to index
      %get3A_440 = arith.constant 0 : index
      %get3A_441 = tpu.vector_load %arg10[%get3A_439, %get3A_440] {strides = array<i32>} : memref<128x128xf32, #tpu.memory_space<vmem>>, vector<16xf32>,
      %sub3A_442 = arith.subf %get3A_438, %get3A_441 : vector<16xf32>
      %mul3A_443 = arith.mulf %sub3A_442, %sub3A_442 : vector<16xf32>
      %add3A_444 = arith.addf %add3A_370, %mul3A_443 : vector<16xf32>
      %get3A_445 = arith.index_cast %add3A_435 : i32 to index
      %get3A_446 = arith.constant 16 : index
      %get3A_447 = tpu.vector_load %arg8[%get3A_445, %get3A_446] {strides = array<i32>} : memref<128x128xf32, #tpu.memory_space<vmem>>, vector<16xf32>,
      %get3A_448 = arith.index_cast %add3A_435 : i32 to index
      %get3A_449 = arith.constant 16 : index
      %get3A_450 = tpu.vector_load %arg10[%get3A_448, %get3A_449] {strides = array<i32>} : memref<128x128xf32, #tpu.memory_space<vmem>>, vector<16xf32>,
      %sub3A_451 = arith.subf %get3A_447, %get3A_450 : vector<16xf32>
      %mul3A_452 = arith.mulf %sub3A_451, %sub3A_451 : vector<16xf32>
      %add3A_453 = arith.addf %add3A_379, %mul3A_452 : vector<16xf32>
      %get3A_454 = arith.index_cast %add3A_435 : i32 to index
      %get3A_455 = arith.constant 32 : index
      %get3A_456 = tpu.vector_load %arg8[%get3A_454, %get3A_455] {strides = array<i32>} : memref<128x128xf32, #tpu.memory_space<vmem>>, vector<16xf32>,
      %get3A_457 = arith.index_cast %add3A_435 : i32 to index
      %get3A_458 = arith.constant 32 : index
      %get3A_459 = tpu.vector_load %arg10[%get3A_457, %get3A_458] {strides = array<i32>} : memref<128x128xf32, #tpu.memory_space<vmem>>, vector<16xf32>,
      %sub3A_460 = arith.subf %get3A_456, %get3A_459 : vector<16xf32>
      %mul3A_461 = arith.mulf %sub3A_460, %sub3A_460 : vector<16xf32>
      %add3A_462 = arith.addf %add3A_388, %mul3A_461 : vector<16xf32>
      %get3A_463 = arith.index_cast %add3A_435 : i32 to index
      %get3A_464 = arith.constant 48 : index
      %get3A_465 = tpu.vector_load %arg8[%get3A_463, %get3A_464] {strides = array<i32>} : memref<128x128xf32, #tpu.memory_space<vmem>>, vector<16xf32>,
      %get3A_466 = arith.index_cast %add3A_435 : i32 to index
      %get3A_467 = arith.constant 48 : index
      %get3A_468 = tpu.vector_load %arg10[%get3A_466, %get3A_467] {strides = array<i32>} : memref<128x128xf32, #tpu.memory_space<vmem>>, vector<16xf32>,
      %sub3A_469 = arith.subf %get3A_465, %get3A_468 : vector<16xf32>
      %mul3A_470 = arith.mulf %sub3A_469, %sub3A_469 : vector<16xf32>
      %add3A_471 = arith.addf %add3A_397, %mul3A_470 : vector<16xf32>
      %get3A_472 = arith.index_cast %add3A_435 : i32 to index
      %get3A_473 = arith.constant 64 : index
      %get3A_474 = tpu.vector_load %arg8[%get3A_472, %get3A_473] {strides = array<i32>} : memref<128x128xf32, #tpu.memory_space<vmem>>, vector<16xf32>,
      %get3A_475 = arith.index_cast %add3A_435 : i32 to index
      %get3A_476 = arith.constant 64 : index
      %get3A_477 = tpu.vector_load %arg10[%get3A_475, %get3A_476] {strides = array<i32>} : memref<128x128xf32, #tpu.memory_space<vmem>>, vector<16xf32>,
      %sub3A_478 = arith.subf %get3A_474, %get3A_477 : vector<16xf32>
      %mul3A_479 = arith.mulf %sub3A_478, %sub3A_478 : vector<16xf32>
      %add3A_480 = arith.addf %add3A_406, %mul3A_479 : vector<16xf32>
      %get3A_481 = arith.index_cast %add3A_435 : i32 to index
      %get3A_482 = arith.constant 80 : index
      %get3A_483 = tpu.vector_load %arg8[%get3A_481, %get3A_482] {strides = array<i32>} : memref<128x128xf32, #tpu.memory_space<vmem>>, vector<16xf32>,
      %get3A_484 = arith.index_cast %add3A_435 : i32 to index
      %get3A_485 = arith.constant 80 : index
      %get3A_486 = tpu.vector_load %arg10[%get3A_484, %get3A_485] {strides = array<i32>} : memref<128x128xf32, #tpu.memory_space<vmem>>, vector<16xf32>,
      %sub3A_487 = arith.subf %get3A_483, %get3A_486 : vector<16xf32>
      %mul3A_488 = arith.mulf %sub3A_487, %sub3A_487 : vector<16xf32>
      %add3A_489 = arith.addf %add3A_415, %mul3A_488 : vector<16xf32>
      %get3A_490 = arith.index_cast %add3A_435 : i32 to index
      %get3A_491 = arith.constant 96 : index
      %get3A_492 = tpu.vector_load %arg8[%get3A_490, %get3A_491] {strides = array<i32>} : memref<128x128xf32, #tpu.memory_space<vmem>>, vector<16xf32>,
      %get3A_493 = arith.index_cast %add3A_435 : i32 to index
      %get3A_494 = arith.constant 96 : index
      %get3A_495 = tpu.vector_load %arg10[%get3A_493, %get3A_494] {strides = array<i32>} : memref<128x128xf32, #tpu.memory_space<vmem>>, vector<16xf32>,
      %sub3A_496 = arith.subf %get3A_492, %get3A_495 : vector<16xf32>
      %mul3A_497 = arith.mulf %sub3A_496, %sub3A_496 : vector<16xf32>
      %add3A_498 = arith.addf %add3A_424, %mul3A_497 : vector<16xf32>
      %get3A_499 = arith.index_cast %add3A_435 : i32 to index
      %get3A_500 = arith.constant 112 : index
      %get3A_501 = tpu.vector_load %arg8[%get3A_499, %get3A_500] {strides = array<i32>} : memref<128x128xf32, #tpu.memory_space<vmem>>, vector<16xf32>,
      %get3A_502 = arith.index_cast %add3A_435 : i32 to index
      %get3A_503 = arith.constant 112 : index
      %get3A_504 = tpu.vector_load %arg10[%get3A_502, %get3A_503] {strides = array<i32>} : memref<128x128xf32, #tpu.memory_space<vmem>>, vector<16xf32>,
      %sub3A_505 = arith.subf %get3A_501, %get3A_504 : vector<16xf32>
      %mul3A_506 = arith.mulf %sub3A_505, %sub3A_505 : vector<16xf32>
      %add3A_507 = arith.addf %add3A_433, %mul3A_506 : vector<16xf32>
      %add3A_508 = arith.constant 5 : i32
      %add3A_509 = arith.addi %mul3A_139, %add3A_508 : i32
      %get3A_510 = arith.index_cast %add3A_509 : i32 to index
      %get3A_511 = arith.constant 0 : index
      %get3A_512 = tpu.vector_load %arg8[%get3A_510, %get3A_511] {strides = array<i32>} : memref<128x128xf32, #tpu.memory_space<vmem>>, vector<16xf32>,
      %get3A_513 = arith.index_cast %add3A_509 : i32 to index
      %get3A_514 = arith.constant 0 : index
      %get3A_515 = tpu.vector_load %arg10[%get3A_513, %get3A_514] {strides = array<i32>} : memref<128x128xf32, #tpu.memory_space<vmem>>, vector<16xf32>,
      %sub3A_516 = arith.subf %get3A_512, %get3A_515 : vector<16xf32>
      %mul3A_517 = arith.mulf %sub3A_516, %sub3A_516 : vector<16xf32>
      %add3A_518 = arith.addf %add3A_444, %mul3A_517 : vector<16xf32>
      %get3A_519 = arith.index_cast %add3A_509 : i32 to index
      %get3A_520 = arith.constant 16 : index
      %get3A_521 = tpu.vector_load %arg8[%get3A_519, %get3A_520] {strides = array<i32>} : memref<128x128xf32, #tpu.memory_space<vmem>>, vector<16xf32>,
      %get3A_522 = arith.index_cast %add3A_509 : i32 to index
      %get3A_523 = arith.constant 16 : index
      %get3A_524 = tpu.vector_load %arg10[%get3A_522, %get3A_523] {strides = array<i32>} : memref<128x128xf32, #tpu.memory_space<vmem>>, vector<16xf32>,
      %sub3A_525 = arith.subf %get3A_521, %get3A_524 : vector<16xf32>
      %mul3A_526 = arith.mulf %sub3A_525, %sub3A_525 : vector<16xf32>
      %add3A_527 = arith.addf %add3A_453, %mul3A_526 : vector<16xf32>
      %get3A_528 = arith.index_cast %add3A_509 : i32 to index
      %get3A_529 = arith.constant 32 : index
      %get3A_530 = tpu.vector_load %arg8[%get3A_528, %get3A_529] {strides = array<i32>} : memref<128x128xf32, #tpu.memory_space<vmem>>, vector<16xf32>,
      %get3A_531 = arith.index_cast %add3A_509 : i32 to index
      %get3A_532 = arith.constant 32 : index
      %get3A_533 = tpu.vector_load %arg10[%get3A_531, %get3A_532] {strides = array<i32>} : memref<128x128xf32, #tpu.memory_space<vmem>>, vector<16xf32>,
      %sub3A_534 = arith.subf %get3A_530, %get3A_533 : vector<16xf32>
      %mul3A_535 = arith.mulf %sub3A_534, %sub3A_534 : vector<16xf32>
      %add3A_536 = arith.addf %add3A_462, %mul3A_535 : vector<16xf32>
      %get3A_537 = arith.index_cast %add3A_509 : i32 to index
      %get3A_538 = arith.constant 48 : index
      %get3A_539 = tpu.vector_load %arg8[%get3A_537, %get3A_538] {strides = array<i32>} : memref<128x128xf32, #tpu.memory_space<vmem>>, vector<16xf32>,
      %get3A_540 = arith.index_cast %add3A_509 : i32 to index
      %get3A_541 = arith.constant 48 : index
      %get3A_542 = tpu.vector_load %arg10[%get3A_540, %get3A_541] {strides = array<i32>} : memref<128x128xf32, #tpu.memory_space<vmem>>, vector<16xf32>,
      %sub3A_543 = arith.subf %get3A_539, %get3A_542 : vector<16xf32>
      %mul3A_544 = arith.mulf %sub3A_543, %sub3A_543 : vector<16xf32>
      %add3A_545 = arith.addf %add3A_471, %mul3A_544 : vector<16xf32>
      %get3A_546 = arith.index_cast %add3A_509 : i32 to index
      %get3A_547 = arith.constant 64 : index
      %get3A_548 = tpu.vector_load %arg8[%get3A_546, %get3A_547] {strides = array<i32>} : memref<128x128xf32, #tpu.memory_space<vmem>>, vector<16xf32>,
      %get3A_549 = arith.index_cast %add3A_509 : i32 to index
      %get3A_550 = arith.constant 64 : index
      %get3A_551 = tpu.vector_load %arg10[%get3A_549, %get3A_550] {strides = array<i32>} : memref<128x128xf32, #tpu.memory_space<vmem>>, vector<16xf32>,
      %sub3A_552 = arith.subf %get3A_548, %get3A_551 : vector<16xf32>
      %mul3A_553 = arith.mulf %sub3A_552, %sub3A_552 : vector<16xf32>
      %add3A_554 = arith.addf %add3A_480, %mul3A_553 : vector<16xf32>
      %get3A_555 = arith.index_cast %add3A_509 : i32 to index
      %get3A_556 = arith.constant 80 : index
      %get3A_557 = tpu.vector_load %arg8[%get3A_555, %get3A_556] {strides = array<i32>} : memref<128x128xf32, #tpu.memory_space<vmem>>, vector<16xf32>,
      %get3A_558 = arith.index_cast %add3A_509 : i32 to index
      %get3A_559 = arith.constant 80 : index
      %get3A_560 = tpu.vector_load %arg10[%get3A_558, %get3A_559] {strides = array<i32>} : memref<128x128xf32, #tpu.memory_space<vmem>>, vector<16xf32>,
      %sub3A_561 = arith.subf %get3A_557, %get3A_560 : vector<16xf32>
      %mul3A_562 = arith.mulf %sub3A_561, %sub3A_561 : vector<16xf32>
      %add3A_563 = arith.addf %add3A_489, %mul3A_562 : vector<16xf32>
      %get3A_564 = arith.index_cast %add3A_509 : i32 to index
      %get3A_565 = arith.constant 96 : index
      %get3A_566 = tpu.vector_load %arg8[%get3A_564, %get3A_565] {strides = array<i32>} : memref<128x128xf32, #tpu.memory_space<vmem>>, vector<16xf32>,
      %get3A_567 = arith.index_cast %add3A_509 : i32 to index
      %get3A_568 = arith.constant 96 : index
      %get3A_569 = tpu.vector_load %arg10[%get3A_567, %get3A_568] {strides = array<i32>} : memref<128x128xf32, #tpu.memory_space<vmem>>, vector<16xf32>,
      %sub3A_570 = arith.subf %get3A_566, %get3A_569 : vector<16xf32>
      %mul3A_571 = arith.mulf %sub3A_570, %sub3A_570 : vector<16xf32>
      %add3A_572 = arith.addf %add3A_498, %mul3A_571 : vector<16xf32>
      %get3A_573 = arith.index_cast %add3A_509 : i32 to index
      %get3A_574 = arith.constant 112 : index
      %get3A_575 = tpu.vector_load %arg8[%get3A_573, %get3A_574] {strides = array<i32>} : memref<128x128xf32, #tpu.memory_space<vmem>>, vector<16xf32>,
      %get3A_576 = arith.index_cast %add3A_509 : i32 to index
      %get3A_577 = arith.constant 112 : index
      %get3A_578 = tpu.vector_load %arg10[%get3A_576, %get3A_577] {strides = array<i32>} : memref<128x128xf32, #tpu.memory_space<vmem>>, vector<16xf32>,
      %sub3A_579 = arith.subf %get3A_575, %get3A_578 : vector<16xf32>
      %mul3A_580 = arith.mulf %sub3A_579, %sub3A_579 : vector<16xf32>
      %add3A_581 = arith.addf %add3A_507, %mul3A_580 : vector<16xf32>
      %add3A_582 = arith.constant 6 : i32
      %add3A_583 = arith.addi %mul3A_139, %add3A_582 : i32
      %get3A_584 = arith.index_cast %add3A_583 : i32 to index
      %get3A_585 = arith.constant 0 : index
      %get3A_586 = tpu.vector_load %arg8[%get3A_584, %get3A_585] {strides = array<i32>} : memref<128x128xf32, #tpu.memory_space<vmem>>, vector<16xf32>,
      %get3A_587 = arith.index_cast %add3A_583 : i32 to index
      %get3A_588 = arith.constant 0 : index
      %get3A_589 = tpu.vector_load %arg10[%get3A_587, %get3A_588] {strides = array<i32>} : memref<128x128xf32, #tpu.memory_space<vmem>>, vector<16xf32>,
      %sub3A_590 = arith.subf %get3A_586, %get3A_589 : vector<16xf32>
      %mul3A_591 = arith.mulf %sub3A_590, %sub3A_590 : vector<16xf32>
      %add3A_592 = arith.addf %add3A_518, %mul3A_591 : vector<16xf32>
      %get3A_593 = arith.index_cast %add3A_583 : i32 to index
      %get3A_594 = arith.constant 16 : index
      %get3A_595 = tpu.vector_load %arg8[%get3A_593, %get3A_594] {strides = array<i32>} : memref<128x128xf32, #tpu.memory_space<vmem>>, vector<16xf32>,
      %get3A_596 = arith.index_cast %add3A_583 : i32 to index
      %get3A_597 = arith.constant 16 : index
      %get3A_598 = tpu.vector_load %arg10[%get3A_596, %get3A_597] {strides = array<i32>} : memref<128x128xf32, #tpu.memory_space<vmem>>, vector<16xf32>,
      %sub3A_599 = arith.subf %get3A_595, %get3A_598 : vector<16xf32>
      %mul3A_600 = arith.mulf %sub3A_599, %sub3A_599 : vector<16xf32>
      %add3A_601 = arith.addf %add3A_527, %mul3A_600 : vector<16xf32>
      %get3A_602 = arith.index_cast %add3A_583 : i32 to index
      %get3A_603 = arith.constant 32 : index
      %get3A_604 = tpu.vector_load %arg8[%get3A_602, %get3A_603] {strides = array<i32>} : memref<128x128xf32, #tpu.memory_space<vmem>>, vector<16xf32>,
      %get3A_605 = arith.index_cast %add3A_583 : i32 to index
      %get3A_606 = arith.constant 32 : index
      %get3A_607 = tpu.vector_load %arg10[%get3A_605, %get3A_606] {strides = array<i32>} : memref<128x128xf32, #tpu.memory_space<vmem>>, vector<16xf32>,
      %sub3A_608 = arith.subf %get3A_604, %get3A_607 : vector<16xf32>
      %mul3A_609 = arith.mulf %sub3A_608, %sub3A_608 : vector<16xf32>
      %add3A_610 = arith.addf %add3A_536, %mul3A_609 : vector<16xf32>
      %get3A_611 = arith.index_cast %add3A_583 : i32 to index
      %get3A_612 = arith.constant 48 : index
      %get3A_613 = tpu.vector_load %arg8[%get3A_611, %get3A_612] {strides = array<i32>} : memref<128x128xf32, #tpu.memory_space<vmem>>, vector<16xf32>,
      %get3A_614 = arith.index_cast %add3A_583 : i32 to index
      %get3A_615 = arith.constant 48 : index
      %get3A_616 = tpu.vector_load %arg10[%get3A_614, %get3A_615] {strides = array<i32>} : memref<128x128xf32, #tpu.memory_space<vmem>>, vector<16xf32>,
      %sub3A_617 = arith.subf %get3A_613, %get3A_616 : vector<16xf32>
      %mul3A_618 = arith.mulf %sub3A_617, %sub3A_617 : vector<16xf32>
      %add3A_619 = arith.addf %add3A_545, %mul3A_618 : vector<16xf32>
      %get3A_620 = arith.index_cast %add3A_583 : i32 to index
      %get3A_621 = arith.constant 64 : index
      %get3A_622 = tpu.vector_load %arg8[%get3A_620, %get3A_621] {strides = array<i32>} : memref<128x128xf32, #tpu.memory_space<vmem>>, vector<16xf32>,
      %get3A_623 = arith.index_cast %add3A_583 : i32 to index
      %get3A_624 = arith.constant 64 : index
      %get3A_625 = tpu.vector_load %arg10[%get3A_623, %get3A_624] {strides = array<i32>} : memref<128x128xf32, #tpu.memory_space<vmem>>, vector<16xf32>,
      %sub3A_626 = arith.subf %get3A_622, %get3A_625 : vector<16xf32>
      %mul3A_627 = arith.mulf %sub3A_626, %sub3A_626 : vector<16xf32>
      %add3A_628 = arith.addf %add3A_554, %mul3A_627 : vector<16xf32>
      %get3A_629 = arith.index_cast %add3A_583 : i32 to index
      %get3A_630 = arith.constant 80 : index
      %get3A_631 = tpu.vector_load %arg8[%get3A_629, %get3A_630] {strides = array<i32>} : memref<128x128xf32, #tpu.memory_space<vmem>>, vector<16xf32>,
      %get3A_632 = arith.index_cast %add3A_583 : i32 to index
      %get3A_633 = arith.constant 80 : index
      %get3A_634 = tpu.vector_load %arg10[%get3A_632, %get3A_633] {strides = array<i32>} : memref<128x128xf32, #tpu.memory_space<vmem>>, vector<16xf32>,
      %sub3A_635 = arith.subf %get3A_631, %get3A_634 : vector<16xf32>
      %mul3A_636 = arith.mulf %sub3A_635, %sub3A_635 : vector<16xf32>
      %add3A_637 = arith.addf %add3A_563, %mul3A_636 : vector<16xf32>
      %get3A_638 = arith.index_cast %add3A_583 : i32 to index
      %get3A_639 = arith.constant 96 : index
      %get3A_640 = tpu.vector_load %arg8[%get3A_638, %get3A_639] {strides = array<i32>} : memref<128x128xf32, #tpu.memory_space<vmem>>, vector<16xf32>,
      %get3A_641 = arith.index_cast %add3A_583 : i32 to index
      %get3A_642 = arith.constant 96 : index
      %get3A_643 = tpu.vector_load %arg10[%get3A_641, %get3A_642] {strides = array<i32>} : memref<128x128xf32, #tpu.memory_space<vmem>>, vector<16xf32>,
      %sub3A_644 = arith.subf %get3A_640, %get3A_643 : vector<16xf32>
      %mul3A_645 = arith.mulf %sub3A_644, %sub3A_644 : vector<16xf32>
      %add3A_646 = arith.addf %add3A_572, %mul3A_645 : vector<16xf32>
      %get3A_647 = arith.index_cast %add3A_583 : i32 to index
      %get3A_648 = arith.constant 112 : index
      %get3A_649 = tpu.vector_load %arg8[%get3A_647, %get3A_648] {strides = array<i32>} : memref<128x128xf32, #tpu.memory_space<vmem>>, vector<16xf32>,
      %get3A_650 = arith.index_cast %add3A_583 : i32 to index
      %get3A_651 = arith.constant 112 : index
      %get3A_652 = tpu.vector_load %arg10[%get3A_650, %get3A_651] {strides = array<i32>} : memref<128x128xf32, #tpu.memory_space<vmem>>, vector<16xf32>,
      %sub3A_653 = arith.subf %get3A_649, %get3A_652 : vector<16xf32>
      %mul3A_654 = arith.mulf %sub3A_653, %sub3A_653 : vector<16xf32>
      %add3A_655 = arith.addf %add3A_581, %mul3A_654 : vector<16xf32>
      %add3A_656 = arith.constant 7 : i32
      %add3A_657 = arith.addi %mul3A_139, %add3A_656 : i32
      %get3A_658 = arith.index_cast %add3A_657 : i32 to index
      %get3A_659 = arith.constant 0 : index
      %get3A_660 = tpu.vector_load %arg8[%get3A_658, %get3A_659] {strides = array<i32>} : memref<128x128xf32, #tpu.memory_space<vmem>>, vector<16xf32>,
      %get3A_661 = arith.index_cast %add3A_657 : i32 to index
      %get3A_662 = arith.constant 0 : index
      %get3A_663 = tpu.vector_load %arg10[%get3A_661, %get3A_662] {strides = array<i32>} : memref<128x128xf32, #tpu.memory_space<vmem>>, vector<16xf32>,
      %sub3A_664 = arith.subf %get3A_660, %get3A_663 : vector<16xf32>
      %mul3A_665 = arith.mulf %sub3A_664, %sub3A_664 : vector<16xf32>
      %add3A_666 = arith.addf %add3A_592, %mul3A_665 : vector<16xf32>
      %get3A_667 = arith.index_cast %add3A_657 : i32 to index
      %get3A_668 = arith.constant 16 : index
      %get3A_669 = tpu.vector_load %arg8[%get3A_667, %get3A_668] {strides = array<i32>} : memref<128x128xf32, #tpu.memory_space<vmem>>, vector<16xf32>,
      %get3A_670 = arith.index_cast %add3A_657 : i32 to index
      %get3A_671 = arith.constant 16 : index
      %get3A_672 = tpu.vector_load %arg10[%get3A_670, %get3A_671] {strides = array<i32>} : memref<128x128xf32, #tpu.memory_space<vmem>>, vector<16xf32>,
      %sub3A_673 = arith.subf %get3A_669, %get3A_672 : vector<16xf32>
      %mul3A_674 = arith.mulf %sub3A_673, %sub3A_673 : vector<16xf32>
      %add3A_675 = arith.addf %add3A_601, %mul3A_674 : vector<16xf32>
      %get3A_676 = arith.index_cast %add3A_657 : i32 to index
      %get3A_677 = arith.constant 32 : index
      %get3A_678 = tpu.vector_load %arg8[%get3A_676, %get3A_677] {strides = array<i32>} : memref<128x128xf32, #tpu.memory_space<vmem>>, vector<16xf32>,
      %get3A_679 = arith.index_cast %add3A_657 : i32 to index
      %get3A_680 = arith.constant 32 : index
      %get3A_681 = tpu.vector_load %arg10[%get3A_679, %get3A_680] {strides = array<i32>} : memref<128x128xf32, #tpu.memory_space<vmem>>, vector<16xf32>,
      %sub3A_682 = arith.subf %get3A_678, %get3A_681 : vector<16xf32>
      %mul3A_683 = arith.mulf %sub3A_682, %sub3A_682 : vector<16xf32>
      %add3A_684 = arith.addf %add3A_610, %mul3A_683 : vector<16xf32>
      %get3A_685 = arith.index_cast %add3A_657 : i32 to index
      %get3A_686 = arith.constant 48 : index
      %get3A_687 = tpu.vector_load %arg8[%get3A_685, %get3A_686] {strides = array<i32>} : memref<128x128xf32, #tpu.memory_space<vmem>>, vector<16xf32>,
      %get3A_688 = arith.index_cast %add3A_657 : i32 to index
      %get3A_689 = arith.constant 48 : index
      %get3A_690 = tpu.vector_load %arg10[%get3A_688, %get3A_689] {strides = array<i32>} : memref<128x128xf32, #tpu.memory_space<vmem>>, vector<16xf32>,
      %sub3A_691 = arith.subf %get3A_687, %get3A_690 : vector<16xf32>
      %mul3A_692 = arith.mulf %sub3A_691, %sub3A_691 : vector<16xf32>
      %add3A_693 = arith.addf %add3A_619, %mul3A_692 : vector<16xf32>
      %get3A_694 = arith.index_cast %add3A_657 : i32 to index
      %get3A_695 = arith.constant 64 : index
      %get3A_696 = tpu.vector_load %arg8[%get3A_694, %get3A_695] {strides = array<i32>} : memref<128x128xf32, #tpu.memory_space<vmem>>, vector<16xf32>,
      %get3A_697 = arith.index_cast %add3A_657 : i32 to index
      %get3A_698 = arith.constant 64 : index
      %get3A_699 = tpu.vector_load %arg10[%get3A_697, %get3A_698] {strides = array<i32>} : memref<128x128xf32, #tpu.memory_space<vmem>>, vector<16xf32>,
      %sub3A_700 = arith.subf %get3A_696, %get3A_699 : vector<16xf32>
      %mul3A_701 = arith.mulf %sub3A_700, %sub3A_700 : vector<16xf32>
      %add3A_702 = arith.addf %add3A_628, %mul3A_701 : vector<16xf32>
      %get3A_703 = arith.index_cast %add3A_657 : i32 to index
      %get3A_704 = arith.constant 80 : index
      %get3A_705 = tpu.vector_load %arg8[%get3A_703, %get3A_704] {strides = array<i32>} : memref<128x128xf32, #tpu.memory_space<vmem>>, vector<16xf32>,
      %get3A_706 = arith.index_cast %add3A_657 : i32 to index
      %get3A_707 = arith.constant 80 : index
      %get3A_708 = tpu.vector_load %arg10[%get3A_706, %get3A_707] {strides = array<i32>} : memref<128x128xf32, #tpu.memory_space<vmem>>, vector<16xf32>,
      %sub3A_709 = arith.subf %get3A_705, %get3A_708 : vector<16xf32>
      %mul3A_710 = arith.mulf %sub3A_709, %sub3A_709 : vector<16xf32>
      %add3A_711 = arith.addf %add3A_637, %mul3A_710 : vector<16xf32>
      %get3A_712 = arith.index_cast %add3A_657 : i32 to index
      %get3A_713 = arith.constant 96 : index
      %get3A_714 = tpu.vector_load %arg8[%get3A_712, %get3A_713] {strides = array<i32>} : memref<128x128xf32, #tpu.memory_space<vmem>>, vector<16xf32>,
      %get3A_715 = arith.index_cast %add3A_657 : i32 to index
      %get3A_716 = arith.constant 96 : index
      %get3A_717 = tpu.vector_load %arg10[%get3A_715, %get3A_716] {strides = array<i32>} : memref<128x128xf32, #tpu.memory_space<vmem>>, vector<16xf32>,
      %sub3A_718 = arith.subf %get3A_714, %get3A_717 : vector<16xf32>
      %mul3A_719 = arith.mulf %sub3A_718, %sub3A_718 : vector<16xf32>
      %add3A_720 = arith.addf %add3A_646, %mul3A_719 : vector<16xf32>
      %get3A_721 = arith.index_cast %add3A_657 : i32 to index
      %get3A_722 = arith.constant 112 : index
      %get3A_723 = tpu.vector_load %arg8[%get3A_721, %get3A_722] {strides = array<i32>} : memref<128x128xf32, #tpu.memory_space<vmem>>, vector<16xf32>,
      %get3A_724 = arith.index_cast %add3A_657 : i32 to index
      %get3A_725 = arith.constant 112 : index
      %get3A_726 = tpu.vector_load %arg10[%get3A_724, %get3A_725] {strides = array<i32>} : memref<128x128xf32, #tpu.memory_space<vmem>>, vector<16xf32>,
      %sub3A_727 = arith.subf %get3A_723, %get3A_726 : vector<16xf32>
      %mul3A_728 = arith.mulf %sub3A_727, %sub3A_727 : vector<16xf32>
      %add3A_729 = arith.addf %add3A_655, %mul3A_728 : vector<16xf32>
      scf.yield %add3A_666, %add3A_675, %add3A_684, %add3A_693, %add3A_702, %add3A_711, %add3A_720, %add3A_729 : vector<16xf32>, vector<16xf32>, vector<16xf32>, vector<16xf32>, vector<16xf32>, vector<16xf32>, vector<16xf32>, vector<16xf32>
    }
    %scan3A_79 = arith.constant 16 : i32
    %add3A_80 = arith.constant 384 : i32
    %add3A_81 = arith.addi %mul3A_2, %add3A_80 : i32
    %dma_start3A_82 = arith.constant 0 : i32
    %dma_start3A_83 = tpu.memref_slice %arg2[%add3A_81, %dma_start3A_82] : memref<16384x128xf32, #tpu.memory_space<hbm>> -> memref<128x128xf32, #tpu.memory_space<hbm>>
    %dma_start3A_84 = arith.constant 0 : i32
    %dma_start3A_85 = tpu.memref_slice %arg2[%add3A_81, %dma_start3A_84] : memref<16384x128xf32, #tpu.memory_space<hbm>> -> memref<128x128xf32, #tpu.memory_space<hbm>>
    tpu.enqueue_dma source(%dma_start3A_85 : memref<128x128xf32, #tpu.memory_space<hbm>>) target(%arg8 : memref<128x128xf32, #tpu.memory_space<vmem>>) target_semaphore(%arg13 : memref<!tpu.dma_semaphore, #tpu.memory_space<semaphore_mem>>)
    %dma_start3A_86 = arith.constant 384 : i32
    %dma_start3A_87 = tpu.memref_slice %arg6[%dma_start3A_86] : memref<512xi32, #tpu.memory_space<vmem>> -> memref<128xi32, #tpu.memory_space<vmem>>
    %dma_start3A_88 = arith.constant 0 : i32
    %dma_start3A_89 = arith.constant 0 : i32
    %dma_start3A_90 = tpu.memref_slice %arg4[%dma_start3A_88, %dma_start3A_89] : memref<100000x128xf32, #tpu.memory_space<hbm>> -> memref<100000x128xf32, #tpu.memory_space<hbm>>
    tpu.enqueue_indirect_dma source(%dma_start3A_90 : memref<100000x128xf32, #tpu.memory_space<hbm>>) target(%arg10 : memref<128x128xf32, #tpu.memory_space<vmem>>) offsets(%dma_start3A_87 : memref<128xi32, #tpu.memory_space<vmem>>) semaphore(%arg15 : memref<!tpu.dma_semaphore, #tpu.memory_space<semaphore_mem>>)
    %dma_wait3A_91 = arith.constant 0 : i32
    %dma_wait3A_92 = tpu.memref_slice %arg2[%add3A_55, %dma_wait3A_91] : memref<16384x128xf32, #tpu.memory_space<hbm>> -> memref<128x128xf32, #tpu.memory_space<hbm>>
    %dma_wait3A_93 = arith.constant 0 : i32
    %dma_wait3A_94 = tpu.memref_slice %arg2[%add3A_55, %dma_wait3A_93] : memref<16384x128xf32, #tpu.memory_space<hbm>> -> memref<128x128xf32, #tpu.memory_space<hbm>>
    tpu.wait_dma2 semaphore(%arg12 : memref<!tpu.dma_semaphore, #tpu.memory_space<semaphore_mem>>) src(%dma_wait3A_94 : memref<128x128xf32, #tpu.memory_space<hbm>>) dst(%arg7 : memref<128x128xf32, #tpu.memory_space<vmem>>)
    %dma_wait3A_95 = arith.constant 256 : i32
    %dma_wait3A_96 = tpu.memref_slice %arg6[%dma_wait3A_95] : memref<512xi32, #tpu.memory_space<vmem>> -> memref<128xi32, #tpu.memory_space<vmem>>
    %dma_wait3A_97 = arith.constant 0 : i32
    %dma_wait3A_98 = arith.constant 0 : i32
    %dma_wait3A_99 = tpu.memref_slice %arg4[%dma_wait3A_97, %dma_wait3A_98] : memref<100000x128xf32, #tpu.memory_space<hbm>> -> memref<100000x128xf32, #tpu.memory_space<hbm>>
    tpu.wait_indirect_dma semaphore(%arg14 : memref<!tpu.dma_semaphore, #tpu.memory_space<semaphore_mem>>) src(%dma_wait3A_99 : memref<100000x128xf32, #tpu.memory_space<hbm>>) dst(%arg9 : memref<128x128xf32, #tpu.memory_space<vmem>>)
    %scan3A_100 = arith.constant 0 : i32
    %scan3A_101 = arith.constant 16 : i32
    %scan3A_102 = arith.addi %scan3A_100, %scan3A_101 : i32
    %scan3A_103 = arith.constant 1 : i32
    %scan3A_104:8 = scf.for %scan3A_129 = %scan3A_100 to %scan3A_102 step %scan3A_103 iter_args(%scan3A_130 = %scan3A_78#0, %scan3A_131 = %scan3A_78#1, %scan3A_132 = %scan3A_78#2, %scan3A_133 = %scan3A_78#3, %scan3A_134 = %scan3A_78#4, %scan3A_135 = %scan3A_78#5, %scan3A_136 = %scan3A_78#6, %scan3A_137 = %scan3A_78#7) -> (vector<16xf32>, vector<16xf32>, vector<16xf32>, vector<16xf32>, vector<16xf32>, vector<16xf32>, vector<16xf32>, vector<16xf32>)  : i32 {
      %mul3A_138 = arith.constant 8 : i32
      %mul3A_139 = arith.muli %scan3A_129, %mul3A_138 : i32
      %add3A_140 = arith.constant 0 : i32
      %add3A_141 = arith.addi %mul3A_139, %add3A_140 : i32
      %get3A = arith.index_cast %add3A_141 : i32 to index
      %get3A_142 = arith.constant 0 : index
      %get3A_143 = tpu.vector_load %arg7[%get3A, %get3A_142] {strides = array<i32>} : memref<128x128xf32, #tpu.memory_space<vmem>>, vector<16xf32>,
      %get3A_144 = arith.index_cast %add3A_141 : i32 to index
      %get3A_145 = arith.constant 0 : index
      %get3A_146 = tpu.vector_load %arg9[%get3A_144, %get3A_145] {strides = array<i32>} : memref<128x128xf32, #tpu.memory_space<vmem>>, vector<16xf32>,
      %sub3A = arith.subf %get3A_143, %get3A_146 : vector<16xf32>
      %mul3A_147 = arith.mulf %sub3A, %sub3A : vector<16xf32>
      %add3A_148 = arith.addf %scan3A_130, %mul3A_147 : vector<16xf32>
      %get3A_149 = arith.index_cast %add3A_141 : i32 to index
      %get3A_150 = arith.constant 16 : index
      %get3A_151 = tpu.vector_load %arg7[%get3A_149, %get3A_150] {strides = array<i32>} : memref<128x128xf32, #tpu.memory_space<vmem>>, vector<16xf32>,
      %get3A_152 = arith.index_cast %add3A_141 : i32 to index
      %get3A_153 = arith.constant 16 : index
      %get3A_154 = tpu.vector_load %arg9[%get3A_152, %get3A_153] {strides = array<i32>} : memref<128x128xf32, #tpu.memory_space<vmem>>, vector<16xf32>,
      %sub3A_155 = arith.subf %get3A_151, %get3A_154 : vector<16xf32>
      %mul3A_156 = arith.mulf %sub3A_155, %sub3A_155 : vector<16xf32>
      %add3A_157 = arith.addf %scan3A_131, %mul3A_156 : vector<16xf32>
      %get3A_158 = arith.index_cast %add3A_141 : i32 to index
      %get3A_159 = arith.constant 32 : index
      %get3A_160 = tpu.vector_load %arg7[%get3A_158, %get3A_159] {strides = array<i32>} : memref<128x128xf32, #tpu.memory_space<vmem>>, vector<16xf32>,
      %get3A_161 = arith.index_cast %add3A_141 : i32 to index
      %get3A_162 = arith.constant 32 : index
      %get3A_163 = tpu.vector_load %arg9[%get3A_161, %get3A_162] {strides = array<i32>} : memref<128x128xf32, #tpu.memory_space<vmem>>, vector<16xf32>,
      %sub3A_164 = arith.subf %get3A_160, %get3A_163 : vector<16xf32>
      %mul3A_165 = arith.mulf %sub3A_164, %sub3A_164 : vector<16xf32>
      %add3A_166 = arith.addf %scan3A_132, %mul3A_165 : vector<16xf32>
      %get3A_167 = arith.index_cast %add3A_141 : i32 to index
      %get3A_168 = arith.constant 48 : index
      %get3A_169 = tpu.vector_load %arg7[%get3A_167, %get3A_168] {strides = array<i32>} : memref<128x128xf32, #tpu.memory_space<vmem>>, vector<16xf32>,
      %get3A_170 = arith.index_cast %add3A_141 : i32 to index
      %get3A_171 = arith.constant 48 : index
      %get3A_172 = tpu.vector_load %arg9[%get3A_170, %get3A_171] {strides = array<i32>} : memref<128x128xf32, #tpu.memory_space<vmem>>, vector<16xf32>,
      %sub3A_173 = arith.subf %get3A_169, %get3A_172 : vector<16xf32>
      %mul3A_174 = arith.mulf %sub3A_173, %sub3A_173 : vector<16xf32>
      %add3A_175 = arith.addf %scan3A_133, %mul3A_174 : vector<16xf32>
      %get3A_176 = arith.index_cast %add3A_141 : i32 to index
      %get3A_177 = arith.constant 64 : index
      %get3A_178 = tpu.vector_load %arg7[%get3A_176, %get3A_177] {strides = array<i32>} : memref<128x128xf32, #tpu.memory_space<vmem>>, vector<16xf32>,
      %get3A_179 = arith.index_cast %add3A_141 : i32 to index
      %get3A_180 = arith.constant 64 : index
      %get3A_181 = tpu.vector_load %arg9[%get3A_179, %get3A_180] {strides = array<i32>} : memref<128x128xf32, #tpu.memory_space<vmem>>, vector<16xf32>,
      %sub3A_182 = arith.subf %get3A_178, %get3A_181 : vector<16xf32>
      %mul3A_183 = arith.mulf %sub3A_182, %sub3A_182 : vector<16xf32>
      %add3A_184 = arith.addf %scan3A_134, %mul3A_183 : vector<16xf32>
      %get3A_185 = arith.index_cast %add3A_141 : i32 to index
      %get3A_186 = arith.constant 80 : index
      %get3A_187 = tpu.vector_load %arg7[%get3A_185, %get3A_186] {strides = array<i32>} : memref<128x128xf32, #tpu.memory_space<vmem>>, vector<16xf32>,
      %get3A_188 = arith.index_cast %add3A_141 : i32 to index
      %get3A_189 = arith.constant 80 : index
      %get3A_190 = tpu.vector_load %arg9[%get3A_188, %get3A_189] {strides = array<i32>} : memref<128x128xf32, #tpu.memory_space<vmem>>, vector<16xf32>,
      %sub3A_191 = arith.subf %get3A_187, %get3A_190 : vector<16xf32>
      %mul3A_192 = arith.mulf %sub3A_191, %sub3A_191 : vector<16xf32>
      %add3A_193 = arith.addf %scan3A_135, %mul3A_192 : vector<16xf32>
      %get3A_194 = arith.index_cast %add3A_141 : i32 to index
      %get3A_195 = arith.constant 96 : index
      %get3A_196 = tpu.vector_load %arg7[%get3A_194, %get3A_195] {strides = array<i32>} : memref<128x128xf32, #tpu.memory_space<vmem>>, vector<16xf32>,
      %get3A_197 = arith.index_cast %add3A_141 : i32 to index
      %get3A_198 = arith.constant 96 : index
      %get3A_199 = tpu.vector_load %arg9[%get3A_197, %get3A_198] {strides = array<i32>} : memref<128x128xf32, #tpu.memory_space<vmem>>, vector<16xf32>,
      %sub3A_200 = arith.subf %get3A_196, %get3A_199 : vector<16xf32>
      %mul3A_201 = arith.mulf %sub3A_200, %sub3A_200 : vector<16xf32>
      %add3A_202 = arith.addf %scan3A_136, %mul3A_201 : vector<16xf32>
      %get3A_203 = arith.index_cast %add3A_141 : i32 to index
      %get3A_204 = arith.constant 112 : index
      %get3A_205 = tpu.vector_load %arg7[%get3A_203, %get3A_204] {strides = array<i32>} : memref<128x128xf32, #tpu.memory_space<vmem>>, vector<16xf32>,
      %get3A_206 = arith.index_cast %add3A_141 : i32 to index
      %get3A_207 = arith.constant 112 : index
      %get3A_208 = tpu.vector_load %arg9[%get3A_206, %get3A_207] {strides = array<i32>} : memref<128x128xf32, #tpu.memory_space<vmem>>, vector<16xf32>,
      %sub3A_209 = arith.subf %get3A_205, %get3A_208 : vector<16xf32>
      %mul3A_210 = arith.mulf %sub3A_209, %sub3A_209 : vector<16xf32>
      %add3A_211 = arith.addf %scan3A_137, %mul3A_210 : vector<16xf32>
      %add3A_212 = arith.constant 1 : i32
      %add3A_213 = arith.addi %mul3A_139, %add3A_212 : i32
      %get3A_214 = arith.index_cast %add3A_213 : i32 to index
      %get3A_215 = arith.constant 0 : index
      %get3A_216 = tpu.vector_load %arg7[%get3A_214, %get3A_215] {strides = array<i32>} : memref<128x128xf32, #tpu.memory_space<vmem>>, vector<16xf32>,
      %get3A_217 = arith.index_cast %add3A_213 : i32 to index
      %get3A_218 = arith.constant 0 : index
      %get3A_219 = tpu.vector_load %arg9[%get3A_217, %get3A_218] {strides = array<i32>} : memref<128x128xf32, #tpu.memory_space<vmem>>, vector<16xf32>,
      %sub3A_220 = arith.subf %get3A_216, %get3A_219 : vector<16xf32>
      %mul3A_221 = arith.mulf %sub3A_220, %sub3A_220 : vector<16xf32>
      %add3A_222 = arith.addf %add3A_148, %mul3A_221 : vector<16xf32>
      %get3A_223 = arith.index_cast %add3A_213 : i32 to index
      %get3A_224 = arith.constant 16 : index
      %get3A_225 = tpu.vector_load %arg7[%get3A_223, %get3A_224] {strides = array<i32>} : memref<128x128xf32, #tpu.memory_space<vmem>>, vector<16xf32>,
      %get3A_226 = arith.index_cast %add3A_213 : i32 to index
      %get3A_227 = arith.constant 16 : index
      %get3A_228 = tpu.vector_load %arg9[%get3A_226, %get3A_227] {strides = array<i32>} : memref<128x128xf32, #tpu.memory_space<vmem>>, vector<16xf32>,
      %sub3A_229 = arith.subf %get3A_225, %get3A_228 : vector<16xf32>
      %mul3A_230 = arith.mulf %sub3A_229, %sub3A_229 : vector<16xf32>
      %add3A_231 = arith.addf %add3A_157, %mul3A_230 : vector<16xf32>
      %get3A_232 = arith.index_cast %add3A_213 : i32 to index
      %get3A_233 = arith.constant 32 : index
      %get3A_234 = tpu.vector_load %arg7[%get3A_232, %get3A_233] {strides = array<i32>} : memref<128x128xf32, #tpu.memory_space<vmem>>, vector<16xf32>,
      %get3A_235 = arith.index_cast %add3A_213 : i32 to index
      %get3A_236 = arith.constant 32 : index
      %get3A_237 = tpu.vector_load %arg9[%get3A_235, %get3A_236] {strides = array<i32>} : memref<128x128xf32, #tpu.memory_space<vmem>>, vector<16xf32>,
      %sub3A_238 = arith.subf %get3A_234, %get3A_237 : vector<16xf32>
      %mul3A_239 = arith.mulf %sub3A_238, %sub3A_238 : vector<16xf32>
      %add3A_240 = arith.addf %add3A_166, %mul3A_239 : vector<16xf32>
      %get3A_241 = arith.index_cast %add3A_213 : i32 to index
      %get3A_242 = arith.constant 48 : index
      %get3A_243 = tpu.vector_load %arg7[%get3A_241, %get3A_242] {strides = array<i32>} : memref<128x128xf32, #tpu.memory_space<vmem>>, vector<16xf32>,
      %get3A_244 = arith.index_cast %add3A_213 : i32 to index
      %get3A_245 = arith.constant 48 : index
      %get3A_246 = tpu.vector_load %arg9[%get3A_244, %get3A_245] {strides = array<i32>} : memref<128x128xf32, #tpu.memory_space<vmem>>, vector<16xf32>,
      %sub3A_247 = arith.subf %get3A_243, %get3A_246 : vector<16xf32>
      %mul3A_248 = arith.mulf %sub3A_247, %sub3A_247 : vector<16xf32>
      %add3A_249 = arith.addf %add3A_175, %mul3A_248 : vector<16xf32>
      %get3A_250 = arith.index_cast %add3A_213 : i32 to index
      %get3A_251 = arith.constant 64 : index
      %get3A_252 = tpu.vector_load %arg7[%get3A_250, %get3A_251] {strides = array<i32>} : memref<128x128xf32, #tpu.memory_space<vmem>>, vector<16xf32>,
      %get3A_253 = arith.index_cast %add3A_213 : i32 to index
      %get3A_254 = arith.constant 64 : index
      %get3A_255 = tpu.vector_load %arg9[%get3A_253, %get3A_254] {strides = array<i32>} : memref<128x128xf32, #tpu.memory_space<vmem>>, vector<16xf32>,
      %sub3A_256 = arith.subf %get3A_252, %get3A_255 : vector<16xf32>
      %mul3A_257 = arith.mulf %sub3A_256, %sub3A_256 : vector<16xf32>
      %add3A_258 = arith.addf %add3A_184, %mul3A_257 : vector<16xf32>
      %get3A_259 = arith.index_cast %add3A_213 : i32 to index
      %get3A_260 = arith.constant 80 : index
      %get3A_261 = tpu.vector_load %arg7[%get3A_259, %get3A_260] {strides = array<i32>} : memref<128x128xf32, #tpu.memory_space<vmem>>, vector<16xf32>,
      %get3A_262 = arith.index_cast %add3A_213 : i32 to index
      %get3A_263 = arith.constant 80 : index
      %get3A_264 = tpu.vector_load %arg9[%get3A_262, %get3A_263] {strides = array<i32>} : memref<128x128xf32, #tpu.memory_space<vmem>>, vector<16xf32>,
      %sub3A_265 = arith.subf %get3A_261, %get3A_264 : vector<16xf32>
      %mul3A_266 = arith.mulf %sub3A_265, %sub3A_265 : vector<16xf32>
      %add3A_267 = arith.addf %add3A_193, %mul3A_266 : vector<16xf32>
      %get3A_268 = arith.index_cast %add3A_213 : i32 to index
      %get3A_269 = arith.constant 96 : index
      %get3A_270 = tpu.vector_load %arg7[%get3A_268, %get3A_269] {strides = array<i32>} : memref<128x128xf32, #tpu.memory_space<vmem>>, vector<16xf32>,
      %get3A_271 = arith.index_cast %add3A_213 : i32 to index
      %get3A_272 = arith.constant 96 : index
      %get3A_273 = tpu.vector_load %arg9[%get3A_271, %get3A_272] {strides = array<i32>} : memref<128x128xf32, #tpu.memory_space<vmem>>, vector<16xf32>,
      %sub3A_274 = arith.subf %get3A_270, %get3A_273 : vector<16xf32>
      %mul3A_275 = arith.mulf %sub3A_274, %sub3A_274 : vector<16xf32>
      %add3A_276 = arith.addf %add3A_202, %mul3A_275 : vector<16xf32>
      %get3A_277 = arith.index_cast %add3A_213 : i32 to index
      %get3A_278 = arith.constant 112 : index
      %get3A_279 = tpu.vector_load %arg7[%get3A_277, %get3A_278] {strides = array<i32>} : memref<128x128xf32, #tpu.memory_space<vmem>>, vector<16xf32>,
      %get3A_280 = arith.index_cast %add3A_213 : i32 to index
      %get3A_281 = arith.constant 112 : index
      %get3A_282 = tpu.vector_load %arg9[%get3A_280, %get3A_281] {strides = array<i32>} : memref<128x128xf32, #tpu.memory_space<vmem>>, vector<16xf32>,
      %sub3A_283 = arith.subf %get3A_279, %get3A_282 : vector<16xf32>
      %mul3A_284 = arith.mulf %sub3A_283, %sub3A_283 : vector<16xf32>
      %add3A_285 = arith.addf %add3A_211, %mul3A_284 : vector<16xf32>
      %add3A_286 = arith.constant 2 : i32
      %add3A_287 = arith.addi %mul3A_139, %add3A_286 : i32
      %get3A_288 = arith.index_cast %add3A_287 : i32 to index
      %get3A_289 = arith.constant 0 : index
      %get3A_290 = tpu.vector_load %arg7[%get3A_288, %get3A_289] {strides = array<i32>} : memref<128x128xf32, #tpu.memory_space<vmem>>, vector<16xf32>,
      %get3A_291 = arith.index_cast %add3A_287 : i32 to index
      %get3A_292 = arith.constant 0 : index
      %get3A_293 = tpu.vector_load %arg9[%get3A_291, %get3A_292] {strides = array<i32>} : memref<128x128xf32, #tpu.memory_space<vmem>>, vector<16xf32>,
      %sub3A_294 = arith.subf %get3A_290, %get3A_293 : vector<16xf32>
      %mul3A_295 = arith.mulf %sub3A_294, %sub3A_294 : vector<16xf32>
      %add3A_296 = arith.addf %add3A_222, %mul3A_295 : vector<16xf32>
      %get3A_297 = arith.index_cast %add3A_287 : i32 to index
      %get3A_298 = arith.constant 16 : index
      %get3A_299 = tpu.vector_load %arg7[%get3A_297, %get3A_298] {strides = array<i32>} : memref<128x128xf32, #tpu.memory_space<vmem>>, vector<16xf32>,
      %get3A_300 = arith.index_cast %add3A_287 : i32 to index
      %get3A_301 = arith.constant 16 : index
      %get3A_302 = tpu.vector_load %arg9[%get3A_300, %get3A_301] {strides = array<i32>} : memref<128x128xf32, #tpu.memory_space<vmem>>, vector<16xf32>,
      %sub3A_303 = arith.subf %get3A_299, %get3A_302 : vector<16xf32>
      %mul3A_304 = arith.mulf %sub3A_303, %sub3A_303 : vector<16xf32>
      %add3A_305 = arith.addf %add3A_231, %mul3A_304 : vector<16xf32>
      %get3A_306 = arith.index_cast %add3A_287 : i32 to index
      %get3A_307 = arith.constant 32 : index
      %get3A_308 = tpu.vector_load %arg7[%get3A_306, %get3A_307] {strides = array<i32>} : memref<128x128xf32, #tpu.memory_space<vmem>>, vector<16xf32>,
      %get3A_309 = arith.index_cast %add3A_287 : i32 to index
      %get3A_310 = arith.constant 32 : index
      %get3A_311 = tpu.vector_load %arg9[%get3A_309, %get3A_310] {strides = array<i32>} : memref<128x128xf32, #tpu.memory_space<vmem>>, vector<16xf32>,
      %sub3A_312 = arith.subf %get3A_308, %get3A_311 : vector<16xf32>
      %mul3A_313 = arith.mulf %sub3A_312, %sub3A_312 : vector<16xf32>
      %add3A_314 = arith.addf %add3A_240, %mul3A_313 : vector<16xf32>
      %get3A_315 = arith.index_cast %add3A_287 : i32 to index
      %get3A_316 = arith.constant 48 : index
      %get3A_317 = tpu.vector_load %arg7[%get3A_315, %get3A_316] {strides = array<i32>} : memref<128x128xf32, #tpu.memory_space<vmem>>, vector<16xf32>,
      %get3A_318 = arith.index_cast %add3A_287 : i32 to index
      %get3A_319 = arith.constant 48 : index
      %get3A_320 = tpu.vector_load %arg9[%get3A_318, %get3A_319] {strides = array<i32>} : memref<128x128xf32, #tpu.memory_space<vmem>>, vector<16xf32>,
      %sub3A_321 = arith.subf %get3A_317, %get3A_320 : vector<16xf32>
      %mul3A_322 = arith.mulf %sub3A_321, %sub3A_321 : vector<16xf32>
      %add3A_323 = arith.addf %add3A_249, %mul3A_322 : vector<16xf32>
      %get3A_324 = arith.index_cast %add3A_287 : i32 to index
      %get3A_325 = arith.constant 64 : index
      %get3A_326 = tpu.vector_load %arg7[%get3A_324, %get3A_325] {strides = array<i32>} : memref<128x128xf32, #tpu.memory_space<vmem>>, vector<16xf32>,
      %get3A_327 = arith.index_cast %add3A_287 : i32 to index
      %get3A_328 = arith.constant 64 : index
      %get3A_329 = tpu.vector_load %arg9[%get3A_327, %get3A_328] {strides = array<i32>} : memref<128x128xf32, #tpu.memory_space<vmem>>, vector<16xf32>,
      %sub3A_330 = arith.subf %get3A_326, %get3A_329 : vector<16xf32>
      %mul3A_331 = arith.mulf %sub3A_330, %sub3A_330 : vector<16xf32>
      %add3A_332 = arith.addf %add3A_258, %mul3A_331 : vector<16xf32>
      %get3A_333 = arith.index_cast %add3A_287 : i32 to index
      %get3A_334 = arith.constant 80 : index
      %get3A_335 = tpu.vector_load %arg7[%get3A_333, %get3A_334] {strides = array<i32>} : memref<128x128xf32, #tpu.memory_space<vmem>>, vector<16xf32>,
      %get3A_336 = arith.index_cast %add3A_287 : i32 to index
      %get3A_337 = arith.constant 80 : index
      %get3A_338 = tpu.vector_load %arg9[%get3A_336, %get3A_337] {strides = array<i32>} : memref<128x128xf32, #tpu.memory_space<vmem>>, vector<16xf32>,
      %sub3A_339 = arith.subf %get3A_335, %get3A_338 : vector<16xf32>
      %mul3A_340 = arith.mulf %sub3A_339, %sub3A_339 : vector<16xf32>
      %add3A_341 = arith.addf %add3A_267, %mul3A_340 : vector<16xf32>
      %get3A_342 = arith.index_cast %add3A_287 : i32 to index
      %get3A_343 = arith.constant 96 : index
      %get3A_344 = tpu.vector_load %arg7[%get3A_342, %get3A_343] {strides = array<i32>} : memref<128x128xf32, #tpu.memory_space<vmem>>, vector<16xf32>,
      %get3A_345 = arith.index_cast %add3A_287 : i32 to index
      %get3A_346 = arith.constant 96 : index
      %get3A_347 = tpu.vector_load %arg9[%get3A_345, %get3A_346] {strides = array<i32>} : memref<128x128xf32, #tpu.memory_space<vmem>>, vector<16xf32>,
      %sub3A_348 = arith.subf %get3A_344, %get3A_347 : vector<16xf32>
      %mul3A_349 = arith.mulf %sub3A_348, %sub3A_348 : vector<16xf32>
      %add3A_350 = arith.addf %add3A_276, %mul3A_349 : vector<16xf32>
      %get3A_351 = arith.index_cast %add3A_287 : i32 to index
      %get3A_352 = arith.constant 112 : index
      %get3A_353 = tpu.vector_load %arg7[%get3A_351, %get3A_352] {strides = array<i32>} : memref<128x128xf32, #tpu.memory_space<vmem>>, vector<16xf32>,
      %get3A_354 = arith.index_cast %add3A_287 : i32 to index
      %get3A_355 = arith.constant 112 : index
      %get3A_356 = tpu.vector_load %arg9[%get3A_354, %get3A_355] {strides = array<i32>} : memref<128x128xf32, #tpu.memory_space<vmem>>, vector<16xf32>,
      %sub3A_357 = arith.subf %get3A_353, %get3A_356 : vector<16xf32>
      %mul3A_358 = arith.mulf %sub3A_357, %sub3A_357 : vector<16xf32>
      %add3A_359 = arith.addf %add3A_285, %mul3A_358 : vector<16xf32>
      %add3A_360 = arith.constant 3 : i32
      %add3A_361 = arith.addi %mul3A_139, %add3A_360 : i32
      %get3A_362 = arith.index_cast %add3A_361 : i32 to index
      %get3A_363 = arith.constant 0 : index
      %get3A_364 = tpu.vector_load %arg7[%get3A_362, %get3A_363] {strides = array<i32>} : memref<128x128xf32, #tpu.memory_space<vmem>>, vector<16xf32>,
      %get3A_365 = arith.index_cast %add3A_361 : i32 to index
      %get3A_366 = arith.constant 0 : index
      %get3A_367 = tpu.vector_load %arg9[%get3A_365, %get3A_366] {strides = array<i32>} : memref<128x128xf32, #tpu.memory_space<vmem>>, vector<16xf32>,
      %sub3A_368 = arith.subf %get3A_364, %get3A_367 : vector<16xf32>
      %mul3A_369 = arith.mulf %sub3A_368, %sub3A_368 : vector<16xf32>
      %add3A_370 = arith.addf %add3A_296, %mul3A_369 : vector<16xf32>
      %get3A_371 = arith.index_cast %add3A_361 : i32 to index
      %get3A_372 = arith.constant 16 : index
      %get3A_373 = tpu.vector_load %arg7[%get3A_371, %get3A_372] {strides = array<i32>} : memref<128x128xf32, #tpu.memory_space<vmem>>, vector<16xf32>,
      %get3A_374 = arith.index_cast %add3A_361 : i32 to index
      %get3A_375 = arith.constant 16 : index
      %get3A_376 = tpu.vector_load %arg9[%get3A_374, %get3A_375] {strides = array<i32>} : memref<128x128xf32, #tpu.memory_space<vmem>>, vector<16xf32>,
      %sub3A_377 = arith.subf %get3A_373, %get3A_376 : vector<16xf32>
      %mul3A_378 = arith.mulf %sub3A_377, %sub3A_377 : vector<16xf32>
      %add3A_379 = arith.addf %add3A_305, %mul3A_378 : vector<16xf32>
      %get3A_380 = arith.index_cast %add3A_361 : i32 to index
      %get3A_381 = arith.constant 32 : index
      %get3A_382 = tpu.vector_load %arg7[%get3A_380, %get3A_381] {strides = array<i32>} : memref<128x128xf32, #tpu.memory_space<vmem>>, vector<16xf32>,
      %get3A_383 = arith.index_cast %add3A_361 : i32 to index
      %get3A_384 = arith.constant 32 : index
      %get3A_385 = tpu.vector_load %arg9[%get3A_383, %get3A_384] {strides = array<i32>} : memref<128x128xf32, #tpu.memory_space<vmem>>, vector<16xf32>,
      %sub3A_386 = arith.subf %get3A_382, %get3A_385 : vector<16xf32>
      %mul3A_387 = arith.mulf %sub3A_386, %sub3A_386 : vector<16xf32>
      %add3A_388 = arith.addf %add3A_314, %mul3A_387 : vector<16xf32>
      %get3A_389 = arith.index_cast %add3A_361 : i32 to index
      %get3A_390 = arith.constant 48 : index
      %get3A_391 = tpu.vector_load %arg7[%get3A_389, %get3A_390] {strides = array<i32>} : memref<128x128xf32, #tpu.memory_space<vmem>>, vector<16xf32>,
      %get3A_392 = arith.index_cast %add3A_361 : i32 to index
      %get3A_393 = arith.constant 48 : index
      %get3A_394 = tpu.vector_load %arg9[%get3A_392, %get3A_393] {strides = array<i32>} : memref<128x128xf32, #tpu.memory_space<vmem>>, vector<16xf32>,
      %sub3A_395 = arith.subf %get3A_391, %get3A_394 : vector<16xf32>
      %mul3A_396 = arith.mulf %sub3A_395, %sub3A_395 : vector<16xf32>
      %add3A_397 = arith.addf %add3A_323, %mul3A_396 : vector<16xf32>
      %get3A_398 = arith.index_cast %add3A_361 : i32 to index
      %get3A_399 = arith.constant 64 : index
      %get3A_400 = tpu.vector_load %arg7[%get3A_398, %get3A_399] {strides = array<i32>} : memref<128x128xf32, #tpu.memory_space<vmem>>, vector<16xf32>,
      %get3A_401 = arith.index_cast %add3A_361 : i32 to index
      %get3A_402 = arith.constant 64 : index
      %get3A_403 = tpu.vector_load %arg9[%get3A_401, %get3A_402] {strides = array<i32>} : memref<128x128xf32, #tpu.memory_space<vmem>>, vector<16xf32>,
      %sub3A_404 = arith.subf %get3A_400, %get3A_403 : vector<16xf32>
      %mul3A_405 = arith.mulf %sub3A_404, %sub3A_404 : vector<16xf32>
      %add3A_406 = arith.addf %add3A_332, %mul3A_405 : vector<16xf32>
      %get3A_407 = arith.index_cast %add3A_361 : i32 to index
      %get3A_408 = arith.constant 80 : index
      %get3A_409 = tpu.vector_load %arg7[%get3A_407, %get3A_408] {strides = array<i32>} : memref<128x128xf32, #tpu.memory_space<vmem>>, vector<16xf32>,
      %get3A_410 = arith.index_cast %add3A_361 : i32 to index
      %get3A_411 = arith.constant 80 : index
      %get3A_412 = tpu.vector_load %arg9[%get3A_410, %get3A_411] {strides = array<i32>} : memref<128x128xf32, #tpu.memory_space<vmem>>, vector<16xf32>,
      %sub3A_413 = arith.subf %get3A_409, %get3A_412 : vector<16xf32>
      %mul3A_414 = arith.mulf %sub3A_413, %sub3A_413 : vector<16xf32>
      %add3A_415 = arith.addf %add3A_341, %mul3A_414 : vector<16xf32>
      %get3A_416 = arith.index_cast %add3A_361 : i32 to index
      %get3A_417 = arith.constant 96 : index
      %get3A_418 = tpu.vector_load %arg7[%get3A_416, %get3A_417] {strides = array<i32>} : memref<128x128xf32, #tpu.memory_space<vmem>>, vector<16xf32>,
      %get3A_419 = arith.index_cast %add3A_361 : i32 to index
      %get3A_420 = arith.constant 96 : index
      %get3A_421 = tpu.vector_load %arg9[%get3A_419, %get3A_420] {strides = array<i32>} : memref<128x128xf32, #tpu.memory_space<vmem>>, vector<16xf32>,
      %sub3A_422 = arith.subf %get3A_418, %get3A_421 : vector<16xf32>
      %mul3A_423 = arith.mulf %sub3A_422, %sub3A_422 : vector<16xf32>
      %add3A_424 = arith.addf %add3A_350, %mul3A_423 : vector<16xf32>
      %get3A_425 = arith.index_cast %add3A_361 : i32 to index
      %get3A_426 = arith.constant 112 : index
      %get3A_427 = tpu.vector_load %arg7[%get3A_425, %get3A_426] {strides = array<i32>} : memref<128x128xf32, #tpu.memory_space<vmem>>, vector<16xf32>,
      %get3A_428 = arith.index_cast %add3A_361 : i32 to index
      %get3A_429 = arith.constant 112 : index
      %get3A_430 = tpu.vector_load %arg9[%get3A_428, %get3A_429] {strides = array<i32>} : memref<128x128xf32, #tpu.memory_space<vmem>>, vector<16xf32>,
      %sub3A_431 = arith.subf %get3A_427, %get3A_430 : vector<16xf32>
      %mul3A_432 = arith.mulf %sub3A_431, %sub3A_431 : vector<16xf32>
      %add3A_433 = arith.addf %add3A_359, %mul3A_432 : vector<16xf32>
      %add3A_434 = arith.constant 4 : i32
      %add3A_435 = arith.addi %mul3A_139, %add3A_434 : i32
      %get3A_436 = arith.index_cast %add3A_435 : i32 to index
      %get3A_437 = arith.constant 0 : index
      %get3A_438 = tpu.vector_load %arg7[%get3A_436, %get3A_437] {strides = array<i32>} : memref<128x128xf32, #tpu.memory_space<vmem>>, vector<16xf32>,
      %get3A_439 = arith.index_cast %add3A_435 : i32 to index
      %get3A_440 = arith.constant 0 : index
      %get3A_441 = tpu.vector_load %arg9[%get3A_439, %get3A_440] {strides = array<i32>} : memref<128x128xf32, #tpu.memory_space<vmem>>, vector<16xf32>,
      %sub3A_442 = arith.subf %get3A_438, %get3A_441 : vector<16xf32>
      %mul3A_443 = arith.mulf %sub3A_442, %sub3A_442 : vector<16xf32>
      %add3A_444 = arith.addf %add3A_370, %mul3A_443 : vector<16xf32>
      %get3A_445 = arith.index_cast %add3A_435 : i32 to index
      %get3A_446 = arith.constant 16 : index
      %get3A_447 = tpu.vector_load %arg7[%get3A_445, %get3A_446] {strides = array<i32>} : memref<128x128xf32, #tpu.memory_space<vmem>>, vector<16xf32>,
      %get3A_448 = arith.index_cast %add3A_435 : i32 to index
      %get3A_449 = arith.constant 16 : index
      %get3A_450 = tpu.vector_load %arg9[%get3A_448, %get3A_449] {strides = array<i32>} : memref<128x128xf32, #tpu.memory_space<vmem>>, vector<16xf32>,
      %sub3A_451 = arith.subf %get3A_447, %get3A_450 : vector<16xf32>
      %mul3A_452 = arith.mulf %sub3A_451, %sub3A_451 : vector<16xf32>
      %add3A_453 = arith.addf %add3A_379, %mul3A_452 : vector<16xf32>
      %get3A_454 = arith.index_cast %add3A_435 : i32 to index
      %get3A_455 = arith.constant 32 : index
      %get3A_456 = tpu.vector_load %arg7[%get3A_454, %get3A_455] {strides = array<i32>} : memref<128x128xf32, #tpu.memory_space<vmem>>, vector<16xf32>,
      %get3A_457 = arith.index_cast %add3A_435 : i32 to index
      %get3A_458 = arith.constant 32 : index
      %get3A_459 = tpu.vector_load %arg9[%get3A_457, %get3A_458] {strides = array<i32>} : memref<128x128xf32, #tpu.memory_space<vmem>>, vector<16xf32>,
      %sub3A_460 = arith.subf %get3A_456, %get3A_459 : vector<16xf32>
      %mul3A_461 = arith.mulf %sub3A_460, %sub3A_460 : vector<16xf32>
      %add3A_462 = arith.addf %add3A_388, %mul3A_461 : vector<16xf32>
      %get3A_463 = arith.index_cast %add3A_435 : i32 to index
      %get3A_464 = arith.constant 48 : index
      %get3A_465 = tpu.vector_load %arg7[%get3A_463, %get3A_464] {strides = array<i32>} : memref<128x128xf32, #tpu.memory_space<vmem>>, vector<16xf32>,
      %get3A_466 = arith.index_cast %add3A_435 : i32 to index
      %get3A_467 = arith.constant 48 : index
      %get3A_468 = tpu.vector_load %arg9[%get3A_466, %get3A_467] {strides = array<i32>} : memref<128x128xf32, #tpu.memory_space<vmem>>, vector<16xf32>,
      %sub3A_469 = arith.subf %get3A_465, %get3A_468 : vector<16xf32>
      %mul3A_470 = arith.mulf %sub3A_469, %sub3A_469 : vector<16xf32>
      %add3A_471 = arith.addf %add3A_397, %mul3A_470 : vector<16xf32>
      %get3A_472 = arith.index_cast %add3A_435 : i32 to index
      %get3A_473 = arith.constant 64 : index
      %get3A_474 = tpu.vector_load %arg7[%get3A_472, %get3A_473] {strides = array<i32>} : memref<128x128xf32, #tpu.memory_space<vmem>>, vector<16xf32>,
      %get3A_475 = arith.index_cast %add3A_435 : i32 to index
      %get3A_476 = arith.constant 64 : index
      %get3A_477 = tpu.vector_load %arg9[%get3A_475, %get3A_476] {strides = array<i32>} : memref<128x128xf32, #tpu.memory_space<vmem>>, vector<16xf32>,
      %sub3A_478 = arith.subf %get3A_474, %get3A_477 : vector<16xf32>
      %mul3A_479 = arith.mulf %sub3A_478, %sub3A_478 : vector<16xf32>
      %add3A_480 = arith.addf %add3A_406, %mul3A_479 : vector<16xf32>
      %get3A_481 = arith.index_cast %add3A_435 : i32 to index
      %get3A_482 = arith.constant 80 : index
      %get3A_483 = tpu.vector_load %arg7[%get3A_481, %get3A_482] {strides = array<i32>} : memref<128x128xf32, #tpu.memory_space<vmem>>, vector<16xf32>,
      %get3A_484 = arith.index_cast %add3A_435 : i32 to index
      %get3A_485 = arith.constant 80 : index
      %get3A_486 = tpu.vector_load %arg9[%get3A_484, %get3A_485] {strides = array<i32>} : memref<128x128xf32, #tpu.memory_space<vmem>>, vector<16xf32>,
      %sub3A_487 = arith.subf %get3A_483, %get3A_486 : vector<16xf32>
      %mul3A_488 = arith.mulf %sub3A_487, %sub3A_487 : vector<16xf32>
      %add3A_489 = arith.addf %add3A_415, %mul3A_488 : vector<16xf32>
      %get3A_490 = arith.index_cast %add3A_435 : i32 to index
      %get3A_491 = arith.constant 96 : index
      %get3A_492 = tpu.vector_load %arg7[%get3A_490, %get3A_491] {strides = array<i32>} : memref<128x128xf32, #tpu.memory_space<vmem>>, vector<16xf32>,
      %get3A_493 = arith.index_cast %add3A_435 : i32 to index
      %get3A_494 = arith.constant 96 : index
      %get3A_495 = tpu.vector_load %arg9[%get3A_493, %get3A_494] {strides = array<i32>} : memref<128x128xf32, #tpu.memory_space<vmem>>, vector<16xf32>,
      %sub3A_496 = arith.subf %get3A_492, %get3A_495 : vector<16xf32>
      %mul3A_497 = arith.mulf %sub3A_496, %sub3A_496 : vector<16xf32>
      %add3A_498 = arith.addf %add3A_424, %mul3A_497 : vector<16xf32>
      %get3A_499 = arith.index_cast %add3A_435 : i32 to index
      %get3A_500 = arith.constant 112 : index
      %get3A_501 = tpu.vector_load %arg7[%get3A_499, %get3A_500] {strides = array<i32>} : memref<128x128xf32, #tpu.memory_space<vmem>>, vector<16xf32>,
      %get3A_502 = arith.index_cast %add3A_435 : i32 to index
      %get3A_503 = arith.constant 112 : index
      %get3A_504 = tpu.vector_load %arg9[%get3A_502, %get3A_503] {strides = array<i32>} : memref<128x128xf32, #tpu.memory_space<vmem>>, vector<16xf32>,
      %sub3A_505 = arith.subf %get3A_501, %get3A_504 : vector<16xf32>
      %mul3A_506 = arith.mulf %sub3A_505, %sub3A_505 : vector<16xf32>
      %add3A_507 = arith.addf %add3A_433, %mul3A_506 : vector<16xf32>
      %add3A_508 = arith.constant 5 : i32
      %add3A_509 = arith.addi %mul3A_139, %add3A_508 : i32
      %get3A_510 = arith.index_cast %add3A_509 : i32 to index
      %get3A_511 = arith.constant 0 : index
      %get3A_512 = tpu.vector_load %arg7[%get3A_510, %get3A_511] {strides = array<i32>} : memref<128x128xf32, #tpu.memory_space<vmem>>, vector<16xf32>,
      %get3A_513 = arith.index_cast %add3A_509 : i32 to index
      %get3A_514 = arith.constant 0 : index
      %get3A_515 = tpu.vector_load %arg9[%get3A_513, %get3A_514] {strides = array<i32>} : memref<128x128xf32, #tpu.memory_space<vmem>>, vector<16xf32>,
      %sub3A_516 = arith.subf %get3A_512, %get3A_515 : vector<16xf32>
      %mul3A_517 = arith.mulf %sub3A_516, %sub3A_516 : vector<16xf32>
      %add3A_518 = arith.addf %add3A_444, %mul3A_517 : vector<16xf32>
      %get3A_519 = arith.index_cast %add3A_509 : i32 to index
      %get3A_520 = arith.constant 16 : index
      %get3A_521 = tpu.vector_load %arg7[%get3A_519, %get3A_520] {strides = array<i32>} : memref<128x128xf32, #tpu.memory_space<vmem>>, vector<16xf32>,
      %get3A_522 = arith.index_cast %add3A_509 : i32 to index
      %get3A_523 = arith.constant 16 : index
      %get3A_524 = tpu.vector_load %arg9[%get3A_522, %get3A_523] {strides = array<i32>} : memref<128x128xf32, #tpu.memory_space<vmem>>, vector<16xf32>,
      %sub3A_525 = arith.subf %get3A_521, %get3A_524 : vector<16xf32>
      %mul3A_526 = arith.mulf %sub3A_525, %sub3A_525 : vector<16xf32>
      %add3A_527 = arith.addf %add3A_453, %mul3A_526 : vector<16xf32>
      %get3A_528 = arith.index_cast %add3A_509 : i32 to index
      %get3A_529 = arith.constant 32 : index
      %get3A_530 = tpu.vector_load %arg7[%get3A_528, %get3A_529] {strides = array<i32>} : memref<128x128xf32, #tpu.memory_space<vmem>>, vector<16xf32>,
      %get3A_531 = arith.index_cast %add3A_509 : i32 to index
      %get3A_532 = arith.constant 32 : index
      %get3A_533 = tpu.vector_load %arg9[%get3A_531, %get3A_532] {strides = array<i32>} : memref<128x128xf32, #tpu.memory_space<vmem>>, vector<16xf32>,
      %sub3A_534 = arith.subf %get3A_530, %get3A_533 : vector<16xf32>
      %mul3A_535 = arith.mulf %sub3A_534, %sub3A_534 : vector<16xf32>
      %add3A_536 = arith.addf %add3A_462, %mul3A_535 : vector<16xf32>
      %get3A_537 = arith.index_cast %add3A_509 : i32 to index
      %get3A_538 = arith.constant 48 : index
      %get3A_539 = tpu.vector_load %arg7[%get3A_537, %get3A_538] {strides = array<i32>} : memref<128x128xf32, #tpu.memory_space<vmem>>, vector<16xf32>,
      %get3A_540 = arith.index_cast %add3A_509 : i32 to index
      %get3A_541 = arith.constant 48 : index
      %get3A_542 = tpu.vector_load %arg9[%get3A_540, %get3A_541] {strides = array<i32>} : memref<128x128xf32, #tpu.memory_space<vmem>>, vector<16xf32>,
      %sub3A_543 = arith.subf %get3A_539, %get3A_542 : vector<16xf32>
      %mul3A_544 = arith.mulf %sub3A_543, %sub3A_543 : vector<16xf32>
      %add3A_545 = arith.addf %add3A_471, %mul3A_544 : vector<16xf32>
      %get3A_546 = arith.index_cast %add3A_509 : i32 to index
      %get3A_547 = arith.constant 64 : index
      %get3A_548 = tpu.vector_load %arg7[%get3A_546, %get3A_547] {strides = array<i32>} : memref<128x128xf32, #tpu.memory_space<vmem>>, vector<16xf32>,
      %get3A_549 = arith.index_cast %add3A_509 : i32 to index
      %get3A_550 = arith.constant 64 : index
      %get3A_551 = tpu.vector_load %arg9[%get3A_549, %get3A_550] {strides = array<i32>} : memref<128x128xf32, #tpu.memory_space<vmem>>, vector<16xf32>,
      %sub3A_552 = arith.subf %get3A_548, %get3A_551 : vector<16xf32>
      %mul3A_553 = arith.mulf %sub3A_552, %sub3A_552 : vector<16xf32>
      %add3A_554 = arith.addf %add3A_480, %mul3A_553 : vector<16xf32>
      %get3A_555 = arith.index_cast %add3A_509 : i32 to index
      %get3A_556 = arith.constant 80 : index
      %get3A_557 = tpu.vector_load %arg7[%get3A_555, %get3A_556] {strides = array<i32>} : memref<128x128xf32, #tpu.memory_space<vmem>>, vector<16xf32>,
      %get3A_558 = arith.index_cast %add3A_509 : i32 to index
      %get3A_559 = arith.constant 80 : index
      %get3A_560 = tpu.vector_load %arg9[%get3A_558, %get3A_559] {strides = array<i32>} : memref<128x128xf32, #tpu.memory_space<vmem>>, vector<16xf32>,
      %sub3A_561 = arith.subf %get3A_557, %get3A_560 : vector<16xf32>
      %mul3A_562 = arith.mulf %sub3A_561, %sub3A_561 : vector<16xf32>
      %add3A_563 = arith.addf %add3A_489, %mul3A_562 : vector<16xf32>
      %get3A_564 = arith.index_cast %add3A_509 : i32 to index
      %get3A_565 = arith.constant 96 : index
      %get3A_566 = tpu.vector_load %arg7[%get3A_564, %get3A_565] {strides = array<i32>} : memref<128x128xf32, #tpu.memory_space<vmem>>, vector<16xf32>,
      %get3A_567 = arith.index_cast %add3A_509 : i32 to index
      %get3A_568 = arith.constant 96 : index
      %get3A_569 = tpu.vector_load %arg9[%get3A_567, %get3A_568] {strides = array<i32>} : memref<128x128xf32, #tpu.memory_space<vmem>>, vector<16xf32>,
      %sub3A_570 = arith.subf %get3A_566, %get3A_569 : vector<16xf32>
      %mul3A_571 = arith.mulf %sub3A_570, %sub3A_570 : vector<16xf32>
      %add3A_572 = arith.addf %add3A_498, %mul3A_571 : vector<16xf32>
      %get3A_573 = arith.index_cast %add3A_509 : i32 to index
      %get3A_574 = arith.constant 112 : index
      %get3A_575 = tpu.vector_load %arg7[%get3A_573, %get3A_574] {strides = array<i32>} : memref<128x128xf32, #tpu.memory_space<vmem>>, vector<16xf32>,
      %get3A_576 = arith.index_cast %add3A_509 : i32 to index
      %get3A_577 = arith.constant 112 : index
      %get3A_578 = tpu.vector_load %arg9[%get3A_576, %get3A_577] {strides = array<i32>} : memref<128x128xf32, #tpu.memory_space<vmem>>, vector<16xf32>,
      %sub3A_579 = arith.subf %get3A_575, %get3A_578 : vector<16xf32>
      %mul3A_580 = arith.mulf %sub3A_579, %sub3A_579 : vector<16xf32>
      %add3A_581 = arith.addf %add3A_507, %mul3A_580 : vector<16xf32>
      %add3A_582 = arith.constant 6 : i32
      %add3A_583 = arith.addi %mul3A_139, %add3A_582 : i32
      %get3A_584 = arith.index_cast %add3A_583 : i32 to index
      %get3A_585 = arith.constant 0 : index
      %get3A_586 = tpu.vector_load %arg7[%get3A_584, %get3A_585] {strides = array<i32>} : memref<128x128xf32, #tpu.memory_space<vmem>>, vector<16xf32>,
      %get3A_587 = arith.index_cast %add3A_583 : i32 to index
      %get3A_588 = arith.constant 0 : index
      %get3A_589 = tpu.vector_load %arg9[%get3A_587, %get3A_588] {strides = array<i32>} : memref<128x128xf32, #tpu.memory_space<vmem>>, vector<16xf32>,
      %sub3A_590 = arith.subf %get3A_586, %get3A_589 : vector<16xf32>
      %mul3A_591 = arith.mulf %sub3A_590, %sub3A_590 : vector<16xf32>
      %add3A_592 = arith.addf %add3A_518, %mul3A_591 : vector<16xf32>
      %get3A_593 = arith.index_cast %add3A_583 : i32 to index
      %get3A_594 = arith.constant 16 : index
      %get3A_595 = tpu.vector_load %arg7[%get3A_593, %get3A_594] {strides = array<i32>} : memref<128x128xf32, #tpu.memory_space<vmem>>, vector<16xf32>,
      %get3A_596 = arith.index_cast %add3A_583 : i32 to index
      %get3A_597 = arith.constant 16 : index
      %get3A_598 = tpu.vector_load %arg9[%get3A_596, %get3A_597] {strides = array<i32>} : memref<128x128xf32, #tpu.memory_space<vmem>>, vector<16xf32>,
      %sub3A_599 = arith.subf %get3A_595, %get3A_598 : vector<16xf32>
      %mul3A_600 = arith.mulf %sub3A_599, %sub3A_599 : vector<16xf32>
      %add3A_601 = arith.addf %add3A_527, %mul3A_600 : vector<16xf32>
      %get3A_602 = arith.index_cast %add3A_583 : i32 to index
      %get3A_603 = arith.constant 32 : index
      %get3A_604 = tpu.vector_load %arg7[%get3A_602, %get3A_603] {strides = array<i32>} : memref<128x128xf32, #tpu.memory_space<vmem>>, vector<16xf32>,
      %get3A_605 = arith.index_cast %add3A_583 : i32 to index
      %get3A_606 = arith.constant 32 : index
      %get3A_607 = tpu.vector_load %arg9[%get3A_605, %get3A_606] {strides = array<i32>} : memref<128x128xf32, #tpu.memory_space<vmem>>, vector<16xf32>,
      %sub3A_608 = arith.subf %get3A_604, %get3A_607 : vector<16xf32>
      %mul3A_609 = arith.mulf %sub3A_608, %sub3A_608 : vector<16xf32>
      %add3A_610 = arith.addf %add3A_536, %mul3A_609 : vector<16xf32>
      %get3A_611 = arith.index_cast %add3A_583 : i32 to index
      %get3A_612 = arith.constant 48 : index
      %get3A_613 = tpu.vector_load %arg7[%get3A_611, %get3A_612] {strides = array<i32>} : memref<128x128xf32, #tpu.memory_space<vmem>>, vector<16xf32>,
      %get3A_614 = arith.index_cast %add3A_583 : i32 to index
      %get3A_615 = arith.constant 48 : index
      %get3A_616 = tpu.vector_load %arg9[%get3A_614, %get3A_615] {strides = array<i32>} : memref<128x128xf32, #tpu.memory_space<vmem>>, vector<16xf32>,
      %sub3A_617 = arith.subf %get3A_613, %get3A_616 : vector<16xf32>
      %mul3A_618 = arith.mulf %sub3A_617, %sub3A_617 : vector<16xf32>
      %add3A_619 = arith.addf %add3A_545, %mul3A_618 : vector<16xf32>
      %get3A_620 = arith.index_cast %add3A_583 : i32 to index
      %get3A_621 = arith.constant 64 : index
      %get3A_622 = tpu.vector_load %arg7[%get3A_620, %get3A_621] {strides = array<i32>} : memref<128x128xf32, #tpu.memory_space<vmem>>, vector<16xf32>,
      %get3A_623 = arith.index_cast %add3A_583 : i32 to index
      %get3A_624 = arith.constant 64 : index
      %get3A_625 = tpu.vector_load %arg9[%get3A_623, %get3A_624] {strides = array<i32>} : memref<128x128xf32, #tpu.memory_space<vmem>>, vector<16xf32>,
      %sub3A_626 = arith.subf %get3A_622, %get3A_625 : vector<16xf32>
      %mul3A_627 = arith.mulf %sub3A_626, %sub3A_626 : vector<16xf32>
      %add3A_628 = arith.addf %add3A_554, %mul3A_627 : vector<16xf32>
      %get3A_629 = arith.index_cast %add3A_583 : i32 to index
      %get3A_630 = arith.constant 80 : index
      %get3A_631 = tpu.vector_load %arg7[%get3A_629, %get3A_630] {strides = array<i32>} : memref<128x128xf32, #tpu.memory_space<vmem>>, vector<16xf32>,
      %get3A_632 = arith.index_cast %add3A_583 : i32 to index
      %get3A_633 = arith.constant 80 : index
      %get3A_634 = tpu.vector_load %arg9[%get3A_632, %get3A_633] {strides = array<i32>} : memref<128x128xf32, #tpu.memory_space<vmem>>, vector<16xf32>,
      %sub3A_635 = arith.subf %get3A_631, %get3A_634 : vector<16xf32>
      %mul3A_636 = arith.mulf %sub3A_635, %sub3A_635 : vector<16xf32>
      %add3A_637 = arith.addf %add3A_563, %mul3A_636 : vector<16xf32>
      %get3A_638 = arith.index_cast %add3A_583 : i32 to index
      %get3A_639 = arith.constant 96 : index
      %get3A_640 = tpu.vector_load %arg7[%get3A_638, %get3A_639] {strides = array<i32>} : memref<128x128xf32, #tpu.memory_space<vmem>>, vector<16xf32>,
      %get3A_641 = arith.index_cast %add3A_583 : i32 to index
      %get3A_642 = arith.constant 96 : index
      %get3A_643 = tpu.vector_load %arg9[%get3A_641, %get3A_642] {strides = array<i32>} : memref<128x128xf32, #tpu.memory_space<vmem>>, vector<16xf32>,
      %sub3A_644 = arith.subf %get3A_640, %get3A_643 : vector<16xf32>
      %mul3A_645 = arith.mulf %sub3A_644, %sub3A_644 : vector<16xf32>
      %add3A_646 = arith.addf %add3A_572, %mul3A_645 : vector<16xf32>
      %get3A_647 = arith.index_cast %add3A_583 : i32 to index
      %get3A_648 = arith.constant 112 : index
      %get3A_649 = tpu.vector_load %arg7[%get3A_647, %get3A_648] {strides = array<i32>} : memref<128x128xf32, #tpu.memory_space<vmem>>, vector<16xf32>,
      %get3A_650 = arith.index_cast %add3A_583 : i32 to index
      %get3A_651 = arith.constant 112 : index
      %get3A_652 = tpu.vector_load %arg9[%get3A_650, %get3A_651] {strides = array<i32>} : memref<128x128xf32, #tpu.memory_space<vmem>>, vector<16xf32>,
      %sub3A_653 = arith.subf %get3A_649, %get3A_652 : vector<16xf32>
      %mul3A_654 = arith.mulf %sub3A_653, %sub3A_653 : vector<16xf32>
      %add3A_655 = arith.addf %add3A_581, %mul3A_654 : vector<16xf32>
      %add3A_656 = arith.constant 7 : i32
      %add3A_657 = arith.addi %mul3A_139, %add3A_656 : i32
      %get3A_658 = arith.index_cast %add3A_657 : i32 to index
      %get3A_659 = arith.constant 0 : index
      %get3A_660 = tpu.vector_load %arg7[%get3A_658, %get3A_659] {strides = array<i32>} : memref<128x128xf32, #tpu.memory_space<vmem>>, vector<16xf32>,
      %get3A_661 = arith.index_cast %add3A_657 : i32 to index
      %get3A_662 = arith.constant 0 : index
      %get3A_663 = tpu.vector_load %arg9[%get3A_661, %get3A_662] {strides = array<i32>} : memref<128x128xf32, #tpu.memory_space<vmem>>, vector<16xf32>,
      %sub3A_664 = arith.subf %get3A_660, %get3A_663 : vector<16xf32>
      %mul3A_665 = arith.mulf %sub3A_664, %sub3A_664 : vector<16xf32>
      %add3A_666 = arith.addf %add3A_592, %mul3A_665 : vector<16xf32>
      %get3A_667 = arith.index_cast %add3A_657 : i32 to index
      %get3A_668 = arith.constant 16 : index
      %get3A_669 = tpu.vector_load %arg7[%get3A_667, %get3A_668] {strides = array<i32>} : memref<128x128xf32, #tpu.memory_space<vmem>>, vector<16xf32>,
      %get3A_670 = arith.index_cast %add3A_657 : i32 to index
      %get3A_671 = arith.constant 16 : index
      %get3A_672 = tpu.vector_load %arg9[%get3A_670, %get3A_671] {strides = array<i32>} : memref<128x128xf32, #tpu.memory_space<vmem>>, vector<16xf32>,
      %sub3A_673 = arith.subf %get3A_669, %get3A_672 : vector<16xf32>
      %mul3A_674 = arith.mulf %sub3A_673, %sub3A_673 : vector<16xf32>
      %add3A_675 = arith.addf %add3A_601, %mul3A_674 : vector<16xf32>
      %get3A_676 = arith.index_cast %add3A_657 : i32 to index
      %get3A_677 = arith.constant 32 : index
      %get3A_678 = tpu.vector_load %arg7[%get3A_676, %get3A_677] {strides = array<i32>} : memref<128x128xf32, #tpu.memory_space<vmem>>, vector<16xf32>,
      %get3A_679 = arith.index_cast %add3A_657 : i32 to index
      %get3A_680 = arith.constant 32 : index
      %get3A_681 = tpu.vector_load %arg9[%get3A_679, %get3A_680] {strides = array<i32>} : memref<128x128xf32, #tpu.memory_space<vmem>>, vector<16xf32>,
      %sub3A_682 = arith.subf %get3A_678, %get3A_681 : vector<16xf32>
      %mul3A_683 = arith.mulf %sub3A_682, %sub3A_682 : vector<16xf32>
      %add3A_684 = arith.addf %add3A_610, %mul3A_683 : vector<16xf32>
      %get3A_685 = arith.index_cast %add3A_657 : i32 to index
      %get3A_686 = arith.constant 48 : index
      %get3A_687 = tpu.vector_load %arg7[%get3A_685, %get3A_686] {strides = array<i32>} : memref<128x128xf32, #tpu.memory_space<vmem>>, vector<16xf32>,
      %get3A_688 = arith.index_cast %add3A_657 : i32 to index
      %get3A_689 = arith.constant 48 : index
      %get3A_690 = tpu.vector_load %arg9[%get3A_688, %get3A_689] {strides = array<i32>} : memref<128x128xf32, #tpu.memory_space<vmem>>, vector<16xf32>,
      %sub3A_691 = arith.subf %get3A_687, %get3A_690 : vector<16xf32>
      %mul3A_692 = arith.mulf %sub3A_691, %sub3A_691 : vector<16xf32>
      %add3A_693 = arith.addf %add3A_619, %mul3A_692 : vector<16xf32>
      %get3A_694 = arith.index_cast %add3A_657 : i32 to index
      %get3A_695 = arith.constant 64 : index
      %get3A_696 = tpu.vector_load %arg7[%get3A_694, %get3A_695] {strides = array<i32>} : memref<128x128xf32, #tpu.memory_space<vmem>>, vector<16xf32>,
      %get3A_697 = arith.index_cast %add3A_657 : i32 to index
      %get3A_698 = arith.constant 64 : index
      %get3A_699 = tpu.vector_load %arg9[%get3A_697, %get3A_698] {strides = array<i32>} : memref<128x128xf32, #tpu.memory_space<vmem>>, vector<16xf32>,
      %sub3A_700 = arith.subf %get3A_696, %get3A_699 : vector<16xf32>
      %mul3A_701 = arith.mulf %sub3A_700, %sub3A_700 : vector<16xf32>
      %add3A_702 = arith.addf %add3A_628, %mul3A_701 : vector<16xf32>
      %get3A_703 = arith.index_cast %add3A_657 : i32 to index
      %get3A_704 = arith.constant 80 : index
      %get3A_705 = tpu.vector_load %arg7[%get3A_703, %get3A_704] {strides = array<i32>} : memref<128x128xf32, #tpu.memory_space<vmem>>, vector<16xf32>,
      %get3A_706 = arith.index_cast %add3A_657 : i32 to index
      %get3A_707 = arith.constant 80 : index
      %get3A_708 = tpu.vector_load %arg9[%get3A_706, %get3A_707] {strides = array<i32>} : memref<128x128xf32, #tpu.memory_space<vmem>>, vector<16xf32>,
      %sub3A_709 = arith.subf %get3A_705, %get3A_708 : vector<16xf32>
      %mul3A_710 = arith.mulf %sub3A_709, %sub3A_709 : vector<16xf32>
      %add3A_711 = arith.addf %add3A_637, %mul3A_710 : vector<16xf32>
      %get3A_712 = arith.index_cast %add3A_657 : i32 to index
      %get3A_713 = arith.constant 96 : index
      %get3A_714 = tpu.vector_load %arg7[%get3A_712, %get3A_713] {strides = array<i32>} : memref<128x128xf32, #tpu.memory_space<vmem>>, vector<16xf32>,
      %get3A_715 = arith.index_cast %add3A_657 : i32 to index
      %get3A_716 = arith.constant 96 : index
      %get3A_717 = tpu.vector_load %arg9[%get3A_715, %get3A_716] {strides = array<i32>} : memref<128x128xf32, #tpu.memory_space<vmem>>, vector<16xf32>,
      %sub3A_718 = arith.subf %get3A_714, %get3A_717 : vector<16xf32>
      %mul3A_719 = arith.mulf %sub3A_718, %sub3A_718 : vector<16xf32>
      %add3A_720 = arith.addf %add3A_646, %mul3A_719 : vector<16xf32>
      %get3A_721 = arith.index_cast %add3A_657 : i32 to index
      %get3A_722 = arith.constant 112 : index
      %get3A_723 = tpu.vector_load %arg7[%get3A_721, %get3A_722] {strides = array<i32>} : memref<128x128xf32, #tpu.memory_space<vmem>>, vector<16xf32>,
      %get3A_724 = arith.index_cast %add3A_657 : i32 to index
      %get3A_725 = arith.constant 112 : index
      %get3A_726 = tpu.vector_load %arg9[%get3A_724, %get3A_725] {strides = array<i32>} : memref<128x128xf32, #tpu.memory_space<vmem>>, vector<16xf32>,
      %sub3A_727 = arith.subf %get3A_723, %get3A_726 : vector<16xf32>
      %mul3A_728 = arith.mulf %sub3A_727, %sub3A_727 : vector<16xf32>
      %add3A_729 = arith.addf %add3A_655, %mul3A_728 : vector<16xf32>
      scf.yield %add3A_666, %add3A_675, %add3A_684, %add3A_693, %add3A_702, %add3A_711, %add3A_720, %add3A_729 : vector<16xf32>, vector<16xf32>, vector<16xf32>, vector<16xf32>, vector<16xf32>, vector<16xf32>, vector<16xf32>, vector<16xf32>
    }
    %scan3A_105 = arith.constant 16 : i32
    %dma_wait3A_106 = arith.constant 0 : i32
    %dma_wait3A_107 = tpu.memref_slice %arg2[%add3A_81, %dma_wait3A_106] : memref<16384x128xf32, #tpu.memory_space<hbm>> -> memref<128x128xf32, #tpu.memory_space<hbm>>
    %dma_wait3A_108 = arith.constant 0 : i32
    %dma_wait3A_109 = tpu.memref_slice %arg2[%add3A_81, %dma_wait3A_108] : memref<16384x128xf32, #tpu.memory_space<hbm>> -> memref<128x128xf32, #tpu.memory_space<hbm>>
    tpu.wait_dma2 semaphore(%arg13 : memref<!tpu.dma_semaphore, #tpu.memory_space<semaphore_mem>>) src(%dma_wait3A_109 : memref<128x128xf32, #tpu.memory_space<hbm>>) dst(%arg8 : memref<128x128xf32, #tpu.memory_space<vmem>>)
    %dma_wait3A_110 = arith.constant 384 : i32
    %dma_wait3A_111 = tpu.memref_slice %arg6[%dma_wait3A_110] : memref<512xi32, #tpu.memory_space<vmem>> -> memref<128xi32, #tpu.memory_space<vmem>>
    %dma_wait3A_112 = arith.constant 0 : i32
    %dma_wait3A_113 = arith.constant 0 : i32
    %dma_wait3A_114 = tpu.memref_slice %arg4[%dma_wait3A_112, %dma_wait3A_113] : memref<100000x128xf32, #tpu.memory_space<hbm>> -> memref<100000x128xf32, #tpu.memory_space<hbm>>
    tpu.wait_indirect_dma semaphore(%arg15 : memref<!tpu.dma_semaphore, #tpu.memory_space<semaphore_mem>>) src(%dma_wait3A_114 : memref<100000x128xf32, #tpu.memory_space<hbm>>) dst(%arg10 : memref<128x128xf32, #tpu.memory_space<vmem>>)
    %scan3A_115 = arith.constant 0 : i32
    %scan3A_116 = arith.constant 16 : i32
    %scan3A_117 = arith.addi %scan3A_115, %scan3A_116 : i32
    %scan3A_118 = arith.constant 1 : i32
    %scan3A_119:8 = scf.for %scan3A_129 = %scan3A_115 to %scan3A_117 step %scan3A_118 iter_args(%scan3A_130 = %scan3A_104#0, %scan3A_131 = %scan3A_104#1, %scan3A_132 = %scan3A_104#2, %scan3A_133 = %scan3A_104#3, %scan3A_134 = %scan3A_104#4, %scan3A_135 = %scan3A_104#5, %scan3A_136 = %scan3A_104#6, %scan3A_137 = %scan3A_104#7) -> (vector<16xf32>, vector<16xf32>, vector<16xf32>, vector<16xf32>, vector<16xf32>, vector<16xf32>, vector<16xf32>, vector<16xf32>)  : i32 {
      %mul3A_138 = arith.constant 8 : i32
      %mul3A_139 = arith.muli %scan3A_129, %mul3A_138 : i32
      %add3A_140 = arith.constant 0 : i32
      %add3A_141 = arith.addi %mul3A_139, %add3A_140 : i32
      %get3A = arith.index_cast %add3A_141 : i32 to index
      %get3A_142 = arith.constant 0 : index
      %get3A_143 = tpu.vector_load %arg8[%get3A, %get3A_142] {strides = array<i32>} : memref<128x128xf32, #tpu.memory_space<vmem>>, vector<16xf32>,
      %get3A_144 = arith.index_cast %add3A_141 : i32 to index
      %get3A_145 = arith.constant 0 : index
      %get3A_146 = tpu.vector_load %arg10[%get3A_144, %get3A_145] {strides = array<i32>} : memref<128x128xf32, #tpu.memory_space<vmem>>, vector<16xf32>,
      %sub3A = arith.subf %get3A_143, %get3A_146 : vector<16xf32>
      %mul3A_147 = arith.mulf %sub3A, %sub3A : vector<16xf32>
      %add3A_148 = arith.addf %scan3A_130, %mul3A_147 : vector<16xf32>
      %get3A_149 = arith.index_cast %add3A_141 : i32 to index
      %get3A_150 = arith.constant 16 : index
      %get3A_151 = tpu.vector_load %arg8[%get3A_149, %get3A_150] {strides = array<i32>} : memref<128x128xf32, #tpu.memory_space<vmem>>, vector<16xf32>,
      %get3A_152 = arith.index_cast %add3A_141 : i32 to index
      %get3A_153 = arith.constant 16 : index
      %get3A_154 = tpu.vector_load %arg10[%get3A_152, %get3A_153] {strides = array<i32>} : memref<128x128xf32, #tpu.memory_space<vmem>>, vector<16xf32>,
      %sub3A_155 = arith.subf %get3A_151, %get3A_154 : vector<16xf32>
      %mul3A_156 = arith.mulf %sub3A_155, %sub3A_155 : vector<16xf32>
      %add3A_157 = arith.addf %scan3A_131, %mul3A_156 : vector<16xf32>
      %get3A_158 = arith.index_cast %add3A_141 : i32 to index
      %get3A_159 = arith.constant 32 : index
      %get3A_160 = tpu.vector_load %arg8[%get3A_158, %get3A_159] {strides = array<i32>} : memref<128x128xf32, #tpu.memory_space<vmem>>, vector<16xf32>,
      %get3A_161 = arith.index_cast %add3A_141 : i32 to index
      %get3A_162 = arith.constant 32 : index
      %get3A_163 = tpu.vector_load %arg10[%get3A_161, %get3A_162] {strides = array<i32>} : memref<128x128xf32, #tpu.memory_space<vmem>>, vector<16xf32>,
      %sub3A_164 = arith.subf %get3A_160, %get3A_163 : vector<16xf32>
      %mul3A_165 = arith.mulf %sub3A_164, %sub3A_164 : vector<16xf32>
      %add3A_166 = arith.addf %scan3A_132, %mul3A_165 : vector<16xf32>
      %get3A_167 = arith.index_cast %add3A_141 : i32 to index
      %get3A_168 = arith.constant 48 : index
      %get3A_169 = tpu.vector_load %arg8[%get3A_167, %get3A_168] {strides = array<i32>} : memref<128x128xf32, #tpu.memory_space<vmem>>, vector<16xf32>,
      %get3A_170 = arith.index_cast %add3A_141 : i32 to index
      %get3A_171 = arith.constant 48 : index
      %get3A_172 = tpu.vector_load %arg10[%get3A_170, %get3A_171] {strides = array<i32>} : memref<128x128xf32, #tpu.memory_space<vmem>>, vector<16xf32>,
      %sub3A_173 = arith.subf %get3A_169, %get3A_172 : vector<16xf32>
      %mul3A_174 = arith.mulf %sub3A_173, %sub3A_173 : vector<16xf32>
      %add3A_175 = arith.addf %scan3A_133, %mul3A_174 : vector<16xf32>
      %get3A_176 = arith.index_cast %add3A_141 : i32 to index
      %get3A_177 = arith.constant 64 : index
      %get3A_178 = tpu.vector_load %arg8[%get3A_176, %get3A_177] {strides = array<i32>} : memref<128x128xf32, #tpu.memory_space<vmem>>, vector<16xf32>,
      %get3A_179 = arith.index_cast %add3A_141 : i32 to index
      %get3A_180 = arith.constant 64 : index
      %get3A_181 = tpu.vector_load %arg10[%get3A_179, %get3A_180] {strides = array<i32>} : memref<128x128xf32, #tpu.memory_space<vmem>>, vector<16xf32>,
      %sub3A_182 = arith.subf %get3A_178, %get3A_181 : vector<16xf32>
      %mul3A_183 = arith.mulf %sub3A_182, %sub3A_182 : vector<16xf32>
      %add3A_184 = arith.addf %scan3A_134, %mul3A_183 : vector<16xf32>
      %get3A_185 = arith.index_cast %add3A_141 : i32 to index
      %get3A_186 = arith.constant 80 : index
      %get3A_187 = tpu.vector_load %arg8[%get3A_185, %get3A_186] {strides = array<i32>} : memref<128x128xf32, #tpu.memory_space<vmem>>, vector<16xf32>,
      %get3A_188 = arith.index_cast %add3A_141 : i32 to index
      %get3A_189 = arith.constant 80 : index
      %get3A_190 = tpu.vector_load %arg10[%get3A_188, %get3A_189] {strides = array<i32>} : memref<128x128xf32, #tpu.memory_space<vmem>>, vector<16xf32>,
      %sub3A_191 = arith.subf %get3A_187, %get3A_190 : vector<16xf32>
      %mul3A_192 = arith.mulf %sub3A_191, %sub3A_191 : vector<16xf32>
      %add3A_193 = arith.addf %scan3A_135, %mul3A_192 : vector<16xf32>
      %get3A_194 = arith.index_cast %add3A_141 : i32 to index
      %get3A_195 = arith.constant 96 : index
      %get3A_196 = tpu.vector_load %arg8[%get3A_194, %get3A_195] {strides = array<i32>} : memref<128x128xf32, #tpu.memory_space<vmem>>, vector<16xf32>,
      %get3A_197 = arith.index_cast %add3A_141 : i32 to index
      %get3A_198 = arith.constant 96 : index
      %get3A_199 = tpu.vector_load %arg10[%get3A_197, %get3A_198] {strides = array<i32>} : memref<128x128xf32, #tpu.memory_space<vmem>>, vector<16xf32>,
      %sub3A_200 = arith.subf %get3A_196, %get3A_199 : vector<16xf32>
      %mul3A_201 = arith.mulf %sub3A_200, %sub3A_200 : vector<16xf32>
      %add3A_202 = arith.addf %scan3A_136, %mul3A_201 : vector<16xf32>
      %get3A_203 = arith.index_cast %add3A_141 : i32 to index
      %get3A_204 = arith.constant 112 : index
      %get3A_205 = tpu.vector_load %arg8[%get3A_203, %get3A_204] {strides = array<i32>} : memref<128x128xf32, #tpu.memory_space<vmem>>, vector<16xf32>,
      %get3A_206 = arith.index_cast %add3A_141 : i32 to index
      %get3A_207 = arith.constant 112 : index
      %get3A_208 = tpu.vector_load %arg10[%get3A_206, %get3A_207] {strides = array<i32>} : memref<128x128xf32, #tpu.memory_space<vmem>>, vector<16xf32>,
      %sub3A_209 = arith.subf %get3A_205, %get3A_208 : vector<16xf32>
      %mul3A_210 = arith.mulf %sub3A_209, %sub3A_209 : vector<16xf32>
      %add3A_211 = arith.addf %scan3A_137, %mul3A_210 : vector<16xf32>
      %add3A_212 = arith.constant 1 : i32
      %add3A_213 = arith.addi %mul3A_139, %add3A_212 : i32
      %get3A_214 = arith.index_cast %add3A_213 : i32 to index
      %get3A_215 = arith.constant 0 : index
      %get3A_216 = tpu.vector_load %arg8[%get3A_214, %get3A_215] {strides = array<i32>} : memref<128x128xf32, #tpu.memory_space<vmem>>, vector<16xf32>,
      %get3A_217 = arith.index_cast %add3A_213 : i32 to index
      %get3A_218 = arith.constant 0 : index
      %get3A_219 = tpu.vector_load %arg10[%get3A_217, %get3A_218] {strides = array<i32>} : memref<128x128xf32, #tpu.memory_space<vmem>>, vector<16xf32>,
      %sub3A_220 = arith.subf %get3A_216, %get3A_219 : vector<16xf32>
      %mul3A_221 = arith.mulf %sub3A_220, %sub3A_220 : vector<16xf32>
      %add3A_222 = arith.addf %add3A_148, %mul3A_221 : vector<16xf32>
      %get3A_223 = arith.index_cast %add3A_213 : i32 to index
      %get3A_224 = arith.constant 16 : index
      %get3A_225 = tpu.vector_load %arg8[%get3A_223, %get3A_224] {strides = array<i32>} : memref<128x128xf32, #tpu.memory_space<vmem>>, vector<16xf32>,
      %get3A_226 = arith.index_cast %add3A_213 : i32 to index
      %get3A_227 = arith.constant 16 : index
      %get3A_228 = tpu.vector_load %arg10[%get3A_226, %get3A_227] {strides = array<i32>} : memref<128x128xf32, #tpu.memory_space<vmem>>, vector<16xf32>,
      %sub3A_229 = arith.subf %get3A_225, %get3A_228 : vector<16xf32>
      %mul3A_230 = arith.mulf %sub3A_229, %sub3A_229 : vector<16xf32>
      %add3A_231 = arith.addf %add3A_157, %mul3A_230 : vector<16xf32>
      %get3A_232 = arith.index_cast %add3A_213 : i32 to index
      %get3A_233 = arith.constant 32 : index
      %get3A_234 = tpu.vector_load %arg8[%get3A_232, %get3A_233] {strides = array<i32>} : memref<128x128xf32, #tpu.memory_space<vmem>>, vector<16xf32>,
      %get3A_235 = arith.index_cast %add3A_213 : i32 to index
      %get3A_236 = arith.constant 32 : index
      %get3A_237 = tpu.vector_load %arg10[%get3A_235, %get3A_236] {strides = array<i32>} : memref<128x128xf32, #tpu.memory_space<vmem>>, vector<16xf32>,
      %sub3A_238 = arith.subf %get3A_234, %get3A_237 : vector<16xf32>
      %mul3A_239 = arith.mulf %sub3A_238, %sub3A_238 : vector<16xf32>
      %add3A_240 = arith.addf %add3A_166, %mul3A_239 : vector<16xf32>
      %get3A_241 = arith.index_cast %add3A_213 : i32 to index
      %get3A_242 = arith.constant 48 : index
      %get3A_243 = tpu.vector_load %arg8[%get3A_241, %get3A_242] {strides = array<i32>} : memref<128x128xf32, #tpu.memory_space<vmem>>, vector<16xf32>,
      %get3A_244 = arith.index_cast %add3A_213 : i32 to index
      %get3A_245 = arith.constant 48 : index
      %get3A_246 = tpu.vector_load %arg10[%get3A_244, %get3A_245] {strides = array<i32>} : memref<128x128xf32, #tpu.memory_space<vmem>>, vector<16xf32>,
      %sub3A_247 = arith.subf %get3A_243, %get3A_246 : vector<16xf32>
      %mul3A_248 = arith.mulf %sub3A_247, %sub3A_247 : vector<16xf32>
      %add3A_249 = arith.addf %add3A_175, %mul3A_248 : vector<16xf32>
      %get3A_250 = arith.index_cast %add3A_213 : i32 to index
      %get3A_251 = arith.constant 64 : index
      %get3A_252 = tpu.vector_load %arg8[%get3A_250, %get3A_251] {strides = array<i32>} : memref<128x128xf32, #tpu.memory_space<vmem>>, vector<16xf32>,
      %get3A_253 = arith.index_cast %add3A_213 : i32 to index
      %get3A_254 = arith.constant 64 : index
      %get3A_255 = tpu.vector_load %arg10[%get3A_253, %get3A_254] {strides = array<i32>} : memref<128x128xf32, #tpu.memory_space<vmem>>, vector<16xf32>,
      %sub3A_256 = arith.subf %get3A_252, %get3A_255 : vector<16xf32>
      %mul3A_257 = arith.mulf %sub3A_256, %sub3A_256 : vector<16xf32>
      %add3A_258 = arith.addf %add3A_184, %mul3A_257 : vector<16xf32>
      %get3A_259 = arith.index_cast %add3A_213 : i32 to index
      %get3A_260 = arith.constant 80 : index
      %get3A_261 = tpu.vector_load %arg8[%get3A_259, %get3A_260] {strides = array<i32>} : memref<128x128xf32, #tpu.memory_space<vmem>>, vector<16xf32>,
      %get3A_262 = arith.index_cast %add3A_213 : i32 to index
      %get3A_263 = arith.constant 80 : index
      %get3A_264 = tpu.vector_load %arg10[%get3A_262, %get3A_263] {strides = array<i32>} : memref<128x128xf32, #tpu.memory_space<vmem>>, vector<16xf32>,
      %sub3A_265 = arith.subf %get3A_261, %get3A_264 : vector<16xf32>
      %mul3A_266 = arith.mulf %sub3A_265, %sub3A_265 : vector<16xf32>
      %add3A_267 = arith.addf %add3A_193, %mul3A_266 : vector<16xf32>
      %get3A_268 = arith.index_cast %add3A_213 : i32 to index
      %get3A_269 = arith.constant 96 : index
      %get3A_270 = tpu.vector_load %arg8[%get3A_268, %get3A_269] {strides = array<i32>} : memref<128x128xf32, #tpu.memory_space<vmem>>, vector<16xf32>,
      %get3A_271 = arith.index_cast %add3A_213 : i32 to index
      %get3A_272 = arith.constant 96 : index
      %get3A_273 = tpu.vector_load %arg10[%get3A_271, %get3A_272] {strides = array<i32>} : memref<128x128xf32, #tpu.memory_space<vmem>>, vector<16xf32>,
      %sub3A_274 = arith.subf %get3A_270, %get3A_273 : vector<16xf32>
      %mul3A_275 = arith.mulf %sub3A_274, %sub3A_274 : vector<16xf32>
      %add3A_276 = arith.addf %add3A_202, %mul3A_275 : vector<16xf32>
      %get3A_277 = arith.index_cast %add3A_213 : i32 to index
      %get3A_278 = arith.constant 112 : index
      %get3A_279 = tpu.vector_load %arg8[%get3A_277, %get3A_278] {strides = array<i32>} : memref<128x128xf32, #tpu.memory_space<vmem>>, vector<16xf32>,
      %get3A_280 = arith.index_cast %add3A_213 : i32 to index
      %get3A_281 = arith.constant 112 : index
      %get3A_282 = tpu.vector_load %arg10[%get3A_280, %get3A_281] {strides = array<i32>} : memref<128x128xf32, #tpu.memory_space<vmem>>, vector<16xf32>,
      %sub3A_283 = arith.subf %get3A_279, %get3A_282 : vector<16xf32>
      %mul3A_284 = arith.mulf %sub3A_283, %sub3A_283 : vector<16xf32>
      %add3A_285 = arith.addf %add3A_211, %mul3A_284 : vector<16xf32>
      %add3A_286 = arith.constant 2 : i32
      %add3A_287 = arith.addi %mul3A_139, %add3A_286 : i32
      %get3A_288 = arith.index_cast %add3A_287 : i32 to index
      %get3A_289 = arith.constant 0 : index
      %get3A_290 = tpu.vector_load %arg8[%get3A_288, %get3A_289] {strides = array<i32>} : memref<128x128xf32, #tpu.memory_space<vmem>>, vector<16xf32>,
      %get3A_291 = arith.index_cast %add3A_287 : i32 to index
      %get3A_292 = arith.constant 0 : index
      %get3A_293 = tpu.vector_load %arg10[%get3A_291, %get3A_292] {strides = array<i32>} : memref<128x128xf32, #tpu.memory_space<vmem>>, vector<16xf32>,
      %sub3A_294 = arith.subf %get3A_290, %get3A_293 : vector<16xf32>
      %mul3A_295 = arith.mulf %sub3A_294, %sub3A_294 : vector<16xf32>
      %add3A_296 = arith.addf %add3A_222, %mul3A_295 : vector<16xf32>
      %get3A_297 = arith.index_cast %add3A_287 : i32 to index
      %get3A_298 = arith.constant 16 : index
      %get3A_299 = tpu.vector_load %arg8[%get3A_297, %get3A_298] {strides = array<i32>} : memref<128x128xf32, #tpu.memory_space<vmem>>, vector<16xf32>,
      %get3A_300 = arith.index_cast %add3A_287 : i32 to index
      %get3A_301 = arith.constant 16 : index
      %get3A_302 = tpu.vector_load %arg10[%get3A_300, %get3A_301] {strides = array<i32>} : memref<128x128xf32, #tpu.memory_space<vmem>>, vector<16xf32>,
      %sub3A_303 = arith.subf %get3A_299, %get3A_302 : vector<16xf32>
      %mul3A_304 = arith.mulf %sub3A_303, %sub3A_303 : vector<16xf32>
      %add3A_305 = arith.addf %add3A_231, %mul3A_304 : vector<16xf32>
      %get3A_306 = arith.index_cast %add3A_287 : i32 to index
      %get3A_307 = arith.constant 32 : index
      %get3A_308 = tpu.vector_load %arg8[%get3A_306, %get3A_307] {strides = array<i32>} : memref<128x128xf32, #tpu.memory_space<vmem>>, vector<16xf32>,
      %get3A_309 = arith.index_cast %add3A_287 : i32 to index
      %get3A_310 = arith.constant 32 : index
      %get3A_311 = tpu.vector_load %arg10[%get3A_309, %get3A_310] {strides = array<i32>} : memref<128x128xf32, #tpu.memory_space<vmem>>, vector<16xf32>,
      %sub3A_312 = arith.subf %get3A_308, %get3A_311 : vector<16xf32>
      %mul3A_313 = arith.mulf %sub3A_312, %sub3A_312 : vector<16xf32>
      %add3A_314 = arith.addf %add3A_240, %mul3A_313 : vector<16xf32>
      %get3A_315 = arith.index_cast %add3A_287 : i32 to index
      %get3A_316 = arith.constant 48 : index
      %get3A_317 = tpu.vector_load %arg8[%get3A_315, %get3A_316] {strides = array<i32>} : memref<128x128xf32, #tpu.memory_space<vmem>>, vector<16xf32>,
      %get3A_318 = arith.index_cast %add3A_287 : i32 to index
      %get3A_319 = arith.constant 48 : index
      %get3A_320 = tpu.vector_load %arg10[%get3A_318, %get3A_319] {strides = array<i32>} : memref<128x128xf32, #tpu.memory_space<vmem>>, vector<16xf32>,
      %sub3A_321 = arith.subf %get3A_317, %get3A_320 : vector<16xf32>
      %mul3A_322 = arith.mulf %sub3A_321, %sub3A_321 : vector<16xf32>
      %add3A_323 = arith.addf %add3A_249, %mul3A_322 : vector<16xf32>
      %get3A_324 = arith.index_cast %add3A_287 : i32 to index
      %get3A_325 = arith.constant 64 : index
      %get3A_326 = tpu.vector_load %arg8[%get3A_324, %get3A_325] {strides = array<i32>} : memref<128x128xf32, #tpu.memory_space<vmem>>, vector<16xf32>,
      %get3A_327 = arith.index_cast %add3A_287 : i32 to index
      %get3A_328 = arith.constant 64 : index
      %get3A_329 = tpu.vector_load %arg10[%get3A_327, %get3A_328] {strides = array<i32>} : memref<128x128xf32, #tpu.memory_space<vmem>>, vector<16xf32>,
      %sub3A_330 = arith.subf %get3A_326, %get3A_329 : vector<16xf32>
      %mul3A_331 = arith.mulf %sub3A_330, %sub3A_330 : vector<16xf32>
      %add3A_332 = arith.addf %add3A_258, %mul3A_331 : vector<16xf32>
      %get3A_333 = arith.index_cast %add3A_287 : i32 to index
      %get3A_334 = arith.constant 80 : index
      %get3A_335 = tpu.vector_load %arg8[%get3A_333, %get3A_334] {strides = array<i32>} : memref<128x128xf32, #tpu.memory_space<vmem>>, vector<16xf32>,
      %get3A_336 = arith.index_cast %add3A_287 : i32 to index
      %get3A_337 = arith.constant 80 : index
      %get3A_338 = tpu.vector_load %arg10[%get3A_336, %get3A_337] {strides = array<i32>} : memref<128x128xf32, #tpu.memory_space<vmem>>, vector<16xf32>,
      %sub3A_339 = arith.subf %get3A_335, %get3A_338 : vector<16xf32>
      %mul3A_340 = arith.mulf %sub3A_339, %sub3A_339 : vector<16xf32>
      %add3A_341 = arith.addf %add3A_267, %mul3A_340 : vector<16xf32>
      %get3A_342 = arith.index_cast %add3A_287 : i32 to index
      %get3A_343 = arith.constant 96 : index
      %get3A_344 = tpu.vector_load %arg8[%get3A_342, %get3A_343] {strides = array<i32>} : memref<128x128xf32, #tpu.memory_space<vmem>>, vector<16xf32>,
      %get3A_345 = arith.index_cast %add3A_287 : i32 to index
      %get3A_346 = arith.constant 96 : index
      %get3A_347 = tpu.vector_load %arg10[%get3A_345, %get3A_346] {strides = array<i32>} : memref<128x128xf32, #tpu.memory_space<vmem>>, vector<16xf32>,
      %sub3A_348 = arith.subf %get3A_344, %get3A_347 : vector<16xf32>
      %mul3A_349 = arith.mulf %sub3A_348, %sub3A_348 : vector<16xf32>
      %add3A_350 = arith.addf %add3A_276, %mul3A_349 : vector<16xf32>
      %get3A_351 = arith.index_cast %add3A_287 : i32 to index
      %get3A_352 = arith.constant 112 : index
      %get3A_353 = tpu.vector_load %arg8[%get3A_351, %get3A_352] {strides = array<i32>} : memref<128x128xf32, #tpu.memory_space<vmem>>, vector<16xf32>,
      %get3A_354 = arith.index_cast %add3A_287 : i32 to index
      %get3A_355 = arith.constant 112 : index
      %get3A_356 = tpu.vector_load %arg10[%get3A_354, %get3A_355] {strides = array<i32>} : memref<128x128xf32, #tpu.memory_space<vmem>>, vector<16xf32>,
      %sub3A_357 = arith.subf %get3A_353, %get3A_356 : vector<16xf32>
      %mul3A_358 = arith.mulf %sub3A_357, %sub3A_357 : vector<16xf32>
      %add3A_359 = arith.addf %add3A_285, %mul3A_358 : vector<16xf32>
      %add3A_360 = arith.constant 3 : i32
      %add3A_361 = arith.addi %mul3A_139, %add3A_360 : i32
      %get3A_362 = arith.index_cast %add3A_361 : i32 to index
      %get3A_363 = arith.constant 0 : index
      %get3A_364 = tpu.vector_load %arg8[%get3A_362, %get3A_363] {strides = array<i32>} : memref<128x128xf32, #tpu.memory_space<vmem>>, vector<16xf32>,
      %get3A_365 = arith.index_cast %add3A_361 : i32 to index
      %get3A_366 = arith.constant 0 : index
      %get3A_367 = tpu.vector_load %arg10[%get3A_365, %get3A_366] {strides = array<i32>} : memref<128x128xf32, #tpu.memory_space<vmem>>, vector<16xf32>,
      %sub3A_368 = arith.subf %get3A_364, %get3A_367 : vector<16xf32>
      %mul3A_369 = arith.mulf %sub3A_368, %sub3A_368 : vector<16xf32>
      %add3A_370 = arith.addf %add3A_296, %mul3A_369 : vector<16xf32>
      %get3A_371 = arith.index_cast %add3A_361 : i32 to index
      %get3A_372 = arith.constant 16 : index
      %get3A_373 = tpu.vector_load %arg8[%get3A_371, %get3A_372] {strides = array<i32>} : memref<128x128xf32, #tpu.memory_space<vmem>>, vector<16xf32>,
      %get3A_374 = arith.index_cast %add3A_361 : i32 to index
      %get3A_375 = arith.constant 16 : index
      %get3A_376 = tpu.vector_load %arg10[%get3A_374, %get3A_375] {strides = array<i32>} : memref<128x128xf32, #tpu.memory_space<vmem>>, vector<16xf32>,
      %sub3A_377 = arith.subf %get3A_373, %get3A_376 : vector<16xf32>
      %mul3A_378 = arith.mulf %sub3A_377, %sub3A_377 : vector<16xf32>
      %add3A_379 = arith.addf %add3A_305, %mul3A_378 : vector<16xf32>
      %get3A_380 = arith.index_cast %add3A_361 : i32 to index
      %get3A_381 = arith.constant 32 : index
      %get3A_382 = tpu.vector_load %arg8[%get3A_380, %get3A_381] {strides = array<i32>} : memref<128x128xf32, #tpu.memory_space<vmem>>, vector<16xf32>,
      %get3A_383 = arith.index_cast %add3A_361 : i32 to index
      %get3A_384 = arith.constant 32 : index
      %get3A_385 = tpu.vector_load %arg10[%get3A_383, %get3A_384] {strides = array<i32>} : memref<128x128xf32, #tpu.memory_space<vmem>>, vector<16xf32>,
      %sub3A_386 = arith.subf %get3A_382, %get3A_385 : vector<16xf32>
      %mul3A_387 = arith.mulf %sub3A_386, %sub3A_386 : vector<16xf32>
      %add3A_388 = arith.addf %add3A_314, %mul3A_387 : vector<16xf32>
      %get3A_389 = arith.index_cast %add3A_361 : i32 to index
      %get3A_390 = arith.constant 48 : index
      %get3A_391 = tpu.vector_load %arg8[%get3A_389, %get3A_390] {strides = array<i32>} : memref<128x128xf32, #tpu.memory_space<vmem>>, vector<16xf32>,
      %get3A_392 = arith.index_cast %add3A_361 : i32 to index
      %get3A_393 = arith.constant 48 : index
      %get3A_394 = tpu.vector_load %arg10[%get3A_392, %get3A_393] {strides = array<i32>} : memref<128x128xf32, #tpu.memory_space<vmem>>, vector<16xf32>,
      %sub3A_395 = arith.subf %get3A_391, %get3A_394 : vector<16xf32>
      %mul3A_396 = arith.mulf %sub3A_395, %sub3A_395 : vector<16xf32>
      %add3A_397 = arith.addf %add3A_323, %mul3A_396 : vector<16xf32>
      %get3A_398 = arith.index_cast %add3A_361 : i32 to index
      %get3A_399 = arith.constant 64 : index
      %get3A_400 = tpu.vector_load %arg8[%get3A_398, %get3A_399] {strides = array<i32>} : memref<128x128xf32, #tpu.memory_space<vmem>>, vector<16xf32>,
      %get3A_401 = arith.index_cast %add3A_361 : i32 to index
      %get3A_402 = arith.constant 64 : index
      %get3A_403 = tpu.vector_load %arg10[%get3A_401, %get3A_402] {strides = array<i32>} : memref<128x128xf32, #tpu.memory_space<vmem>>, vector<16xf32>,
      %sub3A_404 = arith.subf %get3A_400, %get3A_403 : vector<16xf32>
      %mul3A_405 = arith.mulf %sub3A_404, %sub3A_404 : vector<16xf32>
      %add3A_406 = arith.addf %add3A_332, %mul3A_405 : vector<16xf32>
      %get3A_407 = arith.index_cast %add3A_361 : i32 to index
      %get3A_408 = arith.constant 80 : index
      %get3A_409 = tpu.vector_load %arg8[%get3A_407, %get3A_408] {strides = array<i32>} : memref<128x128xf32, #tpu.memory_space<vmem>>, vector<16xf32>,
      %get3A_410 = arith.index_cast %add3A_361 : i32 to index
      %get3A_411 = arith.constant 80 : index
      %get3A_412 = tpu.vector_load %arg10[%get3A_410, %get3A_411] {strides = array<i32>} : memref<128x128xf32, #tpu.memory_space<vmem>>, vector<16xf32>,
      %sub3A_413 = arith.subf %get3A_409, %get3A_412 : vector<16xf32>
      %mul3A_414 = arith.mulf %sub3A_413, %sub3A_413 : vector<16xf32>
      %add3A_415 = arith.addf %add3A_341, %mul3A_414 : vector<16xf32>
      %get3A_416 = arith.index_cast %add3A_361 : i32 to index
      %get3A_417 = arith.constant 96 : index
      %get3A_418 = tpu.vector_load %arg8[%get3A_416, %get3A_417] {strides = array<i32>} : memref<128x128xf32, #tpu.memory_space<vmem>>, vector<16xf32>,
      %get3A_419 = arith.index_cast %add3A_361 : i32 to index
      %get3A_420 = arith.constant 96 : index
      %get3A_421 = tpu.vector_load %arg10[%get3A_419, %get3A_420] {strides = array<i32>} : memref<128x128xf32, #tpu.memory_space<vmem>>, vector<16xf32>,
      %sub3A_422 = arith.subf %get3A_418, %get3A_421 : vector<16xf32>
      %mul3A_423 = arith.mulf %sub3A_422, %sub3A_422 : vector<16xf32>
      %add3A_424 = arith.addf %add3A_350, %mul3A_423 : vector<16xf32>
      %get3A_425 = arith.index_cast %add3A_361 : i32 to index
      %get3A_426 = arith.constant 112 : index
      %get3A_427 = tpu.vector_load %arg8[%get3A_425, %get3A_426] {strides = array<i32>} : memref<128x128xf32, #tpu.memory_space<vmem>>, vector<16xf32>,
      %get3A_428 = arith.index_cast %add3A_361 : i32 to index
      %get3A_429 = arith.constant 112 : index
      %get3A_430 = tpu.vector_load %arg10[%get3A_428, %get3A_429] {strides = array<i32>} : memref<128x128xf32, #tpu.memory_space<vmem>>, vector<16xf32>,
      %sub3A_431 = arith.subf %get3A_427, %get3A_430 : vector<16xf32>
      %mul3A_432 = arith.mulf %sub3A_431, %sub3A_431 : vector<16xf32>
      %add3A_433 = arith.addf %add3A_359, %mul3A_432 : vector<16xf32>
      %add3A_434 = arith.constant 4 : i32
      %add3A_435 = arith.addi %mul3A_139, %add3A_434 : i32
      %get3A_436 = arith.index_cast %add3A_435 : i32 to index
      %get3A_437 = arith.constant 0 : index
      %get3A_438 = tpu.vector_load %arg8[%get3A_436, %get3A_437] {strides = array<i32>} : memref<128x128xf32, #tpu.memory_space<vmem>>, vector<16xf32>,
      %get3A_439 = arith.index_cast %add3A_435 : i32 to index
      %get3A_440 = arith.constant 0 : index
      %get3A_441 = tpu.vector_load %arg10[%get3A_439, %get3A_440] {strides = array<i32>} : memref<128x128xf32, #tpu.memory_space<vmem>>, vector<16xf32>,
      %sub3A_442 = arith.subf %get3A_438, %get3A_441 : vector<16xf32>
      %mul3A_443 = arith.mulf %sub3A_442, %sub3A_442 : vector<16xf32>
      %add3A_444 = arith.addf %add3A_370, %mul3A_443 : vector<16xf32>
      %get3A_445 = arith.index_cast %add3A_435 : i32 to index
      %get3A_446 = arith.constant 16 : index
      %get3A_447 = tpu.vector_load %arg8[%get3A_445, %get3A_446] {strides = array<i32>} : memref<128x128xf32, #tpu.memory_space<vmem>>, vector<16xf32>,
      %get3A_448 = arith.index_cast %add3A_435 : i32 to index
      %get3A_449 = arith.constant 16 : index
      %get3A_450 = tpu.vector_load %arg10[%get3A_448, %get3A_449] {strides = array<i32>} : memref<128x128xf32, #tpu.memory_space<vmem>>, vector<16xf32>,
      %sub3A_451 = arith.subf %get3A_447, %get3A_450 : vector<16xf32>
      %mul3A_452 = arith.mulf %sub3A_451, %sub3A_451 : vector<16xf32>
      %add3A_453 = arith.addf %add3A_379, %mul3A_452 : vector<16xf32>
      %get3A_454 = arith.index_cast %add3A_435 : i32 to index
      %get3A_455 = arith.constant 32 : index
      %get3A_456 = tpu.vector_load %arg8[%get3A_454, %get3A_455] {strides = array<i32>} : memref<128x128xf32, #tpu.memory_space<vmem>>, vector<16xf32>,
      %get3A_457 = arith.index_cast %add3A_435 : i32 to index
      %get3A_458 = arith.constant 32 : index
      %get3A_459 = tpu.vector_load %arg10[%get3A_457, %get3A_458] {strides = array<i32>} : memref<128x128xf32, #tpu.memory_space<vmem>>, vector<16xf32>,
      %sub3A_460 = arith.subf %get3A_456, %get3A_459 : vector<16xf32>
      %mul3A_461 = arith.mulf %sub3A_460, %sub3A_460 : vector<16xf32>
      %add3A_462 = arith.addf %add3A_388, %mul3A_461 : vector<16xf32>
      %get3A_463 = arith.index_cast %add3A_435 : i32 to index
      %get3A_464 = arith.constant 48 : index
      %get3A_465 = tpu.vector_load %arg8[%get3A_463, %get3A_464] {strides = array<i32>} : memref<128x128xf32, #tpu.memory_space<vmem>>, vector<16xf32>,
      %get3A_466 = arith.index_cast %add3A_435 : i32 to index
      %get3A_467 = arith.constant 48 : index
      %get3A_468 = tpu.vector_load %arg10[%get3A_466, %get3A_467] {strides = array<i32>} : memref<128x128xf32, #tpu.memory_space<vmem>>, vector<16xf32>,
      %sub3A_469 = arith.subf %get3A_465, %get3A_468 : vector<16xf32>
      %mul3A_470 = arith.mulf %sub3A_469, %sub3A_469 : vector<16xf32>
      %add3A_471 = arith.addf %add3A_397, %mul3A_470 : vector<16xf32>
      %get3A_472 = arith.index_cast %add3A_435 : i32 to index
      %get3A_473 = arith.constant 64 : index
      %get3A_474 = tpu.vector_load %arg8[%get3A_472, %get3A_473] {strides = array<i32>} : memref<128x128xf32, #tpu.memory_space<vmem>>, vector<16xf32>,
      %get3A_475 = arith.index_cast %add3A_435 : i32 to index
      %get3A_476 = arith.constant 64 : index
      %get3A_477 = tpu.vector_load %arg10[%get3A_475, %get3A_476] {strides = array<i32>} : memref<128x128xf32, #tpu.memory_space<vmem>>, vector<16xf32>,
      %sub3A_478 = arith.subf %get3A_474, %get3A_477 : vector<16xf32>
      %mul3A_479 = arith.mulf %sub3A_478, %sub3A_478 : vector<16xf32>
      %add3A_480 = arith.addf %add3A_406, %mul3A_479 : vector<16xf32>
      %get3A_481 = arith.index_cast %add3A_435 : i32 to index
      %get3A_482 = arith.constant 80 : index
      %get3A_483 = tpu.vector_load %arg8[%get3A_481, %get3A_482] {strides = array<i32>} : memref<128x128xf32, #tpu.memory_space<vmem>>, vector<16xf32>,
      %get3A_484 = arith.index_cast %add3A_435 : i32 to index
      %get3A_485 = arith.constant 80 : index
      %get3A_486 = tpu.vector_load %arg10[%get3A_484, %get3A_485] {strides = array<i32>} : memref<128x128xf32, #tpu.memory_space<vmem>>, vector<16xf32>,
      %sub3A_487 = arith.subf %get3A_483, %get3A_486 : vector<16xf32>
      %mul3A_488 = arith.mulf %sub3A_487, %sub3A_487 : vector<16xf32>
      %add3A_489 = arith.addf %add3A_415, %mul3A_488 : vector<16xf32>
      %get3A_490 = arith.index_cast %add3A_435 : i32 to index
      %get3A_491 = arith.constant 96 : index
      %get3A_492 = tpu.vector_load %arg8[%get3A_490, %get3A_491] {strides = array<i32>} : memref<128x128xf32, #tpu.memory_space<vmem>>, vector<16xf32>,
      %get3A_493 = arith.index_cast %add3A_435 : i32 to index
      %get3A_494 = arith.constant 96 : index
      %get3A_495 = tpu.vector_load %arg10[%get3A_493, %get3A_494] {strides = array<i32>} : memref<128x128xf32, #tpu.memory_space<vmem>>, vector<16xf32>,
      %sub3A_496 = arith.subf %get3A_492, %get3A_495 : vector<16xf32>
      %mul3A_497 = arith.mulf %sub3A_496, %sub3A_496 : vector<16xf32>
      %add3A_498 = arith.addf %add3A_424, %mul3A_497 : vector<16xf32>
      %get3A_499 = arith.index_cast %add3A_435 : i32 to index
      %get3A_500 = arith.constant 112 : index
      %get3A_501 = tpu.vector_load %arg8[%get3A_499, %get3A_500] {strides = array<i32>} : memref<128x128xf32, #tpu.memory_space<vmem>>, vector<16xf32>,
      %get3A_502 = arith.index_cast %add3A_435 : i32 to index
      %get3A_503 = arith.constant 112 : index
      %get3A_504 = tpu.vector_load %arg10[%get3A_502, %get3A_503] {strides = array<i32>} : memref<128x128xf32, #tpu.memory_space<vmem>>, vector<16xf32>,
      %sub3A_505 = arith.subf %get3A_501, %get3A_504 : vector<16xf32>
      %mul3A_506 = arith.mulf %sub3A_505, %sub3A_505 : vector<16xf32>
      %add3A_507 = arith.addf %add3A_433, %mul3A_506 : vector<16xf32>
      %add3A_508 = arith.constant 5 : i32
      %add3A_509 = arith.addi %mul3A_139, %add3A_508 : i32
      %get3A_510 = arith.index_cast %add3A_509 : i32 to index
      %get3A_511 = arith.constant 0 : index
      %get3A_512 = tpu.vector_load %arg8[%get3A_510, %get3A_511] {strides = array<i32>} : memref<128x128xf32, #tpu.memory_space<vmem>>, vector<16xf32>,
      %get3A_513 = arith.index_cast %add3A_509 : i32 to index
      %get3A_514 = arith.constant 0 : index
      %get3A_515 = tpu.vector_load %arg10[%get3A_513, %get3A_514] {strides = array<i32>} : memref<128x128xf32, #tpu.memory_space<vmem>>, vector<16xf32>,
      %sub3A_516 = arith.subf %get3A_512, %get3A_515 : vector<16xf32>
      %mul3A_517 = arith.mulf %sub3A_516, %sub3A_516 : vector<16xf32>
      %add3A_518 = arith.addf %add3A_444, %mul3A_517 : vector<16xf32>
      %get3A_519 = arith.index_cast %add3A_509 : i32 to index
      %get3A_520 = arith.constant 16 : index
      %get3A_521 = tpu.vector_load %arg8[%get3A_519, %get3A_520] {strides = array<i32>} : memref<128x128xf32, #tpu.memory_space<vmem>>, vector<16xf32>,
      %get3A_522 = arith.index_cast %add3A_509 : i32 to index
      %get3A_523 = arith.constant 16 : index
      %get3A_524 = tpu.vector_load %arg10[%get3A_522, %get3A_523] {strides = array<i32>} : memref<128x128xf32, #tpu.memory_space<vmem>>, vector<16xf32>,
      %sub3A_525 = arith.subf %get3A_521, %get3A_524 : vector<16xf32>
      %mul3A_526 = arith.mulf %sub3A_525, %sub3A_525 : vector<16xf32>
      %add3A_527 = arith.addf %add3A_453, %mul3A_526 : vector<16xf32>
      %get3A_528 = arith.index_cast %add3A_509 : i32 to index
      %get3A_529 = arith.constant 32 : index
      %get3A_530 = tpu.vector_load %arg8[%get3A_528, %get3A_529] {strides = array<i32>} : memref<128x128xf32, #tpu.memory_space<vmem>>, vector<16xf32>,
      %get3A_531 = arith.index_cast %add3A_509 : i32 to index
      %get3A_532 = arith.constant 32 : index
      %get3A_533 = tpu.vector_load %arg10[%get3A_531, %get3A_532] {strides = array<i32>} : memref<128x128xf32, #tpu.memory_space<vmem>>, vector<16xf32>,
      %sub3A_534 = arith.subf %get3A_530, %get3A_533 : vector<16xf32>
      %mul3A_535 = arith.mulf %sub3A_534, %sub3A_534 : vector<16xf32>
      %add3A_536 = arith.addf %add3A_462, %mul3A_535 : vector<16xf32>
      %get3A_537 = arith.index_cast %add3A_509 : i32 to index
      %get3A_538 = arith.constant 48 : index
      %get3A_539 = tpu.vector_load %arg8[%get3A_537, %get3A_538] {strides = array<i32>} : memref<128x128xf32, #tpu.memory_space<vmem>>, vector<16xf32>,
      %get3A_540 = arith.index_cast %add3A_509 : i32 to index
      %get3A_541 = arith.constant 48 : index
      %get3A_542 = tpu.vector_load %arg10[%get3A_540, %get3A_541] {strides = array<i32>} : memref<128x128xf32, #tpu.memory_space<vmem>>, vector<16xf32>,
      %sub3A_543 = arith.subf %get3A_539, %get3A_542 : vector<16xf32>
      %mul3A_544 = arith.mulf %sub3A_543, %sub3A_543 : vector<16xf32>
      %add3A_545 = arith.addf %add3A_471, %mul3A_544 : vector<16xf32>
      %get3A_546 = arith.index_cast %add3A_509 : i32 to index
      %get3A_547 = arith.constant 64 : index
      %get3A_548 = tpu.vector_load %arg8[%get3A_546, %get3A_547] {strides = array<i32>} : memref<128x128xf32, #tpu.memory_space<vmem>>, vector<16xf32>,
      %get3A_549 = arith.index_cast %add3A_509 : i32 to index
      %get3A_550 = arith.constant 64 : index
      %get3A_551 = tpu.vector_load %arg10[%get3A_549, %get3A_550] {strides = array<i32>} : memref<128x128xf32, #tpu.memory_space<vmem>>, vector<16xf32>,
      %sub3A_552 = arith.subf %get3A_548, %get3A_551 : vector<16xf32>
      %mul3A_553 = arith.mulf %sub3A_552, %sub3A_552 : vector<16xf32>
      %add3A_554 = arith.addf %add3A_480, %mul3A_553 : vector<16xf32>
      %get3A_555 = arith.index_cast %add3A_509 : i32 to index
      %get3A_556 = arith.constant 80 : index
      %get3A_557 = tpu.vector_load %arg8[%get3A_555, %get3A_556] {strides = array<i32>} : memref<128x128xf32, #tpu.memory_space<vmem>>, vector<16xf32>,
      %get3A_558 = arith.index_cast %add3A_509 : i32 to index
      %get3A_559 = arith.constant 80 : index
      %get3A_560 = tpu.vector_load %arg10[%get3A_558, %get3A_559] {strides = array<i32>} : memref<128x128xf32, #tpu.memory_space<vmem>>, vector<16xf32>,
      %sub3A_561 = arith.subf %get3A_557, %get3A_560 : vector<16xf32>
      %mul3A_562 = arith.mulf %sub3A_561, %sub3A_561 : vector<16xf32>
      %add3A_563 = arith.addf %add3A_489, %mul3A_562 : vector<16xf32>
      %get3A_564 = arith.index_cast %add3A_509 : i32 to index
      %get3A_565 = arith.constant 96 : index
      %get3A_566 = tpu.vector_load %arg8[%get3A_564, %get3A_565] {strides = array<i32>} : memref<128x128xf32, #tpu.memory_space<vmem>>, vector<16xf32>,
      %get3A_567 = arith.index_cast %add3A_509 : i32 to index
      %get3A_568 = arith.constant 96 : index
      %get3A_569 = tpu.vector_load %arg10[%get3A_567, %get3A_568] {strides = array<i32>} : memref<128x128xf32, #tpu.memory_space<vmem>>, vector<16xf32>,
      %sub3A_570 = arith.subf %get3A_566, %get3A_569 : vector<16xf32>
      %mul3A_571 = arith.mulf %sub3A_570, %sub3A_570 : vector<16xf32>
      %add3A_572 = arith.addf %add3A_498, %mul3A_571 : vector<16xf32>
      %get3A_573 = arith.index_cast %add3A_509 : i32 to index
      %get3A_574 = arith.constant 112 : index
      %get3A_575 = tpu.vector_load %arg8[%get3A_573, %get3A_574] {strides = array<i32>} : memref<128x128xf32, #tpu.memory_space<vmem>>, vector<16xf32>,
      %get3A_576 = arith.index_cast %add3A_509 : i32 to index
      %get3A_577 = arith.constant 112 : index
      %get3A_578 = tpu.vector_load %arg10[%get3A_576, %get3A_577] {strides = array<i32>} : memref<128x128xf32, #tpu.memory_space<vmem>>, vector<16xf32>,
      %sub3A_579 = arith.subf %get3A_575, %get3A_578 : vector<16xf32>
      %mul3A_580 = arith.mulf %sub3A_579, %sub3A_579 : vector<16xf32>
      %add3A_581 = arith.addf %add3A_507, %mul3A_580 : vector<16xf32>
      %add3A_582 = arith.constant 6 : i32
      %add3A_583 = arith.addi %mul3A_139, %add3A_582 : i32
      %get3A_584 = arith.index_cast %add3A_583 : i32 to index
      %get3A_585 = arith.constant 0 : index
      %get3A_586 = tpu.vector_load %arg8[%get3A_584, %get3A_585] {strides = array<i32>} : memref<128x128xf32, #tpu.memory_space<vmem>>, vector<16xf32>,
      %get3A_587 = arith.index_cast %add3A_583 : i32 to index
      %get3A_588 = arith.constant 0 : index
      %get3A_589 = tpu.vector_load %arg10[%get3A_587, %get3A_588] {strides = array<i32>} : memref<128x128xf32, #tpu.memory_space<vmem>>, vector<16xf32>,
      %sub3A_590 = arith.subf %get3A_586, %get3A_589 : vector<16xf32>
      %mul3A_591 = arith.mulf %sub3A_590, %sub3A_590 : vector<16xf32>
      %add3A_592 = arith.addf %add3A_518, %mul3A_591 : vector<16xf32>
      %get3A_593 = arith.index_cast %add3A_583 : i32 to index
      %get3A_594 = arith.constant 16 : index
      %get3A_595 = tpu.vector_load %arg8[%get3A_593, %get3A_594] {strides = array<i32>} : memref<128x128xf32, #tpu.memory_space<vmem>>, vector<16xf32>,
      %get3A_596 = arith.index_cast %add3A_583 : i32 to index
      %get3A_597 = arith.constant 16 : index
      %get3A_598 = tpu.vector_load %arg10[%get3A_596, %get3A_597] {strides = array<i32>} : memref<128x128xf32, #tpu.memory_space<vmem>>, vector<16xf32>,
      %sub3A_599 = arith.subf %get3A_595, %get3A_598 : vector<16xf32>
      %mul3A_600 = arith.mulf %sub3A_599, %sub3A_599 : vector<16xf32>
      %add3A_601 = arith.addf %add3A_527, %mul3A_600 : vector<16xf32>
      %get3A_602 = arith.index_cast %add3A_583 : i32 to index
      %get3A_603 = arith.constant 32 : index
      %get3A_604 = tpu.vector_load %arg8[%get3A_602, %get3A_603] {strides = array<i32>} : memref<128x128xf32, #tpu.memory_space<vmem>>, vector<16xf32>,
      %get3A_605 = arith.index_cast %add3A_583 : i32 to index
      %get3A_606 = arith.constant 32 : index
      %get3A_607 = tpu.vector_load %arg10[%get3A_605, %get3A_606] {strides = array<i32>} : memref<128x128xf32, #tpu.memory_space<vmem>>, vector<16xf32>,
      %sub3A_608 = arith.subf %get3A_604, %get3A_607 : vector<16xf32>
      %mul3A_609 = arith.mulf %sub3A_608, %sub3A_608 : vector<16xf32>
      %add3A_610 = arith.addf %add3A_536, %mul3A_609 : vector<16xf32>
      %get3A_611 = arith.index_cast %add3A_583 : i32 to index
      %get3A_612 = arith.constant 48 : index
      %get3A_613 = tpu.vector_load %arg8[%get3A_611, %get3A_612] {strides = array<i32>} : memref<128x128xf32, #tpu.memory_space<vmem>>, vector<16xf32>,
      %get3A_614 = arith.index_cast %add3A_583 : i32 to index
      %get3A_615 = arith.constant 48 : index
      %get3A_616 = tpu.vector_load %arg10[%get3A_614, %get3A_615] {strides = array<i32>} : memref<128x128xf32, #tpu.memory_space<vmem>>, vector<16xf32>,
      %sub3A_617 = arith.subf %get3A_613, %get3A_616 : vector<16xf32>
      %mul3A_618 = arith.mulf %sub3A_617, %sub3A_617 : vector<16xf32>
      %add3A_619 = arith.addf %add3A_545, %mul3A_618 : vector<16xf32>
      %get3A_620 = arith.index_cast %add3A_583 : i32 to index
      %get3A_621 = arith.constant 64 : index
      %get3A_622 = tpu.vector_load %arg8[%get3A_620, %get3A_621] {strides = array<i32>} : memref<128x128xf32, #tpu.memory_space<vmem>>, vector<16xf32>,
      %get3A_623 = arith.index_cast %add3A_583 : i32 to index
      %get3A_624 = arith.constant 64 : index
      %get3A_625 = tpu.vector_load %arg10[%get3A_623, %get3A_624] {strides = array<i32>} : memref<128x128xf32, #tpu.memory_space<vmem>>, vector<16xf32>,
      %sub3A_626 = arith.subf %get3A_622, %get3A_625 : vector<16xf32>
      %mul3A_627 = arith.mulf %sub3A_626, %sub3A_626 : vector<16xf32>
      %add3A_628 = arith.addf %add3A_554, %mul3A_627 : vector<16xf32>
      %get3A_629 = arith.index_cast %add3A_583 : i32 to index
      %get3A_630 = arith.constant 80 : index
      %get3A_631 = tpu.vector_load %arg8[%get3A_629, %get3A_630] {strides = array<i32>} : memref<128x128xf32, #tpu.memory_space<vmem>>, vector<16xf32>,
      %get3A_632 = arith.index_cast %add3A_583 : i32 to index
      %get3A_633 = arith.constant 80 : index
      %get3A_634 = tpu.vector_load %arg10[%get3A_632, %get3A_633] {strides = array<i32>} : memref<128x128xf32, #tpu.memory_space<vmem>>, vector<16xf32>,
      %sub3A_635 = arith.subf %get3A_631, %get3A_634 : vector<16xf32>
      %mul3A_636 = arith.mulf %sub3A_635, %sub3A_635 : vector<16xf32>
      %add3A_637 = arith.addf %add3A_563, %mul3A_636 : vector<16xf32>
      %get3A_638 = arith.index_cast %add3A_583 : i32 to index
      %get3A_639 = arith.constant 96 : index
      %get3A_640 = tpu.vector_load %arg8[%get3A_638, %get3A_639] {strides = array<i32>} : memref<128x128xf32, #tpu.memory_space<vmem>>, vector<16xf32>,
      %get3A_641 = arith.index_cast %add3A_583 : i32 to index
      %get3A_642 = arith.constant 96 : index
      %get3A_643 = tpu.vector_load %arg10[%get3A_641, %get3A_642] {strides = array<i32>} : memref<128x128xf32, #tpu.memory_space<vmem>>, vector<16xf32>,
      %sub3A_644 = arith.subf %get3A_640, %get3A_643 : vector<16xf32>
      %mul3A_645 = arith.mulf %sub3A_644, %sub3A_644 : vector<16xf32>
      %add3A_646 = arith.addf %add3A_572, %mul3A_645 : vector<16xf32>
      %get3A_647 = arith.index_cast %add3A_583 : i32 to index
      %get3A_648 = arith.constant 112 : index
      %get3A_649 = tpu.vector_load %arg8[%get3A_647, %get3A_648] {strides = array<i32>} : memref<128x128xf32, #tpu.memory_space<vmem>>, vector<16xf32>,
      %get3A_650 = arith.index_cast %add3A_583 : i32 to index
      %get3A_651 = arith.constant 112 : index
      %get3A_652 = tpu.vector_load %arg10[%get3A_650, %get3A_651] {strides = array<i32>} : memref<128x128xf32, #tpu.memory_space<vmem>>, vector<16xf32>,
      %sub3A_653 = arith.subf %get3A_649, %get3A_652 : vector<16xf32>
      %mul3A_654 = arith.mulf %sub3A_653, %sub3A_653 : vector<16xf32>
      %add3A_655 = arith.addf %add3A_581, %mul3A_654 : vector<16xf32>
      %add3A_656 = arith.constant 7 : i32
      %add3A_657 = arith.addi %mul3A_139, %add3A_656 : i32
      %get3A_658 = arith.index_cast %add3A_657 : i32 to index
      %get3A_659 = arith.constant 0 : index
      %get3A_660 = tpu.vector_load %arg8[%get3A_658, %get3A_659] {strides = array<i32>} : memref<128x128xf32, #tpu.memory_space<vmem>>, vector<16xf32>,
      %get3A_661 = arith.index_cast %add3A_657 : i32 to index
      %get3A_662 = arith.constant 0 : index
      %get3A_663 = tpu.vector_load %arg10[%get3A_661, %get3A_662] {strides = array<i32>} : memref<128x128xf32, #tpu.memory_space<vmem>>, vector<16xf32>,
      %sub3A_664 = arith.subf %get3A_660, %get3A_663 : vector<16xf32>
      %mul3A_665 = arith.mulf %sub3A_664, %sub3A_664 : vector<16xf32>
      %add3A_666 = arith.addf %add3A_592, %mul3A_665 : vector<16xf32>
      %get3A_667 = arith.index_cast %add3A_657 : i32 to index
      %get3A_668 = arith.constant 16 : index
      %get3A_669 = tpu.vector_load %arg8[%get3A_667, %get3A_668] {strides = array<i32>} : memref<128x128xf32, #tpu.memory_space<vmem>>, vector<16xf32>,
      %get3A_670 = arith.index_cast %add3A_657 : i32 to index
      %get3A_671 = arith.constant 16 : index
      %get3A_672 = tpu.vector_load %arg10[%get3A_670, %get3A_671] {strides = array<i32>} : memref<128x128xf32, #tpu.memory_space<vmem>>, vector<16xf32>,
      %sub3A_673 = arith.subf %get3A_669, %get3A_672 : vector<16xf32>
      %mul3A_674 = arith.mulf %sub3A_673, %sub3A_673 : vector<16xf32>
      %add3A_675 = arith.addf %add3A_601, %mul3A_674 : vector<16xf32>
      %get3A_676 = arith.index_cast %add3A_657 : i32 to index
      %get3A_677 = arith.constant 32 : index
      %get3A_678 = tpu.vector_load %arg8[%get3A_676, %get3A_677] {strides = array<i32>} : memref<128x128xf32, #tpu.memory_space<vmem>>, vector<16xf32>,
      %get3A_679 = arith.index_cast %add3A_657 : i32 to index
      %get3A_680 = arith.constant 32 : index
      %get3A_681 = tpu.vector_load %arg10[%get3A_679, %get3A_680] {strides = array<i32>} : memref<128x128xf32, #tpu.memory_space<vmem>>, vector<16xf32>,
      %sub3A_682 = arith.subf %get3A_678, %get3A_681 : vector<16xf32>
      %mul3A_683 = arith.mulf %sub3A_682, %sub3A_682 : vector<16xf32>
      %add3A_684 = arith.addf %add3A_610, %mul3A_683 : vector<16xf32>
      %get3A_685 = arith.index_cast %add3A_657 : i32 to index
      %get3A_686 = arith.constant 48 : index
      %get3A_687 = tpu.vector_load %arg8[%get3A_685, %get3A_686] {strides = array<i32>} : memref<128x128xf32, #tpu.memory_space<vmem>>, vector<16xf32>,
      %get3A_688 = arith.index_cast %add3A_657 : i32 to index
      %get3A_689 = arith.constant 48 : index
      %get3A_690 = tpu.vector_load %arg10[%get3A_688, %get3A_689] {strides = array<i32>} : memref<128x128xf32, #tpu.memory_space<vmem>>, vector<16xf32>,
      %sub3A_691 = arith.subf %get3A_687, %get3A_690 : vector<16xf32>
      %mul3A_692 = arith.mulf %sub3A_691, %sub3A_691 : vector<16xf32>
      %add3A_693 = arith.addf %add3A_619, %mul3A_692 : vector<16xf32>
      %get3A_694 = arith.index_cast %add3A_657 : i32 to index
      %get3A_695 = arith.constant 64 : index
      %get3A_696 = tpu.vector_load %arg8[%get3A_694, %get3A_695] {strides = array<i32>} : memref<128x128xf32, #tpu.memory_space<vmem>>, vector<16xf32>,
      %get3A_697 = arith.index_cast %add3A_657 : i32 to index
      %get3A_698 = arith.constant 64 : index
      %get3A_699 = tpu.vector_load %arg10[%get3A_697, %get3A_698] {strides = array<i32>} : memref<128x128xf32, #tpu.memory_space<vmem>>, vector<16xf32>,
      %sub3A_700 = arith.subf %get3A_696, %get3A_699 : vector<16xf32>
      %mul3A_701 = arith.mulf %sub3A_700, %sub3A_700 : vector<16xf32>
      %add3A_702 = arith.addf %add3A_628, %mul3A_701 : vector<16xf32>
      %get3A_703 = arith.index_cast %add3A_657 : i32 to index
      %get3A_704 = arith.constant 80 : index
      %get3A_705 = tpu.vector_load %arg8[%get3A_703, %get3A_704] {strides = array<i32>} : memref<128x128xf32, #tpu.memory_space<vmem>>, vector<16xf32>,
      %get3A_706 = arith.index_cast %add3A_657 : i32 to index
      %get3A_707 = arith.constant 80 : index
      %get3A_708 = tpu.vector_load %arg10[%get3A_706, %get3A_707] {strides = array<i32>} : memref<128x128xf32, #tpu.memory_space<vmem>>, vector<16xf32>,
      %sub3A_709 = arith.subf %get3A_705, %get3A_708 : vector<16xf32>
      %mul3A_710 = arith.mulf %sub3A_709, %sub3A_709 : vector<16xf32>
      %add3A_711 = arith.addf %add3A_637, %mul3A_710 : vector<16xf32>
      %get3A_712 = arith.index_cast %add3A_657 : i32 to index
      %get3A_713 = arith.constant 96 : index
      %get3A_714 = tpu.vector_load %arg8[%get3A_712, %get3A_713] {strides = array<i32>} : memref<128x128xf32, #tpu.memory_space<vmem>>, vector<16xf32>,
      %get3A_715 = arith.index_cast %add3A_657 : i32 to index
      %get3A_716 = arith.constant 96 : index
      %get3A_717 = tpu.vector_load %arg10[%get3A_715, %get3A_716] {strides = array<i32>} : memref<128x128xf32, #tpu.memory_space<vmem>>, vector<16xf32>,
      %sub3A_718 = arith.subf %get3A_714, %get3A_717 : vector<16xf32>
      %mul3A_719 = arith.mulf %sub3A_718, %sub3A_718 : vector<16xf32>
      %add3A_720 = arith.addf %add3A_646, %mul3A_719 : vector<16xf32>
      %get3A_721 = arith.index_cast %add3A_657 : i32 to index
      %get3A_722 = arith.constant 112 : index
      %get3A_723 = tpu.vector_load %arg8[%get3A_721, %get3A_722] {strides = array<i32>} : memref<128x128xf32, #tpu.memory_space<vmem>>, vector<16xf32>,
      %get3A_724 = arith.index_cast %add3A_657 : i32 to index
      %get3A_725 = arith.constant 112 : index
      %get3A_726 = tpu.vector_load %arg10[%get3A_724, %get3A_725] {strides = array<i32>} : memref<128x128xf32, #tpu.memory_space<vmem>>, vector<16xf32>,
      %sub3A_727 = arith.subf %get3A_723, %get3A_726 : vector<16xf32>
      %mul3A_728 = arith.mulf %sub3A_727, %sub3A_727 : vector<16xf32>
      %add3A_729 = arith.addf %add3A_655, %mul3A_728 : vector<16xf32>
      scf.yield %add3A_666, %add3A_675, %add3A_684, %add3A_693, %add3A_702, %add3A_711, %add3A_720, %add3A_729 : vector<16xf32>, vector<16xf32>, vector<16xf32>, vector<16xf32>, vector<16xf32>, vector<16xf32>, vector<16xf32>, vector<16xf32>
    }
    %scan3A_120 = arith.constant 16 : i32
    %add3A_121 = arith.addf %scan3A_119#0, %scan3A_119#1 : vector<16xf32>
    %add3A_122 = arith.addf %scan3A_119#2, %scan3A_119#3 : vector<16xf32>
    %add3A_123 = arith.addf %add3A_121, %add3A_122 : vector<16xf32>
    %add3A_124 = arith.addf %scan3A_119#4, %scan3A_119#5 : vector<16xf32>
    %add3A_125 = arith.addf %scan3A_119#6, %scan3A_119#7 : vector<16xf32>
    %add3A_126 = arith.addf %add3A_124, %add3A_125 : vector<16xf32>
    %add3A_127 = arith.addf %add3A_123, %add3A_126 : vector<16xf32>
    %swap3A = arith.constant 0 : index
    %swap3A_128 = tpu.vector_load %arg11[%swap3A] {strides = array<i32>} : memref<16xf32, #tpu.memory_space<vmem>>, vector<16xf32>,
    tpu.vector_store %arg11[%swap3A], %add3A_127 {strides = array<i32>} : memref<16xf32, #tpu.memory_space<vmem>>, vector<16xf32>,
    "tpu.region"() ({
      %run_scoped3A = tpu.sem_alloc : memref<!tpu.dma_semaphore, #tpu.memory_space<semaphore_mem>>
      %dma_start3A_129 = arith.constant 0 : i32
      %dma_start3A_130 = tpu.memref_slice %arg5[%add3A, %dma_start3A_129] : memref<32x16xf32, #tpu.memory_space<hbm>> -> memref<1x16xf32, #tpu.memory_space<hbm>>
      %dma_start3A_131 = tpu.memref_squeeze %dma_start3A_130 : memref<1x16xf32, #tpu.memory_space<hbm>> -> memref<16xf32, #tpu.memory_space<hbm>>
      %dma_start3A_132 = arith.constant 0 : i32
      %dma_start3A_133 = tpu.memref_slice %arg5[%add3A, %dma_start3A_132] : memref<32x16xf32, #tpu.memory_space<hbm>> -> memref<1x16xf32, #tpu.memory_space<hbm>>
      %dma_start3A_134 = tpu.memref_squeeze %dma_start3A_133 : memref<1x16xf32, #tpu.memory_space<hbm>> -> memref<16xf32, #tpu.memory_space<hbm>>
      tpu.enqueue_dma source(%arg11 : memref<16xf32, #tpu.memory_space<vmem>>) target(%dma_start3A_134 : memref<16xf32, #tpu.memory_space<hbm>>) target_semaphore(%run_scoped3A : memref<!tpu.dma_semaphore, #tpu.memory_space<semaphore_mem>>)
      %dma_wait3A_135 = arith.constant 0 : i32
      %dma_wait3A_136 = tpu.memref_slice %arg5[%add3A, %dma_wait3A_135] : memref<32x16xf32, #tpu.memory_space<hbm>> -> memref<1x16xf32, #tpu.memory_space<hbm>>
      %dma_wait3A_137 = tpu.memref_squeeze %dma_wait3A_136 : memref<1x16xf32, #tpu.memory_space<hbm>> -> memref<16xf32, #tpu.memory_space<hbm>>
      %dma_wait3A_138 = arith.constant 0 : i32
      %dma_wait3A_139 = tpu.memref_slice %arg5[%add3A, %dma_wait3A_138] : memref<32x16xf32, #tpu.memory_space<hbm>> -> memref<1x16xf32, #tpu.memory_space<hbm>>
      %dma_wait3A_140 = tpu.memref_squeeze %dma_wait3A_139 : memref<1x16xf32, #tpu.memory_space<hbm>> -> memref<16xf32, #tpu.memory_space<hbm>>
      tpu.wait_dma2 semaphore(%run_scoped3A : memref<!tpu.dma_semaphore, #tpu.memory_space<semaphore_mem>>) src(%arg11 : memref<16xf32, #tpu.memory_space<vmem>>) dst(%dma_wait3A_140 : memref<16xf32, #tpu.memory_space<hbm>>)
      tpu.yield
    }) : () -> ()
    return
  }
}

module attributes {stable_mosaic.version = 14 : i64} {
  func.func @body(%arg0: memref<32x16xf32, #tpu.memory_space<vmem>>, %arg1: memref<1x1xf32, #tpu.memory_space<vmem>>) attributes {dimension_semantics = [], scalar_prefetch = 0 : i64, scratch_operands = 0 : i64, tpu.core_type = #tpu.core_type<tc>} {
    %get3A = arith.constant 0 : index
    %get3A_0 = arith.constant 0 : index
    %get3A_1 = vector.load %arg0[%get3A, %get3A_0] : memref<32x16xf32, #tpu.memory_space<vmem>>, vector<32x16xf32>
    %reduce_sum3A = vector.shape_cast %get3A_1 : vector<32x16xf32> to vector<1x32x16xf32>
    %reduce_sum3A_2 = arith.constant dense<0.000000e+00> : vector<1xf32>
    %reduce_sum3A_3 = vector.multi_reduction <add>, %reduce_sum3A, %reduce_sum3A_2 [1, 2] : vector<1x32x16xf32> to vector<1xf32>
    %reduce_sum3A_4 = vector.shape_cast %reduce_sum3A_3 : vector<1xf32> to vector<1x1x1xf32>
    %reduce_sum3A_5 = vector.extract %reduce_sum3A_4[0, 0, 0] : f32 from vector<1x1x1xf32>
    %reshape3A = vector.broadcast %reduce_sum3A_5 : f32 to vector<1x1xf32>
    %mul3A = arith.constant 6.10351563E-5 : f32
    %mul3A_6 = vector.broadcast %mul3A : f32 to vector<1x1xf32>
    %mul3A_7 = arith.mulf %reshape3A, %mul3A_6 : vector<1x1xf32>
    %swap3A = arith.constant 0 : index
    %swap3A_8 = arith.constant 0 : index
    %swap3A_9 = vector.load %arg1[%swap3A, %swap3A_8] : memref<1x1xf32, #tpu.memory_space<vmem>>, vector<1x1xf32>
    tpu.vector_store %arg1[%swap3A, %swap3A_8], %mul3A_7 {strides = array<i32>} : memref<1x1xf32, #tpu.memory_space<vmem>>, vector<1x1xf32>,
    return
  }
}

</mosaic_0001>

<sc_bundles>
// kernel: kernel.4.cloned.1.call-start
scs
__scs_entry_jumppad:
0x0: {  	(pc) =	sbr.rel $0x88, $3  }
0x1: {  	(tag) =	ssettag $0x0;
	lr =	simm.s32 $0x1  }
0x2: {  	[smem:$0x3F9E] =	sst lr;
	_ =	strace $0xD0000000  }
0x3: {  	_ = 	snop  }
0x4: {  	_ = 	snop  }
0x5: {  	_ = 	snop  }
0x6: {  	_ = 	snop  }
0x7: {  	_ = 	snop  }
__scs_overlays_trampoline_lowered:
0x8: {  	[smem:$0x3FAD] =	sst s0  }
0x9: {  	[smem:$0x3FAE] =	sst s1  }
0xa: {  	[smem:$0x3FAF] =	sst s2  }
0xb: {  	[smem:$0x3FB0] =	sst s3  }
0xc: {  	[smem:$0x3FB1] =	sst s4  }
0xd: {  	[smem:$0x3FB2] =	sst s5  }
0xe: {  	[smem:$0x3FB3] =	sst s6  }
0xf: {  	[smem:$0x3FB4] =	sst s7  }
0x10: {  	[smem:$0x3FB5] =	sst s8  }
0x11: {  	[smem:$0x3FB6] =	sst s9;
	s0 =	simm.s32 @!p0 $0x0  }
0x12: {  	s1 =	sld [smem:$0x3F9C];
	s0 =	simm.s32 @p0 $0x1  }
0x13: {  	[smem:$0x3FB7] =	sst s0;
	s0 =	simm.s32 @!p1 $0x0  }
0x14: {  	s2 =	sld [smem:$0x3F9B];
	s0 =	simm.s32 @p1 $0x1  }
0x15: {  	[smem:$0x3FB8] =	sst s0;
	s0 =	simm.s32 @!p2 $0x0  }
0x16: {  	s3 =	sld [smem:$0x3FDB];
	s0 =	simm.s32 @p2 $0x1  }
0x17: {  	s4 =	simm.s32 $0x1BF5;
	[smem:$0x3FBA] =	sst s0  }
0x18: {  	s0 =	sld [smem:$0x3F9D];
	_ =	swait.ge [sflag:s4], $0x0  }
0x19: {  	s7 =	sld [smem:$0x3F9E]  }
0x1a: {  	s8 =	sadd.s32 $0xFFFFE003, lr  }
0x1b: {  	s9 =	sadd.s32 $0xFFFFFEF7, lr;
	s5 =	simm.s32 $0xFFFFFFFF;
	p2 =	slt.u32 s8, $0xFFFFF086  }
0x1c: {  	p1 =	slt.u32 s9, $0xF7A;
	s5 =	simm.s32 @!p2 $0x0  }
0x1d: {  	s5 =	simm.s32 @p1 $0x1;
	p0 =	seq.s32 s7, s2  }
0x1e: {  	s7 =	smul.u32 @!p0 $0xF7A, s2;
	p2 =	seq.s32 @!p0 s5, $0x0  }
0x1f: {  	s9 =	smul.u32 $0xF7A, s1;
	s8 =	simm.s32 @!p0 $0x1BF5;
	p2 =	por !p2, p0  }
0x20: {  	[sflag:s8] =	ssyncset.s32 @!p0 $0xFFFFF086;
	s6 =	sadd.s32 @!p0 s3, s7;
	s7 =	simm.s32 @!p0 $0x108  }
0x21: {  	s3 =	sadd.s32 s3, s9;
	s6 =	sadd.s32 @!p0 $0x88, s6;
	s7 =	simm.s32 @p2 $0x1082  }
0x22: {  	[simem:s7], [sflag:s8] =	dma.local @!p0 [hbm:s6], $0xF7A  }
0x23: {  	s9 =	sor.u32 $0xD0000000, s2;
	s6 =	simm.s32 $0x108;
	_ =	swait.ge @!p0 [sflag:s8], $0x0  }
0x24: {  	s3 =	sadd.s32 $0x88, s3;
	s6 =	simm.s32 @!p1 $0x1082;
	[sflag:s4] =	ssyncset.s32 $0xFFFFF086  }
0x25: {  	[simem:s6], [sflag:s4] =	dma.local [hbm:s3], $0xF7A  }
0x26: {  	[smem:$0x3F9E] =	sst s1;
	(tag) =	ssettag s2;
	_ =	strace s9  }
0x27: {  	s1 =	sld [smem:$0x3FAE]  }
0x28: {  	s2 =	sld [smem:$0x3FAF]  }
0x29: {  	s4 =	sld [smem:$0x3FB1]  }
0x2a: {  	p0 =	seq.s32 s5, $0x0;
	s5 =	sld [smem:$0x3FB2]  }
0x2b: {  	s6 =	sld [smem:$0x3FB3]  }
0x2c: {  	s7 =	sld [smem:$0x3FB4]  }
0x2d: {  	s3 =	simm.s32 $0x108;
	s8 =	sld [smem:$0x3FB5]  }
0x2e: {  	s3 =	simm.s32 @!p0 $0x1082;
	s9 =	sld [smem:$0x3FB6]  }
0x2f: {  	lr =	sadd.s32 s0, s3;
	s0 =	sld [smem:$0x3FAD]  }
0x30: {  	s3 =	sld [smem:$0x3FB0]  }
0x31: {  	[smem:$0x3FB9] =	sst s10  }
0x32: {  	s10 =	sld [smem:$0x3FB7];
	_ =	sdelay $0x3  }
0x33: {  	p0 =	seq.s32 s10, $0x1;
	s10 =	sld [smem:$0x3FB9];
	_ =	sdelay $0x3  }
0x34: {  	[smem:$0x3FB9] =	sst s10  }
0x35: {  	s10 =	sld [smem:$0x3FB8];
	_ =	sdelay $0x3  }
0x36: {  	p1 =	seq.s32 s10, $0x1;
	s10 =	sld [smem:$0x3FB9];
	_ =	sdelay $0x3  }
0x37: {  	[smem:$0x3FB9] =	sst s10  }
0x38: {  	s10 =	sld [smem:$0x3FBA]  }
0x39: {  	_ = 	snop;
	(pc) =	sbr.ind lr, $3  }
0x3a: {  	_ = 	snop  }
0x3b: {  	_ = 	snop  }
0x3c: {  	p2 =	seq.s32 s10, $0x1;
	s10 =	sld [smem:$0x3FB9]  }
0x3d: {  	_ =	shalt  }
0x3e: {  	_ =	shalt  }
0x3f: {  	_ =	shalt  }
0x40: {  	_ =	shalt  }
0x41: {  	_ =	shalt  }
0x42: {  	_ =	shalt  }
0x43: {  	_ =	shalt  }
0x44: {  	_ =	shalt  }
0x45: {  	_ =	shalt  }
0x46: {  	_ =	shalt  }
0x47: {  	_ =	shalt  }
0x48: {  	_ =	shalt  }
0x49: {  	_ =	shalt  }
0x4a: {  	_ =	shalt  }
0x4b: {  	_ =	shalt  }
0x4c: {  	_ =	shalt  }
0x4d: {  	_ =	shalt  }
0x4e: {  	_ =	shalt  }
0x4f: {  	_ =	shalt  }
0x50: {  	_ =	shalt  }
0x51: {  	_ =	shalt  }
0x52: {  	_ =	shalt  }
0x53: {  	_ =	shalt  }
0x54: {  	_ =	shalt  }
0x55: {  	_ =	shalt  }
0x56: {  	_ =	shalt  }
0x57: {  	_ =	shalt  }
0x58: {  	_ =	shalt  }
0x59: {  	_ =	shalt  }
0x5a: {  	_ =	shalt  }
0x5b: {  	_ =	shalt  }
0x5c: {  	_ =	shalt  }
0x5d: {  	_ =	shalt  }
0x5e: {  	_ =	shalt  }
0x5f: {  	_ =	shalt  }
0x60: {  	_ =	shalt  }
0x61: {  	_ =	shalt  }
0x62: {  	_ =	shalt  }
0x63: {  	_ =	shalt  }
0x64: {  	_ =	shalt  }
0x65: {  	_ =	shalt  }
0x66: {  	_ =	shalt  }
0x67: {  	_ =	shalt  }
0x68: {  	_ =	shalt  }
0x69: {  	_ =	shalt  }
0x6a: {  	_ =	shalt  }
0x6b: {  	_ =	shalt  }
0x6c: {  	_ =	shalt  }
0x6d: {  	_ =	shalt  }
0x6e: {  	_ =	shalt  }
0x6f: {  	_ =	shalt  }
0x70: {  	_ =	shalt  }
0x71: {  	_ =	shalt  }
0x72: {  	_ =	shalt  }
0x73: {  	_ =	shalt  }
0x74: {  	_ =	shalt  }
0x75: {  	_ =	shalt  }
0x76: {  	_ =	shalt  }
0x77: {  	_ =	shalt  }
0x78: {  	_ =	shalt  }
0x79: {  	_ =	shalt  }
0x7a: {  	_ =	shalt  }
0x7b: {  	_ =	shalt  }
0x7c: {  	_ =	shalt  }
0x7d: {  	_ =	shalt  }
0x7e: {  	_ =	shalt  }
0x7f: {  	_ =	shalt  }
0x80: {  	_ =	shalt  }
0x81: {  	_ =	shalt  }
0x82: {  	_ =	shalt  }
0x83: {  	_ =	shalt  }
0x84: {  	_ =	shalt  }
0x85: {  	_ =	shalt  }
0x86: {  	_ =	shalt  }
0x87: {  	_ =	shalt  }
.Lfunc_end0:
.L_simem_size_0:
called_computation_lowered:
.L_overlay_start_0:
0x88: {  	s2 =	sld [smem:$0x3FD9]  }
0x89: {  	s3 =	sld [smem:$0x3FFE];
	_ =	sdelay $0x1  }
0x8a: {  	s1 =	srdreg.scid  }
0x8b: {  	s0 =	sand.u32 $0x1, s1  }
0x8c: {  	s17 =	sshll.u32 s0, $0xA;
	s2 =	sadd.s32 s3, s2  }
0x8d: {  	s2 =	sadd.s32 s2, s17  }
0x8e: {  	[smem:$0x3FC5] =	sst s2  }
0x8f: {  	_ = 	snop  }
0x90: {  	s2 =	sld [smem:$0x3FC9]  }
0x91: {  	s18 =	sld [smem:$0x3FC8]  }
0x92: {  	s4 =	sld [smem:$0x3FC7];
	(tm) =	ssettm $0x1  }
0x93: {  	s5 =	sld [smem:$0x3FFB];
	_ =	sdelay $0x3  }
0x94: {  	_ =	strace s5  }
0x95: {  	s5 =	sld [smem:$0x3FFC];
	_ =	sdelay $0x3  }
0x96: {  	_ =	strace s5  }
0x97: {  	s5 =	sld [smem:$0x3FFD];
	_ =	sdelay $0x3  }
0x98: {  	_ =	strace s5  }
0x99: {  	_ =	strace $0x8FFFFFFF  }
0x9a: {  	s19 =	sld [smem:$0x3FDB];
	_ =	sdelay $0x1  }
0x9b: {  	s6 =	simm.s32 $_scs_section_size  }
0x9c: {  	s7 =	simm.s32 $_size__tile_overlayer_lowered;
	s8 =	simm.s32 $_tile_overlayer_lowered  }
0x9d: {  	s22 =	simm.s32 $0x1BFF;
	s21 =	sshll.u32 s8, $0x1;
	s5 =	sadd.s32 s6, s19  }
0x9e: {  	s9 =	simm.s32 $0x0;
	s20 =	sshll.u32 s7, $0x1;
	s7 =	sadd.s32 s21, s5  }
0x9f: {  	[timem:s9], [sflag:s22] =	dma.local [hbm:s7], s20  }
0xa0: {  	_ =	swait.ge [sflag:s22], s20  }
0xa1: {  	s6 =	ssub.s32 $0x0, s20;
	[sflag:s22] =	ssyncset.done $0x0  }
0xa2: {  	[sflag:s22] =	ssyncadd.s32 s6;
	_ =	sdelay $0x1  }
0xa3: {  	s23 =	simm.s32 $0x1B8B  }
0xa4: {  	_ =	swait.ge [sflag:s23], $0x1  }
0xa5: {  	[sflag:s23] =	ssyncset.done $0x0  }
0xa6: {  	s25 =	simm.s32 $0x1B8E;
	s24 =	sld [smem:$0x3FFE];
	[sflag:s23] =	ssyncadd.s32 $0xFFFFFFFF  }
0xa7: {  	s26 =	simm.s32 $execute0_lowered;
	[smem:$0x3FD2] =	sst s25  }
0xa8: {  	s7 =	sshll.u32 s26, $0x1;
	_ =	strace $0x80000046;
	[dreg:$0x1] =	wrdreg $0xFFFFFFFF  }
0xa9: {  	s28 =	simm.s32 $_size_execute0_lowered;
	s5 =	sadd.s32 s5, s7;
	[dreg:$0x0] =	wrdreg $0x0  }
0xaa: {  	s7 =	sshll.u32 s28, $0x1;
	[dreg:$0x2] =	wrdreg s5  }
0xab: {  	[dreg:$0x3] =	wrdreg s7  }
0xac: {  	[dreg:$0x4] =	wrdreg $0xC0  }
0xad: {  	_ =	task [dreg:s9], $0x5FFFF  }
0xae: {  	[dreg:$0x1] =	wrdreg $0xFFFFFFFF  }
0xaf: {  	[dreg:$0x0] =	wrdreg $0x60  }
0xb0: {  	[dreg:$0x2] =	wrdreg s2  }
0xb1: {  	[dreg:$0x3] =	wrdreg s18  }
0xb2: {  	[dreg:$0x4] =	wrdreg s4  }
0xb3: {  	[dreg:$0x5] =	wrdreg s24  }
0xb4: {  	[dreg:$0x6] =	wrdreg $0x9  }
0xb5: {  	_ =	task.clear_ibuf [dreg:s9], $0x7FFFF;
	_ =	strace $0x90000046  }
0xb6: {  	s29 =	simm.s32 $0x9;
	_ =	strace $0x80000048  }
0xb7: {  	_ =	swait.ge [sflag:s29], $0x1  }
0xb8: {  	[sflag:s29] =	ssyncadd.s32 $0xFFFFFFFF  }
0xb9: {  	_ =	strace $0x90000048  }
0xba: {  	_ =	sfence  }
0xbb: {  	s30 =	sld [smem:$0x0];
	_ =	sdelay $0x2  }
0xbc: {  	s31 =	sshll.u32 s1, $0xD;
	s1 =	sshrl.u32 s1, $0x2  }
0xbd: {  	s3 =	sand.u32 $0x4000, s31;
	s1 =	sadd.s32 s1, s30  }
0xbe: {  	s0 =	sor.u32 s3, s0;
	s1 =	sshll.u32 s1, $0x11  }
0xbf: {  	s0 =	sor.u32 s1, s0  }
0xc0: {  	s0 =	sadd.s32 $0x8F2B, s0  }
0xc1: {  	[sflag:s0] =	ssyncadd.remote.s32 $0x1  }
0xc2: {  	_ =	sfence.sel $0xFFFF  }
0xc3: {  	[dreg:$0x0] =	wrdreg $0xFFFFFFFF;
	(pc) =	sbr.abs _section_cstart, $3  }
0xc4: {  	[dreg:$0x1] =	wrdreg $0xFFFFFFFF  }
0xc5: {  	_ =	task.clear_ibuf [dreg:s9], $0x2FFFF;
	_ =	strace $0x9FFFFFFF  }
0xc6: {  	(tm) =	ssettm $0x7FFFFFFF  }
0xc7: {  	_ =	shalt  }
tec
execute0_lowered:
.L_overlay_start_1:
0x0: {  	(tag) =	ssettag $0x1  }
0x1: {  	s7 =	rddreg [dreg:$0x0]  }
0x2: {  	s6 =	rddreg [dreg:$0x1]  }
0x3: {  	s2 =	rddreg [dreg:$0x2];
	s1 =	srdreg.scid  }
0x4: {  	s0 =	stileid.u32;
	s4 =	rddreg [dreg:$0x3];
	s3 =	simm.s32 $0x0  }
0x5: {  	s13 =	simm.s32 $0x200;
	s14 =	simm.s32 $0x80;
	s15 =	simm.s32 $0x8200  }
0x6: {  	s16 =	simm.s32 $0x4200;
	s17 =	simm.s32 $0xC200;
	s18 =	simm.s32 $0x1  }
0x7: {  	s19 =	simm.s32 $0x3;
	s20 =	simm.s32 $0x100;
	s21 =	simm.s32 $0x2  }
0x8: {  	s22 =	simm.s32 $0x4;
	s23 =	simm.s32 $0x180;
	s24 =	simm.s32 $0x10200  }
0x9: {  	s5 =	sand.u32 $0x1, s1;
	s8 =	sshll.u32 s0, $0x1;
	s1 =	rddreg [dreg:$0x4]  }
0xa: {  	s25 =	simm.s32 $0x0;
	[smem:$0x7FF] =	sst s3;
	s8 =	sor.u32 s5, s8  }
0xb: {  	_ =	strace $0x80000047;
	s28 =	ssub.s32 $0x2, s5;
	s9 =	sshll.u32 s8, $0x4  }
0xc: {  	s5 =	sshrl.u32 s28, $0x1;
	s29 =	sshll.u32 s8, $0x9;
	s11 =	sshll.u32 s8, $0x6  }
0xd: {  	s8 =	sshll.u32 s8, $0xD;
	s10 =	sadd.s32 s9, s4;
	s12 =	ssub.s32 s28, s5  }
0xe: {  	s4 =	sadd.s32 s6, s11;
	s30 =	sor.u32 $0x80, s29;
	s5 =	sadd.s32 s7, s8  }
0xf: {  	s9 =	sshrl.u32 s30, $0x3;
	s31 =	sshll.u32 s30, $0x4;
	s8 =	sadd.s32 $0x1000, s5  }
0x10: {  	s10 =	sadd.s32 $0x600, s10;
	s11 =	smax.u32 s12, $0x1;
	s12 =	simm.s32 $0x5  }
0x11: {  	s6 =	sadd.s32 s6, s9;
	s7 =	sadd.s32 s7, s31;
	s9 =	sadd.s32 $0x1800, s5  }
.LBB2_1:
0x12: {  	[tilespmem:s3], [sflag:$0x5] =	stream.linear.gather [hbm4b:s4+s3], $0x80, $0x38;
	[tilespmem:$0x10280] =	vst v63  }
0x13: {  	_ =	swait.ge [sflag:s12], $0x80  }
0x14: {  	[sflag:s12] =	ssyncset.done $0x0  }
0x15: {  	[sflag:s12] =	ssyncadd.s32 $0xFFFFFF80  }
0x16: {  	[tilespmem:s13], [sflag:$0x1] =	stream.linear.gather [hbm4b:s5+s3], $0x4000, $0x38;
	[tilespmem:$0x10280] =	vst v63  }
0x17: {  	_ = 	snop  }
0x18: {  	[tilespmem:s15], [sflag:$0x3] =	stream.indirect.gather [hbm4b:s2+s14], $0x80, s3, s14, $0xb8;
	[tilespmem:$0x10280] =	vst v63  }
0x19: {  	_ = 	snop  }
0x1a: {  	[tilespmem:s14], [sflag:$0x5] =	stream.linear.gather [hbm4b:s6+s3], $0x180, $0x38;
	[tilespmem:$0x10280] =	vst v63  }
0x1b: {  	_ =	swait.ge [sflag:s12], $0x180  }
0x1c: {  	[sflag:s12] =	ssyncset.done $0x0  }
0x1d: {  	[sflag:s12] =	ssyncadd.s32 $0xFFFFFE80  }
0x1e: {  	[tilespmem:s16], [sflag:$0x2] =	stream.linear.gather [hbm4b:s7+s3], $0x4000, $0x38;
	[tilespmem:$0x10280] =	vst v63  }
0x1f: {  	_ = 	snop  }
0x20: {  	[tilespmem:s17], [sflag:$0x4] =	stream.indirect.gather [hbm4b:s2+s14], $0x80, s14, s14, $0xb8;
	[tilespmem:$0x10280] =	vst v63  }
0x21: {  	_ =	swait.ge [sflag:s18], $0x4000  }
0x22: {  	[sflag:s18] =	ssyncset.done $0x0  }
0x23: {  	[sflag:s18] =	ssyncadd.s32 $0xFFFFC000  }
0x24: {  	_ =	swait.ge [sflag:s19], $0x4000  }
0x25: {  	[sflag:s19] =	ssyncset.done $0x0  }
0x26: {  	s26 =	simm.s32 $0x0;
	[sflag:s19] =	ssyncadd.s32 $0xFFFFC000  }
0x27: {  	v0 =	vld [tilespmem:s26+$0x85C0];
	_ =	sdelay $0x4  }
0x28: {  	[tilespmem:$0x1FBE0] =	vst v0;
	v0 =	vld [tilespmem:s26+$0x85D0]  }
0x29: {  	v8 =	vld [tilespmem:s26+$0x580]  }
0x2a: {  	v12 =	vld [tilespmem:s26+$0x8580]  }
0x2b: {  	v9 =	vld [tilespmem:s26+$0x590]  }
0x2c: {  	v13 =	vld [tilespmem:s26+$0x8590]  }
0x2d: {  	[tilespmem:$0x1FBF0] =	vst v0;
	v0 =	vld [tilespmem:s26+$0x5E0]  }
0x2e: {  	v16 =	vld [tilespmem:s26+$0x5A0]  }
0x2f: {  	v18 =	vld [tilespmem:s26+$0x85A0];
	v8 =	vsub.f32 v8, v12  }
0x30: {  	v17 =	vld [tilespmem:s26+$0x5B0]  }
0x31: {  	v19 =	vld [tilespmem:s26+$0x85B0];
	[tilespmem:$0x1FEA0] =	vst v8  }
0x32: {  	v8 =	vsub.f32 v9, v13;
	[tilespmem:$0x1FC00] =	vst v0;
	v0 =	vld [tilespmem:s26+$0x85F0];
	_ =	sdelay $0x1  }
0x33: {  	[tilespmem:$0x1FEB0] =	vst v8;
	v8 =	vsub.f32 v16, v18;
	_ =	sdelay $0x1  }
0x34: {  	[tilespmem:$0x1FEC0] =	vst v8  }
0x35: {  	v8 =	vsub.f32 v17, v19;
	[tilespmem:$0x1FC30] =	vst v0;
	v0 =	vld [tilespmem:s26+$0x500]  }
0x36: {  	v21 =	vld [tilespmem:s26+$0x5C0]  }
0x37: {  	[tilespmem:$0x1FED0] =	vst v8;
	v8 =	vld [tilespmem:$0x1FBE0];
	_ =	sdelay $0x2  }
0x38: {  	[tilespmem:$0x1FC20] =	vst v0;
	v0 =	vld [tilespmem:s26+$0x510];
	_ =	sdelay $0x1  }
0x39: {  	v8 =	vsub.f32 v21, v8  }
0x3a: {  	v56 =	vld [tilespmem:s26+$0x5D0]  }
0x3b: {  	[tilespmem:$0x1FEE0] =	vst v8;
	v8 =	vld [tilespmem:$0x1FBF0]  }
0x3c: {  	[tilespmem:$0x1FC50] =	vst v0;
	v0 =	vld [tilespmem:s26+$0x8510];
	_ =	sdelay $0x4  }
0x3d: {  	v8 =	vsub.f32 v56, v8;
	[tilespmem:$0x1FC60] =	vst v0;
	v0 =	vld [tilespmem:s26+$0x520]  }
0x3e: {  	v4 =	vld [tilespmem:s26+$0x85E0]  }
0x3f: {  	[tilespmem:$0x1FEF0] =	vst v8;
	v8 =	vld [tilespmem:$0x1FC00];
	_ =	sdelay $0x2  }
0x40: {  	[tilespmem:$0x1FC70] =	vst v0;
	v0 =	vld [tilespmem:s26+$0x8520];
	_ =	sdelay $0x1  }
0x41: {  	v4 =	vsub.f32 v8, v4  }
0x42: {  	v7 =	vld [tilespmem:s26+$0x8500]  }
0x43: {  	[tilespmem:$0x1FC10] =	vst v4;
	v4 =	vld [tilespmem:$0x1FC20]  }
0x44: {  	[tilespmem:$0x1FC80] =	vst v0;
	v0 =	vld [tilespmem:s26+$0x530];
	_ =	sdelay $0x4  }
0x45: {  	v4 =	vsub.f32 v4, v7;
	[tilespmem:$0x1FC90] =	vst v0;
	v0 =	vld [tilespmem:s26+$0x8530]  }
0x46: {  	v57 =	vld [tilespmem:s26+$0x5F0]  }
0x47: {  	[tilespmem:$0x1FF00] =	vst v4;
	v4 =	vld [tilespmem:$0x1FC30];
	_ =	sdelay $0x2  }
0x48: {  	[tilespmem:$0x1FCA0] =	vst v0;
	v0 =	vld [tilespmem:s26+$0x540];
	_ =	sdelay $0x1  }
0x49: {  	v4 =	vsub.f32 v57, v4  }
0x4a: {  	v7 =	vld [tilespmem:$0x1FC60]  }
0x4b: {  	[tilespmem:$0x1FC40] =	vst v4;
	v4 =	vld [tilespmem:$0x1FC50]  }
0x4c: {  	[tilespmem:$0x1FCB0] =	vst v0;
	v0 =	vld [tilespmem:s26+$0x8540];
	_ =	sdelay $0x4  }
0x4d: {  	v4 =	vsub.f32 v4, v7;
	[tilespmem:$0x1FCC0] =	vst v0;
	v0 =	vld [tilespmem:s26+$0x550]  }
0x4e: {  	v7 =	vld [tilespmem:$0x1FC80]  }
0x4f: {  	[tilespmem:$0x1FF10] =	vst v4;
	v4 =	vld [tilespmem:$0x1FC70];
	_ =	sdelay $0x1  }
0x50: {  	v3 =	vld [tilespmem:s26+$0x8560]  }
0x51: {  	[tilespmem:$0x1FCD0] =	vst v0;
	v0 =	vld [tilespmem:s26+$0x8550]  }
0x52: {  	v2 =	vld [tilespmem:s26+$0x8480]  }
0x53: {  	v6 =	vld [tilespmem:s26+$0x84E0];
	v4 =	vsub.f32 v4, v7  }
0x54: {  	v7 =	vld [tilespmem:$0x1FCA0]  }
0x55: {  	[tilespmem:$0x1FF20] =	vst v4;
	v4 =	vld [tilespmem:$0x1FC90]  }
0x56: {  	[tilespmem:$0x1FCE0] =	vst v0;
	v0 =	vld [tilespmem:s26+$0x560]  }
0x57: {  	v5 =	vld [tilespmem:s26+$0x8400]  }
0x58: {  	v1 =	vld [tilespmem:s26+$0x410]  }
0x59: {  	v11 =	vld [tilespmem:s26+$0x8420]  }
0x5a: {  	v4 =	vsub.f32 v4, v7;
	v7 =	vld [tilespmem:$0x1FCC0]  }
0x5b: {  	[tilespmem:$0x1FCF0] =	vst v0;
	v0 =	vld [tilespmem:s26+$0x570]  }
0x5c: {  	[tilespmem:$0x1FF30] =	vst v4;
	v4 =	vld [tilespmem:$0x1FCB0]  }
0x5d: {  	v20 =	vld [tilespmem:s26+$0x440]  }
0x5e: {  	v58 =	vld [tilespmem:s26+$0x8440]  }
0x5f: {  	v59 =	vld [tilespmem:s26+$0x450]  }
0x60: {  	[tilespmem:$0x1FD20] =	vst v0;
	v0 =	vld [tilespmem:s26+$0x8570]  }
0x61: {  	v60 =	vld [tilespmem:s26+$0x8450];
	v4 =	vsub.f32 v4, v7  }
0x62: {  	v61 =	vld [tilespmem:s26+$0x460]  }
0x63: {  	[tilespmem:$0x1FF40] =	vst v4;
	v4 =	vld [tilespmem:$0x1FCD0]  }
0x64: {  	v7 =	vld [tilespmem:$0x1FCE0]  }
0x65: {  	[tilespmem:$0x1FD30] =	vst v0;
	v0 =	vld [tilespmem:s26+$0x480]  }
0x66: {  	v62 =	vld [tilespmem:s26+$0x8460]  }
0x67: {  	v63 =	vld [tilespmem:s26+$0x470]  }
0x68: {  	v55 =	vld [tilespmem:s26+$0x8470]  }
0x69: {  	v53 =	vld [tilespmem:s26+$0x380]  }
0x6a: {  	v4 =	vsub.f32 v4, v7;
	[tilespmem:$0x1FD10] =	vst v0;
	v0 =	vld [tilespmem:s26+$0x490]  }
0x6b: {  	v10 =	vld [tilespmem:s26+$0x8380]  }
0x6c: {  	[tilespmem:$0x1FF50] =	vst v4;
	v4 =	vld [tilespmem:$0x1FCF0]  }
0x6d: {  	v54 =	vld [tilespmem:s26+$0x390]  }
0x6e: {  	v52 =	vld [tilespmem:s26+$0x8390]  }
0x6f: {  	[tilespmem:$0x1FD50] =	vst v0;
	v0 =	vld [tilespmem:s26+$0x8490]  }
0x70: {  	v50 =	vld [tilespmem:s26+$0x3A0]  }
0x71: {  	v49 =	vld [tilespmem:s26+$0x83A0];
	v3 =	vsub.f32 v4, v3  }
0x72: {  	v51 =	vld [tilespmem:s26+$0x3B0]  }
0x73: {  	[tilespmem:$0x1FD00] =	vst v3;
	v3 =	vld [tilespmem:$0x1FD10]  }
0x74: {  	[tilespmem:$0x1FD60] =	vst v0;
	v0 =	vld [tilespmem:s26+$0x4A0]  }
0x75: {  	v45 =	vld [tilespmem:s26+$0x83B0]  }
0x76: {  	v47 =	vld [tilespmem:s26+$0x3C0]  }
0x77: {  	v44 =	vld [tilespmem:s26+$0x83C0]  }
0x78: {  	v48 =	vld [tilespmem:s26+$0x3D0]  }
0x79: {  	v2 =	vsub.f32 v3, v2;
	[tilespmem:$0x1FD70] =	vst v0;
	v0 =	vld [tilespmem:s26+$0x84A0]  }
0x7a: {  	v3 =	vld [tilespmem:$0x1FD30]  }
0x7b: {  	[tilespmem:$0x1FF60] =	vst v2;
	v2 =	vld [tilespmem:$0x1FD20]  }
0x7c: {  	v42 =	vld [tilespmem:s26+$0x83D0]  }
0x7d: {  	v41 =	vld [tilespmem:s26+$0x3E0]  }
0x7e: {  	[tilespmem:$0x1FD80] =	vst v0;
	v0 =	vld [tilespmem:s26+$0x4B0]  }
0x7f: {  	v15 =	vld [tilespmem:s26+$0x83E0]  }
0x80: {  	v46 =	vld [tilespmem:s26+$0x3F0];
	v2 =	vsub.f32 v2, v3  }
0x81: {  	v3 =	vld [tilespmem:$0x1FD60]  }
0x82: {  	[tilespmem:$0x1FD40] =	vst v2;
	v2 =	vld [tilespmem:$0x1FD50]  }
0x83: {  	[tilespmem:$0x1FD90] =	vst v0;
	v0 =	vld [tilespmem:s26+$0x84B0]  }
0x84: {  	v43 =	vld [tilespmem:s26+$0x83F0]  }
0x85: {  	v38 =	vld [tilespmem:s26+$0x300]  }
0x86: {  	v14 =	vld [tilespmem:s26+$0x8300]  }
0x87: {  	v40 =	vld [tilespmem:s26+$0x310]  }
0x88: {  	v2 =	vsub.f32 v2, v3;
	[tilespmem:$0x1FDA0] =	vst v0;
	v0 =	vld [tilespmem:s26+$0x4C0]  }
0x89: {  	v3 =	vld [tilespmem:$0x1FD80]  }
0x8a: {  	[tilespmem:$0x1FF70] =	vst v2;
	v2 =	vld [tilespmem:$0x1FD70]  }
0x8b: {  	v36 =	vld [tilespmem:s26+$0x8310]  }
0x8c: {  	v39 =	vld [tilespmem:s26+$0x320]  }
0x8d: {  	[tilespmem:$0x1FDB0] =	vst v0;
	v0 =	vld [tilespmem:s26+$0x84C0]  }
0x8e: {  	v27 =	vld [tilespmem:s26+$0x8320]  }
0x8f: {  	v37 =	vld [tilespmem:s26+$0x330];
	v2 =	vsub.f32 v2, v3  }
0x90: {  	v34 =	vld [tilespmem:s26+$0x8330]  }
0x91: {  	[tilespmem:$0x1FF80] =	vst v2;
	v2 =	vld [tilespmem:$0x1FD90]  }
0x92: {  	[tilespmem:$0x1FDC0] =	vst v0;
	v0 =	vld [tilespmem:s26+$0x4D0]  }
0x93: {  	v3 =	vld [tilespmem:$0x1FDA0]  }
0x94: {  	v35 =	vld [tilespmem:s26+$0x340]  }
0x95: {  	v26 =	vld [tilespmem:s26+$0x8340]  }
0x96: {  	v33 =	vld [tilespmem:s26+$0x350]  }
0x97: {  	[tilespmem:$0x1FDD0] =	vst v0;
	v0 =	vld [tilespmem:s26+$0x84D0]  }
0x98: {  	v23 =	vld [tilespmem:s26+$0x8350];
	v2 =	vsub.f32 v2, v3  }
0x99: {  	v31 =	vld [tilespmem:s26+$0x360]  }
0x9a: {  	[tilespmem:$0x1FF90] =	vst v2;
	v2 =	vld [tilespmem:$0x1FDB0]  }
0x9b: {  	v3 =	vld [tilespmem:$0x1FDC0]  }
0x9c: {  	[tilespmem:$0x1FDE0] =	vst v0;
	v0 =	vld [tilespmem:s26+$0x4E0]  }
0x9d: {  	v22 =	vld [tilespmem:s26+$0x8360]  }
0x9e: {  	v32 =	vld [tilespmem:s26+$0x370]  }
0x9f: {  	v30 =	vld [tilespmem:s26+$0x8370]  }
0xa0: {  	v29 =	vld [tilespmem:s26+$0x280];
	v2 =	vsub.f32 v2, v3  }
0xa1: {  	[tilespmem:$0x1FDF0] =	vst v0;
	v0 =	vld [tilespmem:s26+$0x4F0]  }
0xa2: {  	[tilespmem:$0x1FFA0] =	vst v2;
	v2 =	vld [tilespmem:$0x1FDD0]  }
0xa3: {  	v3 =	vld [tilespmem:$0x1FDE0]  }
0xa4: {  	[tilespmem:$0x1FE40] =	vst v1;
	v1 =	vld [tilespmem:s26+$0x8410]  }
0xa5: {  	v12 =	vld [tilespmem:s26+$0x2D0]  }
0xa6: {  	[tilespmem:$0x1FE10] =	vst v0;
	v0 =	vld [tilespmem:s26+$0x84F0]  }
0xa7: {  	v9 =	vld [tilespmem:s26+$0x82D0]  }
0xa8: {  	v8 =	vld [tilespmem:s26+$0x2E0];
	v2 =	vsub.f32 v2, v3  }
0xa9: {  	v7 =	vld [tilespmem:s26+$0x82E0]  }
0xaa: {  	[tilespmem:$0x1FFB0] =	vst v2;
	v2 =	vld [tilespmem:$0x1FDF0]  }
0xab: {  	v57 =	vsub.f32 v20, v58;
	[tilespmem:$0x1FE20] =	vst v0;
	v0 =	vld [tilespmem:s26+$0x400]  }
0xac: {  	v28 =	vld [tilespmem:s26+$0x8280];
	v58 =	vsub.f32 v61, v62;
	v3 =	vsub.f32 v41, v15  }
0xad: {  	v25 =	vld [tilespmem:s26+$0x290];
	[tilespmem:$0x1FE50] =	vst v1;
	v62 =	vsub.f32 v54, v52;
	v54 =	vsub.f32 v40, v36  }
0xae: {  	v1 =	vld [tilespmem:s26+$0x420];
	v36 =	vsub.f32 v12, v9;
	[tilespmem:$0x1FE80] =	vst v3;
	v3 =	vsub.f32 v46, v43  }
0xaf: {  	v12 =	vsub.f32 v8, v7;
	v7 =	vld [tilespmem:s26+$0x8260];
	v2 =	vsub.f32 v2, v6  }
0xb0: {  	[tilespmem:$0x1FE90] =	vst v3;
	v3 =	vld [tilespmem:s26+$0x260];
	v0 =	vsub.f32 v0, v5  }
0xb1: {  	[tilespmem:$0x1FE00] =	vst v2;
	v2 =	vld [tilespmem:$0x1FE20]  }
0xb2: {  	[tilespmem:$0x1FFC0] =	vst v0;
	v0 =	vld [tilespmem:$0x1FE10]  }
0xb3: {  	v24 =	vld [tilespmem:s26+$0x8290]  }
0xb4: {  	v13 =	vld [tilespmem:s26+$0x82C0]  }
0xb5: {  	v18 =	vld [tilespmem:s26+$0x2B0]  }
0xb6: {  	v51 =	vsub.f32 v51, v45;
	[tilespmem:$0x1FE60] =	vst v1;
	v1 =	vld [tilespmem:s26+$0x430]  }
0xb7: {  	v45 =	vsub.f32 v3, v7;
	v3 =	vld [tilespmem:$0x1FF10];
	v0 =	vsub.f32 v0, v2  }
0xb8: {  	v2 =	vld [tilespmem:$0x1FE50]  }
0xb9: {  	[tilespmem:$0x1FE30] =	vst v0;
	v0 =	vld [tilespmem:$0x1FE40]  }
0xba: {  	v16 =	vld [tilespmem:s26+$0x2C0]  }
0xbb: {  	v19 =	vld [tilespmem:s26+$0x82A0]  }
0xbc: {  	v20 =	vsub.f32 v48, v42;
	v48 =	vsub.f32 v38, v14;
	v14 =	vmul.f32 v3, v3;
	v3 =	vld [tilespmem:$0x1FF20]  }
0xbd: {  	v21 =	vld [tilespmem:s26+$0x2A0]  }
0xbe: {  	[tilespmem:$0x1FE70] =	vst v1;
	v1 =	vld [tilespmem:s26+$0x8430];
	v0 =	vsub.f32 v0, v2  }
0xbf: {  	v56 =	vsub.f32 v59, v60;
	v60 =	vld [tilespmem:s26+$0x8200]  }
0xc0: {  	[tilespmem:$0x1FFD0] =	vst v0;
	v0 =	vld [tilespmem:$0x1FE60]  }
0xc1: {  	v15 =	vmul.f32 v3, v3;
	v3 =	vld [tilespmem:$0x1FF30]  }
0xc2: {  	v38 =	vld [tilespmem:s26+$0x230]  }
0xc3: {  	v2 =	vld [tilespmem:$0x1FE70]  }
0xc4: {  	v4 =	vld [tilespmem:s26+$0x2F0]  }
0xc5: {  	v6 =	vld [tilespmem:s26+$0x200];
	v0 =	vsub.f32 v0, v11  }
0xc6: {  	v11 =	vsub.f32 v16, v13;
	v13 =	vmul.f32 v3, v3;
	v3 =	vld [tilespmem:$0x1FF40]  }
0xc7: {  	v61 =	vsub.f32 v63, v55;
	[tilespmem:$0x1FFE0] =	vst v0;
	v0 =	vld [tilespmem:s26+$0x82F0]  }
0xc8: {  	v55 =	vsub.f32 v39, v27;
	v39 =	vld [tilespmem:s26+$0x8230];
	v1 =	vsub.f32 v2, v1  }
0xc9: {  	v5 =	vld [tilespmem:s26+$0x8220]  }
0xca: {  	v34 =	vsub.f32 v37, v34;
	[tilespmem:$0x1FFF0] =	vst v1;
	v1 =	vsub.f32 v47, v44;
	v44 =	vld [tilespmem:s26+$0x220]  }
0xcb: {  	v37 =	vsub.f32 v35, v26;
	v26 =	vsub.f32 v33, v23;
	v33 =	vmul.f32 v3, v3;
	v3 =	vld [tilespmem:$0x1FF50]  }
0xcc: {  	v27 =	vsub.f32 v4, v0;
	v0 =	vsub.f32 v6, v60;
	v6 =	vld [tilespmem:$0x1FEB0]  }
0xcd: {  	v17 =	vld [tilespmem:s26+$0x82B0]  }
0xce: {  	v19 =	vsub.f32 v21, v19;
	v21 =	vld [tilespmem:s26+$0x8250]  }
0xcf: {  	v23 =	vsub.f32 v32, v30;
	v9 =	vsub.f32 v44, v5;
	v5 =	vld [tilespmem:$0x1FEA0]  }
0xd0: {  	v2 =	vsub.f32 v53, v10;
	v10 =	vsub.f32 v31, v22;
	v30 =	vmul.f32 v3, v3;
	v3 =	vld [tilespmem:$0x1FF60]  }
0xd1: {  	v22 =	vsub.f32 v25, v24;
	v25 =	vsub.f32 v38, v39;
	v38 =	vmul.f32 v6, v6;
	v6 =	vld [tilespmem:$0x1FEC0]  }
0xd2: {  	v63 =	vsub.f32 v50, v49;
	v49 =	vld [tilespmem:s26+$0x8210]  }
0xd3: {  	v4 =	vld [tilespmem:s26+$0x270]  }
0xd4: {  	v52 =	vsub.f32 v29, v28;
	v28 =	vmul.f32 v5, v5;
	v5 =	vld [tilespmem:s26+$0x8270]  }
0xd5: {  	v46 =	vmul.f32 v3, v3;
	v3 =	vld [tilespmem:$0x1FF70]  }
0xd6: {  	v39 =	vmul.f32 v6, v6;
	v6 =	vld [tilespmem:$0x1FED0]  }
0xd7: {  	v53 =	vld [tilespmem:s26+$0x210]  }
0xd8: {  	v59 =	vld [tilespmem:s26+$0x250]  }
0xd9: {  	v44 =	vsub.f32 v4, v5;
	v4 =	vld [tilespmem:$0x1FFC0]  }
0xda: {  	v47 =	vmul.f32 v3, v3;
	v3 =	vld [tilespmem:$0x1FF80]  }
0xdb: {  	v32 =	vmul.f32 v6, v6;
	v6 =	vld [tilespmem:$0x1FEE0]  }
0xdc: {  	v50 =	vld [tilespmem:s26+$0x240];
	v8 =	vsub.f32 v53, v49  }
0xdd: {  	v18 =	vsub.f32 v18, v17;
	v31 =	vld [tilespmem:s26+$0x8240];
	v0 =	vmul.f32 v0, v0  }
0xde: {  	v16 =	vimm.f32 $0.0e+00;
	v7 =	vmul.f32 v8, v8;
	v40 =	vmul.f32 v4, v4;
	v4 =	vld [tilespmem:$0x1FFD0]  }
0xdf: {  	v8 =	vmul.f32 v52, v52;
	v0 =	vadd.f32 v0, v16;
	v49 =	vmul.f32 v3, v3;
	v3 =	vld [tilespmem:$0x1FF90]  }
0xe0: {  	v18 =	vmul.f32 v18, v18;
	v29 =	vmul.f32 v6, v6;
	v6 =	vld [tilespmem:$0x1FEF0]  }
0xe1: {  	v19 =	vmul.f32 v19, v19;
	v0 =	vadd.f32 v8, v0;
	v8 =	vmul.f32 v9, v9  }
0xe2: {  	v42 =	vsub.f32 v59, v21;
	v21 =	vmul.f32 v22, v22;
	v9 =	vmul.f32 v25, v25  }
0xe3: {  	v43 =	vsub.f32 v50, v31;
	v8 =	vadd.f32 v8, v16;
	v53 =	vmul.f32 v4, v4;
	v4 =	vld [tilespmem:$0x1FFE0]  }
0xe4: {  	v7 =	vadd.f32 v7, v16;
	v9 =	vadd.f32 v9, v16;
	v50 =	vmul.f32 v3, v3;
	v3 =	vld [tilespmem:$0x1FFA0]  }
0xe5: {  	v8 =	vadd.f32 v19, v8;
	v19 =	vmul.f32 v48, v48;
	v24 =	vmul.f32 v6, v6;
	v6 =	vld [tilespmem:$0x1FF00]  }
0xe6: {  	v7 =	vadd.f32 v21, v7;
	v9 =	vadd.f32 v18, v9;
	v18 =	vmul.f32 v54, v54  }
0xe7: {  	v0 =	vadd.f32 v19, v0;
	v19 =	vmul.f32 v55, v55  }
0xe8: {  	v35 =	vmul.f32 v56, v56;
	v7 =	vadd.f32 v18, v7;
	v18 =	vmul.f32 v34, v34  }
0xe9: {  	v8 =	vadd.f32 v19, v8;
	v19 =	vmul.f32 v2, v2;
	v54 =	vmul.f32 v4, v4;
	v4 =	vld [tilespmem:$0x1FFF0]  }
0xea: {  	v17 =	vimm.f32 $0.0e+00;
	v31 =	vmul.f32 v6, v6;
	v6 =	vmul.f32 v3, v3;
	v3 =	vld [tilespmem:$0x1FFB0]  }
0xeb: {  	v21 =	vmul.f32 v62, v62;
	v48 =	vmul.f32 v1, v1;
	v9 =	vadd.f32 v18, v9  }
0xec: {  	v18 =	vadd.f32 v19, v0;
	v0 =	vmul.f32 v63, v63;
	v19 =	vmul.f32 v51, v51  }
0xed: {  	v34 =	vmul.f32 v57, v57;
	v63 =	vadd.f32 v21, v7;
	v51 =	vmul.f32 v20, v20  }
0xee: {  	v60 =	vadd.f32 v0, v8;
	v62 =	vadd.f32 v19, v9;
	v9 =	vimm.f32 $0.0e+00  }
0xef: {  	s26 =	simm.s32 $0x1000;
	v8 =	vimm.f32 $0.0e+00;
	v55 =	vmul.f32 v4, v4;
	v3 =	vmul.f32 v3, v3  }
.LBB2_2:
0xf0: {  	v18 =	vadd.f32 v40, v18;
	_ =	sdelay $0x1  }
0xf1: {  	v19 =	vadd.f32 v53, v63;
	v18 =	vadd.f32 v46, v18  }
0xf2: {  	v21 =	vadd.f32 v54, v60  }
0xf3: {  	v19 =	vadd.f32 v47, v19;
	v18 =	vadd.f32 v31, v18  }
0xf4: {  	v63 =	vadd.f32 v55, v62;
	v21 =	vadd.f32 v49, v21  }
0xf5: {  	v19 =	vadd.f32 v14, v19;
	v1 =	vadd.f32 v28, v18  }
0xf6: {  	v59 =	vadd.f32 v50, v63  }
0xf7: {  	v21 =	vadd.f32 v15, v21;
	[tilespmem:$0x1FB30] =	vst v1;
	v1 =	vadd.f32 v38, v19;
	_ =	sdelay $0x1  }
0xf8: {  	v60 =	vadd.f32 v13, v59;
	[tilespmem:$0x1FB40] =	vst v1;
	v1 =	vadd.f32 v39, v21;
	_ =	sdelay $0x1  }
0xf9: {  	[tilespmem:$0x1FB50] =	vst v1;
	v1 =	vadd.f32 v32, v60  }
0xfa: {  	v43 =	vmul.f32 v43, v43;
	v42 =	vmul.f32 v42, v42  }
0xfb: {  	v0 =	vmul.f32 v37, v37;
	v37 =	vmul.f32 v11, v11;
	[tilespmem:$0x1FB60] =	vst v1;
	v1 =	vld [tilespmem:$0x1FE80]  }
0xfc: {  	v57 =	vmul.f32 v36, v36;
	v4 =	vadd.f32 v43, v16;
	v9 =	vadd.f32 v42, v9;
	_ =	sdelay $0x1  }
0xfd: {  	v52 =	vmul.f32 v26, v26;
	v4 =	vadd.f32 v37, v4;
	v9 =	vadd.f32 v57, v9  }
0xfe: {  	v18 =	vmul.f32 v44, v44  }
0xff: {  	v0 =	vadd.f32 v0, v4;
	v4 =	vadd.f32 v52, v9;
	v9 =	vmul.f32 v1, v1;
	v1 =	vld [tilespmem:$0x1FE90]  }
0x100: {  	v7 =	vadd.f32 v18, v17;
	v18 =	vmul.f32 v27, v27;
	_ =	sdelay $0x1  }
0x101: {  	v7 =	vadd.f32 v18, v7;
	v18 =	vmul.f32 v23, v23;
	_ =	sdelay $0x1  }
0x102: {  	v41 =	vmul.f32 v45, v45;
	v7 =	vadd.f32 v18, v7;
	v18 =	vmul.f32 v1, v1;
	v1 =	vld [tilespmem:$0x1FE00];
	_ =	sdelay $0x1  }
0x103: {  	v8 =	vadd.f32 v41, v8;
	v19 =	vmul.f32 v12, v12;
	_ =	sdelay $0x1  }
0x104: {  	v62 =	vmul.f32 v10, v10;
	v8 =	vadd.f32 v19, v8  }
0x105: {  	v7 =	vadd.f32 v18, v7;
	v18 =	vmul.f32 v1, v1;
	v1 =	vld [tilespmem:$0x1FE30]  }
0x106: {  	v8 =	vadd.f32 v62, v8;
	_ =	sdelay $0x1  }
0x107: {  	v8 =	vadd.f32 v9, v8;
	v9 =	vmul.f32 v61, v61;
	_ =	sdelay $0x1  }
0x108: {  	v7 =	vadd.f32 v9, v7;
	v9 =	vmul.f32 v1, v1;
	v1 =	vld [tilespmem:$0x1FD00];
	_ =	sdelay $0x2  }
0x109: {  	v19 =	vmul.f32 v58, v58  }
0x10a: {  	v0 =	vadd.f32 v48, v0  }
0x10b: {  	v8 =	vadd.f32 v19, v8;
	v19 =	vmul.f32 v1, v1;
	v1 =	vld [tilespmem:$0x1FD40]  }
0x10c: {  	v0 =	vadd.f32 v34, v0  }
0x10d: {  	v4 =	vadd.f32 v51, v4  }
0x10e: {  	v0 =	vadd.f32 v6, v0  }
0x10f: {  	v4 =	vadd.f32 v35, v4  }
0x110: {  	v0 =	vadd.f32 v33, v0;
	v7 =	vadd.f32 v9, v7;
	v9 =	vmul.f32 v1, v1;
	v1 =	vld [tilespmem:$0x1FC10]  }
0x111: {  	v4 =	vadd.f32 v3, v4  }
0x112: {  	v0 =	vadd.f32 v29, v0  }
0x113: {  	v8 =	vadd.f32 v18, v8;
	v18 =	vadd.f32 v30, v4;
	_ =	sdelay $0x1  }
0x114: {  	[tilespmem:$0x1FB10] =	vst v0;
	v0 =	vadd.f32 v24, v18;
	v8 =	vadd.f32 v19, v8;
	v1 =	vmul.f32 v1, v1  }
0x115: {  	s28 =	sshra.s32 s26, $0x2;
	v2 =	vld [tilespmem:$0x1FC40]  }
0x116: {  	[tilespmem:$0x1FB80] =	vst v0;
	v0 =	vadd.f32 v1, v8;
	v1 =	vld [tilespmem:s28+$0x8460];
	_ =	sdelay $0x4  }
0x117: {  	v19 =	vmul.f32 v2, v2;
	v7 =	vadd.f32 v9, v7;
	[tilespmem:$0x1FA10] =	vst v1;
	v1 =	vld [tilespmem:s28+$0x470];
	_ =	sdelay $0x1  }
0x118: {  	[tilespmem:$0x1FBC0] =	vst v0;
	v0 =	vadd.f32 v19, v7;
	_ =	sdelay $0x1  }
0x119: {  	[tilespmem:$0x1FB20] =	vst v0;
	v0 =	vld [tilespmem:s28+$0x480]  }
0x11a: {  	[tilespmem:$0x1FA40] =	vst v1;
	v1 =	vld [tilespmem:s28+$0x8470];
	_ =	sdelay $0x3  }
0x11b: {  	[tilespmem:$0x1F850] =	vst v0;
	v0 =	vld [tilespmem:s28+$0x8480]  }
0x11c: {  	[tilespmem:$0x1FA50] =	vst v1;
	v1 =	vld [tilespmem:s28+$0x380];
	_ =	sdelay $0x3  }
0x11d: {  	[tilespmem:$0x1F860] =	vst v0;
	v0 =	vld [tilespmem:s28+$0x490]  }
0x11e: {  	[tilespmem:$0x1FA20] =	vst v1;
	v1 =	vld [tilespmem:s28+$0x8380];
	_ =	sdelay $0x3  }
0x11f: {  	[tilespmem:$0x1F870] =	vst v0;
	v0 =	vld [tilespmem:s28+$0x8490]  }
0x120: {  	[tilespmem:$0x1FA30] =	vst v1;
	v1 =	vld [tilespmem:s28+$0x390];
	_ =	sdelay $0x3  }
0x121: {  	[tilespmem:$0x1F880] =	vst v0;
	v0 =	vld [tilespmem:s28+$0x4A0]  }
0x122: {  	[tilespmem:$0x1FA60] =	vst v1;
	v1 =	vld [tilespmem:s28+$0x8390];
	_ =	sdelay $0x3  }
0x123: {  	[tilespmem:$0x1F890] =	vst v0;
	v0 =	vld [tilespmem:s28+$0x84A0]  }
0x124: {  	[tilespmem:$0x1FA70] =	vst v1;
	v1 =	vld [tilespmem:s28+$0x3A0];
	_ =	sdelay $0x3  }
0x125: {  	[tilespmem:$0x1F8A0] =	vst v0;
	v0 =	vld [tilespmem:s28+$0x4B0]  }
0x126: {  	[tilespmem:$0x1FA80] =	vst v1;
	v1 =	vld [tilespmem:s28+$0x83A0];
	_ =	sdelay $0x3  }
0x127: {  	[tilespmem:$0x1F8B0] =	vst v0;
	v0 =	vld [tilespmem:s28+$0x84B0]  }
0x128: {  	[tilespmem:$0x1FA90] =	vst v1;
	v1 =	vld [tilespmem:s28+$0x3B0];
	_ =	sdelay $0x3  }
0x129: {  	[tilespmem:$0x1F8C0] =	vst v0;
	v0 =	vld [tilespmem:s28+$0x4C0]  }
0x12a: {  	[tilespmem:$0x1FAA0] =	vst v1;
	v1 =	vld [tilespmem:s28+$0x83B0];
	_ =	sdelay $0x3  }
0x12b: {  	[tilespmem:$0x1F8D0] =	vst v0;
	v0 =	vld [tilespmem:s28+$0x84C0]  }
0x12c: {  	[tilespmem:$0x1FAB0] =	vst v1;
	v1 =	vld [tilespmem:s28+$0x3C0];
	_ =	sdelay $0x3  }
0x12d: {  	[tilespmem:$0x1F8E0] =	vst v0;
	v0 =	vld [tilespmem:s28+$0x4D0]  }
0x12e: {  	[tilespmem:$0x1FAC0] =	vst v1;
	v1 =	vld [tilespmem:s28+$0x83C0];
	_ =	sdelay $0x3  }
0x12f: {  	[tilespmem:$0x1F8F0] =	vst v0;
	v0 =	vld [tilespmem:s28+$0x84D0]  }
0x130: {  	[tilespmem:$0x1FAD0] =	vst v1;
	v1 =	vld [tilespmem:s28+$0x3D0];
	_ =	sdelay $0x2  }
0x131: {  	v25 =	vld [tilespmem:s28+$0x85E0]  }
0x132: {  	[tilespmem:$0x1F900] =	vst v0;
	v0 =	vld [tilespmem:s28+$0x4E0]  }
0x133: {  	[tilespmem:$0x1FAE0] =	vst v1;
	v1 =	vld [tilespmem:s28+$0x83D0]  }
0x134: {  	v26 =	vld [tilespmem:s28+$0x5F0]  }
0x135: {  	v27 =	vld [tilespmem:s28+$0x85F0]  }
0x136: {  	v23 =	vld [tilespmem:s28+$0x5E0]  }
0x137: {  	[tilespmem:$0x1F910] =	vst v0;
	v0 =	vld [tilespmem:s28+$0x84E0]  }
0x138: {  	[tilespmem:$0x1FAF0] =	vst v1;
	v1 =	vld [tilespmem:s28+$0x3E0]  }
0x139: {  	v38 =	vld [tilespmem:s28+$0x8560]  }
0x13a: {  	v4 =	vld [tilespmem:s28+$0x520]  }
0x13b: {  	v30 =	vld [tilespmem:s28+$0x560]  }
0x13c: {  	v2 =	vld [tilespmem:s28+$0x8520];
	[tilespmem:$0x1F920] =	vst v0  }
0x13d: {  	v0 =	vld [tilespmem:s28+$0x4F0];
	[tilespmem:$0x1FB00] =	vst v1;
	v1 =	vsub.f32 v23, v25;
	_ =	sdelay $0x1  }
0x13e: {  	v45 =	vld [tilespmem:s28+$0x570];
	[tilespmem:$0x1FC10] =	vst v1;
	v1 =	vsub.f32 v26, v27  }
0x13f: {  	v59 =	vld [tilespmem:s28+$0x8570]  }
0x140: {  	v43 =	vsub.f32 v4, v2;
	v2 =	vld [tilespmem:$0x1F860];
	[tilespmem:$0x1FC40] =	vst v1;
	v1 =	vsub.f32 v30, v38  }
0x141: {  	[tilespmem:$0x1F950] =	vst v0;
	v0 =	vld [tilespmem:s28+$0x84F0]  }
0x142: {  	[tilespmem:$0x1FD00] =	vst v1;
	v1 =	vld [tilespmem:$0x1F850];
	_ =	sdelay $0x4  }
0x143: {  	[tilespmem:$0x1F960] =	vst v0;
	v0 =	vld [tilespmem:s28+$0x400];
	v38 =	vsub.f32 v1, v2;
	v1 =	vsub.f32 v45, v59  }
0x144: {  	v2 =	vld [tilespmem:$0x1F880]  }
0x145: {  	[tilespmem:$0x1FD40] =	vst v1;
	v1 =	vld [tilespmem:$0x1F870];
	_ =	sdelay $0x1  }
0x146: {  	v32 =	vld [tilespmem:s28+$0x500]  }
0x147: {  	v35 =	vld [tilespmem:s28+$0x8500]  }
0x148: {  	[tilespmem:$0x1F930] =	vst v0;
	v0 =	vld [tilespmem:s28+$0x8400]  }
0x149: {  	v23 =	vsub.f32 v1, v2;
	v1 =	vld [tilespmem:$0x1F890]  }
0x14a: {  	v2 =	vld [tilespmem:$0x1F8A0];
	_ =	sdelay $0x3  }
0x14b: {  	[tilespmem:$0x1F940] =	vst v0;
	v0 =	vld [tilespmem:s28+$0x410]  }
0x14c: {  	v46 =	vsub.f32 v32, v35;
	v35 =	vsub.f32 v1, v2;
	v1 =	vld [tilespmem:$0x1F8B0]  }
0x14d: {  	v2 =	vld [tilespmem:$0x1F8C0];
	_ =	sdelay $0x3  }
0x14e: {  	[tilespmem:$0x1F970] =	vst v0;
	v0 =	vld [tilespmem:s28+$0x8410]  }
0x14f: {  	v27 =	vsub.f32 v1, v2;
	v1 =	vld [tilespmem:$0x1F8D0]  }
0x150: {  	v2 =	vld [tilespmem:$0x1F8E0];
	_ =	sdelay $0x3  }
0x151: {  	[tilespmem:$0x1F980] =	vst v0;
	v0 =	vld [tilespmem:s28+$0x420]  }
0x152: {  	v45 =	vsub.f32 v1, v2;
	v1 =	vld [tilespmem:$0x1F8F0]  }
0x153: {  	v2 =	vld [tilespmem:$0x1F900];
	_ =	sdelay $0x3  }
0x154: {  	[tilespmem:$0x1F990] =	vst v0;
	v0 =	vld [tilespmem:s28+$0x8420]  }
0x155: {  	v30 =	vsub.f32 v1, v2;
	v1 =	vld [tilespmem:$0x1F910]  }
0x156: {  	v2 =	vld [tilespmem:$0x1F920];
	_ =	sdelay $0x4  }
0x157: {  	[tilespmem:$0x1F9A0] =	vst v0;
	v0 =	vld [tilespmem:s28+$0x430];
	v1 =	vsub.f32 v1, v2  }
0x158: {  	v2 =	vld [tilespmem:$0x1F940]  }
0x159: {  	[tilespmem:$0x1FE00] =	vst v1;
	v1 =	vld [tilespmem:$0x1F930];
	_ =	sdelay $0x3  }
0x15a: {  	[tilespmem:$0x1F9B0] =	vst v0;
	v0 =	vld [tilespmem:s28+$0x8430]  }
0x15b: {  	v32 =	vsub.f32 v1, v2;
	v1 =	vld [tilespmem:$0x1F950]  }
0x15c: {  	v2 =	vld [tilespmem:$0x1F960];
	_ =	sdelay $0x2  }
0x15d: {  	v15 =	vld [tilespmem:s28+$0x5B0]  }
0x15e: {  	v21 =	vld [tilespmem:s28+$0x85B0]  }
0x15f: {  	[tilespmem:$0x1F9C0] =	vst v0;
	v0 =	vld [tilespmem:s28+$0x440];
	v1 =	vsub.f32 v1, v2  }
0x160: {  	v2 =	vld [tilespmem:$0x1F980]  }
0x161: {  	[tilespmem:$0x1FE30] =	vst v1;
	v1 =	vld [tilespmem:$0x1F970]  }
0x162: {  	v5 =	vld [tilespmem:s28+$0x580]  }
0x163: {  	v29 =	vld [tilespmem:s28+$0x8550]  }
0x164: {  	v18 =	vld [tilespmem:s28+$0x550]  }
0x165: {  	[tilespmem:$0x1F9D0] =	vst v0;
	v0 =	vld [tilespmem:s28+$0x8440]  }
0x166: {  	v36 =	vsub.f32 v15, v21;
	v21 =	vsub.f32 v1, v2;
	v1 =	vld [tilespmem:$0x1F990]  }
0x167: {  	v2 =	vld [tilespmem:$0x1F9A0]  }
0x168: {  	v20 =	vld [tilespmem:s28+$0x8580]  }
0x169: {  	v24 =	vld [tilespmem:s28+$0x8540]  }
0x16a: {  	v8 =	vld [tilespmem:s28+$0x540]  }
0x16b: {  	[tilespmem:$0x1F9E0] =	vst v0;
	v0 =	vld [tilespmem:s28+$0x450]  }
0x16c: {  	v40 =	vsub.f32 v18, v29;
	v29 =	vsub.f32 v1, v2;
	v1 =	vld [tilespmem:$0x1F9B0]  }
0x16d: {  	v2 =	vld [tilespmem:$0x1F9C0]  }
0x16e: {  	v11 =	vld [tilespmem:s28+$0x590]  }
0x16f: {  	v22 =	vld [tilespmem:s28+$0x8590]  }
0x170: {  	v10 =	vld [tilespmem:s28+$0x5D0]  }
0x171: {  	[tilespmem:$0x1F9F0] =	vst v0;
	v0 =	vld [tilespmem:s28+$0x8450]  }
0x172: {  	v47 =	vsub.f32 v8, v24;
	v24 =	vsub.f32 v1, v2;
	v1 =	vld [tilespmem:$0x1F9D0]  }
0x173: {  	v2 =	vld [tilespmem:$0x1F9E0]  }
0x174: {  	v54 =	vld [tilespmem:s28+$0x8300]  }
0x175: {  	v56 =	vld [tilespmem:s28+$0x8310]  }
0x176: {  	v55 =	vld [tilespmem:s28+$0x320]  }
0x177: {  	v53 =	vld [tilespmem:s28+$0x330]  }
0x178: {  	[tilespmem:$0x1FA00] =	vst v0;
	v59 =	vsub.f32 v1, v2;
	v1 =	vld [tilespmem:$0x1F9F0]  }
0x179: {  	v2 =	vld [tilespmem:$0x1FA00]  }
0x17a: {  	v63 =	vld [tilespmem:s28+$0x3F0]  }
0x17b: {  	v49 =	vld [tilespmem:s28+$0x340]  }
0x17c: {  	v16 =	vld [tilespmem:s28+$0x85C0]  }
0x17d: {  	v0 =	vld [tilespmem:s28+$0x460]  }
0x17e: {  	v25 =	vsub.f32 v1, v2;
	v1 =	vld [tilespmem:$0x1FA10]  }
0x17f: {  	v41 =	vld [tilespmem:s28+$0x350]  }
0x180: {  	v14 =	vld [tilespmem:s28+$0x5A0]  }
0x181: {  	v13 =	vld [tilespmem:s28+$0x85A0]  }
0x182: {  	v37 =	vld [tilespmem:s28+$0x83F0]  }
0x183: {  	v57 =	vld [tilespmem:s28+$0x300];
	v0 =	vsub.f32 v0, v1  }
0x184: {  	v1 =	vld [tilespmem:$0x1FA30]  }
0x185: {  	[tilespmem:$0x1FB70] =	vst v0;
	v0 =	vld [tilespmem:$0x1FA20]  }
0x186: {  	v28 =	vld [tilespmem:s28+$0x360]  }
0x187: {  	v44 =	vsub.f32 v5, v20;
	v20 =	vld [tilespmem:s28+$0x370]  }
0x188: {  	v31 =	vsub.f32 v11, v22;
	v11 =	vld [tilespmem:s28+$0x2B0]  }
0x189: {  	v17 =	vld [tilespmem:s28+$0x85D0]  }
0x18a: {  	v22 =	vsub.f32 v0, v1;
	v0 =	vld [tilespmem:$0x1FA40]  }
0x18b: {  	v1 =	vld [tilespmem:$0x1FA50]  }
0x18c: {  	v5 =	vld [tilespmem:s28+$0x82C0]  }
0x18d: {  	v12 =	vld [tilespmem:s28+$0x5C0]  }
0x18e: {  	v52 =	vld [tilespmem:s28+$0x8320]  }
0x18f: {  	v2 =	vld [tilespmem:$0x1FA70]  }
0x190: {  	v42 =	vsub.f32 v10, v17;
	v10 =	vsub.f32 v0, v1;
	v0 =	vld [tilespmem:$0x1FA60]  }
0x191: {  	v58 =	vld [tilespmem:s28+$0x310]  }
0x192: {  	v51 =	vld [tilespmem:s28+$0x8330]  }
0x193: {  	v39 =	vld [tilespmem:s28+$0x8340]  }
0x194: {  	v48 =	vsub.f32 v14, v13;
	v14 =	vld [tilespmem:s28+$0x8280]  }
0x195: {  	v18 =	vsub.f32 v0, v2;
	v0 =	vld [tilespmem:$0x1FA80]  }
0x196: {  	v2 =	vld [tilespmem:$0x1FA90]  }
0x197: {  	v13 =	vld [tilespmem:s28+$0x2A0]  }
0x198: {  	v60 =	vld [tilespmem:s28+$0x83E0]  }
0x199: {  	v34 =	vld [tilespmem:s28+$0x8350]  }
0x19a: {  	v50 =	vsub.f32 v12, v16;
	v16 =	vld [tilespmem:s28+$0x8370]  }
0x19b: {  	v17 =	vld [tilespmem:s28+$0x280];
	v0 =	vsub.f32 v0, v2  }
0x19c: {  	v62 =	vld [tilespmem:$0x1FAB0]  }
0x19d: {  	[tilespmem:$0x1FB90] =	vst v0;
	v0 =	vld [tilespmem:$0x1FAA0]  }
0x19e: {  	v12 =	vld [tilespmem:s28+$0x8290]  }
0x19f: {  	v3 =	vld [tilespmem:s28+$0x510]  }
0x1a0: {  	v6 =	vld [tilespmem:s28+$0x8510]  }
0x1a1: {  	v15 =	vld [tilespmem:s28+$0x290]  }
0x1a2: {  	v9 =	vld [tilespmem:s28+$0x530];
	v0 =	vsub.f32 v0, v62  }
0x1a3: {  	v62 =	vld [tilespmem:$0x1FAD0]  }
0x1a4: {  	[tilespmem:$0x1FBA0] =	vst v0;
	v0 =	vld [tilespmem:$0x1FAC0]  }
0x1a5: {  	v7 =	vld [tilespmem:s28+$0x8530]  }
0x1a6: {  	v63 =	vsub.f32 v63, v37;
	v37 =	vsub.f32 v49, v39;
	v39 =	vmul.f32 v48, v48;
	v48 =	vld [tilespmem:s28+$0x230]  }
0x1a7: {  	v8 =	vld [tilespmem:s28+$0x2C0]  }
0x1a8: {  	v61 =	vld [tilespmem:$0x1FAF0]  }
0x1a9: {  	v0 =	vsub.f32 v0, v62;
	v62 =	vld [tilespmem:$0x1FAE0]  }
0x1aa: {  	v33 =	vsub.f32 v9, v7;
	v7 =	vld [tilespmem:s28+$0x82B0]  }
0x1ab: {  	v4 =	vld [tilespmem:s28+$0x2E0]  }
0x1ac: {  	v19 =	vld [tilespmem:s28+$0x8360]  }
0x1ad: {  	v9 =	vld [tilespmem:s28+$0x82A0]  }
0x1ae: {  	v62 =	vsub.f32 v62, v61;
	v61 =	vld [tilespmem:$0x1FB00]  }
0x1af: {  	v7 =	vsub.f32 v11, v7;
	v11 =	vsub.f32 v8, v5;
	v5 =	vld [tilespmem:s28+$0x250]  }
0x1b0: {  	v2 =	vld [tilespmem:s28+$0x2F0]  }
0x1b1: {  	[tilespmem:$0x1FBB0] =	vst v0;
	v0 =	vld [tilespmem:s28+$0x82F0]  }
0x1b2: {  	[tilespmem:$0x1FBD0] =	vst v62;
	v62 =	vsub.f32 v57, v54;
	v54 =	vld [tilespmem:s28+$0x8200]  }
0x1b3: {  	v60 =	vsub.f32 v61, v60;
	v61 =	vld [tilespmem:s28+$0x200]  }
0x1b4: {  	v8 =	vld [tilespmem:s28+$0x8250]  }
0x1b5: {  	v26 =	vsub.f32 v3, v6;
	v6 =	vld [tilespmem:s28+$0x2D0]  }
0x1b6: {  	[tilespmem:$0x1FE90] =	vst v63;
	v63 =	vsub.f32 v53, v51;
	v1 =	vld [tilespmem:s28+$0x82E0]  }
0x1b7: {  	v51 =	vmul.f32 v50, v50;
	[tilespmem:$0x1FE80] =	vst v60;
	v60 =	vsub.f32 v58, v56;
	v58 =	vsub.f32 v55, v52;
	v55 =	vld [tilespmem:s28+$0x210]  }
0x1b8: {  	v50 =	vmul.f32 v27, v27;
	v27 =	vsub.f32 v2, v0;
	v0 =	vsub.f32 v61, v54;
	v61 =	vmovc v10;
	v10 =	vld [tilespmem:$0x1FB30]  }
0x1b9: {  	v52 =	vld [tilespmem:s28+$0x8210]  }
0x1ba: {  	v49 =	vmul.f32 v31, v31;
	v53 =	vmul.f32 v36, v36;
	v3 =	vld [tilespmem:s28+$0x82D0]  }
0x1bb: {  	v57 =	vsub.f32 v28, v19;
	v19 =	vld [tilespmem:s28+$0x220];
	v56 =	vsub.f32 v41, v34;
	v0 =	vmul.f32 v0, v0  }
0x1bc: {  	v41 =	vsub.f32 v20, v16;
	v16 =	vsub.f32 v17, v14;
	v34 =	vmul.f32 v42, v42;
	v42 =	vld [tilespmem:s28+$0x8230]  }
0x1bd: {  	v31 =	vmul.f32 v46, v46;
	v17 =	vsub.f32 v15, v12;
	v0 =	vadd.f32 v0, v10;
	v10 =	vld [tilespmem:$0x1FB40]  }
0x1be: {  	v28 =	vmul.f32 v44, v44;
	v44 =	vld [tilespmem:s28+$0x8220];
	v12 =	vsub.f32 v4, v1;
	v4 =	vsub.f32 v55, v52  }
0x1bf: {  	v9 =	vsub.f32 v13, v9;
	v13 =	vmul.f32 v33, v33;
	v33 =	vmul.f32 v47, v47;
	v2 =	vld [tilespmem:s28+$0x8260]  }
0x1c0: {  	v36 =	vsub.f32 v6, v3;
	v46 =	vmul.f32 v38, v38;
	v1 =	vld [tilespmem:s28+$0x260];
	v4 =	vmul.f32 v4, v4  }
0x1c1: {  	v38 =	vmovc v49;
	v47 =	vmul.f32 v23, v23;
	v49 =	vmul.f32 v35, v35;
	v23 =	vsub.f32 v48, v42  }
0x1c2: {  	v42 =	vsub.f32 v5, v8;
	v5 =	vmul.f32 v16, v16;
	v4 =	vadd.f32 v4, v10;
	v10 =	vld [tilespmem:$0x1FB50]  }
0x1c3: {  	v6 =	vmul.f32 v45, v45;
	v35 =	vmul.f32 v25, v25;
	v19 =	vsub.f32 v19, v44  }
0x1c4: {  	v25 =	vmul.f32 v18, v18;
	v18 =	vmul.f32 v62, v62;
	v0 =	vadd.f32 v5, v0  }
0x1c5: {  	v14 =	vmul.f32 v26, v26;
	v26 =	vld [tilespmem:s28+$0x240];
	v45 =	vsub.f32 v1, v2;
	v1 =	vmul.f32 v19, v19  }
0x1c6: {  	v22 =	vmul.f32 v22, v22;
	v15 =	vmul.f32 v43, v43;
	v43 =	vld [tilespmem:s28+$0x8240];
	v0 =	vadd.f32 v18, v0  }
0x1c7: {  	v9 =	vmul.f32 v9, v9;
	v20 =	vmul.f32 v40, v40;
	v1 =	vadd.f32 v1, v10;
	v10 =	vld [tilespmem:$0x1FB60]  }
0x1c8: {  	v40 =	vmul.f32 v32, v32;
	v8 =	vmul.f32 v17, v17;
	v18 =	vadd.f32 v22, v0;
	v0 =	vld [tilespmem:$0x1FBB0]  }
0x1c9: {  	v32 =	vmovc v53;
	v53 =	vmul.f32 v21, v21;
	v21 =	vld [tilespmem:s28+$0x8270];
	v5 =	vmul.f32 v58, v58;
	v1 =	vadd.f32 v9, v1  }
0x1ca: {  	v2 =	vmul.f32 v23, v23;
	v4 =	vadd.f32 v8, v4;
	v8 =	vld [tilespmem:$0x1FB90]  }
0x1cb: {  	v7 =	vmul.f32 v7, v7;
	v1 =	vadd.f32 v5, v1;
	v5 =	vld [tilespmem:$0x1FBA0]  }
0x1cc: {  	v3 =	vmul.f32 v30, v30;
	v30 =	vmovc v20;
	v20 =	vld [tilespmem:s28+$0x270];
	v54 =	vmul.f32 v29, v29;
	v2 =	vadd.f32 v2, v10  }
0x1cd: {  	p0 =	sne.s32 s26, $0xF000;
	v43 =	vsub.f32 v26, v43;
	v26 =	vmul.f32 v60, v60;
	v48 =	vmul.f32 v0, v0;
	v0 =	vld [tilespmem:$0x1FBD0]  }
.Ltmp0:
0x1ce: {  	v55 =	vmul.f32 v24, v24;
	v16 =	vld [tilespmem:$0x1FB10];
	v2 =	vadd.f32 v7, v2;
	v7 =	vmul.f32 v63, v63;
	(pc) =	sbr.rel @p0 .LBB2_2-.Ltmp0, $4  }
0x1cf: {  	v24 =	vmov v34;
	v34 =	vmul.f32 v59, v59;
	v17 =	vld [tilespmem:$0x1FB20];
	v8 =	vmul.f32 v8, v8  }
0x1d0: {  	v58 =	vld [tilespmem:$0x1FB70];
	v4 =	vadd.f32 v26, v4;
	v2 =	vadd.f32 v7, v2;
	v5 =	vmul.f32 v5, v5  }
0x1d1: {  	v29 =	vmovc v51;
	v44 =	vsub.f32 v20, v21;
	v23 =	vmovc v41;
	v26 =	vmov v56;
	v9 =	vld [tilespmem:$0x1FB80];
	v60 =	vadd.f32 v8, v1  }
0x1d2: {  	s26 =	sadd.s32 $0x1000, s26;
	v10 =	vmovc v57;
	v8 =	vld [tilespmem:$0x1FBC0];
	v51 =	vmul.f32 v0, v0;
	v63 =	vadd.f32 v25, v4;
	v62 =	vadd.f32 v5, v2  }
0x1d3: {  	s26 =	simm.s32 $0x0  }
0x1d4: {  	[tilespmem:s13], [sflag:$0x1] =	stream.linear.gather [hbm4b:s8+s26], $0x4000, $0x38;
	[tilespmem:$0x10280] =	vst v63  }
0x1d5: {  	_ = 	snop  }
0x1d6: {  	[tilespmem:s15], [sflag:$0x3] =	stream.indirect.gather [hbm4b:s2+s14], $0x80, s20, s14, $0xb8;
	[tilespmem:$0x10280] =	vst v63  }
0x1d7: {  	_ =	swait.ge [sflag:s21], $0x4000  }
0x1d8: {  	[sflag:s21] =	ssyncset.done $0x0  }
0x1d9: {  	[sflag:s21] =	ssyncadd.s32 $0xFFFFC000  }
0x1da: {  	_ =	swait.ge [sflag:s22], $0x4000  }
0x1db: {  	[sflag:s22] =	ssyncset.done $0x0  }
0x1dc: {  	s31 =	simm.s32 $0x0;
	[sflag:s22] =	ssyncadd.s32 $0xFFFFC000  }
0x1dd: {  	v57 =	vld [tilespmem:s31+$0xC5B0];
	_ =	sdelay $0x4  }
0x1de: {  	[tilespmem:$0x1F200] =	vst v57;
	v57 =	vld [tilespmem:s31+$0x45D0];
	_ =	sdelay $0x2  }
0x1df: {  	v56 =	vld [tilespmem:s31+$0x45B0];
	_ =	sdelay $0x1  }
0x1e0: {  	[tilespmem:$0x1F230] =	vst v57;
	v57 =	vld [tilespmem:s31+$0xC5E0];
	_ =	sdelay $0x2  }
0x1e1: {  	[tilespmem:$0x1F1F0] =	vst v56;
	v56 =	vld [tilespmem:s31+$0xC5C0];
	_ =	sdelay $0x1  }
0x1e2: {  	[tilespmem:$0x1F260] =	vst v57;
	v57 =	vld [tilespmem:s31+$0x4500];
	_ =	sdelay $0x2  }
0x1e3: {  	[tilespmem:$0x1F220] =	vst v56;
	v56 =	vld [tilespmem:s31+$0x45E0];
	_ =	sdelay $0x1  }
0x1e4: {  	[tilespmem:$0x1F270] =	vst v57;
	v57 =	vld [tilespmem:s31+$0xC510];
	_ =	sdelay $0x2  }
0x1e5: {  	[tilespmem:$0x1F250] =	vst v56;
	v56 =	vld [tilespmem:s31+$0xC5F0];
	_ =	sdelay $0x1  }
0x1e6: {  	[tilespmem:$0x1F2C0] =	vst v57;
	v57 =	vld [tilespmem:s31+$0x4530];
	_ =	sdelay $0x2  }
0x1e7: {  	[tilespmem:$0x1F2A0] =	vst v56;
	v56 =	vld [tilespmem:s31+$0x4510];
	_ =	sdelay $0x1  }
0x1e8: {  	[tilespmem:$0x1F2F0] =	vst v57;
	v57 =	vld [tilespmem:s31+$0xC540];
	_ =	sdelay $0x2  }
0x1e9: {  	[tilespmem:$0x1F2B0] =	vst v56;
	v56 =	vld [tilespmem:s31+$0xC520];
	_ =	sdelay $0x1  }
0x1ea: {  	[tilespmem:$0x1F320] =	vst v57;
	v57 =	vld [tilespmem:s31+$0x4560];
	_ =	sdelay $0x2  }
0x1eb: {  	[tilespmem:$0x1F2E0] =	vst v56;
	v56 =	vld [tilespmem:s31+$0x4540];
	_ =	sdelay $0x1  }
0x1ec: {  	[tilespmem:$0x1F350] =	vst v57;
	v57 =	vld [tilespmem:s31+$0xC570];
	_ =	sdelay $0x2  }
0x1ed: {  	[tilespmem:$0x1F310] =	vst v56;
	v56 =	vld [tilespmem:s31+$0xC550];
	_ =	sdelay $0x1  }
0x1ee: {  	[tilespmem:$0x1F3B0] =	vst v57;
	v57 =	vld [tilespmem:s31+$0x4490];
	_ =	sdelay $0x2  }
0x1ef: {  	[tilespmem:$0x1F340] =	vst v56;
	v56 =	vld [tilespmem:s31+$0x4570];
	_ =	sdelay $0x1  }
0x1f0: {  	[tilespmem:$0x1F3D0] =	vst v57;
	v57 =	vld [tilespmem:s31+$0xC4A0];
	_ =	sdelay $0x2  }
0x1f1: {  	[tilespmem:$0x1F3A0] =	vst v56;
	v56 =	vld [tilespmem:s31+$0xC480];
	_ =	sdelay $0x1  }
0x1f2: {  	[tilespmem:$0x1F400] =	vst v57;
	v57 =	vld [tilespmem:s31+$0x44C0];
	_ =	sdelay $0x2  }
0x1f3: {  	[tilespmem:$0x1F390] =	vst v56;
	v56 =	vld [tilespmem:s31+$0x44A0];
	_ =	sdelay $0x1  }
0x1f4: {  	[tilespmem:$0x1F430] =	vst v57;
	v57 =	vld [tilespmem:s31+$0xC4D0];
	_ =	sdelay $0x2  }
0x1f5: {  	[tilespmem:$0x1F3F0] =	vst v56;
	v56 =	vld [tilespmem:s31+$0xC4B0];
	_ =	sdelay $0x1  }
0x1f6: {  	[tilespmem:$0x1F460] =	vst v57;
	v57 =	vld [tilespmem:s31+$0x44F0];
	_ =	sdelay $0x2  }
0x1f7: {  	[tilespmem:$0x1F420] =	vst v56;
	v56 =	vld [tilespmem:s31+$0x44D0];
	_ =	sdelay $0x1  }
0x1f8: {  	[tilespmem:$0x1F4C0] =	vst v57;
	v57 =	vld [tilespmem:s31+$0xC400];
	_ =	sdelay $0x2  }
0x1f9: {  	[tilespmem:$0x1F450] =	vst v56;
	v56 =	vld [tilespmem:s31+$0xC4E0];
	_ =	sdelay $0x1  }
0x1fa: {  	[tilespmem:$0x1F4B0] =	vst v57;
	v57 =	vld [tilespmem:s31+$0x4420];
	_ =	sdelay $0x2  }
0x1fb: {  	[tilespmem:$0x1F480] =	vst v56;
	v56 =	vld [tilespmem:s31+$0x4400];
	_ =	sdelay $0x1  }
0x1fc: {  	[tilespmem:$0x1F510] =	vst v57;
	v57 =	vld [tilespmem:s31+$0xC430];
	_ =	sdelay $0x2  }
0x1fd: {  	[tilespmem:$0x1F4A0] =	vst v56;
	v56 =	vld [tilespmem:s31+$0xC410];
	_ =	sdelay $0x1  }
0x1fe: {  	[tilespmem:$0x1F540] =	vst v57;
	v57 =	vld [tilespmem:s31+$0x4450];
	_ =	sdelay $0x2  }
0x1ff: {  	[tilespmem:$0x1F500] =	vst v56;
	v56 =	vld [tilespmem:s31+$0x4430];
	_ =	sdelay $0x1  }
0x200: {  	[tilespmem:$0x1F570] =	vst v57;
	v57 =	vld [tilespmem:s31+$0xC460];
	_ =	sdelay $0x2  }
0x201: {  	[tilespmem:$0x1F530] =	vst v56;
	v56 =	vld [tilespmem:s31+$0xC440];
	_ =	sdelay $0x1  }
0x202: {  	[tilespmem:$0x1F5A0] =	vst v57;
	v57 =	vld [tilespmem:s31+$0x4380];
	_ =	sdelay $0x2  }
0x203: {  	[tilespmem:$0x1F560] =	vst v56;
	v56 =	vld [tilespmem:s31+$0x4460];
	_ =	sdelay $0x1  }
0x204: {  	v1 =	vadd.f32 v40, v18;
	v4 =	vadd.f32 v54, v60;
	[tilespmem:$0x1F5C0] =	vst v57;
	v57 =	vld [tilespmem:s31+$0xC390]  }
0x205: {  	v5 =	vadd.f32 v55, v62  }
0x206: {  	v1 =	vadd.f32 v46, v1;
	v4 =	vadd.f32 v49, v4;
	v41 =	vld [tilespmem:s31+$0x45C0]  }
0x207: {  	v2 =	vadd.f32 v53, v63;
	v5 =	vadd.f32 v50, v5;
	[tilespmem:$0x1F590] =	vst v56;
	v56 =	vld [tilespmem:s31+$0xC470]  }
0x208: {  	v7 =	vmul.f32 v44, v44;
	v1 =	vadd.f32 v31, v1;
	v4 =	vadd.f32 v15, v4;
	v44 =	vld [tilespmem:$0x1FE80]  }
0x209: {  	v62 =	vmul.f32 v43, v43;
	v2 =	vadd.f32 v47, v2;
	v5 =	vadd.f32 v13, v5;
	[tilespmem:$0x1F620] =	vst v57;
	v57 =	vld [tilespmem:s31+$0x43B0]  }
0x20a: {  	v55 =	vadd.f32 v28, v1;
	v60 =	vadd.f32 v39, v4;
	v4 =	vmul.f32 v45, v45;
	v49 =	vld [tilespmem:$0x1FE90]  }
0x20b: {  	v1 =	vadd.f32 v62, v16;
	v63 =	vadd.f32 v32, v5;
	v5 =	vmul.f32 v11, v11;
	[tilespmem:$0x1F210] =	vst v41;
	v41 =	vld [tilespmem:s31+$0xC5D0]  }
0x20c: {  	v2 =	vadd.f32 v14, v2;
	v32 =	vmul.f32 v42, v42;
	[tilespmem:$0x1F5F0] =	vst v56;
	v56 =	vld [tilespmem:s31+$0x4390]  }
0x20d: {  	v4 =	vadd.f32 v4, v8;
	v8 =	vmul.f32 v36, v36;
	v50 =	vld [tilespmem:$0x1FE00];
	v1 =	vadd.f32 v5, v1  }
0x20e: {  	v5 =	vmul.f32 v12, v12;
	v53 =	vld [tilespmem:s31+$0xC3C0];
	[tilespmem:$0x1F650] =	vst v57;
	v57 =	vadd.f32 v38, v2;
	v2 =	vadd.f32 v32, v9  }
0x20f: {  	v10 =	vmul.f32 v10, v10;
	[tilespmem:$0x1F720] =	vst v55;
	v55 =	vld [tilespmem:$0x1FC10]  }
0x210: {  	v4 =	vadd.f32 v5, v4;
	v5 =	vmul.f32 v26, v26;
	[tilespmem:$0x1F240] =	vst v41;
	v41 =	vld [tilespmem:s31+$0x45F0];
	v2 =	vadd.f32 v8, v2  }
0x211: {  	v7 =	vadd.f32 v7, v17;
	[tilespmem:$0x1F610] =	vst v56;
	v56 =	vld [tilespmem:s31+$0xC3A0];
	v9 =	vmul.f32 v27, v27;
	v8 =	vmul.f32 v37, v37  }
0x212: {  	v54 =	vld [tilespmem:s31+$0x43E0];
	v4 =	vadd.f32 v10, v4;
	v2 =	vadd.f32 v5, v2;
	v5 =	vmul.f32 v44, v44  }
0x213: {  	[tilespmem:$0x1F670] =	vst v53;
	v53 =	vld [tilespmem:$0x1FD00];
	v7 =	vadd.f32 v9, v7;
	v1 =	vadd.f32 v8, v1;
	v8 =	vmul.f32 v23, v23  }
0x214: {  	[tilespmem:$0x1F740] =	vst v60;
	v60 =	vld [tilespmem:$0x1F1F0];
	v2 =	vadd.f32 v51, v2;
	v4 =	vadd.f32 v5, v4;
	v5 =	vmul.f32 v58, v58  }
0x215: {  	[tilespmem:$0x1F290] =	vst v41;
	v41 =	vld [tilespmem:s31+$0xC500];
	v7 =	vadd.f32 v8, v7;
	v8 =	vmul.f32 v49, v49  }
0x216: {  	[tilespmem:$0x1F640] =	vst v56;
	v56 =	vld [tilespmem:s31+$0x43F0];
	v2 =	vadd.f32 v35, v2;
	v4 =	vadd.f32 v5, v4;
	v5 =	vmul.f32 v50, v50  }
0x217: {  	v1 =	vadd.f32 v48, v1;
	v51 =	vld [tilespmem:$0x1FE30];
	v7 =	vadd.f32 v8, v7;
	v8 =	vmul.f32 v61, v61  }
0x218: {  	v61 =	vld [tilespmem:$0x1F200];
	v2 =	vadd.f32 v3, v2;
	v3 =	vadd.f32 v5, v4;
	v4 =	vmul.f32 v53, v53  }
0x219: {  	v1 =	vadd.f32 v34, v1;
	v34 =	vld [tilespmem:$0x1F250]  }
0x21a: {  	v4 =	vadd.f32 v4, v3;
	v3 =	vld [tilespmem:$0x1F260]  }
0x21b: {  	v0 =	vld [tilespmem:s31+$0xC5A0]  }
0x21c: {  	[tilespmem:$0x1F680] =	vst v54;
	v54 =	vld [tilespmem:$0x1FD40]  }
0x21d: {  	[tilespmem:$0x1F6A0] =	vst v56;
	v56 =	vld [tilespmem:$0x1FC40]  }
0x21e: {  	[tilespmem:$0x1F280] =	vst v41;
	v35 =	vld [tilespmem:$0x1F270];
	v7 =	vadd.f32 v8, v7;
	v1 =	vadd.f32 v6, v1  }
0x21f: {  	v6 =	vmul.f32 v51, v51;
	v50 =	vsub.f32 v60, v61;
	v61 =	vsub.f32 v34, v3;
	v3 =	vld [tilespmem:$0x1F280]  }
0x220: {  	v59 =	vld [tilespmem:s31+$0x45A0]  }
0x221: {  	v45 =	vld [tilespmem:s31+$0xC330];
	[tilespmem:$0x1F1E0] =	vst v0;
	v5 =	vadd.f32 v6, v7;
	v6 =	vmul.f32 v54, v54;
	v7 =	vmul.f32 v55, v55  }
0x222: {  	v58 =	vld [tilespmem:$0x1F1E0];
	v2 =	vadd.f32 v30, v2  }
0x223: {  	v5 =	vadd.f32 v6, v5;
	v9 =	vadd.f32 v7, v4;
	v4 =	vld [tilespmem:$0x1F2A0]  }
0x224: {  	v6 =	vmul.f32 v56, v56;
	v56 =	vadd.f32 v24, v2;
	v2 =	vsub.f32 v35, v3;
	v3 =	vld [tilespmem:$0x1F290];
	_ =	sdelay $0x2  }
0x225: {  	v41 =	vld [tilespmem:s31+$0x4520]  }
0x226: {  	v11 =	vadd.f32 v6, v5;
	v6 =	vld [tilespmem:$0x1F2C0]  }
0x227: {  	[tilespmem:$0x1F700] =	vst v45;
	v45 =	vsub.f32 v59, v58;
	v58 =	vsub.f32 v3, v4;
	v3 =	vld [tilespmem:$0x1F2B0];
	_ =	sdelay $0x3  }
0x228: {  	[tilespmem:$0x1F2D0] =	vst v41;
	v41 =	vld [tilespmem:s31+$0xC530]  }
0x229: {  	v60 =	vsub.f32 v3, v6;
	v3 =	vld [tilespmem:$0x1F2D0]  }
0x22a: {  	v6 =	vld [tilespmem:$0x1F2E0];
	_ =	sdelay $0x1  }
0x22b: {  	[tilespmem:$0x1F750] =	vst v63;
	v62 =	vld [tilespmem:$0x1F210]  }
0x22c: {  	v63 =	vld [tilespmem:$0x1F220];
	[tilespmem:$0x1F300] =	vst v41  }
0x22d: {  	v7 =	vld [tilespmem:$0x1F300]  }
0x22e: {  	v3 =	vsub.f32 v3, v6;
	v6 =	vld [tilespmem:$0x1F2F0];
	_ =	sdelay $0x3  }
0x22f: {  	v41 =	vld [tilespmem:s31+$0x4550]  }
0x230: {  	v51 =	vsub.f32 v62, v63;
	v63 =	vsub.f32 v6, v7;
	v6 =	vld [tilespmem:$0x1F310]  }
0x231: {  	v7 =	vld [tilespmem:$0x1F320];
	_ =	sdelay $0x3  }
0x232: {  	[tilespmem:$0x1F330] =	vst v41;
	v41 =	vld [tilespmem:s31+$0xC560]  }
0x233: {  	v49 =	vsub.f32 v6, v7;
	v6 =	vld [tilespmem:$0x1F330]  }
0x234: {  	v7 =	vld [tilespmem:$0x1F340];
	_ =	sdelay $0x4  }
0x235: {  	[tilespmem:$0x1F360] =	vst v41;
	v6 =	vsub.f32 v6, v7  }
0x236: {  	v7 =	vld [tilespmem:$0x1F360]  }
0x237: {  	[tilespmem:$0x1F760] =	vst v6;
	v6 =	vld [tilespmem:$0x1F350]  }
0x238: {  	v41 =	vld [tilespmem:s31+$0x4480];
	_ =	sdelay $0x3  }
0x239: {  	v6 =	vsub.f32 v6, v7  }
0x23a: {  	[tilespmem:$0x1F380] =	vst v41;
	v7 =	vld [tilespmem:$0x1F390]  }
0x23b: {  	[tilespmem:$0x1F370] =	vst v6;
	v6 =	vld [tilespmem:$0x1F380];
	_ =	sdelay $0x4  }
0x23c: {  	v41 =	vld [tilespmem:s31+$0xC490];
	v6 =	vsub.f32 v6, v7  }
0x23d: {  	v7 =	vld [tilespmem:$0x1F3B0]  }
0x23e: {  	[tilespmem:$0x1F770] =	vst v6;
	v6 =	vld [tilespmem:$0x1F3A0];
	_ =	sdelay $0x3  }
0x23f: {  	v20 =	vld [tilespmem:s31+$0x4590]  }
0x240: {  	v52 =	vld [tilespmem:s31+$0xC590];
	[tilespmem:$0x1F3E0] =	vst v41;
	v6 =	vsub.f32 v6, v7  }
0x241: {  	v7 =	vld [tilespmem:$0x1F3E0]  }
0x242: {  	[tilespmem:$0x1F3C0] =	vst v6;
	v6 =	vld [tilespmem:$0x1F3D0];
	_ =	sdelay $0x3  }
0x243: {  	v41 =	vld [tilespmem:s31+$0x44B0]  }
0x244: {  	v44 =	vsub.f32 v20, v52;
	v52 =	vsub.f32 v6, v7;
	v6 =	vld [tilespmem:$0x1F3F0]  }
0x245: {  	v7 =	vld [tilespmem:$0x1F400];
	_ =	sdelay $0x3  }
0x246: {  	[tilespmem:$0x1F410] =	vst v41;
	v41 =	vld [tilespmem:s31+$0xC4C0]  }
0x247: {  	v8 =	vsub.f32 v6, v7;
	v6 =	vld [tilespmem:$0x1F410]  }
0x248: {  	v7 =	vld [tilespmem:$0x1F420];
	_ =	sdelay $0x4  }
0x249: {  	[tilespmem:$0x1F440] =	vst v41;
	v6 =	vsub.f32 v6, v7  }
0x24a: {  	v7 =	vld [tilespmem:$0x1F440]  }
0x24b: {  	[tilespmem:$0x1F780] =	vst v6;
	v6 =	vld [tilespmem:$0x1F430];
	_ =	sdelay $0x4  }
0x24c: {  	v6 =	vsub.f32 v6, v7  }
0x24d: {  	v7 =	vld [tilespmem:$0x1F460]  }
0x24e: {  	[tilespmem:$0x1F790] =	vst v6;
	v6 =	vld [tilespmem:$0x1F450]  }
0x24f: {  	v41 =	vld [tilespmem:s31+$0x44E0];
	_ =	sdelay $0x3  }
0x250: {  	v6 =	vsub.f32 v6, v7  }
0x251: {  	[tilespmem:$0x1F470] =	vst v41;
	v7 =	vld [tilespmem:$0x1F480]  }
0x252: {  	[tilespmem:$0x1F7A0] =	vst v6;
	v6 =	vld [tilespmem:$0x1F470];
	_ =	sdelay $0x4  }
0x253: {  	v41 =	vld [tilespmem:s31+$0xC4F0];
	v6 =	vsub.f32 v6, v7  }
0x254: {  	v7 =	vld [tilespmem:$0x1F4B0]  }
0x255: {  	[tilespmem:$0x1F490] =	vst v6;
	v6 =	vld [tilespmem:$0x1F4A0];
	_ =	sdelay $0x4  }
0x256: {  	[tilespmem:$0x1F4D0] =	vst v41;
	v41 =	vld [tilespmem:s31+$0x4410];
	v6 =	vsub.f32 v6, v7  }
0x257: {  	v7 =	vld [tilespmem:$0x1F4D0]  }
0x258: {  	[tilespmem:$0x1F7B0] =	vst v6;
	v6 =	vld [tilespmem:$0x1F4C0];
	_ =	sdelay $0x4  }
0x259: {  	[tilespmem:$0x1F4F0] =	vst v41;
	v41 =	vld [tilespmem:s31+$0xC420];
	v6 =	vsub.f32 v6, v7  }
0x25a: {  	v7 =	vld [tilespmem:$0x1F500]  }
0x25b: {  	[tilespmem:$0x1F4E0] =	vst v6;
	v6 =	vld [tilespmem:$0x1F4F0];
	_ =	sdelay $0x4  }
0x25c: {  	[tilespmem:$0x1F520] =	vst v41;
	v6 =	vsub.f32 v6, v7  }
0x25d: {  	v7 =	vld [tilespmem:$0x1F520]  }
0x25e: {  	[tilespmem:$0x1F7C0] =	vst v6;
	v6 =	vld [tilespmem:$0x1F510];
	_ =	sdelay $0x4  }
0x25f: {  	v41 =	vld [tilespmem:s31+$0x4440];
	v6 =	vsub.f32 v6, v7  }
0x260: {  	v7 =	vld [tilespmem:$0x1F540]  }
0x261: {  	[tilespmem:$0x1F7D0] =	vst v6;
	v6 =	vld [tilespmem:$0x1F530];
	_ =	sdelay $0x2  }
0x262: {  	v19 =	vld [tilespmem:s31+$0x4580]  }
0x263: {  	v25 =	vld [tilespmem:s31+$0xC580]  }
0x264: {  	[tilespmem:$0x1F550] =	vst v41;
	v41 =	vld [tilespmem:s31+$0xC450];
	v6 =	vsub.f32 v6, v7  }
0x265: {  	v7 =	vld [tilespmem:$0x1F560]  }
0x266: {  	[tilespmem:$0x1F7F0] =	vst v6;
	v6 =	vld [tilespmem:$0x1F550]  }
0x267: {  	v18 =	vld [tilespmem:s31+$0x43C0]  }
0x268: {  	v46 =	vld [tilespmem:s31+$0x43D0]  }
0x269: {  	v47 =	vld [tilespmem:s31+$0xC3D0]  }
0x26a: {  	v15 =	vld [tilespmem:s31+$0xC3E0]  }
0x26b: {  	[tilespmem:$0x1F580] =	vst v41;
	v41 =	vld [tilespmem:s31+$0x4470];
	v6 =	vsub.f32 v6, v7  }
0x26c: {  	v7 =	vld [tilespmem:$0x1F580]  }
0x26d: {  	[tilespmem:$0x1F810] =	vst v6;
	v6 =	vld [tilespmem:$0x1F570]  }
0x26e: {  	v43 =	vld [tilespmem:s31+$0x4300]  }
0x26f: {  	v14 =	vld [tilespmem:s31+$0xC300]  }
0x270: {  	v36 =	vld [tilespmem:s31+$0x4310]  }
0x271: {  	v39 =	vld [tilespmem:s31+$0xC310]  }
0x272: {  	[tilespmem:$0x1F5E0] =	vst v41;
	v41 =	vld [tilespmem:s31+$0xC380];
	v6 =	vsub.f32 v6, v7  }
0x273: {  	v7 =	vld [tilespmem:$0x1F5A0]  }
0x274: {  	[tilespmem:$0x1F820] =	vst v6;
	v6 =	vld [tilespmem:$0x1F590]  }
0x275: {  	v40 =	vld [tilespmem:s31+$0x4320]  }
0x276: {  	v42 =	vld [tilespmem:s31+$0x4330]  }
0x277: {  	v22 =	vld [tilespmem:s31+$0xC370]  }
0x278: {  	v21 =	vld [tilespmem:s31+$0x4280]  }
0x279: {  	v31 =	vld [tilespmem:s31+$0x42D0];
	[tilespmem:$0x1F5D0] =	vst v41;
	v6 =	vsub.f32 v6, v7  }
0x27a: {  	v7 =	vld [tilespmem:$0x1F5D0]  }
0x27b: {  	[tilespmem:$0x1F5B0] =	vst v6;
	v6 =	vld [tilespmem:$0x1F5C0]  }
0x27c: {  	v28 =	vld [tilespmem:s31+$0xC2E0]  }
0x27d: {  	v17 =	vld [tilespmem:s31+$0xC210]  }
0x27e: {  	v16 =	vld [tilespmem:s31+$0x4220]  }
0x27f: {  	v13 =	vld [tilespmem:s31+$0xC220]  }
0x280: {  	v53 =	vsub.f32 v6, v7;
	v6 =	vld [tilespmem:$0x1F5E0]  }
0x281: {  	v7 =	vld [tilespmem:$0x1F5F0]  }
0x282: {  	v12 =	vld [tilespmem:s31+$0x4230]  }
0x283: {  	v26 =	vld [tilespmem:s31+$0xC350]  }
0x284: {  	v10 =	vld [tilespmem:s31+$0x4200]  }
0x285: {  	[tilespmem:$0x1F6D0] =	vst v40;
	v40 =	vld [tilespmem:s31+$0x4340]  }
0x286: {  	v41 =	vld [tilespmem:s31+$0x43A0];
	v6 =	vsub.f32 v6, v7  }
0x287: {  	v7 =	vld [tilespmem:$0x1F620]  }
0x288: {  	[tilespmem:$0x1F600] =	vst v6;
	v6 =	vld [tilespmem:$0x1F610]  }
0x289: {  	[tilespmem:$0x1F6C0] =	vst v39;
	v39 =	vld [tilespmem:s31+$0x4350]  }
0x28a: {  	[tilespmem:$0x1F6B0] =	vst v36;
	v36 =	vld [tilespmem:s31+$0x4370]  }
0x28b: {  	[tilespmem:$0x1F6F0] =	vst v42;
	v42 =	vsub.f32 v19, v25;
	v19 =	vld [tilespmem:s31+$0x4210]  }
0x28c: {  	[tilespmem:$0x1F630] =	vst v41;
	v41 =	vld [tilespmem:s31+$0xC3B0]  }
0x28d: {  	v54 =	vsub.f32 v6, v7;
	v6 =	vld [tilespmem:$0x1F630]  }
0x28e: {  	v7 =	vld [tilespmem:$0x1F640]  }
0x28f: {  	v0 =	vld [tilespmem:s31+$0x4290]  }
0x290: {  	v25 =	vld [tilespmem:s31+$0x42F0]  }
0x291: {  	v17 =	vsub.f32 v19, v17;
	v19 =	vld [tilespmem:s31+$0xC270]  }
0x292: {  	v38 =	vld [tilespmem:s31+$0xC3F0]  }
0x293: {  	[tilespmem:$0x1F660] =	vst v41;
	v41 =	vld [tilespmem:s31+$0xC320];
	v6 =	vsub.f32 v6, v7  }
0x294: {  	v7 =	vld [tilespmem:$0x1F660]  }
0x295: {  	[tilespmem:$0x1F7E0] =	vst v6;
	v6 =	vld [tilespmem:$0x1F650]  }
0x296: {  	v27 =	vld [tilespmem:s31+$0xC340]  }
0x297: {  	v32 =	vld [tilespmem:$0x1F230]  }
0x298: {  	v37 =	vld [tilespmem:s31+$0xC360]  }
0x299: {  	v20 =	vld [tilespmem:s31+$0xC200]  }
0x29a: {  	[tilespmem:$0x1F6E0] =	vst v41;
	v41 =	vld [tilespmem:s31+$0xC280];
	v6 =	vsub.f32 v6, v7  }
0x29b: {  	v23 =	vld [tilespmem:s31+$0x4360]  }
0x29c: {  	[tilespmem:$0x1F800] =	vst v6;
	v6 =	vld [tilespmem:$0x1F670]  }
0x29d: {  	v48 =	vld [tilespmem:s31+$0xC290]  }
0x29e: {  	v20 =	vsub.f32 v10, v20;
	v10 =	vld [tilespmem:s31+$0x4270]  }
0x29f: {  	v21 =	vsub.f32 v21, v41;
	v41 =	vld [tilespmem:s31+$0x4250]  }
0x2a0: {  	v62 =	vld [tilespmem:s31+$0xC2B0]  }
0x2a1: {  	v1 =	vadd.f32 v33, v1;
	v33 =	vld [tilespmem:$0x1F240];
	v6 =	vsub.f32 v18, v6  }
0x2a2: {  	v30 =	vld [tilespmem:s31+$0xC2D0]  }
0x2a3: {  	v55 =	vld [tilespmem:s31+$0x42A0];
	[tilespmem:$0x1F830] =	vst v6;
	v6 =	vsub.f32 v46, v47  }
0x2a4: {  	v5 =	vld [tilespmem:s31+$0xC2A0]  }
0x2a5: {  	[tilespmem:$0x1F840] =	vst v6;
	v6 =	vld [tilespmem:$0x1F680]  }
0x2a6: {  	[tilespmem:$0x1F730] =	vst v57;
	v57 =	vadd.f32 v29, v1;
	v29 =	vld [tilespmem:s31+$0x42E0]  }
0x2a7: {  	v24 =	vld [tilespmem:s31+$0xC2F0]  }
0x2a8: {  	v1 =	vsub.f32 v32, v33;
	v33 =	vld [tilespmem:s31+$0x42C0]  }
0x2a9: {  	v32 =	vld [tilespmem:s31+$0xC2C0]  }
0x2aa: {  	v55 =	vsub.f32 v55, v5;
	v5 =	vld [tilespmem:s31+$0xC250];
	v6 =	vsub.f32 v6, v15  }
0x2ab: {  	v34 =	vsub.f32 v43, v14;
	v43 =	vld [tilespmem:s31+$0xC230]  }
0x2ac: {  	[tilespmem:$0x1F690] =	vst v6;
	v6 =	vld [tilespmem:$0x1F6A0]  }
0x2ad: {  	v35 =	vsub.f32 v31, v30;
	v4 =	vld [tilespmem:s31+$0x42B0]  }
0x2ae: {  	v31 =	vsub.f32 v29, v28;
	v28 =	vsub.f32 v25, v24;
	v24 =	vmul.f32 v50, v50;
	v50 =	vld [tilespmem:$0x1F740]  }
0x2af: {  	v14 =	vmul.f32 v42, v42;
	v42 =	vsub.f32 v41, v5;
	v41 =	vld [tilespmem:$0x1F730]  }
0x2b0: {  	v7 =	vld [tilespmem:$0x1F6C0]  }
0x2b1: {  	v59 =	vsub.f32 v6, v38;
	v6 =	vld [tilespmem:$0x1F6B0]  }
0x2b2: {  	v4 =	vsub.f32 v4, v62;
	v62 =	vld [tilespmem:$0x1F760]  }
0x2b3: {  	v18 =	vmul.f32 v44, v44;
	v44 =	vsub.f32 v10, v19;
	v10 =	vmul.f32 v60, v60;
	v60 =	vld [tilespmem:$0x1F750]  }
0x2b4: {  	v38 =	vsub.f32 v40, v27;
	v40 =	vld [tilespmem:s31+$0x4240]  }
0x2b5: {  	v17 =	vmul.f32 v17, v17;
	v48 =	vsub.f32 v0, v48;
	v27 =	vsub.f32 v39, v26;
	v39 =	vld [tilespmem:s31+$0xC240]  }
0x2b6: {  	v25 =	vsub.f32 v12, v43;
	v15 =	vsub.f32 v6, v7;
	v6 =	vld [tilespmem:$0x1F6D0]  }
0x2b7: {  	v17 =	vadd.f32 v17, v41;
	v41 =	vmul.f32 v63, v63;
	v7 =	vld [tilespmem:$0x1F6E0]  }
0x2b8: {  	v16 =	vsub.f32 v16, v13;
	v63 =	vld [tilespmem:$0x1F770];
	v19 =	vmul.f32 v25, v25;
	v25 =	vmul.f32 v48, v48  }
0x2b9: {  	v26 =	vsub.f32 v23, v37;
	v23 =	vsub.f32 v36, v22;
	v36 =	vld [tilespmem:s31+$0x4260]  }
0x2ba: {  	v17 =	vadd.f32 v25, v17;
	v25 =	vmul.f32 v4, v4;
	v43 =	vsub.f32 v40, v39;
	v40 =	vld [tilespmem:$0x1F720]  }
0x2bb: {  	v19 =	vadd.f32 v19, v60;
	v39 =	vmul.f32 v20, v20;
	v20 =	vmul.f32 v62, v62;
	v62 =	vld [tilespmem:$0x1F7C0]  }
0x2bc: {  	v16 =	vmul.f32 v16, v16;
	v46 =	vsub.f32 v6, v7;
	v6 =	vld [tilespmem:$0x1F6F0]  }
0x2bd: {  	v19 =	vadd.f32 v25, v19;
	v25 =	vmul.f32 v15, v15;
	v7 =	vld [tilespmem:$0x1F700]  }
0x2be: {  	v5 =	vmul.f32 v51, v51;
	v16 =	vadd.f32 v16, v50;
	v48 =	vmul.f32 v63, v63;
	v37 =	vld [tilespmem:s31+$0xC260]  }
0x2bf: {  	v63 =	vmul.f32 v54, v54;
	v50 =	vadd.f32 v25, v17;
	v0 =	vadd.f32 v39, v40;
	v40 =	vld [tilespmem:$0x1F790]  }
0x2c0: {  	v51 =	vmul.f32 v21, v21;
	v39 =	vmul.f32 v52, v52;
	v52 =	vld [tilespmem:$0x1F7A0]  }
0x2c1: {  	v60 =	vmul.f32 v53, v53;
	v53 =	vmul.f32 v62, v62;
	v62 =	vadd.f32 v63, v50;
	v50 =	vld [tilespmem:$0x1F830]  }
0x2c2: {  	v0 =	vadd.f32 v51, v0;
	v51 =	vld [tilespmem:$0x1F840];
	v47 =	vsub.f32 v6, v7  }
0x2c3: {  	v6 =	vsub.f32 v33, v32;
	v32 =	vmul.f32 v45, v45;
	v45 =	vsub.f32 v36, v37;
	v37 =	vld [tilespmem:$0x1F780]  }
0x2c4: {  	v33 =	vmul.f32 v55, v55;
	v55 =	vld [tilespmem:$0x1F7B0]  }
0x2c5: {  	v36 =	vmul.f32 v34, v34;
	v34 =	vld [tilespmem:$0x1F7E0]  }
0x2c6: {  	v29 =	vmul.f32 v1, v1;
	v16 =	vadd.f32 v33, v16;
	v33 =	vld [tilespmem:$0x1F7D0]  }
0x2c7: {  	v13 =	vmul.f32 v2, v2;
	v22 =	vmul.f32 v49, v49;
	v0 =	vadd.f32 v36, v0;
	v36 =	vld [tilespmem:$0x1F7F0]  }
0x2c8: {  	v49 =	vmul.f32 v46, v46;
	v7 =	vmul.f32 v37, v37;
	v37 =	vld [tilespmem:$0x1F800]  }
0x2c9: {  	v12 =	vmul.f32 v3, v3;
	v17 =	vmul.f32 v47, v47;
	v47 =	vld [tilespmem:$0x1F810]  }
0x2ca: {  	v8 =	vmul.f32 v8, v8;
	v4 =	vmul.f32 v40, v40;
	v16 =	vadd.f32 v49, v16;
	v49 =	vld [tilespmem:$0x1F820]  }
0x2cb: {  	v30 =	vmul.f32 v52, v52;
	v46 =	vmul.f32 v50, v50;
	v19 =	vadd.f32 v17, v19  }
0x2cc: {  	v17 =	vadd.f32 v60, v0;
	v52 =	vmul.f32 v55, v55;
	v0 =	vmul.f32 v34, v34  }
0x2cd: {  	v54 =	vmul.f32 v33, v33;
	v40 =	vmul.f32 v37, v37  }
0x2ce: {  	v55 =	vmul.f32 v36, v36;
	v63 =	vadd.f32 v0, v16;
	v33 =	vmul.f32 v47, v47  }
0x2cf: {  	s26 =	simm.s32 $0x1000;
	[tilespmem:$0x1F710] =	vst v5;
	v47 =	vmul.f32 v51, v51;
	v34 =	vmul.f32 v49, v49;
	v60 =	vadd.f32 v40, v19  }
.LBB2_4:
0x2d0: {  	s28 =	sshra.s32 s26, $0x2;
	v5 =	vld [tilespmem:$0x1F5B0]  }
0x2d1: {  	v15 =	vld [tilespmem:s28+$0x4580]  }
0x2d2: {  	v21 =	vld [tilespmem:s28+$0xC580]  }
0x2d3: {  	v36 =	vmul.f32 v6, v6;
	v6 =	vld [tilespmem:s28+$0x4590]  }
0x2d4: {  	v25 =	vld [tilespmem:s28+$0xC5E0]  }
0x2d5: {  	v50 =	vmul.f32 v26, v26;
	v26 =	vld [tilespmem:s28+$0x45F0]  }
0x2d6: {  	v16 =	vadd.f32 v52, v17;
	v17 =	vadd.f32 v53, v62;
	v62 =	vmul.f32 v27, v27;
	v27 =	vld [tilespmem:s28+$0xC5F0]  }
0x2d7: {  	v19 =	vadd.f32 v54, v63;
	v54 =	vld [tilespmem:s28+$0xC570]  }
0x2d8: {  	v2 =	vadd.f32 v55, v60;
	v55 =	vld [tilespmem:s28+$0x4480]  }
0x2d9: {  	v60 =	vld [tilespmem:s28+$0xC4A0]  }
0x2da: {  	v63 =	vld [tilespmem:s28+$0x44C0]  }
0x2db: {  	v37 =	vmul.f32 v35, v35;
	v35 =	vld [tilespmem:s28+$0xC4C0]  }
0x2dc: {  	v49 =	vadd.f32 v7, v2;
	v7 =	vld [tilespmem:s28+$0xC590]  }
0x2dd: {  	v42 =	vmul.f32 v42, v42;
	v19 =	vadd.f32 v8, v19;
	v8 =	vld [tilespmem:s28+$0x45A0]  }
0x2de: {  	v43 =	vmul.f32 v43, v43;
	v16 =	vadd.f32 v48, v16;
	v48 =	vld [tilespmem:s28+$0xC410]  }
0x2df: {  	v2 =	vadd.f32 v42, v56;
	v56 =	vld [tilespmem:s28+$0xC480]  }
0x2e0: {  	v3 =	vadd.f32 v43, v57;
	v57 =	vld [tilespmem:s28+$0x4490]  }
0x2e1: {  	v17 =	vadd.f32 v39, v17;
	v42 =	vld [tilespmem:s28+$0x44F0]  }
0x2e2: {  	v43 =	vld [tilespmem:s28+$0xC4F0]  }
0x2e3: {  	v17 =	vadd.f32 v10, v17;
	v10 =	vld [tilespmem:s28+$0xC5A0]  }
0x2e4: {  	v0 =	vmul.f32 v38, v38;
	v38 =	vmul.f32 v45, v45;
	v19 =	vadd.f32 v12, v19;
	v12 =	vld [tilespmem:s28+$0x45B0]  }
0x2e5: {  	v16 =	vadd.f32 v13, v16;
	v13 =	vld [tilespmem:s28+$0xC5B0]  }
0x2e6: {  	v40 =	vadd.f32 v41, v49;
	v49 =	vadd.f32 v38, v9;
	v9 =	vld [tilespmem:s28+$0xC5C0]  }
0x2e7: {  	v38 =	vld [tilespmem:s28+$0xC4D0]  }
0x2e8: {  	v41 =	vld [tilespmem:s28+$0xC4E0]  }
0x2e9: {  	v2 =	vadd.f32 v37, v2;
	v37 =	vld [tilespmem:s28+$0x4560]  }
0x2ea: {  	v3 =	vadd.f32 v36, v3;
	v36 =	vld [tilespmem:s28+$0x44D0]  }
0x2eb: {  	[tilespmem:$0x1EE80] =	vst v54;
	v54 =	vld [tilespmem:s28+$0xC440]  }
0x2ec: {  	[tilespmem:$0x1EE60] =	vst v55;
	v55 =	vld [tilespmem:s28+$0x4450]  }
0x2ed: {  	[tilespmem:$0x1EEF0] =	vst v63;
	v63 =	vld [tilespmem:s28+$0x4460]  }
0x2ee: {  	[tilespmem:$0x1EEC0] =	vst v60;
	v60 =	vld [tilespmem:s28+$0x4380]  }
0x2ef: {  	[tilespmem:$0x1EF00] =	vst v35;
	v35 =	vld [tilespmem:s28+$0xC390]  }
0x2f0: {  	v1 =	vadd.f32 v14, v16;
	v14 =	vld [tilespmem:s28+$0x45C0]  }
0x2f1: {  	v16 =	vmul.f32 v44, v44;
	v44 =	vadd.f32 v32, v19;
	v19 =	vld [tilespmem:s28+$0xC5D0]  }
0x2f2: {  	v32 =	vld [tilespmem:s28+$0x4500]  }
0x2f3: {  	v45 =	vadd.f32 v24, v40;
	v40 =	vld [tilespmem:s28+$0x44E0]  }
0x2f4: {  	v39 =	vadd.f32 v18, v17;
	v18 =	vmul.f32 v28, v28;
	v28 =	vld [tilespmem:s28+$0xC350]  }
0x2f5: {  	v24 =	vld [tilespmem:s28+$0x4360]  }
0x2f6: {  	v0 =	vadd.f32 v0, v3;
	v3 =	vld [tilespmem:$0x1F690]  }
0x2f7: {  	v2 =	vadd.f32 v62, v2;
	v62 =	vld [tilespmem:s28+$0xC4B0]  }
0x2f8: {  	v17 =	vmul.f32 v31, v31;
	v31 =	vsub.f32 v6, v7;
	v6 =	vld [tilespmem:s28+$0xC2B0]  }
0x2f9: {  	v7 =	vld [tilespmem:s28+$0x42C0]  }
0x2fa: {  	v16 =	vadd.f32 v16, v11;
	v11 =	vld [tilespmem:s28+$0x45D0]  }
0x2fb: {  	[tilespmem:$0x1F120] =	vst v1;
	v1 =	vadd.f32 v17, v49;
	v17 =	vmul.f32 v23, v23;
	v23 =	vld [tilespmem:s28+$0x45E0]  }
0x2fc: {  	[tilespmem:$0x1F130] =	vst v39;
	v39 =	vld [tilespmem:s28+$0xC560]  }
0x2fd: {  	[tilespmem:$0x1F140] =	vst v44;
	v44 =	vld [tilespmem:s28+$0x4570]  }
0x2fe: {  	[tilespmem:$0x1F150] =	vst v45;
	v45 =	vld [tilespmem:s28+$0x4400]  }
0x2ff: {  	v49 =	vld [tilespmem:s28+$0x4420]  }
0x300: {  	[tilespmem:$0x1EE70] =	vst v56;
	v56 =	vld [tilespmem:s28+$0xC450]  }
0x301: {  	v16 =	vadd.f32 v18, v16;
	v18 =	vmul.f32 v5, v5;
	v5 =	vld [tilespmem:$0x1F600]  }
0x302: {  	[tilespmem:$0x1EE90] =	vst v57;
	v57 =	vld [tilespmem:s28+$0xC460]  }
0x303: {  	[tilespmem:$0x1EF80] =	vst v43;
	v43 =	vld [tilespmem:s28+$0xC3C0];
	v0 =	vadd.f32 v46, v0;
	v1 =	vadd.f32 v50, v1  }
0x304: {  	v46 =	vld [tilespmem:s28+$0xC400];
	v3 =	vmul.f32 v3, v3;
	v16 =	vadd.f32 v17, v16;
	v17 =	vmul.f32 v59, v59  }
0x305: {  	[tilespmem:$0x1EF40] =	vst v41;
	v41 =	vld [tilespmem:s28+$0xC3B0];
	v0 =	vadd.f32 v33, v0  }
0x306: {  	v1 =	vadd.f32 v3, v1;
	v3 =	vadd.f32 v17, v16;
	v16 =	vmul.f32 v5, v5;
	v5 =	vld [tilespmem:$0x1F490]  }
0x307: {  	v2 =	vadd.f32 v47, v2;
	v33 =	vld [tilespmem:s28+$0xC500]  }
0x308: {  	v0 =	vadd.f32 v4, v0;
	v4 =	vld [tilespmem:$0x1F370]  }
0x309: {  	v2 =	vadd.f32 v34, v2;
	v34 =	vld [tilespmem:s28+$0xC510]  }
0x30a: {  	[tilespmem:$0x1EEE0] =	vst v62;
	v62 =	vld [tilespmem:s28+$0x4390]  }
0x30b: {  	v17 =	vmul.f32 v5, v5;
	v5 =	vld [tilespmem:$0x1F4E0]  }
0x30c: {  	v2 =	vadd.f32 v30, v2;
	v30 =	vld [tilespmem:s28+$0x4510]  }
0x30d: {  	v1 =	vadd.f32 v18, v1;
	v18 =	vmul.f32 v4, v4;
	v4 =	vld [tilespmem:$0x1F3C0]  }
0x30e: {  	v59 =	vld [tilespmem:s28+$0x44A0]  }
0x30f: {  	v2 =	vadd.f32 v20, v2;
	v20 =	vld [tilespmem:s28+$0x4520]  }
0x310: {  	[tilespmem:$0x1F0D0] =	vst v41;
	v0 =	vadd.f32 v22, v0;
	v22 =	vld [tilespmem:s28+$0xC520];
	v3 =	vadd.f32 v16, v3;
	v16 =	vmul.f32 v5, v5  }
0x311: {  	v41 =	vsub.f32 v32, v33;
	v33 =	vld [tilespmem:$0x1EE60];
	[tilespmem:$0x1F080] =	vst v62;
	v62 =	vsub.f32 v26, v27  }
0x312: {  	v26 =	vsub.f32 v30, v34;
	v34 =	vld [tilespmem:$0x1EE70];
	v3 =	vadd.f32 v16, v3;
	v16 =	vmul.f32 v4, v4  }
0x313: {  	v4 =	vmul.f32 v58, v58;
	v58 =	vld [tilespmem:s28+$0xC490]  }
0x314: {  	v16 =	vadd.f32 v16, v3;
	v3 =	vld [tilespmem:$0x1F710]  }
0x315: {  	v5 =	vmul.f32 v61, v61;
	v61 =	vld [tilespmem:s28+$0x44B0]  }
0x316: {  	v32 =	vsub.f32 v37, v39;
	v37 =	vld [tilespmem:$0x1EE80];
	[tilespmem:$0x1EEB0] =	vst v59  }
0x317: {  	[tilespmem:$0x1F110] =	vst v62;
	v62 =	vld [tilespmem:$0x1EE90]  }
0x318: {  	v39 =	vsub.f32 v33, v34;
	v33 =	vld [tilespmem:$0x1EEB0];
	[tilespmem:$0x1EEA0] =	vst v58  }
0x319: {  	[tilespmem:$0x1F370] =	vst v32;
	v32 =	vld [tilespmem:$0x1EEA0];
	v0 =	vadd.f32 v3, v0  }
0x31a: {  	v34 =	vld [tilespmem:$0x1EEC0];
	[tilespmem:$0x1EED0] =	vst v61  }
0x31b: {  	[tilespmem:$0x1F170] =	vst v0;
	v0 =	vsub.f32 v44, v37;
	v37 =	vld [tilespmem:$0x1EED0]  }
0x31c: {  	v44 =	vld [tilespmem:$0x1EEE0]  }
0x31d: {  	[tilespmem:$0x1EF70] =	vst v42;
	v42 =	vld [tilespmem:s28+$0x43C0]  }
0x31e: {  	[tilespmem:$0x1F0F0] =	vst v43;
	v43 =	vsub.f32 v20, v22;
	v20 =	vsub.f32 v62, v32;
	v62 =	vld [tilespmem:$0x1EEF0]  }
0x31f: {  	[tilespmem:$0x1EF10] =	vst v36;
	v32 =	vld [tilespmem:$0x1EF00]  }
0x320: {  	[tilespmem:$0x1EF20] =	vst v38;
	v34 =	vsub.f32 v33, v34;
	v33 =	vld [tilespmem:$0x1EF10]  }
0x321: {  	[tilespmem:$0x1EF60] =	vst v46;
	v46 =	vsub.f32 v23, v25;
	v23 =	vsub.f32 v37, v44;
	v37 =	vld [tilespmem:$0x1EF20]  }
0x322: {  	v47 =	vld [tilespmem:s28+$0x4410]  }
0x323: {  	v38 =	vld [tilespmem:s28+$0xC3A0];
	[tilespmem:$0x1EF30] =	vst v40  }
0x324: {  	v44 =	vsub.f32 v62, v32;
	v62 =	vld [tilespmem:$0x1EF30]  }
0x325: {  	[tilespmem:$0x1EF50] =	vst v45;
	v32 =	vld [tilespmem:$0x1EF40]  }
0x326: {  	v30 =	vsub.f32 v33, v37;
	v33 =	vld [tilespmem:$0x1EF50]  }
0x327: {  	v37 =	vld [tilespmem:$0x1EF60]  }
0x328: {  	v50 =	vld [tilespmem:s28+$0xC420]  }
0x329: {  	v36 =	vld [tilespmem:s28+$0x43A0]  }
0x32a: {  	[tilespmem:$0x1F040] =	vst v60;
	v60 =	vld [tilespmem:s28+$0x43F0]  }
0x32b: {  	[tilespmem:$0x1F3C0] =	vst v0;
	v0 =	vsub.f32 v62, v32;
	v62 =	vld [tilespmem:$0x1EF70]  }
0x32c: {  	v32 =	vsub.f32 v33, v37;
	v33 =	vld [tilespmem:$0x1EF80]  }
0x32d: {  	[tilespmem:$0x1F010] =	vst v55;
	v55 =	vld [tilespmem:s28+$0x4300]  }
0x32e: {  	[tilespmem:$0x1F000] =	vst v54;
	v54 =	vld [tilespmem:s28+$0xC300];
	v1 =	vadd.f32 v17, v1  }
0x32f: {  	v40 =	vld [tilespmem:s28+$0x43B0];
	[tilespmem:$0x1EF90] =	vst v47  }
0x330: {  	[tilespmem:$0x1EFA0] =	vst v48;
	v1 =	vadd.f32 v18, v1;
	v37 =	vld [tilespmem:$0x1EF90]  }
0x331: {  	v51 =	vadd.f32 v29, v2;
	[tilespmem:$0x1F490] =	vst v0;
	v0 =	vsub.f32 v62, v33;
	v62 =	vld [tilespmem:$0x1EFA0]  }
0x332: {  	v48 =	vsub.f32 v14, v9;
	v14 =	vld [tilespmem:s28+$0xC370];
	[tilespmem:$0x1EFB0] =	vst v49;
	v52 =	vadd.f32 v5, v1  }
0x333: {  	[tilespmem:$0x1F160] =	vst v51;
	v51 =	vld [tilespmem:s28+$0x4430]  }
0x334: {  	[tilespmem:$0x1F190] =	vst v52;
	v52 =	vld [tilespmem:s28+$0xC430]  }
0x335: {  	[tilespmem:$0x1EFC0] =	vst v50;
	v33 =	vld [tilespmem:$0x1EFB0]  }
0x336: {  	[tilespmem:$0x1F0C0] =	vst v40;
	v40 =	vsub.f32 v11, v19;
	v19 =	vsub.f32 v37, v62;
	v37 =	vld [tilespmem:$0x1EFC0]  }
0x337: {  	v9 =	vld [tilespmem:s28+$0x42B0];
	v53 =	vadd.f32 v4, v16  }
0x338: {  	v45 =	vld [tilespmem:s28+$0x43D0];
	[tilespmem:$0x1EFD0] =	vst v51  }
0x339: {  	[tilespmem:$0x1F1C0] =	vst v53;
	v53 =	vld [tilespmem:s28+$0x4440]  }
0x33a: {  	[tilespmem:$0x1EFE0] =	vst v52;
	v62 =	vld [tilespmem:$0x1EFD0]  }
0x33b: {  	v33 =	vsub.f32 v33, v37;
	v37 =	vld [tilespmem:$0x1EFE0]  }
0x33c: {  	[tilespmem:$0x1F030] =	vst v57;
	v57 =	vld [tilespmem:s28+$0xC3F0]  }
0x33d: {  	[tilespmem:$0x1F020] =	vst v56;
	v56 =	vld [tilespmem:s28+$0x4310]  }
0x33e: {  	[tilespmem:$0x1F0E0] =	vst v42;
	v49 =	vld [tilespmem:s28+$0xC330]  }
0x33f: {  	v42 =	vld [tilespmem:s28+$0x4350];
	[tilespmem:$0x1EFF0] =	vst v53  }
0x340: {  	v29 =	vsub.f32 v15, v21;
	v21 =	vsub.f32 v62, v37;
	v62 =	vld [tilespmem:$0x1EFF0]  }
0x341: {  	v37 =	vld [tilespmem:$0x1F000]  }
0x342: {  	v47 =	vld [tilespmem:s28+$0x4340]  }
0x343: {  	[tilespmem:$0x1F0B0] =	vst v38;
	v38 =	vld [tilespmem:s28+$0xC340]  }
0x344: {  	v50 =	vld [tilespmem:s28+$0xC320]  }
0x345: {  	[tilespmem:$0x1F4E0] =	vst v0;
	v0 =	vld [tilespmem:$0x1F010]  }
0x346: {  	v37 =	vsub.f32 v62, v37;
	v62 =	vld [tilespmem:$0x1F020]  }
0x347: {  	[tilespmem:$0x1F0A0] =	vst v36;
	v36 =	vsub.f32 v12, v13;
	v12 =	vld [tilespmem:s28+$0xC280]  }
0x348: {  	v13 =	vld [tilespmem:s28+$0x4290]  }
0x349: {  	v11 =	vld [tilespmem:s28+$0x42A0]  }
0x34a: {  	v61 =	vld [tilespmem:s28+$0xC380]  }
0x34b: {  	v25 =	vsub.f32 v0, v62;
	v62 =	vld [tilespmem:$0x1F030]  }
0x34c: {  	v2 =	vld [tilespmem:s28+$0x4530]  }
0x34d: {  	v59 =	vld [tilespmem:s28+$0xC470]  }
0x34e: {  	v15 =	vld [tilespmem:s28+$0x4280]  }
0x34f: {  	v58 =	vld [tilespmem:s28+$0x4470]  }
0x350: {  	[tilespmem:$0x1F050] =	vst v61;
	v0 =	vsub.f32 v63, v62;
	v62 =	vld [tilespmem:$0x1F040]  }
0x351: {  	v63 =	vld [tilespmem:$0x1F050]  }
0x352: {  	[tilespmem:$0x1F100] =	vst v45;
	v45 =	vsub.f32 v8, v10;
	v10 =	vld [tilespmem:s28+$0xC290]  }
0x353: {  	v1 =	vld [tilespmem:s28+$0xC530]  }
0x354: {  	v4 =	vld [tilespmem:s28+$0x4550]  }
0x355: {  	v16 =	vld [tilespmem:s28+$0xC550];
	[tilespmem:$0x1F060] =	vst v58  }
0x356: {  	[tilespmem:$0x1F070] =	vst v59;
	v22 =	vsub.f32 v62, v63;
	v62 =	vld [tilespmem:$0x1F060]  }
0x357: {  	v63 =	vld [tilespmem:$0x1F070]  }
0x358: {  	v8 =	vld [tilespmem:s28+$0xC2A0]  }
0x359: {  	v59 =	vld [tilespmem:s28+$0x43E0]  }
0x35a: {  	[tilespmem:$0x1F090] =	vst v35;
	v27 =	vsub.f32 v2, v1;
	v1 =	vld [tilespmem:$0x1F0A0]  }
0x35b: {  	v35 =	vsub.f32 v4, v16;
	v16 =	vld [tilespmem:$0x1F090]  }
0x35c: {  	[tilespmem:$0x1F5B0] =	vst v0;
	v0 =	vsub.f32 v62, v63;
	v63 =	vld [tilespmem:$0x1F0B0]  }
0x35d: {  	v62 =	vld [tilespmem:$0x1F080]  }
0x35e: {  	v17 =	vld [tilespmem:s28+$0x4370]  }
0x35f: {  	v15 =	vsub.f32 v15, v12;
	v12 =	vmul.f32 v43, v43;
	v43 =	vld [tilespmem:s28+$0xC240]  }
0x360: {  	v51 =	vld [tilespmem:s28+$0x4330]  }
0x361: {  	v1 =	vsub.f32 v1, v63;
	v63 =	vld [tilespmem:$0x1F0C0]  }
0x362: {  	v16 =	vsub.f32 v62, v16;
	v62 =	vld [tilespmem:$0x1F0D0]  }
0x363: {  	v18 =	vld [tilespmem:s28+$0xC360]  }
0x364: {  	v5 =	vld [tilespmem:s28+$0xC540]  }
0x365: {  	v3 =	vld [tilespmem:s28+$0x4540]  }
0x366: {  	v58 =	vld [tilespmem:s28+$0xC3E0]  }
0x367: {  	v53 =	vld [tilespmem:s28+$0xC310];
	v63 =	vsub.f32 v63, v62  }
0x368: {  	v62 =	vld [tilespmem:$0x1F0E0]  }
0x369: {  	[tilespmem:$0x1F1A0] =	vst v63;
	v63 =	vld [tilespmem:$0x1F0F0]  }
0x36a: {  	[tilespmem:$0x1F1D0] =	vst v46;
	v52 =	vld [tilespmem:s28+$0x4320];
	v46 =	vsub.f32 v3, v5  }
0x36b: {  	v2 =	vld [tilespmem:s28+$0xC2D0];
	v58 =	vsub.f32 v59, v58;
	v59 =	vsub.f32 v60, v57  }
0x36c: {  	v61 =	vld [tilespmem:s28+$0xC3D0];
	v57 =	vsub.f32 v51, v49;
	v49 =	vsub.f32 v47, v38  }
0x36d: {  	v5 =	vld [tilespmem:s28+$0x42D0];
	v38 =	vsub.f32 v42, v28;
	v51 =	vsub.f32 v17, v14  }
0x36e: {  	v60 =	vsub.f32 v56, v53;
	v62 =	vsub.f32 v62, v63;
	v63 =	vld [tilespmem:$0x1F100]  }
0x36f: {  	v42 =	vld [tilespmem:s28+$0x4220];
	v56 =	vsub.f32 v52, v50;
	v50 =	vsub.f32 v24, v18  }
0x370: {  	v17 =	vld [tilespmem:s28+$0xC220];
	v24 =	vmul.f32 v36, v36;
	v36 =	vsub.f32 v13, v10;
	v10 =	vmul.f32 v48, v48  }
0x371: {  	[tilespmem:$0x1F690] =	vst v58;
	v58 =	vsub.f32 v55, v54;
	v54 =	vld [tilespmem:s28+$0xC200]  }
0x372: {  	[tilespmem:$0x1F710] =	vst v10;
	v10 =	vmul.f32 v26, v26;
	v26 =	vld [tilespmem:s28+$0x4240]  }
0x373: {  	v61 =	vsub.f32 v63, v61;
	v63 =	vld [tilespmem:s28+$0x4200]  }
0x374: {  	[tilespmem:$0x1F180] =	vst v1;
	v1 =	vld [tilespmem:s28+$0x42F0]  }
0x375: {  	v17 =	vsub.f32 v42, v17;
	[tilespmem:$0x1F1B0] =	vst v62;
	v62 =	vld [tilespmem:s28+$0xC2F0]  }
0x376: {  	v47 =	vld [tilespmem:s28+$0xC210]  }
0x377: {  	v43 =	vsub.f32 v26, v43;
	v26 =	vmov v50;
	v50 =	vmul.f32 v17, v17;
	v17 =	vld [tilespmem:$0x1F120]  }
0x378: {  	v55 =	vld [tilespmem:s28+$0x4210];
	v63 =	vsub.f32 v63, v54  }
0x379: {  	v3 =	vld [tilespmem:s28+$0x42E0]  }
0x37a: {  	[tilespmem:$0x1F600] =	vst v0;
	v0 =	vld [tilespmem:s28+$0xC2E0];
	v28 =	vsub.f32 v1, v62;
	v1 =	vmul.f32 v63, v63  }
0x37b: {  	v9 =	vsub.f32 v9, v6;
	v4 =	vld [tilespmem:s28+$0xC2C0];
	v14 =	vmul.f32 v29, v29;
	v29 =	vmul.f32 v40, v40  }
0x37c: {  	v13 =	vmul.f32 v41, v41;
	v41 =	vmul.f32 v27, v27;
	v1 =	vadd.f32 v1, v17;
	v17 =	vld [tilespmem:$0x1F130]  }
0x37d: {  	v40 =	vld [tilespmem:s28+$0xC230];
	v27 =	vmul.f32 v35, v35;
	v35 =	vsub.f32 v5, v2;
	v5 =	vsub.f32 v55, v47  }
0x37e: {  	v9 =	vmul.f32 v9, v9;
	v11 =	vsub.f32 v11, v8;
	v53 =	vmul.f32 v45, v45;
	v45 =	vld [tilespmem:s28+$0x4230]  }
0x37f: {  	v18 =	vmul.f32 v31, v31;
	v5 =	vmul.f32 v5, v5;
	v31 =	vsub.f32 v3, v0;
	v0 =	vld [tilespmem:s28+$0x4260]  }
0x380: {  	v11 =	vmul.f32 v11, v11;
	v8 =	vmul.f32 v34, v34;
	v3 =	vld [tilespmem:s28+$0xC260]  }
0x381: {  	v6 =	vsub.f32 v7, v4;
	v4 =	vmul.f32 v46, v46;
	v5 =	vadd.f32 v5, v17;
	v17 =	vld [tilespmem:$0x1F140]  }
0x382: {  	v48 =	vmul.f32 v39, v39;
	v39 =	vmul.f32 v20, v20  }
0x383: {  	v46 =	vld [tilespmem:s28+$0x4250];
	v7 =	vmul.f32 v23, v23;
	v23 =	vmul.f32 v58, v58  }
0x384: {  	v20 =	vld [tilespmem:s28+$0xC270];
	v52 =	vmul.f32 v32, v32;
	v32 =	vmov v53;
	v53 =	vmul.f32 v19, v19  }
0x385: {  	v2 =	vld [tilespmem:s28+$0xC250];
	v55 =	vmul.f32 v21, v21;
	v21 =	vsub.f32 v45, v40;
	v40 =	vmul.f32 v15, v15  }
0x386: {  	v15 =	vmul.f32 v36, v36;
	v45 =	vsub.f32 v0, v3;
	v0 =	vadd.f32 v50, v17;
	v17 =	vld [tilespmem:$0x1F150]  }
0x387: {  	v19 =	vld [tilespmem:s28+$0x4270];
	v34 =	vmul.f32 v25, v25;
	v25 =	vmul.f32 v60, v60  }
0x388: {  	v60 =	vadd.f32 v15, v5;
	v5 =	vmul.f32 v56, v56;
	v0 =	vadd.f32 v11, v0  }
0x389: {  	v30 =	vmul.f32 v30, v30;
	v3 =	vmul.f32 v21, v21;
	v11 =	vld [tilespmem:$0x1F180]  }
0x38a: {  	v42 =	vsub.f32 v46, v2;
	v22 =	vmul.f32 v22, v22;
	v0 =	vadd.f32 v5, v0;
	v5 =	vld [tilespmem:$0x1F1A0]  }
0x38b: {  	v58 =	vld [tilespmem:$0x1F110];
	v16 =	vmul.f32 v16, v16;
	v62 =	vmul.f32 v44, v44;
	v3 =	vadd.f32 v3, v17  }
0x38c: {  	p0 =	sne.s32 s26, $0xF000;
	v44 =	vsub.f32 v19, v20;
	v47 =	vmul.f32 v61, v61;
	v63 =	vld [tilespmem:$0x1F1B0];
	v1 =	vadd.f32 v40, v1  }
.Ltmp1:
0x38d: {  	v61 =	vld [tilespmem:$0x1F1D0];
	v54 =	vmul.f32 v33, v33;
	v3 =	vadd.f32 v9, v3;
	v9 =	vmul.f32 v57, v57;
	(pc) =	sbr.rel @p0 .LBB2_4-.Ltmp1, $4  }
0x38e: {  	v20 =	vmovc v27;
	v33 =	vmul.f32 v37, v37;
	v1 =	vadd.f32 v23, v1;
	v56 =	vld [tilespmem:$0x1F160];
	v2 =	vadd.f32 v25, v60  }
0x38f: {  	v27 =	vmovc v38;
	v57 =	vld [tilespmem:$0x1F170];
	v11 =	vmul.f32 v11, v11;
	v3 =	vadd.f32 v9, v3;
	v5 =	vmul.f32 v5, v5  }
0x390: {  	v38 =	vmovc v49;
	v17 =	vadd.f32 v22, v1;
	v22 =	vmovc v4;
	v4 =	vmov v62;
	v62 =	vadd.f32 v16, v2;
	v9 =	vld [tilespmem:$0x1F190]  }
0x391: {  	s26 =	sadd.s32 $0x1000, s26;
	v46 =	vmul.f32 v63, v63;
	v23 =	vmovc v51;
	v63 =	vadd.f32 v11, v0;
	v11 =	vld [tilespmem:$0x1F1C0];
	v60 =	vadd.f32 v5, v3  }
0x392: {  	s26 =	simm.s32 $0x0  }
0x393: {  	[tilespmem:s16], [sflag:$0x2] =	stream.linear.gather [hbm4b:s9+s26], $0x4000, $0x38;
	[tilespmem:$0x10280] =	vst v63  }
0x394: {  	_ = 	snop  }
0x395: {  	[tilespmem:s17], [sflag:$0x4] =	stream.indirect.gather [hbm4b:s2+s14], $0x80, s23, s14, $0xb8;
	[tilespmem:$0x10280] =	vst v63  }
0x396: {  	_ =	swait.ge [sflag:s18], $0x4000  }
0x397: {  	[sflag:s18] =	ssyncset.done $0x0  }
0x398: {  	[sflag:s18] =	ssyncadd.s32 $0xFFFFC000  }
0x399: {  	_ =	swait.ge [sflag:s19], $0x4000  }
0x39a: {  	[sflag:s19] =	ssyncset.done $0x0  }
0x39b: {  	s31 =	simm.s32 $0x0;
	[sflag:s19] =	ssyncadd.s32 $0xFFFFC000  }
0x39c: {  	v37 =	vld [tilespmem:s31+$0x85C0];
	_ =	sdelay $0x4  }
0x39d: {  	[tilespmem:$0x1E850] =	vst v37;
	v37 =	vld [tilespmem:s31+$0x5D0];
	_ =	sdelay $0x4  }
0x39e: {  	[tilespmem:$0x1E860] =	vst v37;
	v37 =	vld [tilespmem:s31+$0x85D0];
	_ =	sdelay $0x4  }
0x39f: {  	[tilespmem:$0x1E870] =	vst v37;
	v37 =	vld [tilespmem:s31+$0x5E0];
	_ =	sdelay $0x4  }
0x3a0: {  	[tilespmem:$0x1E880] =	vst v37;
	v37 =	vld [tilespmem:s31+$0x85E0];
	_ =	sdelay $0x4  }
0x3a1: {  	[tilespmem:$0x1E890] =	vst v37;
	v37 =	vld [tilespmem:s31+$0x5F0];
	_ =	sdelay $0x4  }
0x3a2: {  	[tilespmem:$0x1E8C0] =	vst v37;
	v37 =	vld [tilespmem:s31+$0x85F0];
	_ =	sdelay $0x4  }
0x3a3: {  	[tilespmem:$0x1E8D0] =	vst v37;
	v37 =	vld [tilespmem:s31+$0x500];
	_ =	sdelay $0x4  }
0x3a4: {  	[tilespmem:$0x1E8A0] =	vst v37;
	v37 =	vld [tilespmem:s31+$0x8500];
	_ =	sdelay $0x4  }
0x3a5: {  	[tilespmem:$0x1E8B0] =	vst v37;
	v37 =	vld [tilespmem:s31+$0x510];
	_ =	sdelay $0x4  }
0x3a6: {  	[tilespmem:$0x1E8E0] =	vst v37;
	v37 =	vld [tilespmem:s31+$0x8510];
	_ =	sdelay $0x4  }
0x3a7: {  	[tilespmem:$0x1E8F0] =	vst v37;
	v37 =	vld [tilespmem:s31+$0x520];
	_ =	sdelay $0x4  }
0x3a8: {  	[tilespmem:$0x1E900] =	vst v37;
	v37 =	vld [tilespmem:s31+$0x8520];
	_ =	sdelay $0x4  }
0x3a9: {  	[tilespmem:$0x1E910] =	vst v37;
	v37 =	vld [tilespmem:s31+$0x530];
	_ =	sdelay $0x4  }
0x3aa: {  	[tilespmem:$0x1E920] =	vst v37;
	v37 =	vld [tilespmem:s31+$0x8530];
	_ =	sdelay $0x4  }
0x3ab: {  	[tilespmem:$0x1E930] =	vst v37;
	v37 =	vld [tilespmem:s31+$0x540];
	_ =	sdelay $0x4  }
0x3ac: {  	[tilespmem:$0x1E940] =	vst v37;
	v37 =	vld [tilespmem:s31+$0x8540];
	_ =	sdelay $0x4  }
0x3ad: {  	[tilespmem:$0x1E950] =	vst v37;
	v37 =	vld [tilespmem:s31+$0x550];
	_ =	sdelay $0x4  }
0x3ae: {  	[tilespmem:$0x1E960] =	vst v37;
	v37 =	vld [tilespmem:s31+$0x8550];
	_ =	sdelay $0x4  }
0x3af: {  	[tilespmem:$0x1E970] =	vst v37;
	v37 =	vld [tilespmem:s31+$0x560];
	_ =	sdelay $0x4  }
0x3b0: {  	[tilespmem:$0x1E980] =	vst v37;
	v37 =	vld [tilespmem:s31+$0x8560];
	_ =	sdelay $0x4  }
0x3b1: {  	[tilespmem:$0x1E990] =	vst v37;
	v37 =	vld [tilespmem:s31+$0x570];
	_ =	sdelay $0x4  }
0x3b2: {  	[tilespmem:$0x1E9D0] =	vst v37;
	v37 =	vld [tilespmem:s31+$0x8570];
	_ =	sdelay $0x4  }
0x3b3: {  	[tilespmem:$0x1E9E0] =	vst v37;
	v37 =	vld [tilespmem:s31+$0x480];
	_ =	sdelay $0x4  }
0x3b4: {  	[tilespmem:$0x1E9B0] =	vst v37;
	v37 =	vld [tilespmem:s31+$0x8480];
	_ =	sdelay $0x4  }
0x3b5: {  	[tilespmem:$0x1E9C0] =	vst v37;
	v37 =	vld [tilespmem:s31+$0x490];
	_ =	sdelay $0x4  }
0x3b6: {  	[tilespmem:$0x1EA00] =	vst v37;
	v37 =	vld [tilespmem:s31+$0x8490];
	_ =	sdelay $0x4  }
0x3b7: {  	[tilespmem:$0x1EA10] =	vst v37;
	v37 =	vld [tilespmem:s31+$0x4A0];
	_ =	sdelay $0x4  }
0x3b8: {  	[tilespmem:$0x1EA20] =	vst v37;
	v37 =	vld [tilespmem:s31+$0x84A0];
	_ =	sdelay $0x4  }
0x3b9: {  	[tilespmem:$0x1EA30] =	vst v37;
	v37 =	vld [tilespmem:s31+$0x4B0];
	_ =	sdelay $0x4  }
0x3ba: {  	[tilespmem:$0x1EA40] =	vst v37;
	v37 =	vld [tilespmem:s31+$0x84B0];
	_ =	sdelay $0x4  }
0x3bb: {  	[tilespmem:$0x1EA50] =	vst v37;
	v37 =	vld [tilespmem:s31+$0x4C0];
	_ =	sdelay $0x4  }
0x3bc: {  	[tilespmem:$0x1EA60] =	vst v37;
	v37 =	vld [tilespmem:s31+$0x84C0];
	_ =	sdelay $0x4  }
0x3bd: {  	[tilespmem:$0x1EA70] =	vst v37;
	v37 =	vld [tilespmem:s31+$0x4D0];
	_ =	sdelay $0x4  }
0x3be: {  	[tilespmem:$0x1EA80] =	vst v37;
	v37 =	vld [tilespmem:s31+$0x84D0];
	_ =	sdelay $0x4  }
0x3bf: {  	[tilespmem:$0x1EA90] =	vst v37;
	v37 =	vld [tilespmem:s31+$0x4E0];
	_ =	sdelay $0x4  }
0x3c0: {  	[tilespmem:$0x1EAA0] =	vst v37;
	v37 =	vld [tilespmem:s31+$0x84E0];
	_ =	sdelay $0x4  }
0x3c1: {  	[tilespmem:$0x1EAB0] =	vst v37;
	v37 =	vld [tilespmem:s31+$0x4F0];
	_ =	sdelay $0x4  }
0x3c2: {  	[tilespmem:$0x1EAF0] =	vst v37;
	v37 =	vld [tilespmem:s31+$0x84F0];
	_ =	sdelay $0x4  }
0x3c3: {  	[tilespmem:$0x1EB00] =	vst v37;
	v37 =	vld [tilespmem:s31+$0x400];
	_ =	sdelay $0x4  }
0x3c4: {  	[tilespmem:$0x1EAD0] =	vst v37;
	v37 =	vld [tilespmem:s31+$0x8400];
	_ =	sdelay $0x4  }
0x3c5: {  	[tilespmem:$0x1EAE0] =	vst v37;
	v37 =	vld [tilespmem:s31+$0x410];
	_ =	sdelay $0x4  }
0x3c6: {  	[tilespmem:$0x1EB20] =	vst v37;
	v37 =	vld [tilespmem:s31+$0x8410];
	_ =	sdelay $0x4  }
0x3c7: {  	[tilespmem:$0x1EB30] =	vst v37;
	v37 =	vld [tilespmem:s31+$0x420];
	_ =	sdelay $0x4  }
0x3c8: {  	[tilespmem:$0x1EB40] =	vst v37;
	v37 =	vld [tilespmem:s31+$0x8420];
	_ =	sdelay $0x4  }
0x3c9: {  	[tilespmem:$0x1EB50] =	vst v37;
	v37 =	vld [tilespmem:s31+$0x430];
	_ =	sdelay $0x4  }
0x3ca: {  	[tilespmem:$0x1EB60] =	vst v37;
	v37 =	vld [tilespmem:s31+$0x8430];
	_ =	sdelay $0x4  }
0x3cb: {  	[tilespmem:$0x1EB70] =	vst v37;
	v37 =	vld [tilespmem:s31+$0x440];
	_ =	sdelay $0x4  }
0x3cc: {  	[tilespmem:$0x1EB80] =	vst v37;
	v37 =	vld [tilespmem:s31+$0x8440];
	_ =	sdelay $0x4  }
0x3cd: {  	[tilespmem:$0x1EB90] =	vst v37;
	v37 =	vld [tilespmem:s31+$0x450];
	_ =	sdelay $0x4  }
0x3ce: {  	[tilespmem:$0x1EBA0] =	vst v37;
	v37 =	vld [tilespmem:s31+$0x8450];
	_ =	sdelay $0x4  }
0x3cf: {  	[tilespmem:$0x1EBB0] =	vst v37;
	v37 =	vld [tilespmem:s31+$0x460];
	_ =	sdelay $0x4  }
0x3d0: {  	[tilespmem:$0x1EBC0] =	vst v37;
	v37 =	vld [tilespmem:s31+$0x8460];
	_ =	sdelay $0x4  }
0x3d1: {  	[tilespmem:$0x1EBD0] =	vst v37;
	v37 =	vld [tilespmem:s31+$0x470];
	_ =	sdelay $0x4  }
0x3d2: {  	[tilespmem:$0x1EC10] =	vst v37;
	v37 =	vld [tilespmem:s31+$0x8470];
	_ =	sdelay $0x4  }
0x3d3: {  	[tilespmem:$0x1EC20] =	vst v37;
	v37 =	vld [tilespmem:s31+$0x380];
	_ =	sdelay $0x4  }
0x3d4: {  	[tilespmem:$0x1EBF0] =	vst v37;
	v37 =	vld [tilespmem:s31+$0x8380];
	_ =	sdelay $0x4  }
0x3d5: {  	[tilespmem:$0x1EC00] =	vst v37;
	v37 =	vld [tilespmem:s31+$0x390];
	_ =	sdelay $0x4  }
0x3d6: {  	[tilespmem:$0x1EC40] =	vst v37;
	v37 =	vld [tilespmem:s31+$0x8390];
	_ =	sdelay $0x4  }
0x3d7: {  	[tilespmem:$0x1EC50] =	vst v37;
	v37 =	vld [tilespmem:s31+$0x3A0];
	_ =	sdelay $0x4  }
0x3d8: {  	v2 =	vadd.f32 v53, v62;
	[tilespmem:$0x1EC60] =	vst v37;
	v37 =	vld [tilespmem:s31+$0x83A0]  }
0x3d9: {  	v5 =	vadd.f32 v55, v60  }
0x3da: {  	v1 =	vadd.f32 v52, v17;
	v2 =	vadd.f32 v39, v2  }
0x3db: {  	v3 =	vadd.f32 v54, v63;
	v5 =	vadd.f32 v7, v5  }
0x3dc: {  	v1 =	vadd.f32 v48, v1;
	v2 =	vadd.f32 v10, v2;
	v39 =	vld [tilespmem:s31+$0x83D0]  }
0x3dd: {  	v53 =	vmul.f32 v43, v43;
	v3 =	vadd.f32 v8, v3;
	v5 =	vadd.f32 v41, v5;
	[tilespmem:$0x1EC70] =	vst v37;
	v37 =	vld [tilespmem:s31+$0x3B0]  }
0x3de: {  	v62 =	vmul.f32 v42, v42;
	v1 =	vadd.f32 v13, v1;
	v48 =	vadd.f32 v18, v2;
	v42 =	vld [tilespmem:$0x1F5B0]  }
0x3df: {  	v60 =	vadd.f32 v24, v5;
	v5 =	vmul.f32 v6, v6;
	v6 =	vmul.f32 v44, v44;
	v44 =	vld [tilespmem:$0x1F600]  }
0x3e0: {  	v3 =	vadd.f32 v12, v3;
	[tilespmem:$0x1ED50] =	vst v48;
	v48 =	vld [tilespmem:$0x1F370]  }
0x3e1: {  	v41 =	vadd.f32 v14, v1;
	v1 =	vadd.f32 v53, v57;
	v53 =	vld [tilespmem:$0x1F3C0];
	[tilespmem:$0x1ECA0] =	vst v39  }
0x3e2: {  	v39 =	vadd.f32 v32, v3;
	v3 =	vmul.f32 v45, v45;
	[tilespmem:$0x1EC80] =	vst v37;
	v37 =	vld [tilespmem:s31+$0x83B0]  }
0x3e3: {  	v2 =	vadd.f32 v62, v56;
	v1 =	vadd.f32 v5, v1;
	v40 =	vld [tilespmem:s31+$0x5A0]  }
0x3e4: {  	v5 =	vmul.f32 v31, v31;
	v50 =	vld [tilespmem:s31+$0x85A0];
	v3 =	vadd.f32 v3, v9;
	v9 =	vmul.f32 v35, v35  }
0x3e5: {  	v49 =	vld [tilespmem:s31+$0x5B0]  }
0x3e6: {  	v51 =	vld [tilespmem:s31+$0x85B0];
	v2 =	vadd.f32 v9, v2;
	v3 =	vadd.f32 v5, v3;
	v5 =	vmul.f32 v27, v27  }
0x3e7: {  	v7 =	vmul.f32 v38, v38;
	v6 =	vadd.f32 v6, v11;
	v9 =	vmul.f32 v28, v28;
	[tilespmem:$0x1EC90] =	vst v37;
	v37 =	vld [tilespmem:$0x1F690]  }
0x3e8: {  	v0 =	vld [tilespmem:s31+$0x5C0];
	v2 =	vadd.f32 v5, v2  }
0x3e9: {  	v55 =	vld [tilespmem:s31+$0x83F0];
	v1 =	vadd.f32 v7, v1;
	v7 =	vmul.f32 v23, v23;
	v6 =	vadd.f32 v9, v6  }
0x3ea: {  	v11 =	vmul.f32 v26, v26;
	v2 =	vadd.f32 v47, v2;
	v47 =	vld [tilespmem:$0x1F4E0]  }
0x3eb: {  	v1 =	vadd.f32 v46, v1;
	v46 =	vld [tilespmem:$0x1F490];
	v6 =	vadd.f32 v7, v6;
	v7 =	vmul.f32 v59, v59  }
0x3ec: {  	v63 =	vld [tilespmem:s31+$0x300];
	v3 =	vadd.f32 v11, v3;
	v5 =	vmul.f32 v37, v37  }
0x3ed: {  	v32 =	vld [tilespmem:s31+$0x320];
	v1 =	vadd.f32 v33, v1;
	v6 =	vadd.f32 v7, v6;
	v7 =	vmul.f32 v44, v44  }
0x3ee: {  	[tilespmem:$0x1E840] =	vst v0;
	v45 =	vld [tilespmem:s31+$0x350];
	v3 =	vadd.f32 v5, v3;
	v5 =	vmul.f32 v42, v42  }
0x3ef: {  	v56 =	vld [tilespmem:$0x1E840];
	v1 =	vadd.f32 v4, v1;
	v6 =	vadd.f32 v7, v6;
	v4 =	vmul.f32 v47, v47  }
0x3f0: {  	v59 =	vld [tilespmem:$0x1E860];
	v3 =	vadd.f32 v5, v3;
	v5 =	vmul.f32 v46, v46  }
0x3f1: {  	[tilespmem:$0x1ED60] =	vst v60;
	v60 =	vld [tilespmem:$0x1E870];
	v4 =	vadd.f32 v4, v6;
	v6 =	vmul.f32 v53, v53  }
0x3f2: {  	v7 =	vmul.f32 v61, v61;
	v61 =	vld [tilespmem:$0x1E880];
	v3 =	vadd.f32 v5, v3;
	v5 =	vmul.f32 v48, v48  }
0x3f3: {  	v4 =	vadd.f32 v6, v4;
	v6 =	vmul.f32 v58, v58;
	v58 =	vld [tilespmem:$0x1E850]  }
0x3f4: {  	v62 =	vld [tilespmem:$0x1E890];
	v5 =	vadd.f32 v5, v3  }
0x3f5: {  	v47 =	vld [tilespmem:$0x1E900]  }
0x3f6: {  	[tilespmem:$0x1ECD0] =	vst v55;
	v11 =	vadd.f32 v7, v5;
	v5 =	vld [tilespmem:$0x1E910]  }
0x3f7: {  	[tilespmem:$0x1ECC0] =	vst v63;
	v55 =	vld [tilespmem:$0x1F710]  }
0x3f8: {  	[tilespmem:$0x1ECF0] =	vst v32;
	v63 =	vld [tilespmem:$0x1E8A0]  }
0x3f9: {  	[tilespmem:$0x1ED30] =	vst v45;
	v45 =	vsub.f32 v40, v50;
	v40 =	vsub.f32 v49, v51;
	v32 =	vld [tilespmem:$0x1E8B0]  }
0x3fa: {  	v51 =	vsub.f32 v56, v58;
	v56 =	vsub.f32 v59, v60;
	v48 =	vld [tilespmem:$0x1E920]  }
0x3fb: {  	v60 =	vsub.f32 v61, v62;
	v61 =	vsub.f32 v47, v5;
	v5 =	vld [tilespmem:$0x1E930];
	_ =	sdelay $0x1  }
0x3fc: {  	v1 =	vadd.f32 v22, v1;
	_ =	sdelay $0x1  }
0x3fd: {  	v18 =	vadd.f32 v55, v1;
	v49 =	vld [tilespmem:$0x1E940]  }
0x3fe: {  	v1 =	vsub.f32 v63, v32;
	v63 =	vsub.f32 v48, v5;
	v5 =	vld [tilespmem:$0x1E950];
	_ =	sdelay $0x3  }
0x3ff: {  	v50 =	vld [tilespmem:$0x1E960]  }
0x400: {  	v48 =	vsub.f32 v49, v5;
	v5 =	vld [tilespmem:$0x1E970];
	_ =	sdelay $0x1  }
0x401: {  	v43 =	vld [tilespmem:s31+$0x8340];
	_ =	sdelay $0x1  }
0x402: {  	v53 =	vld [tilespmem:$0x1E980]  }
0x403: {  	v0 =	vsub.f32 v50, v5;
	v5 =	vld [tilespmem:$0x1E990];
	_ =	sdelay $0x1  }
0x404: {  	[tilespmem:$0x1ED20] =	vst v43;
	v43 =	vld [tilespmem:$0x1E8E0]  }
0x405: {  	v2 =	vadd.f32 v34, v2;
	v32 =	vld [tilespmem:$0x1E9B0]  }
0x406: {  	v46 =	vld [tilespmem:$0x1E8F0]  }
0x407: {  	v2 =	vadd.f32 v30, v2;
	[tilespmem:$0x1ED70] =	vst v0;
	v0 =	vsub.f32 v53, v5;
	v5 =	vld [tilespmem:$0x1E9C0];
	_ =	sdelay $0x1  }
0x408: {  	v2 =	vadd.f32 v20, v2;
	_ =	sdelay $0x1  }
0x409: {  	v55 =	vadd.f32 v29, v2;
	v2 =	vsub.f32 v43, v46;
	v43 =	vld [tilespmem:$0x1E9D0]  }
0x40a: {  	v49 =	vsub.f32 v32, v5;
	v5 =	vld [tilespmem:$0x1E9E0];
	_ =	sdelay $0x3  }
0x40b: {  	v46 =	vld [tilespmem:$0x1EA00]  }
0x40c: {  	[tilespmem:$0x1E9A0] =	vst v0;
	v0 =	vsub.f32 v43, v5;
	v5 =	vld [tilespmem:$0x1EA10];
	_ =	sdelay $0x3  }
0x40d: {  	v47 =	vld [tilespmem:$0x1EA20]  }
0x40e: {  	v50 =	vsub.f32 v46, v5;
	v5 =	vld [tilespmem:$0x1EA30];
	_ =	sdelay $0x1  }
0x40f: {  	v16 =	vld [tilespmem:s31+$0x580]  }
0x410: {  	v21 =	vld [tilespmem:s31+$0x8580]  }
0x411: {  	v53 =	vld [tilespmem:$0x1EA40]  }
0x412: {  	[tilespmem:$0x1E9F0] =	vst v0;
	v0 =	vsub.f32 v47, v5;
	v5 =	vld [tilespmem:$0x1EA50]  }
0x413: {  	v19 =	vld [tilespmem:s31+$0x590]  }
0x414: {  	v36 =	vld [tilespmem:s31+$0x8590]  }
0x415: {  	v17 =	vld [tilespmem:s31+$0x3C0]  }
0x416: {  	v43 =	vld [tilespmem:$0x1EA60]  }
0x417: {  	[tilespmem:$0x1ED80] =	vst v0;
	v0 =	vsub.f32 v53, v5;
	v5 =	vld [tilespmem:$0x1EA70]  }
0x418: {  	v52 =	vld [tilespmem:s31+$0x83C0]  }
0x419: {  	v54 =	vld [tilespmem:s31+$0x3D0]  }
0x41a: {  	v13 =	vld [tilespmem:s31+$0x3E0]  }
0x41b: {  	v46 =	vld [tilespmem:$0x1EA80]  }
0x41c: {  	[tilespmem:$0x1ED90] =	vst v0;
	v0 =	vsub.f32 v43, v5;
	v5 =	vld [tilespmem:$0x1EA90]  }
0x41d: {  	v15 =	vld [tilespmem:s31+$0x83E0]  }
0x41e: {  	v10 =	vld [tilespmem:s31+$0x3F0]  }
0x41f: {  	v14 =	vld [tilespmem:s31+$0x8300]  }
0x420: {  	v47 =	vld [tilespmem:$0x1EAA0]  }
0x421: {  	[tilespmem:$0x1EDA0] =	vst v0;
	v0 =	vsub.f32 v46, v5;
	v5 =	vld [tilespmem:$0x1EAB0]  }
0x422: {  	v57 =	vld [tilespmem:s31+$0x8310]  }
0x423: {  	v38 =	vld [tilespmem:s31+$0x8330]  }
0x424: {  	[tilespmem:$0x1ED40] =	vst v41;
	v41 =	vld [tilespmem:s31+$0x340]  }
0x425: {  	v53 =	vld [tilespmem:$0x1EAD0]  }
0x426: {  	[tilespmem:$0x1EDB0] =	vst v0;
	v0 =	vsub.f32 v47, v5;
	v5 =	vld [tilespmem:$0x1EAE0]  }
0x427: {  	v26 =	vld [tilespmem:s31+$0x8350]  }
0x428: {  	v24 =	vld [tilespmem:s31+$0x370]  }
0x429: {  	v25 =	vld [tilespmem:s31+$0x290]  }
0x42a: {  	v43 =	vld [tilespmem:$0x1EAF0]  }
0x42b: {  	[tilespmem:$0x1EAC0] =	vst v0;
	v0 =	vsub.f32 v53, v5;
	v5 =	vld [tilespmem:$0x1EB00]  }
0x42c: {  	v31 =	vld [tilespmem:s31+$0x82D0]  }
0x42d: {  	v8 =	vld [tilespmem:s31+$0x200]  }
0x42e: {  	v23 =	vld [tilespmem:s31+$0x8360]  }
0x42f: {  	v46 =	vld [tilespmem:$0x1EB20]  }
0x430: {  	[tilespmem:$0x1EDC0] =	vst v0;
	v0 =	vsub.f32 v43, v5;
	v5 =	vld [tilespmem:$0x1EB30]  }
0x431: {  	[tilespmem:$0x1ED10] =	vst v41;
	v41 =	vld [tilespmem:s31+$0x360]  }
0x432: {  	[tilespmem:$0x1ED00] =	vst v38;
	v38 =	vld [tilespmem:s31+$0x8280]  }
0x433: {  	v35 =	vld [tilespmem:s31+$0x310]  }
0x434: {  	v47 =	vld [tilespmem:$0x1EB40]  }
0x435: {  	[tilespmem:$0x1EB10] =	vst v0;
	v0 =	vsub.f32 v46, v5;
	v5 =	vld [tilespmem:$0x1EB50]  }
0x436: {  	v27 =	vld [tilespmem:s31+$0x8320]  }
0x437: {  	v22 =	vld [tilespmem:s31+$0x8370]  }
0x438: {  	v28 =	vld [tilespmem:s31+$0x2F0]  }
0x439: {  	v53 =	vld [tilespmem:$0x1EB60]  }
0x43a: {  	[tilespmem:$0x1EDD0] =	vst v0;
	v0 =	vsub.f32 v47, v5;
	v5 =	vld [tilespmem:$0x1EB70]  }
0x43b: {  	v23 =	vsub.f32 v41, v23;
	v41 =	vld [tilespmem:s31+$0x8240]  }
0x43c: {  	v9 =	vld [tilespmem:s31+$0x330]  }
0x43d: {  	v35 =	vsub.f32 v35, v57;
	v57 =	vld [tilespmem:s31+$0x8260]  }
0x43e: {  	v46 =	vld [tilespmem:$0x1EB80]  }
0x43f: {  	[tilespmem:$0x1EDE0] =	vst v0;
	v0 =	vsub.f32 v53, v5;
	v5 =	vld [tilespmem:$0x1EB90]  }
0x440: {  	v44 =	vsub.f32 v19, v36;
	v36 =	vld [tilespmem:s31+$0x8290]  }
0x441: {  	v19 =	vld [tilespmem:s31+$0x8210]  }
0x442: {  	v30 =	vld [tilespmem:s31+$0x2E0]  }
0x443: {  	v47 =	vld [tilespmem:$0x1EBA0]  }
0x444: {  	[tilespmem:$0x1EE00] =	vst v0;
	v0 =	vsub.f32 v46, v5;
	v5 =	vld [tilespmem:$0x1EBB0]  }
0x445: {  	v20 =	vld [tilespmem:s31+$0x210]  }
0x446: {  	v29 =	vld [tilespmem:s31+$0x82E0]  }
0x447: {  	v12 =	vadd.f32 v6, v4;
	v4 =	vld [tilespmem:s31+$0x82A0]  }
0x448: {  	v53 =	vld [tilespmem:$0x1EBC0]  }
0x449: {  	[tilespmem:$0x1EE20] =	vst v0;
	v0 =	vsub.f32 v47, v5;
	v5 =	vld [tilespmem:$0x1EBD0]  }
0x44a: {  	v33 =	vld [tilespmem:$0x1E8C0]  }
0x44b: {  	v34 =	vld [tilespmem:$0x1E8D0]  }
0x44c: {  	v59 =	vld [tilespmem:s31+$0x2B0]  }
0x44d: {  	v46 =	vld [tilespmem:$0x1EBF0]  }
0x44e: {  	[tilespmem:$0x1EE30] =	vst v0;
	v0 =	vsub.f32 v53, v5;
	v5 =	vld [tilespmem:$0x1EC00]  }
0x44f: {  	v62 =	vld [tilespmem:s31+$0x82B0]  }
0x450: {  	v58 =	vsub.f32 v33, v34;
	v34 =	vld [tilespmem:s31+$0x2C0]  }
0x451: {  	v33 =	vld [tilespmem:s31+$0x82C0]  }
0x452: {  	v47 =	vld [tilespmem:$0x1EC10]  }
0x453: {  	v53 =	vsub.f32 v46, v5;
	v5 =	vld [tilespmem:$0x1EC20]  }
0x454: {  	v37 =	vld [tilespmem:s31+$0x280]  }
0x455: {  	v42 =	vsub.f32 v16, v21;
	v21 =	vld [tilespmem:s31+$0x8200]  }
0x456: {  	v16 =	vld [tilespmem:s31+$0x8220]  }
0x457: {  	v46 =	vld [tilespmem:$0x1EC40]  }
0x458: {  	[tilespmem:$0x1EBE0] =	vst v0;
	v0 =	vsub.f32 v47, v5;
	v5 =	vld [tilespmem:$0x1EC50]  }
0x459: {  	v22 =	vsub.f32 v24, v22;
	v24 =	vsub.f32 v37, v38;
	v37 =	vld [tilespmem:$0x1ED50]  }
0x45a: {  	v38 =	vld [tilespmem:$0x1ED60]  }
0x45b: {  	v21 =	vsub.f32 v8, v21;
	v8 =	vld [tilespmem:s31+$0x270]  }
0x45c: {  	v47 =	vld [tilespmem:$0x1EC60]  }
0x45d: {  	v6 =	vsub.f32 v46, v5;
	v5 =	vld [tilespmem:$0x1EC70]  }
0x45e: {  	v3 =	vld [tilespmem:s31+$0x2A0]  }
0x45f: {  	v7 =	vld [tilespmem:$0x1ED20]  }
0x460: {  	v32 =	vld [tilespmem:s31+$0x2D0]  }
0x461: {  	v46 =	vld [tilespmem:$0x1EC80]  }
0x462: {  	[tilespmem:$0x1EC30] =	vst v0;
	v0 =	vsub.f32 v47, v5;
	v5 =	vld [tilespmem:$0x1EC90]  }
0x463: {  	v47 =	vsub.f32 v17, v52;
	v17 =	vld [tilespmem:s31+$0x220]  }
0x464: {  	v52 =	vld [tilespmem:$0x1ECA0]  }
0x465: {  	v43 =	vld [tilespmem:s31+$0x82F0]  }
0x466: {  	v59 =	vsub.f32 v59, v62;
	v62 =	vld [tilespmem:$0x1EDD0];
	[tilespmem:$0x1EDF0] =	vst v0  }
0x467: {  	[tilespmem:$0x1EE40] =	vst v47;
	v47 =	vld [tilespmem:$0x1ECC0];
	v0 =	vsub.f32 v46, v5  }
0x468: {  	v5 =	vld [tilespmem:$0x1ED00]  }
0x469: {  	v16 =	vsub.f32 v17, v16;
	[tilespmem:$0x1EE10] =	vst v0;
	v0 =	vsub.f32 v54, v52;
	v52 =	vld [tilespmem:$0x1ECD0]  }
0x46a: {  	v17 =	vld [tilespmem:s31+$0x8270]  }
0x46b: {  	v46 =	vsub.f32 v13, v15;
	v54 =	vld [tilespmem:$0x1ECF0];
	v16 =	vmul.f32 v16, v16  }
0x46c: {  	v25 =	vsub.f32 v25, v36;
	v19 =	vsub.f32 v20, v19;
	v13 =	vld [tilespmem:s31+$0x230]  }
0x46d: {  	[tilespmem:$0x1ECB0] =	vst v46;
	v46 =	vsub.f32 v47, v14;
	v16 =	vadd.f32 v16, v39;
	v39 =	vld [tilespmem:$0x1ED70]  }
0x46e: {  	[tilespmem:$0x1EE50] =	vst v0;
	v0 =	vsub.f32 v10, v52;
	v52 =	vsub.f32 v9, v5;
	v5 =	vld [tilespmem:$0x1ED10]  }
0x46f: {  	v14 =	vmul.f32 v44, v44;
	v44 =	vsub.f32 v8, v17;
	v17 =	vmul.f32 v19, v19;
	v9 =	vld [tilespmem:s31+$0x8250]  }
0x470: {  	v47 =	vsub.f32 v54, v27;
	v27 =	vsub.f32 v34, v33;
	v34 =	vld [tilespmem:s31+$0x260];
	v33 =	vmul.f32 v21, v21  }
0x471: {  	v21 =	vmul.f32 v48, v48;
	v48 =	vmul.f32 v49, v49;
	v49 =	vld [tilespmem:$0x1EDA0]  }
0x472: {  	v25 =	vmul.f32 v25, v25;
	[tilespmem:$0x1ECE0] =	vst v0;
	v0 =	vld [tilespmem:s31+$0x8230]  }
0x473: {  	v20 =	vmul.f32 v56, v56;
	v3 =	vsub.f32 v3, v4;
	v17 =	vadd.f32 v17, v37;
	v37 =	vld [tilespmem:$0x1EE10]  }
0x474: {  	v24 =	vmul.f32 v24, v24;
	v36 =	vsub.f32 v32, v31;
	v54 =	vsub.f32 v5, v7;
	v7 =	vld [tilespmem:$0x1ED30]  }
0x475: {  	v32 =	vsub.f32 v30, v29;
	v29 =	vmul.f32 v45, v45;
	v45 =	vsub.f32 v34, v57;
	v34 =	vld [tilespmem:$0x1ED40]  }
0x476: {  	v31 =	vmul.f32 v1, v1;
	v4 =	vsub.f32 v28, v43;
	v28 =	vmul.f32 v42, v42;
	v5 =	vld [tilespmem:s31+$0x240]  }
0x477: {  	v17 =	vadd.f32 v25, v17;
	v25 =	vmul.f32 v59, v59;
	v59 =	vld [tilespmem:$0x1EDC0];
	v0 =	vsub.f32 v13, v0  }
0x478: {  	v15 =	vmul.f32 v40, v40;
	v40 =	vmul.f32 v61, v61;
	v57 =	vld [tilespmem:$0x1EDB0]  }
0x479: {  	v61 =	vmul.f32 v53, v53;
	v0 =	vmul.f32 v0, v0;
	v26 =	vsub.f32 v7, v26;
	v7 =	vld [tilespmem:s31+$0x250]  }
0x47a: {  	v53 =	vmul.f32 v62, v62;
	v56 =	vmul.f32 v47, v47;
	v47 =	vld [tilespmem:$0x1EE30];
	v19 =	vadd.f32 v33, v34  }
0x47b: {  	v8 =	vmul.f32 v63, v63;
	v43 =	vsub.f32 v5, v41;
	v41 =	vld [tilespmem:$0x1ED80];
	v0 =	vadd.f32 v0, v38  }
0x47c: {  	v63 =	vmul.f32 v6, v6;
	v33 =	vld [tilespmem:$0x1EDE0];
	v19 =	vadd.f32 v24, v19;
	v24 =	vmul.f32 v3, v3  }
0x47d: {  	v30 =	vmul.f32 v57, v57;
	v34 =	vld [tilespmem:$0x1EDF0];
	v0 =	vadd.f32 v25, v0;
	v25 =	vmul.f32 v35, v35  }
0x47e: {  	v57 =	vld [tilespmem:$0x1EE50];
	v16 =	vadd.f32 v24, v16;
	v24 =	vmul.f32 v46, v46;
	v42 =	vsub.f32 v7, v9  }
0x47f: {  	v46 =	vld [tilespmem:$0x1ED90];
	v9 =	vmul.f32 v39, v39;
	v35 =	vadd.f32 v25, v17;
	v17 =	vmul.f32 v52, v52  }
0x480: {  	v39 =	vmul.f32 v50, v50;
	v50 =	vmul.f32 v41, v41;
	v41 =	vld [tilespmem:$0x1EE20];
	v19 =	vadd.f32 v24, v19  }
0x481: {  	v10 =	vmul.f32 v2, v2;
	v7 =	vmul.f32 v49, v49;
	v49 =	vld [tilespmem:$0x1EE40];
	v0 =	vadd.f32 v17, v0  }
0x482: {  	v13 =	vmul.f32 v51, v51;
	v17 =	vadd.f32 v61, v19;
	v61 =	vadd.f32 v63, v35;
	v35 =	vld [tilespmem:$0x1EE00]  }
0x483: {  	v38 =	vmul.f32 v37, v37;
	v52 =	vmul.f32 v59, v59  }
0x484: {  	v16 =	vadd.f32 v56, v16;
	v56 =	vmul.f32 v33, v33;
	v19 =	vmul.f32 v34, v34  }
0x485: {  	v34 =	vmul.f32 v47, v47;
	v47 =	vmul.f32 v57, v57  }
0x486: {  	v51 =	vmul.f32 v46, v46;
	v59 =	vadd.f32 v38, v0;
	v46 =	vmul.f32 v49, v49  }
0x487: {  	s26 =	simm.s32 $0x1000;
	v63 =	vadd.f32 v19, v16;
	v62 =	vmul.f32 v35, v35;
	v35 =	vmul.f32 v41, v41  }
.LBB2_6:
0x488: {  	s28 =	sshra.s32 s26, $0x2;
	v5 =	vld [tilespmem:$0x1ECE0]  }
0x489: {  	v6 =	vld [tilespmem:s28+$0x580]  }
0x48a: {  	v24 =	vld [tilespmem:s28+$0x8580]  }
0x48b: {  	v38 =	vmul.f32 v26, v26;
	v26 =	vld [tilespmem:s28+$0x590]  }
0x48c: {  	v57 =	vmul.f32 v27, v27;
	v27 =	vld [tilespmem:s28+$0x8590]  }
0x48d: {  	v37 =	vmul.f32 v23, v23;
	v23 =	vld [tilespmem:s28+$0x5E0]  }
0x48e: {  	v16 =	vadd.f32 v52, v17;
	v52 =	vld [tilespmem:s28+$0x84B0]  }
0x48f: {  	v17 =	vadd.f32 v53, v61;
	v53 =	vld [tilespmem:s28+$0x4C0]  }
0x490: {  	v19 =	vadd.f32 v56, v63;
	v56 =	vld [tilespmem:s28+$0x84D0]  }
0x491: {  	v41 =	vadd.f32 v62, v59;
	v25 =	vld [tilespmem:s28+$0x360]  }
0x492: {  	v17 =	vadd.f32 v39, v17;
	v39 =	vld [tilespmem:s28+$0x85F0]  }
0x493: {  	v49 =	vadd.f32 v51, v41;
	v41 =	vmul.f32 v45, v45;
	v45 =	vld [tilespmem:s28+$0x8480]  }
0x494: {  	v16 =	vadd.f32 v48, v16;
	v48 =	vld [tilespmem:s28+$0x4A0]  }
0x495: {  	v42 =	vmul.f32 v42, v42;
	v19 =	vadd.f32 v50, v19;
	v50 =	vld [tilespmem:s28+$0x84A0]  }
0x496: {  	v43 =	vmul.f32 v43, v43;
	v51 =	vld [tilespmem:s28+$0x4B0]  }
0x497: {  	v2 =	vadd.f32 v42, v55;
	v42 =	vld [tilespmem:s28+$0x8570]  }
0x498: {  	v3 =	vadd.f32 v43, v18;
	v43 =	vld [tilespmem:s28+$0x480]  }
0x499: {  	v0 =	vmul.f32 v54, v54;
	v54 =	vld [tilespmem:s28+$0x84C0]  }
0x49a: {  	v55 =	vld [tilespmem:s28+$0x4D0]  }
0x49b: {  	v18 =	vmul.f32 v4, v4;
	v4 =	vmul.f32 v58, v58;
	v58 =	vld [tilespmem:s28+$0x84E0];
	v16 =	vadd.f32 v31, v16  }
0x49c: {  	v17 =	vadd.f32 v10, v17;
	v10 =	vld [tilespmem:s28+$0x5A0]  }
0x49d: {  	v61 =	vadd.f32 v8, v49;
	v8 =	vld [tilespmem:s28+$0x85A0];
	v1 =	vadd.f32 v28, v16;
	v16 =	vmul.f32 v44, v44  }
0x49e: {  	v59 =	vmul.f32 v36, v36;
	v36 =	vadd.f32 v41, v11;
	v11 =	vld [tilespmem:s28+$0x85C0]  }
0x49f: {  	v49 =	vld [tilespmem:s28+$0x8560];
	v62 =	vadd.f32 v14, v17;
	v17 =	vmul.f32 v32, v32;
	v16 =	vadd.f32 v16, v12  }
0x4a0: {  	v3 =	vadd.f32 v57, v3;
	v2 =	vadd.f32 v59, v2;
	v57 =	vld [tilespmem:s28+$0x4E0]  }
0x4a1: {  	v59 =	vld [tilespmem:s28+$0x4F0];
	[tilespmem:$0x1E770] =	vst v1;
	v1 =	vadd.f32 v17, v36;
	v17 =	vmul.f32 v22, v22;
	v16 =	vadd.f32 v18, v16  }
0x4a2: {  	[tilespmem:$0x1E520] =	vst v52;
	v52 =	vld [tilespmem:s28+$0x8380]  }
0x4a3: {  	v16 =	vadd.f32 v17, v16;
	v17 =	vmul.f32 v5, v5;
	v5 =	vld [tilespmem:$0x1EBE0]  }
0x4a4: {  	[tilespmem:$0x1E530] =	vst v53;
	v53 =	vld [tilespmem:s28+$0x390]  }
0x4a5: {  	[tilespmem:$0x1E560] =	vst v56;
	v56 =	vld [tilespmem:s28+$0x83A0]  }
0x4a6: {  	v0 =	vadd.f32 v0, v3;
	v3 =	vld [tilespmem:$0x1ECB0]  }
0x4a7: {  	v14 =	vld [tilespmem:s28+$0x5B0]  }
0x4a8: {  	v19 =	vadd.f32 v40, v19;
	v18 =	vmul.f32 v5, v5;
	v5 =	vld [tilespmem:$0x1EC30]  }
0x4a9: {  	v33 =	vadd.f32 v15, v61;
	v15 =	vld [tilespmem:s28+$0x85B0]  }
0x4aa: {  	v63 =	vadd.f32 v29, v19;
	v19 =	vld [tilespmem:s28+$0x5C0]  }
0x4ab: {  	v32 =	vld [tilespmem:s28+$0x85E0];
	v1 =	vadd.f32 v37, v1;
	v3 =	vmul.f32 v3, v3  }
0x4ac: {  	v44 =	vld [tilespmem:s28+$0x570]  }
0x4ad: {  	v1 =	vadd.f32 v3, v1;
	v3 =	vadd.f32 v17, v16;
	v16 =	vmul.f32 v5, v5;
	v5 =	vld [tilespmem:$0x1EAC0]  }
0x4ae: {  	v61 =	vld [tilespmem:s28+$0x400]  }
0x4af: {  	v29 =	vld [tilespmem:s28+$0x8330]  }
0x4b0: {  	v28 =	vld [tilespmem:s28+$0x8350]  }
0x4b1: {  	[tilespmem:$0x1E4B0] =	vst v45;
	v45 =	vld [tilespmem:s28+$0x450]  }
0x4b2: {  	v17 =	vmul.f32 v5, v5;
	v5 =	vld [tilespmem:$0x1EB10]  }
0x4b3: {  	[tilespmem:$0x1E4F0] =	vst v48;
	v48 =	vld [tilespmem:s28+$0x470]  }
0x4b4: {  	[tilespmem:$0x1E500] =	vst v50;
	v50 =	vld [tilespmem:s28+$0x8470]  }
0x4b5: {  	[tilespmem:$0x1E510] =	vst v51;
	v51 =	vld [tilespmem:s28+$0x380]  }
0x4b6: {  	v12 =	vld [tilespmem:s28+$0x5D0]  }
0x4b7: {  	v3 =	vadd.f32 v16, v3;
	v16 =	vmul.f32 v5, v5;
	v5 =	vld [tilespmem:$0x1E9A0]  }
0x4b8: {  	v22 =	vld [tilespmem:s28+$0x85D0]  }
0x4b9: {  	[tilespmem:$0x1E780] =	vst v62;
	v62 =	vld [tilespmem:s28+$0x8400]  }
0x4ba: {  	[tilespmem:$0x1E790] =	vst v63;
	v63 =	vld [tilespmem:s28+$0x410]  }
0x4bb: {  	[tilespmem:$0x1E7A0] =	vst v33;
	v33 =	vld [tilespmem:s28+$0x8410]  }
0x4bc: {  	v1 =	vadd.f32 v18, v1;
	v18 =	vmul.f32 v5, v5;
	v5 =	vld [tilespmem:$0x1E9F0]  }
0x4bd: {  	v2 =	vadd.f32 v38, v2;
	v36 =	vld [tilespmem:s28+$0x420]  }
0x4be: {  	[tilespmem:$0x1E4C0] =	vst v42;
	v42 =	vld [tilespmem:s28+$0x440];
	v0 =	vadd.f32 v46, v0  }
0x4bf: {  	v2 =	vadd.f32 v47, v2;
	v46 =	vld [tilespmem:s28+$0x490];
	v1 =	vadd.f32 v17, v1  }
0x4c0: {  	v47 =	vld [tilespmem:s28+$0x8490];
	v0 =	vadd.f32 v35, v0;
	v3 =	vadd.f32 v16, v3  }
0x4c1: {  	v37 =	vld [tilespmem:s28+$0x5F0];
	v1 =	vadd.f32 v18, v1;
	v16 =	vmul.f32 v5, v5;
	v5 =	vmul.f32 v60, v60  }
0x4c2: {  	v2 =	vadd.f32 v34, v2;
	v34 =	vld [tilespmem:s28+$0x500];
	v0 =	vadd.f32 v7, v0  }
0x4c3: {  	v35 =	vld [tilespmem:s28+$0x8500];
	v40 =	vadd.f32 v5, v1  }
0x4c4: {  	v0 =	vadd.f32 v21, v0;
	v21 =	vld [tilespmem:s28+$0x560]  }
0x4c5: {  	[tilespmem:$0x1E820] =	vst v40;
	v40 =	vld [tilespmem:s28+$0x430]  }
0x4c6: {  	[tilespmem:$0x1E4A0] =	vst v43;
	v43 =	vld [tilespmem:s28+$0x8440]  }
0x4c7: {  	[tilespmem:$0x1E5A0] =	vst v62;
	v62 =	vsub.f32 v23, v32;
	v32 =	vsub.f32 v37, v39;
	v37 =	vld [tilespmem:$0x1E4A0]  }
0x4c8: {  	[tilespmem:$0x1E4D0] =	vst v46;
	v39 =	vld [tilespmem:$0x1E4B0]  }
0x4c9: {  	v7 =	vld [tilespmem:s28+$0x510];
	[tilespmem:$0x1E4E0] =	vst v47  }
0x4ca: {  	[tilespmem:$0x1E610] =	vst v40;
	v40 =	vsub.f32 v34, v35;
	v34 =	vsub.f32 v21, v49;
	v49 =	vld [tilespmem:$0x1E4C0]  }
0x4cb: {  	[tilespmem:$0x1E750] =	vst v62;
	v62 =	vld [tilespmem:$0x1E4D0]  }
0x4cc: {  	[tilespmem:$0x1E7D0] =	vst v32;
	v32 =	vld [tilespmem:$0x1E4E0]  }
0x4cd: {  	v0 =	vadd.f32 v13, v0;
	v39 =	vsub.f32 v37, v39;
	v37 =	vld [tilespmem:$0x1E500]  }
0x4ce: {  	[tilespmem:$0x1E9A0] =	vst v34;
	v34 =	vld [tilespmem:$0x1E4F0]  }
0x4cf: {  	[tilespmem:$0x1E760] =	vst v0;
	v0 =	vsub.f32 v44, v49;
	v44 =	vld [tilespmem:$0x1E510]  }
0x4d0: {  	v49 =	vld [tilespmem:$0x1E520]  }
0x4d1: {  	v2 =	vadd.f32 v30, v2;
	v30 =	vld [tilespmem:s28+$0x8510]  }
0x4d2: {  	[tilespmem:$0x1E540] =	vst v54;
	v21 =	vsub.f32 v62, v32;
	v62 =	vld [tilespmem:$0x1E530]  }
0x4d3: {  	[tilespmem:$0x1E550] =	vst v55;
	v32 =	vld [tilespmem:$0x1E540]  }
0x4d4: {  	v34 =	vsub.f32 v34, v37;
	v37 =	vld [tilespmem:$0x1E550]  }
0x4d5: {  	v23 =	vsub.f32 v44, v49;
	v49 =	vld [tilespmem:$0x1E560]  }
0x4d6: {  	v54 =	vld [tilespmem:s28+$0x8390]  }
0x4d7: {  	[tilespmem:$0x1E570] =	vst v57;
	v60 =	vld [tilespmem:s28+$0x84F0]  }
0x4d8: {  	[tilespmem:$0x1E580] =	vst v58;
	v44 =	vsub.f32 v62, v32;
	v62 =	vld [tilespmem:$0x1E570]  }
0x4d9: {  	v31 =	vsub.f32 v26, v27;
	[tilespmem:$0x1E590] =	vst v61;
	v32 =	vld [tilespmem:$0x1E580]  }
0x4da: {  	v26 =	vsub.f32 v7, v30;
	v30 =	vsub.f32 v37, v49;
	v37 =	vld [tilespmem:$0x1E590]  }
0x4db: {  	v49 =	vld [tilespmem:$0x1E5A0]  }
0x4dc: {  	v55 =	vld [tilespmem:s28+$0x3A0]  }
0x4dd: {  	v58 =	vld [tilespmem:s28+$0x83B0];
	[tilespmem:$0x1E5B0] =	vst v59  }
0x4de: {  	v57 =	vld [tilespmem:s28+$0x3B0];
	[tilespmem:$0x1E5C0] =	vst v60  }
0x4df: {  	v2 =	vadd.f32 v9, v2;
	[tilespmem:$0x1E9F0] =	vst v0;
	v0 =	vsub.f32 v62, v32;
	v62 =	vld [tilespmem:$0x1E5B0]  }
0x4e0: {  	[tilespmem:$0x1E690] =	vst v52;
	v32 =	vsub.f32 v37, v49;
	v37 =	vld [tilespmem:$0x1E5C0]  }
0x4e1: {  	[tilespmem:$0x1E6F0] =	vst v56;
	v59 =	vld [tilespmem:s28+$0x3C0];
	v38 =	vadd.f32 v20, v2  }
0x4e2: {  	v56 =	vld [tilespmem:s28+$0x310];
	[tilespmem:$0x1E5D0] =	vst v63  }
0x4e3: {  	[tilespmem:$0x1E7C0] =	vst v38;
	v38 =	vld [tilespmem:s28+$0x8420]  }
0x4e4: {  	[tilespmem:$0x1E5E0] =	vst v33;
	v16 =	vadd.f32 v16, v3;
	v49 =	vld [tilespmem:$0x1E5D0]  }
0x4e5: {  	[tilespmem:$0x1EAC0] =	vst v0;
	v0 =	vsub.f32 v62, v37;
	v62 =	vld [tilespmem:$0x1E5E0]  }
0x4e6: {  	[tilespmem:$0x1E6C0] =	vst v53;
	v53 =	vld [tilespmem:s28+$0x8310];
	v41 =	vadd.f32 v4, v16  }
0x4e7: {  	v52 =	vld [tilespmem:s28+$0x320];
	[tilespmem:$0x1E5F0] =	vst v36  }
0x4e8: {  	[tilespmem:$0x1E7B0] =	vst v41;
	v41 =	vld [tilespmem:s28+$0x8430]  }
0x4e9: {  	[tilespmem:$0x1E600] =	vst v38;
	v37 =	vld [tilespmem:$0x1E5F0]  }
0x4ea: {  	[tilespmem:$0x1E6A0] =	vst v48;
	v48 =	vsub.f32 v19, v11;
	v19 =	vsub.f32 v49, v62;
	v49 =	vld [tilespmem:$0x1E600]  }
0x4eb: {  	v61 =	vld [tilespmem:s28+$0x3D0]  }
0x4ec: {  	v20 =	vld [tilespmem:s28+$0x8550]  }
0x4ed: {  	v5 =	vld [tilespmem:s28+$0x550]  }
0x4ee: {  	[tilespmem:$0x1E620] =	vst v41;
	v62 =	vld [tilespmem:$0x1E610]  }
0x4ef: {  	v49 =	vsub.f32 v37, v49;
	v37 =	vld [tilespmem:$0x1E620]  }
0x4f0: {  	[tilespmem:$0x1E6B0] =	vst v50;
	v50 =	vld [tilespmem:s28+$0x8320]  }
0x4f1: {  	[tilespmem:$0x1E680] =	vst v51;
	v51 =	vld [tilespmem:s28+$0x330]  }
0x4f2: {  	[tilespmem:$0x1E650] =	vst v45;
	v45 =	vsub.f32 v10, v8;
	v10 =	vld [tilespmem:s28+$0x8290]  }
0x4f3: {  	[tilespmem:$0x1E630] =	vst v42;
	v46 =	vld [tilespmem:s28+$0x8450]  }
0x4f4: {  	[tilespmem:$0x1E640] =	vst v43;
	v35 =	vsub.f32 v5, v20;
	v20 =	vsub.f32 v62, v37;
	v62 =	vld [tilespmem:$0x1E630]  }
0x4f5: {  	v37 =	vld [tilespmem:$0x1E640]  }
0x4f6: {  	v11 =	vld [tilespmem:s28+$0x2A0]  }
0x4f7: {  	v8 =	vld [tilespmem:s28+$0x82A0]  }
0x4f8: {  	v47 =	vld [tilespmem:s28+$0x8460];
	[tilespmem:$0x1E660] =	vst v46  }
0x4f9: {  	[tilespmem:$0x1EB10] =	vst v0;
	v0 =	vld [tilespmem:$0x1E650]  }
0x4fa: {  	v37 =	vsub.f32 v62, v37;
	v62 =	vld [tilespmem:$0x1E660]  }
0x4fb: {  	v63 =	vld [tilespmem:s28+$0x460];
	[tilespmem:$0x1E6D0] =	vst v54  }
0x4fc: {  	[tilespmem:$0x1E710] =	vst v58;
	v58 =	vld [tilespmem:s28+$0x83E0]  }
0x4fd: {  	[tilespmem:$0x1E6E0] =	vst v55;
	v55 =	vld [tilespmem:s28+$0x300]  }
0x4fe: {  	v54 =	vld [tilespmem:s28+$0x8300];
	[tilespmem:$0x1E670] =	vst v47  }
0x4ff: {  	v38 =	vsub.f32 v6, v24;
	v24 =	vsub.f32 v0, v62;
	v62 =	vld [tilespmem:$0x1E670]  }
0x500: {  	v33 =	vld [tilespmem:s28+$0x8340]  }
0x501: {  	v42 =	vld [tilespmem:s28+$0x350]  }
0x502: {  	v36 =	vsub.f32 v14, v15;
	v14 =	vld [tilespmem:s28+$0x8370]  }
0x503: {  	v15 =	vld [tilespmem:s28+$0x280]  }
0x504: {  	v0 =	vsub.f32 v63, v62;
	v62 =	vld [tilespmem:$0x1E680]  }
0x505: {  	v63 =	vld [tilespmem:$0x1E690]  }
0x506: {  	v2 =	vld [tilespmem:s28+$0x530]  }
0x507: {  	v1 =	vld [tilespmem:s28+$0x8530]  }
0x508: {  	v4 =	vld [tilespmem:s28+$0x540]  }
0x509: {  	v16 =	vld [tilespmem:s28+$0x8540]  }
0x50a: {  	v41 =	vsub.f32 v12, v22;
	v22 =	vsub.f32 v62, v63;
	v62 =	vld [tilespmem:$0x1E6A0]  }
0x50b: {  	v63 =	vld [tilespmem:$0x1E6B0]  }
0x50c: {  	v9 =	vld [tilespmem:s28+$0x520]  }
0x50d: {  	[tilespmem:$0x1E720] =	vst v59;
	v59 =	vld [tilespmem:s28+$0x3E0]  }
0x50e: {  	v27 =	vsub.f32 v2, v1;
	v1 =	vld [tilespmem:$0x1E6E0]  }
0x50f: {  	v47 =	vsub.f32 v4, v16;
	v16 =	vld [tilespmem:$0x1E6D0]  }
0x510: {  	[tilespmem:$0x1EBE0] =	vst v0;
	v0 =	vsub.f32 v62, v63;
	v63 =	vld [tilespmem:$0x1E6F0]  }
0x511: {  	v62 =	vld [tilespmem:$0x1E6C0]  }
0x512: {  	[tilespmem:$0x1E700] =	vst v57;
	v57 =	vld [tilespmem:s28+$0x83F0]  }
0x513: {  	[tilespmem:$0x1E740] =	vst v61;
	v61 =	vld [tilespmem:s28+$0x83D0]  }
0x514: {  	v13 =	vld [tilespmem:s28+$0x290]  }
0x515: {  	v1 =	vsub.f32 v1, v63;
	v63 =	vld [tilespmem:$0x1E700]  }
0x516: {  	v16 =	vsub.f32 v62, v16;
	v62 =	vld [tilespmem:$0x1E710]  }
0x517: {  	v60 =	vld [tilespmem:s28+$0x83C0]  }
0x518: {  	v7 =	vld [tilespmem:s28+$0x2C0]  }
0x519: {  	v46 =	vld [tilespmem:s28+$0x340]  }
0x51a: {  	v58 =	vsub.f32 v59, v58;
	v59 =	vld [tilespmem:s28+$0x200]  }
0x51b: {  	v6 =	vld [tilespmem:s28+$0x82B0];
	v63 =	vsub.f32 v63, v62  }
0x51c: {  	[tilespmem:$0x1E730] =	vst v60;
	v62 =	vld [tilespmem:$0x1E720]  }
0x51d: {  	[tilespmem:$0x1E800] =	vst v63;
	v63 =	vld [tilespmem:$0x1E730]  }
0x51e: {  	v18 =	vld [tilespmem:s28+$0x8360]  }
0x51f: {  	[tilespmem:$0x1ECB0] =	vst v58;
	v58 =	vsub.f32 v51, v29;
	v29 =	vsub.f32 v46, v33;
	v46 =	vld [tilespmem:s28+$0x8210]  }
0x520: {  	v17 =	vld [tilespmem:s28+$0x370]  }
0x521: {  	v3 =	vld [tilespmem:s28+$0x8520]  }
0x522: {  	v62 =	vsub.f32 v62, v63;
	v63 =	vld [tilespmem:$0x1E740]  }
0x523: {  	v33 =	vsub.f32 v25, v18;
	v18 =	vld [tilespmem:s28+$0x220]  }
0x524: {  	v2 =	vld [tilespmem:s28+$0x82D0]  }
0x525: {  	v4 =	vld [tilespmem:s28+$0x82C0]  }
0x526: {  	[tilespmem:$0x1E7E0] =	vst v29;
	v29 =	vmul.f32 v45, v45;
	v60 =	vld [tilespmem:s28+$0x3F0]  }
0x527: {  	v45 =	vsub.f32 v13, v10;
	v13 =	vmul.f32 v41, v41;
	v41 =	vld [tilespmem:s28+$0x8230];
	v61 =	vsub.f32 v63, v61  }
0x528: {  	[tilespmem:$0x1E7F0] =	vst v1;
	v1 =	vld [tilespmem:s28+$0x2F0]  }
0x529: {  	[tilespmem:$0x1E830] =	vst v61;
	v61 =	vsub.f32 v55, v54;
	v54 =	vsub.f32 v17, v14;
	v17 =	vld [tilespmem:s28+$0x8220]  }
0x52a: {  	[tilespmem:$0x1E810] =	vst v62;
	v62 =	vld [tilespmem:s28+$0x82F0]  }
0x52b: {  	v63 =	vsub.f32 v60, v57;
	v57 =	vsub.f32 v42, v28;
	v42 =	vld [tilespmem:s28+$0x230]  }
0x52c: {  	v60 =	vld [tilespmem:s28+$0x8200]  }
0x52d: {  	v43 =	vsub.f32 v9, v3;
	v3 =	vld [tilespmem:s28+$0x2E0]  }
0x52e: {  	v11 =	vsub.f32 v11, v8;
	v5 =	vld [tilespmem:s28+$0x2D0];
	v17 =	vsub.f32 v18, v17  }
0x52f: {  	v8 =	vmul.f32 v27, v27;
	v27 =	vsub.f32 v7, v4;
	[tilespmem:$0x1EC30] =	vst v0;
	v0 =	vld [tilespmem:s28+$0x82E0];
	v4 =	vsub.f32 v1, v62  }
0x530: {  	v62 =	vmul.f32 v20, v20;
	v20 =	vsub.f32 v42, v41;
	v41 =	vmul.f32 v17, v17;
	v17 =	vld [tilespmem:$0x1E770]  }
0x531: {  	[tilespmem:$0x1ECE0] =	vst v63;
	v63 =	vsub.f32 v56, v53;
	v56 =	vld [tilespmem:s28+$0x210];
	v1 =	vsub.f32 v59, v60  }
0x532: {  	v12 =	vld [tilespmem:s28+$0x8280]  }
0x533: {  	v9 =	vld [tilespmem:s28+$0x2B0];
	v1 =	vmul.f32 v1, v1  }
0x534: {  	v14 =	vmul.f32 v36, v36;
	v36 =	vsub.f32 v5, v2;
	v5 =	vsub.f32 v3, v0  }
0x535: {  	v11 =	vmul.f32 v11, v11;
	v10 =	vmul.f32 v26, v26;
	v1 =	vadd.f32 v1, v17;
	v17 =	vld [tilespmem:$0x1E780]  }
0x536: {  	v26 =	vld [tilespmem:s28+$0x240];
	v55 =	vsub.f32 v52, v50;
	v52 =	vmul.f32 v32, v32;
	v32 =	vmovc v5;
	v5 =	vsub.f32 v56, v46  }
0x537: {  	v25 =	vmul.f32 v48, v48;
	v12 =	vsub.f32 v15, v12;
	v15 =	vmul.f32 v47, v47;
	v47 =	vld [tilespmem:s28+$0x250]  }
0x538: {  	v48 =	vmul.f32 v39, v39;
	v6 =	vsub.f32 v9, v6;
	v0 =	vld [tilespmem:s28+$0x260];
	v5 =	vmul.f32 v5, v5  }
0x539: {  	v39 =	vmul.f32 v21, v21;
	v9 =	vmul.f32 v35, v35;
	v3 =	vld [tilespmem:s28+$0x8260]  }
0x53a: {  	v6 =	vmul.f32 v6, v6;
	v51 =	vmul.f32 v23, v23;
	v5 =	vadd.f32 v5, v17;
	v17 =	vld [tilespmem:$0x1E790]  }
0x53b: {  	v28 =	vmul.f32 v38, v38;
	v38 =	vmul.f32 v31, v31;
	v2 =	vld [tilespmem:s28+$0x8250]  }
0x53c: {  	v31 =	vmul.f32 v40, v40;
	v40 =	vmul.f32 v43, v43;
	v43 =	vld [tilespmem:s28+$0x8240]  }
0x53d: {  	v7 =	vmul.f32 v44, v44;
	v53 =	vmul.f32 v19, v19;
	v19 =	vld [tilespmem:s28+$0x270]  }
0x53e: {  	v35 =	vmul.f32 v37, v37;
	v37 =	vmul.f32 v12, v12;
	v60 =	vld [tilespmem:$0x1E750]  }
0x53f: {  	v12 =	vmul.f32 v45, v45;
	v45 =	vsub.f32 v0, v3;
	v0 =	vadd.f32 v41, v17;
	v17 =	vld [tilespmem:$0x1E7A0]  }
0x540: {  	v21 =	vmul.f32 v22, v22;
	v56 =	vmul.f32 v49, v49;
	v18 =	vld [tilespmem:s28+$0x8270];
	v42 =	vsub.f32 v47, v2  }
0x541: {  	v49 =	vld [tilespmem:$0x1E810];
	v47 =	vadd.f32 v12, v5;
	v5 =	vmul.f32 v55, v55;
	v0 =	vadd.f32 v11, v0  }
0x542: {  	v22 =	vmul.f32 v61, v61;
	v3 =	vmul.f32 v20, v20;
	v11 =	vld [tilespmem:$0x1E7F0]  }
0x543: {  	v30 =	vmul.f32 v30, v30;
	v43 =	vsub.f32 v26, v43;
	v0 =	vadd.f32 v5, v0;
	v5 =	vld [tilespmem:$0x1E800]  }
0x544: {  	v16 =	vmul.f32 v16, v16;
	v26 =	vmovc v57;
	v57 =	vld [tilespmem:$0x1E830];
	v1 =	vadd.f32 v37, v1;
	v3 =	vadd.f32 v3, v17  }
0x545: {  	p0 =	sne.s32 s26, $0xF000;
	v50 =	vmul.f32 v34, v34;
	v23 =	vmul.f32 v63, v63;
	v44 =	vsub.f32 v19, v18;
	v18 =	vld [tilespmem:$0x1E760]  }
.Ltmp2:
0x546: {  	v1 =	vadd.f32 v22, v1;
	v22 =	vmovc v54;
	v54 =	vld [tilespmem:$0x1E7E0];
	v3 =	vadd.f32 v6, v3;
	v6 =	vmul.f32 v58, v58;
	(pc) =	sbr.rel @p0 .LBB2_6-.Ltmp2, $4  }
0x547: {  	v34 =	vmul.f32 v24, v24;
	v20 =	vmovc v13;
	v46 =	vmul.f32 v49, v49;
	v12 =	vld [tilespmem:$0x1E7B0];
	v2 =	vadd.f32 v23, v47  }
0x548: {  	v13 =	vmovc v25;
	v55 =	vld [tilespmem:$0x1E7C0];
	v11 =	vmul.f32 v11, v11;
	v3 =	vadd.f32 v6, v3;
	v5 =	vmul.f32 v5, v5  }
0x549: {  	v23 =	vmovc v33;
	v47 =	vmul.f32 v57, v57;
	v61 =	vadd.f32 v16, v2;
	v17 =	vadd.f32 v21, v1;
	v58 =	vld [tilespmem:$0x1E7D0]  }
0x54a: {  	s26 =	sadd.s32 $0x1000, s26;
	v21 =	vmovc v15;
	v15 =	vmovc v14;
	v14 =	vmov v38;
	v63 =	vadd.f32 v11, v0;
	v11 =	vld [tilespmem:$0x1E820];
	v59 =	vadd.f32 v5, v3  }
0x54b: {  	_ =	swait.ge [sflag:s21], $0x4000  }
0x54c: {  	[sflag:s21] =	ssyncset.done $0x0  }
0x54d: {  	[sflag:s21] =	ssyncadd.s32 $0xFFFFC000  }
0x54e: {  	_ =	swait.ge [sflag:s22], $0x4000  }
0x54f: {  	[sflag:s22] =	ssyncset.done $0x0  }
0x550: {  	s26 =	simm.s32 $0x0;
	[sflag:s22] =	ssyncadd.s32 $0xFFFFC000  }
0x551: {  	v0 =	vld [tilespmem:s26+$0xC5A0];
	_ =	sdelay $0x4  }
0x552: {  	[tilespmem:$0x1DE60] =	vst v0;
	v0 =	vld [tilespmem:s26+$0xC5B0];
	_ =	sdelay $0x4  }
0x553: {  	[tilespmem:$0x1DE70] =	vst v0;
	v0 =	vld [tilespmem:s26+$0x45C0];
	_ =	sdelay $0x4  }
0x554: {  	[tilespmem:$0x1DE80] =	vst v0;
	v0 =	vld [tilespmem:s26+$0xC5C0];
	_ =	sdelay $0x4  }
0x555: {  	[tilespmem:$0x1DE90] =	vst v0;
	v0 =	vld [tilespmem:s26+$0x45D0];
	_ =	sdelay $0x4  }
0x556: {  	[tilespmem:$0x1DEA0] =	vst v0;
	v0 =	vld [tilespmem:s26+$0xC5D0];
	_ =	sdelay $0x4  }
0x557: {  	[tilespmem:$0x1DEB0] =	vst v0;
	v0 =	vld [tilespmem:s26+$0x45E0];
	_ =	sdelay $0x4  }
0x558: {  	[tilespmem:$0x1DEC0] =	vst v0;
	v0 =	vld [tilespmem:s26+$0xC5E0];
	_ =	sdelay $0x4  }
0x559: {  	[tilespmem:$0x1DED0] =	vst v0;
	v0 =	vld [tilespmem:s26+$0x45F0];
	_ =	sdelay $0x4  }
0x55a: {  	[tilespmem:$0x1DF10] =	vst v0;
	v0 =	vld [tilespmem:s26+$0xC5F0];
	_ =	sdelay $0x4  }
0x55b: {  	[tilespmem:$0x1DF20] =	vst v0;
	v0 =	vld [tilespmem:s26+$0x4500];
	_ =	sdelay $0x4  }
0x55c: {  	[tilespmem:$0x1DEF0] =	vst v0;
	v0 =	vld [tilespmem:s26+$0xC500];
	_ =	sdelay $0x4  }
0x55d: {  	[tilespmem:$0x1DF00] =	vst v0;
	v0 =	vld [tilespmem:s26+$0x4510];
	_ =	sdelay $0x4  }
0x55e: {  	[tilespmem:$0x1DF40] =	vst v0;
	v0 =	vld [tilespmem:s26+$0xC510];
	_ =	sdelay $0x4  }
0x55f: {  	[tilespmem:$0x1DF50] =	vst v0;
	v0 =	vld [tilespmem:s26+$0x4520];
	_ =	sdelay $0x4  }
0x560: {  	[tilespmem:$0x1DF60] =	vst v0;
	v0 =	vld [tilespmem:s26+$0xC520];
	_ =	sdelay $0x4  }
0x561: {  	[tilespmem:$0x1DF70] =	vst v0;
	v0 =	vld [tilespmem:s26+$0x4530];
	_ =	sdelay $0x4  }
0x562: {  	[tilespmem:$0x1DF80] =	vst v0;
	v0 =	vld [tilespmem:s26+$0xC530];
	_ =	sdelay $0x4  }
0x563: {  	[tilespmem:$0x1DF90] =	vst v0;
	v0 =	vld [tilespmem:s26+$0x4540];
	_ =	sdelay $0x4  }
0x564: {  	[tilespmem:$0x1DFA0] =	vst v0;
	v0 =	vld [tilespmem:s26+$0xC540];
	_ =	sdelay $0x4  }
0x565: {  	[tilespmem:$0x1DFB0] =	vst v0;
	v0 =	vld [tilespmem:s26+$0x4550];
	_ =	sdelay $0x4  }
0x566: {  	[tilespmem:$0x1DFC0] =	vst v0;
	v0 =	vld [tilespmem:s26+$0xC550];
	_ =	sdelay $0x4  }
0x567: {  	[tilespmem:$0x1DFD0] =	vst v0;
	v0 =	vld [tilespmem:s26+$0x4560];
	_ =	sdelay $0x4  }
0x568: {  	[tilespmem:$0x1DFE0] =	vst v0;
	v0 =	vld [tilespmem:s26+$0xC560];
	_ =	sdelay $0x4  }
0x569: {  	[tilespmem:$0x1DFF0] =	vst v0;
	v0 =	vld [tilespmem:s26+$0x4570];
	_ =	sdelay $0x4  }
0x56a: {  	[tilespmem:$0x1E030] =	vst v0;
	v0 =	vld [tilespmem:s26+$0xC570];
	_ =	sdelay $0x4  }
0x56b: {  	[tilespmem:$0x1E040] =	vst v0;
	v0 =	vld [tilespmem:s26+$0x4480];
	_ =	sdelay $0x4  }
0x56c: {  	[tilespmem:$0x1E010] =	vst v0;
	v0 =	vld [tilespmem:s26+$0xC480];
	_ =	sdelay $0x4  }
0x56d: {  	[tilespmem:$0x1E020] =	vst v0;
	v0 =	vld [tilespmem:s26+$0x4490];
	_ =	sdelay $0x4  }
0x56e: {  	[tilespmem:$0x1E060] =	vst v0;
	v0 =	vld [tilespmem:s26+$0xC490];
	_ =	sdelay $0x4  }
0x56f: {  	[tilespmem:$0x1E070] =	vst v0;
	v0 =	vld [tilespmem:s26+$0x44A0];
	_ =	sdelay $0x4  }
0x570: {  	[tilespmem:$0x1E080] =	vst v0;
	v0 =	vld [tilespmem:s26+$0xC4A0];
	_ =	sdelay $0x4  }
0x571: {  	[tilespmem:$0x1E090] =	vst v0;
	v0 =	vld [tilespmem:s26+$0x44B0];
	_ =	sdelay $0x4  }
0x572: {  	[tilespmem:$0x1E0A0] =	vst v0;
	v0 =	vld [tilespmem:s26+$0xC4B0];
	_ =	sdelay $0x4  }
0x573: {  	[tilespmem:$0x1E0B0] =	vst v0;
	v0 =	vld [tilespmem:s26+$0x44C0];
	_ =	sdelay $0x4  }
0x574: {  	[tilespmem:$0x1E0C0] =	vst v0;
	v0 =	vld [tilespmem:s26+$0xC4C0];
	_ =	sdelay $0x4  }
0x575: {  	[tilespmem:$0x1E0D0] =	vst v0;
	v0 =	vld [tilespmem:s26+$0x44D0];
	_ =	sdelay $0x4  }
0x576: {  	[tilespmem:$0x1E0E0] =	vst v0;
	v0 =	vld [tilespmem:s26+$0xC4D0];
	_ =	sdelay $0x4  }
0x577: {  	[tilespmem:$0x1E0F0] =	vst v0;
	v0 =	vld [tilespmem:s26+$0x44E0];
	_ =	sdelay $0x4  }
0x578: {  	[tilespmem:$0x1E100] =	vst v0;
	v0 =	vld [tilespmem:s26+$0xC4E0];
	_ =	sdelay $0x4  }
0x579: {  	[tilespmem:$0x1E110] =	vst v0;
	v0 =	vld [tilespmem:s26+$0x44F0];
	_ =	sdelay $0x4  }
0x57a: {  	[tilespmem:$0x1E150] =	vst v0;
	v0 =	vld [tilespmem:s26+$0xC4F0];
	_ =	sdelay $0x4  }
0x57b: {  	[tilespmem:$0x1E160] =	vst v0;
	v0 =	vld [tilespmem:s26+$0x4400];
	_ =	sdelay $0x4  }
0x57c: {  	[tilespmem:$0x1E130] =	vst v0;
	v0 =	vld [tilespmem:s26+$0xC400];
	_ =	sdelay $0x4  }
0x57d: {  	[tilespmem:$0x1E140] =	vst v0;
	v0 =	vld [tilespmem:s26+$0x4410];
	_ =	sdelay $0x4  }
0x57e: {  	[tilespmem:$0x1E180] =	vst v0;
	v0 =	vld [tilespmem:s26+$0xC410];
	_ =	sdelay $0x4  }
0x57f: {  	[tilespmem:$0x1E190] =	vst v0;
	v0 =	vld [tilespmem:s26+$0x4420];
	_ =	sdelay $0x4  }
0x580: {  	[tilespmem:$0x1E1A0] =	vst v0;
	v0 =	vld [tilespmem:s26+$0xC420];
	_ =	sdelay $0x4  }
0x581: {  	[tilespmem:$0x1E1B0] =	vst v0;
	v0 =	vld [tilespmem:s26+$0x4430];
	_ =	sdelay $0x4  }
0x582: {  	[tilespmem:$0x1E1C0] =	vst v0;
	v0 =	vld [tilespmem:s26+$0xC430];
	_ =	sdelay $0x4  }
0x583: {  	[tilespmem:$0x1E1D0] =	vst v0;
	v0 =	vld [tilespmem:s26+$0x4440];
	_ =	sdelay $0x4  }
0x584: {  	[tilespmem:$0x1E1E0] =	vst v0;
	v0 =	vld [tilespmem:s26+$0xC440];
	_ =	sdelay $0x4  }
0x585: {  	[tilespmem:$0x1E1F0] =	vst v0;
	v0 =	vld [tilespmem:s26+$0x4450];
	_ =	sdelay $0x4  }
0x586: {  	[tilespmem:$0x1E200] =	vst v0;
	v0 =	vld [tilespmem:s26+$0xC450];
	_ =	sdelay $0x4  }
0x587: {  	[tilespmem:$0x1E210] =	vst v0;
	v0 =	vld [tilespmem:s26+$0x4460];
	_ =	sdelay $0x4  }
0x588: {  	[tilespmem:$0x1E220] =	vst v0;
	v0 =	vld [tilespmem:s26+$0xC460];
	_ =	sdelay $0x4  }
0x589: {  	[tilespmem:$0x1E230] =	vst v0;
	v0 =	vld [tilespmem:s26+$0x4470];
	_ =	sdelay $0x4  }
0x58a: {  	[tilespmem:$0x1E270] =	vst v0;
	v0 =	vld [tilespmem:s26+$0xC470];
	_ =	sdelay $0x4  }
0x58b: {  	[tilespmem:$0x1E280] =	vst v0;
	v0 =	vld [tilespmem:s26+$0x4380];
	_ =	sdelay $0x4  }
0x58c: {  	[tilespmem:$0x1E250] =	vst v0;
	v0 =	vld [tilespmem:s26+$0xC380];
	_ =	sdelay $0x4  }
0x58d: {  	[tilespmem:$0x1E260] =	vst v0;
	v0 =	vld [tilespmem:s26+$0x4390];
	_ =	sdelay $0x4  }
0x58e: {  	[tilespmem:$0x1E2A0] =	vst v0;
	v0 =	vld [tilespmem:s26+$0xC390];
	_ =	sdelay $0x4  }
0x58f: {  	[tilespmem:$0x1E2B0] =	vst v0;
	v0 =	vld [tilespmem:s26+$0x43A0];
	_ =	sdelay $0x4  }
0x590: {  	[tilespmem:$0x1E2C0] =	vst v0;
	v0 =	vld [tilespmem:s26+$0xC3A0];
	_ =	sdelay $0x4  }
0x591: {  	[tilespmem:$0x1E2D0] =	vst v0;
	v0 =	vld [tilespmem:s26+$0x43B0];
	_ =	sdelay $0x4  }
0x592: {  	[tilespmem:$0x1E2E0] =	vst v0;
	v0 =	vld [tilespmem:s26+$0xC3B0];
	_ =	sdelay $0x4  }
0x593: {  	[tilespmem:$0x1E2F0] =	vst v0;
	v0 =	vld [tilespmem:s26+$0x43C0];
	_ =	sdelay $0x3  }
0x594: {  	v2 =	vadd.f32 v52, v17  }
0x595: {  	[tilespmem:$0x1E300] =	vst v0;
	v0 =	vld [tilespmem:s26+$0x43D0]  }
0x596: {  	v3 =	vadd.f32 v53, v61;
	v2 =	vadd.f32 v48, v2;
	_ =	sdelay $0x1  }
0x597: {  	v3 =	vadd.f32 v39, v3;
	v2 =	vadd.f32 v31, v2;
	_ =	sdelay $0x1  }
0x598: {  	v3 =	vadd.f32 v10, v3;
	[tilespmem:$0x1E310] =	vst v0;
	v0 =	vadd.f32 v28, v2;
	_ =	sdelay $0x1  }
0x599: {  	[tilespmem:$0x1E390] =	vst v0;
	v0 =	vadd.f32 v14, v3;
	_ =	sdelay $0x1  }
0x59a: {  	[tilespmem:$0x1E3A0] =	vst v0;
	v0 =	vld [tilespmem:s26+$0xC3F0];
	_ =	sdelay $0x4  }
0x59b: {  	[tilespmem:$0x1E330] =	vst v0;
	v0 =	vld [tilespmem:s26+$0x4300];
	_ =	sdelay $0x4  }
0x59c: {  	[tilespmem:$0x1E320] =	vst v0;
	v0 =	vld [tilespmem:s26+$0xC310];
	_ =	sdelay $0x4  }
0x59d: {  	[tilespmem:$0x1E340] =	vst v0;
	v0 =	vld [tilespmem:s26+$0x4320];
	_ =	sdelay $0x4  }
0x59e: {  	[tilespmem:$0x1E350] =	vst v0;
	v0 =	vld [tilespmem:s26+$0xC320];
	_ =	sdelay $0x1  }
0x59f: {  	v5 =	vadd.f32 v56, v63;
	v6 =	vadd.f32 v62, v59;
	_ =	sdelay $0x1  }
0x5a0: {  	v5 =	vadd.f32 v50, v5;
	v6 =	vadd.f32 v51, v6  }
0x5a1: {  	[tilespmem:$0x1E360] =	vst v0;
	v0 =	vld [tilespmem:s26+$0x4330]  }
0x5a2: {  	v5 =	vadd.f32 v40, v5;
	v6 =	vadd.f32 v8, v6  }
0x5a3: {  	v2 =	vmul.f32 v43, v43  }
0x5a4: {  	v37 =	vadd.f32 v29, v5;
	v63 =	vadd.f32 v15, v6;
	v5 =	vmul.f32 v45, v45  }
0x5a5: {  	v6 =	vmul.f32 v27, v27;
	v3 =	vmul.f32 v42, v42;
	v2 =	vadd.f32 v2, v18  }
0x5a6: {  	v5 =	vadd.f32 v5, v11;
	v11 =	vmul.f32 v36, v36;
	[tilespmem:$0x1E370] =	vst v0;
	v0 =	vld [tilespmem:$0x1ECB0]  }
0x5a7: {  	v3 =	vadd.f32 v3, v55;
	v2 =	vadd.f32 v6, v2;
	v6 =	vmul.f32 v32, v32;
	_ =	sdelay $0x1  }
0x5a8: {  	v3 =	vadd.f32 v11, v3;
	v5 =	vadd.f32 v6, v5;
	v6 =	vmul.f32 v26, v26;
	_ =	sdelay $0x1  }
0x5a9: {  	v3 =	vadd.f32 v6, v3;
	v6 =	vmul.f32 v0, v0;
	v0 =	vld [tilespmem:s26+$0xC330];
	_ =	sdelay $0x3  }
0x5aa: {  	v8 =	vmul.f32 v44, v44  }
0x5ab: {  	[tilespmem:$0x1E380] =	vst v0;
	v0 =	vld [tilespmem:$0x1ECE0]  }
0x5ac: {  	v8 =	vadd.f32 v8, v12;
	v14 =	vmul.f32 v4, v4;
	v11 =	vmul.f32 v54, v54;
	_ =	sdelay $0x1  }
0x5ad: {  	v8 =	vadd.f32 v14, v8;
	v2 =	vadd.f32 v11, v2;
	v11 =	vmul.f32 v22, v22;
	_ =	sdelay $0x1  }
0x5ae: {  	v8 =	vadd.f32 v11, v8;
	v11 =	vmul.f32 v0, v0;
	v0 =	vld [tilespmem:$0x1EBE0]  }
0x5af: {  	v15 =	vmul.f32 v23, v23;
	_ =	sdelay $0x1  }
0x5b0: {  	v5 =	vadd.f32 v15, v5;
	_ =	sdelay $0x1  }
0x5b1: {  	v5 =	vadd.f32 v6, v5;
	v6 =	vmul.f32 v0, v0;
	v0 =	vld [tilespmem:$0x1EC30];
	_ =	sdelay $0x4  }
0x5b2: {  	v8 =	vadd.f32 v11, v8;
	v11 =	vmul.f32 v0, v0;
	v0 =	vld [tilespmem:$0x1EAC0];
	_ =	sdelay $0x4  }
0x5b3: {  	v5 =	vadd.f32 v6, v5;
	v6 =	vmul.f32 v0, v0;
	v0 =	vld [tilespmem:$0x1EB10]  }
0x5b4: {  	v2 =	vadd.f32 v46, v2;
	_ =	sdelay $0x1  }
0x5b5: {  	v2 =	vadd.f32 v35, v2;
	_ =	sdelay $0x1  }
0x5b6: {  	v2 =	vadd.f32 v7, v2;
	v7 =	vmul.f32 v0, v0;
	v0 =	vld [tilespmem:$0x1E9A0];
	_ =	sdelay $0x4  }
0x5b7: {  	v5 =	vadd.f32 v6, v5;
	v6 =	vmul.f32 v0, v0;
	v0 =	vld [tilespmem:$0x1E9F0];
	_ =	sdelay $0x3  }
0x5b8: {  	v49 =	vld [tilespmem:s26+$0x45A0]  }
0x5b9: {  	v4 =	vmul.f32 v0, v0;
	v0 =	vld [tilespmem:$0x1DE60];
	_ =	sdelay $0x1  }
0x5ba: {  	v1 =	vld [tilespmem:s26+$0x4580]  }
0x5bb: {  	v38 =	vld [tilespmem:s26+$0xC580]  }
0x5bc: {  	v57 =	vld [tilespmem:s26+$0x45B0]  }
0x5bd: {  	v46 =	vsub.f32 v49, v0;
	v0 =	vld [tilespmem:$0x1DE70];
	_ =	sdelay $0x3  }
0x5be: {  	v43 =	vsub.f32 v1, v38;
	v1 =	vld [tilespmem:$0x1DE90]  }
0x5bf: {  	v54 =	vsub.f32 v57, v0;
	v0 =	vld [tilespmem:$0x1DE80];
	_ =	sdelay $0x4  }
0x5c0: {  	v8 =	vadd.f32 v11, v8;
	v55 =	vsub.f32 v0, v1;
	v0 =	vld [tilespmem:$0x1DEA0]  }
0x5c1: {  	v1 =	vld [tilespmem:$0x1DEB0]  }
0x5c2: {  	v2 =	vadd.f32 v21, v2;
	v7 =	vadd.f32 v7, v8;
	_ =	sdelay $0x1  }
0x5c3: {  	v25 =	vadd.f32 v13, v2;
	v2 =	vmul.f32 v58, v58;
	v4 =	vadd.f32 v4, v7;
	_ =	sdelay $0x1  }
0x5c4: {  	v62 =	vadd.f32 v2, v4;
	v2 =	vsub.f32 v0, v1;
	v0 =	vld [tilespmem:$0x1DEC0]  }
0x5c5: {  	v1 =	vld [tilespmem:$0x1DED0];
	_ =	sdelay $0x4  }
0x5c6: {  	v0 =	vsub.f32 v0, v1  }
0x5c7: {  	v1 =	vld [tilespmem:$0x1DF00]  }
0x5c8: {  	[tilespmem:$0x1DEE0] =	vst v0;
	v0 =	vld [tilespmem:$0x1DEF0];
	_ =	sdelay $0x2  }
0x5c9: {  	v5 =	vadd.f32 v6, v5;
	v6 =	vmul.f32 v60, v60;
	_ =	sdelay $0x1  }
0x5ca: {  	v59 =	vadd.f32 v6, v5;
	v5 =	vsub.f32 v0, v1;
	v0 =	vld [tilespmem:$0x1DF10]  }
0x5cb: {  	v1 =	vld [tilespmem:$0x1DF20];
	_ =	sdelay $0x4  }
0x5cc: {  	v0 =	vsub.f32 v0, v1  }
0x5cd: {  	v1 =	vld [tilespmem:$0x1DF50]  }
0x5ce: {  	[tilespmem:$0x1DF30] =	vst v0;
	v0 =	vld [tilespmem:$0x1DF40];
	_ =	sdelay $0x4  }
0x5cf: {  	v6 =	vsub.f32 v0, v1;
	v0 =	vld [tilespmem:$0x1DF60]  }
0x5d0: {  	v1 =	vld [tilespmem:$0x1DF70];
	_ =	sdelay $0x2  }
0x5d1: {  	v16 =	vld [tilespmem:s26+$0x4590]  }
0x5d2: {  	v41 =	vld [tilespmem:s26+$0xC590]  }
0x5d3: {  	v4 =	vsub.f32 v0, v1;
	v0 =	vld [tilespmem:$0x1DF80]  }
0x5d4: {  	v1 =	vld [tilespmem:$0x1DF90];
	_ =	sdelay $0x4  }
0x5d5: {  	v45 =	vsub.f32 v16, v41;
	v41 =	vsub.f32 v0, v1;
	v0 =	vld [tilespmem:$0x1DFA0]  }
0x5d6: {  	v1 =	vld [tilespmem:$0x1DFB0];
	_ =	sdelay $0x4  }
0x5d7: {  	v48 =	vsub.f32 v0, v1;
	v0 =	vld [tilespmem:$0x1DFC0]  }
0x5d8: {  	v1 =	vld [tilespmem:$0x1DFD0];
	_ =	sdelay $0x4  }
0x5d9: {  	v0 =	vsub.f32 v0, v1  }
0x5da: {  	v1 =	vld [tilespmem:$0x1DFF0]  }
0x5db: {  	[tilespmem:$0x1E3B0] =	vst v0;
	v0 =	vld [tilespmem:$0x1DFE0];
	_ =	sdelay $0x4  }
0x5dc: {  	v0 =	vsub.f32 v0, v1  }
0x5dd: {  	v1 =	vld [tilespmem:$0x1E020]  }
0x5de: {  	[tilespmem:$0x1E000] =	vst v0;
	v0 =	vld [tilespmem:$0x1E010];
	_ =	sdelay $0x4  }
0x5df: {  	v0 =	vsub.f32 v0, v1  }
0x5e0: {  	v1 =	vld [tilespmem:$0x1E040]  }
0x5e1: {  	[tilespmem:$0x1E3C0] =	vst v0;
	v0 =	vld [tilespmem:$0x1E030];
	_ =	sdelay $0x4  }
0x5e2: {  	v0 =	vsub.f32 v0, v1  }
0x5e3: {  	v1 =	vld [tilespmem:$0x1E070]  }
0x5e4: {  	[tilespmem:$0x1E050] =	vst v0;
	v0 =	vld [tilespmem:$0x1E060];
	_ =	sdelay $0x4  }
0x5e5: {  	v49 =	vsub.f32 v0, v1;
	v0 =	vld [tilespmem:$0x1E080]  }
0x5e6: {  	v1 =	vld [tilespmem:$0x1E090];
	_ =	sdelay $0x4  }
0x5e7: {  	v0 =	vsub.f32 v0, v1  }
0x5e8: {  	v1 =	vld [tilespmem:$0x1E0B0]  }
0x5e9: {  	[tilespmem:$0x1E3D0] =	vst v0;
	v0 =	vld [tilespmem:$0x1E0A0];
	_ =	sdelay $0x4  }
0x5ea: {  	v0 =	vsub.f32 v0, v1  }
0x5eb: {  	v1 =	vld [tilespmem:$0x1E0D0]  }
0x5ec: {  	[tilespmem:$0x1E3E0] =	vst v0;
	v0 =	vld [tilespmem:$0x1E0C0];
	_ =	sdelay $0x4  }
0x5ed: {  	v0 =	vsub.f32 v0, v1  }
0x5ee: {  	v1 =	vld [tilespmem:$0x1E0F0]  }
0x5ef: {  	[tilespmem:$0x1E3F0] =	vst v0;
	v0 =	vld [tilespmem:$0x1E0E0];
	_ =	sdelay $0x4  }
0x5f0: {  	v0 =	vsub.f32 v0, v1  }
0x5f1: {  	v1 =	vld [tilespmem:$0x1E110]  }
0x5f2: {  	[tilespmem:$0x1E400] =	vst v0;
	v0 =	vld [tilespmem:$0x1E100];
	_ =	sdelay $0x4  }
0x5f3: {  	v0 =	vsub.f32 v0, v1  }
0x5f4: {  	v1 =	vld [tilespmem:$0x1E140]  }
0x5f5: {  	[tilespmem:$0x1E120] =	vst v0;
	v0 =	vld [tilespmem:$0x1E130];
	_ =	sdelay $0x4  }
0x5f6: {  	v0 =	vsub.f32 v0, v1  }
0x5f7: {  	v1 =	vld [tilespmem:$0x1E160]  }
0x5f8: {  	[tilespmem:$0x1E410] =	vst v0;
	v0 =	vld [tilespmem:$0x1E150];
	_ =	sdelay $0x4  }
0x5f9: {  	v0 =	vsub.f32 v0, v1  }
0x5fa: {  	v1 =	vld [tilespmem:$0x1E190]  }
0x5fb: {  	[tilespmem:$0x1E170] =	vst v0;
	v0 =	vld [tilespmem:$0x1E180];
	_ =	sdelay $0x4  }
0x5fc: {  	v0 =	vsub.f32 v0, v1  }
0x5fd: {  	v1 =	vld [tilespmem:$0x1E1B0]  }
0x5fe: {  	[tilespmem:$0x1E420] =	vst v0;
	v0 =	vld [tilespmem:$0x1E1A0];
	_ =	sdelay $0x4  }
0x5ff: {  	v0 =	vsub.f32 v0, v1  }
0x600: {  	v1 =	vld [tilespmem:$0x1E1D0]  }
0x601: {  	[tilespmem:$0x1E430] =	vst v0;
	v0 =	vld [tilespmem:$0x1E1C0];
	_ =	sdelay $0x4  }
0x602: {  	v0 =	vsub.f32 v0, v1  }
0x603: {  	v1 =	vld [tilespmem:$0x1E1F0]  }
0x604: {  	[tilespmem:$0x1E450] =	vst v0;
	v0 =	vld [tilespmem:$0x1E1E0];
	_ =	sdelay $0x4  }
0x605: {  	v35 =	vsub.f32 v0, v1;
	v0 =	vld [tilespmem:$0x1E200]  }
0x606: {  	v1 =	vld [tilespmem:$0x1E210];
	_ =	sdelay $0x4  }
0x607: {  	v0 =	vsub.f32 v0, v1  }
0x608: {  	v1 =	vld [tilespmem:$0x1E230]  }
0x609: {  	[tilespmem:$0x1E470] =	vst v0;
	v0 =	vld [tilespmem:$0x1E220];
	_ =	sdelay $0x4  }
0x60a: {  	v0 =	vsub.f32 v0, v1  }
0x60b: {  	v1 =	vld [tilespmem:$0x1E260]  }
0x60c: {  	[tilespmem:$0x1E240] =	vst v0;
	v0 =	vld [tilespmem:$0x1E250];
	_ =	sdelay $0x4  }
0x60d: {  	v52 =	vsub.f32 v0, v1;
	v0 =	vld [tilespmem:$0x1E270]  }
0x60e: {  	v1 =	vld [tilespmem:$0x1E280];
	_ =	sdelay $0x4  }
0x60f: {  	v0 =	vsub.f32 v0, v1  }
0x610: {  	v1 =	vld [tilespmem:$0x1E2B0]  }
0x611: {  	[tilespmem:$0x1E290] =	vst v0;
	v0 =	vld [tilespmem:$0x1E2A0];
	_ =	sdelay $0x4  }
0x612: {  	v53 =	vsub.f32 v0, v1;
	v0 =	vld [tilespmem:$0x1E2C0]  }
0x613: {  	v1 =	vld [tilespmem:$0x1E2D0];
	_ =	sdelay $0x4  }
0x614: {  	v0 =	vsub.f32 v0, v1  }
0x615: {  	v1 =	vld [tilespmem:$0x1E2F0]  }
0x616: {  	[tilespmem:$0x1E440] =	vst v0;
	v0 =	vld [tilespmem:$0x1E2E0];
	_ =	sdelay $0x4  }
0x617: {  	v0 =	vsub.f32 v0, v1  }
0x618: {  	v61 =	vld [tilespmem:s26+$0xC3C0]  }
0x619: {  	[tilespmem:$0x1E460] =	vst v0;
	v0 =	vld [tilespmem:$0x1E300];
	_ =	sdelay $0x4  }
0x61a: {  	v0 =	vsub.f32 v0, v61  }
0x61b: {  	v39 =	vld [tilespmem:s26+$0xC3D0]  }
0x61c: {  	[tilespmem:$0x1E480] =	vst v0;
	v0 =	vld [tilespmem:$0x1E310];
	_ =	sdelay $0x4  }
0x61d: {  	v0 =	vsub.f32 v0, v39  }
0x61e: {  	v18 =	vld [tilespmem:s26+$0xC300]  }
0x61f: {  	[tilespmem:$0x1E490] =	vst v0;
	v0 =	vld [tilespmem:$0x1E320];
	_ =	sdelay $0x2  }
0x620: {  	v50 =	vld [tilespmem:s26+$0x43E0]  }
0x621: {  	v51 =	vld [tilespmem:s26+$0x43F0]  }
0x622: {  	v38 =	vsub.f32 v0, v18;
	v0 =	vld [tilespmem:$0x1E330]  }
0x623: {  	v19 =	vld [tilespmem:s26+$0xC3E0]  }
0x624: {  	v40 =	vld [tilespmem:s26+$0x4340]  }
0x625: {  	v24 =	vld [tilespmem:s26+$0xC340]  }
0x626: {  	v36 =	vld [tilespmem:s26+$0x4310]  }
0x627: {  	v57 =	vsub.f32 v51, v0;
	v0 =	vld [tilespmem:$0x1E340]  }
0x628: {  	v17 =	vld [tilespmem:s26+$0xC200]  }
0x629: {  	v10 =	vld [tilespmem:s26+$0xC220];
	v3 =	vadd.f32 v47, v3  }
0x62a: {  	v23 =	vld [tilespmem:s26+$0x4350]  }
0x62b: {  	v3 =	vadd.f32 v34, v3;
	v15 =	vld [tilespmem:$0x1E360]  }
0x62c: {  	v39 =	vsub.f32 v36, v0;
	v0 =	vld [tilespmem:$0x1E350]  }
0x62d: {  	v27 =	vld [tilespmem:s26+$0x42F0];
	v3 =	vadd.f32 v30, v3  }
0x62e: {  	v34 =	vld [tilespmem:s26+$0xC350]  }
0x62f: {  	v3 =	vadd.f32 v9, v3;
	v9 =	vld [tilespmem:s26+$0xC2F0]  }
0x630: {  	v18 =	vld [tilespmem:$0x1E380]  }
0x631: {  	v61 =	vsub.f32 v50, v19;
	v50 =	vsub.f32 v0, v15;
	v15 =	vld [tilespmem:$0x1E370]  }
0x632: {  	v56 =	vadd.f32 v20, v3;
	v20 =	vld [tilespmem:s26+$0x4200]  }
0x633: {  	v12 =	vld [tilespmem:s26+$0x4220]  }
0x634: {  	v1 =	vld [tilespmem:s26+$0x4230]  }
0x635: {  	v0 =	vld [tilespmem:s26+$0xC230]  }
0x636: {  	v16 =	vld [tilespmem:s26+$0x4210];
	v51 =	vsub.f32 v15, v18;
	v15 =	vsub.f32 v23, v34  }
0x637: {  	v23 =	vsub.f32 v27, v9;
	v9 =	vsub.f32 v20, v17;
	v20 =	vmul.f32 v2, v2;
	v2 =	vld [tilespmem:$0x1E390]  }
0x638: {  	v13 =	vld [tilespmem:s26+$0xC210]  }
0x639: {  	v10 =	vsub.f32 v12, v10;
	v12 =	vld [tilespmem:s26+$0xC270]  }
0x63a: {  	v27 =	vld [tilespmem:s26+$0x4270];
	v0 =	vsub.f32 v1, v0;
	v1 =	vmul.f32 v9, v9;
	_ =	sdelay $0x1  }
0x63b: {  	v1 =	vadd.f32 v1, v2;
	v2 =	vld [tilespmem:$0x1E3A0]  }
0x63c: {  	v44 =	vld [tilespmem:s26+$0x4290];
	v13 =	vsub.f32 v16, v13  }
0x63d: {  	v47 =	vld [tilespmem:s26+$0xC290];
	v60 =	vsub.f32 v40, v24  }
0x63e: {  	v40 =	vld [tilespmem:s26+$0x4240];
	v18 =	vmul.f32 v43, v43;
	v43 =	vsub.f32 v27, v12;
	v12 =	vmul.f32 v13, v13  }
0x63f: {  	v34 =	vld [tilespmem:s26+$0xC240]  }
0x640: {  	v12 =	vadd.f32 v12, v2;
	v2 =	vld [tilespmem:$0x1E3B0]  }
0x641: {  	v33 =	vld [tilespmem:s26+$0x4280]  }
0x642: {  	v42 =	vld [tilespmem:s26+$0xC280]  }
0x643: {  	v22 =	vld [tilespmem:s26+$0x4360]  }
0x644: {  	v47 =	vsub.f32 v44, v47;
	v11 =	vld [tilespmem:s26+$0xC360]  }
0x645: {  	v44 =	vsub.f32 v40, v34;
	v40 =	vmul.f32 v4, v4;
	v4 =	vmul.f32 v2, v2;
	v2 =	vld [tilespmem:$0x1E3C0];
	_ =	sdelay $0x2  }
0x646: {  	v31 =	vld [tilespmem:s26+$0x42D0]  }
0x647: {  	v29 =	vld [tilespmem:s26+$0xC2D0];
	v24 =	vsub.f32 v22, v11  }
0x648: {  	v22 =	vsub.f32 v33, v42;
	v33 =	vmul.f32 v46, v46;
	v46 =	vmul.f32 v2, v2;
	v2 =	vld [tilespmem:$0x1E3D0];
	_ =	sdelay $0x1  }
0x649: {  	v28 =	vld [tilespmem:s26+$0xC2E0]  }
0x64a: {  	v32 =	vld [tilespmem:s26+$0x42C0]  }
0x64b: {  	v29 =	vsub.f32 v31, v29;
	v30 =	vld [tilespmem:s26+$0x42E0];
	v31 =	vmul.f32 v6, v6  }
0x64c: {  	v6 =	vmul.f32 v48, v48;
	v48 =	vmul.f32 v2, v2;
	v2 =	vld [tilespmem:$0x1E3E0]  }
0x64d: {  	v3 =	vld [tilespmem:s26+$0x42A0]  }
0x64e: {  	v8 =	vld [tilespmem:s26+$0xC2B0]  }
0x64f: {  	v7 =	vld [tilespmem:s26+$0x42B0]  }
0x650: {  	v58 =	vld [tilespmem:s26+$0xC2A0];
	v27 =	vmul.f32 v47, v47  }
0x651: {  	v47 =	vmul.f32 v49, v49;
	v49 =	vmul.f32 v2, v2;
	v2 =	vld [tilespmem:$0x1E3F0]  }
0x652: {  	v26 =	vld [tilespmem:s26+$0xC2C0]  }
0x653: {  	v11 =	vld [tilespmem:s26+$0x4260]  }
0x654: {  	v7 =	vsub.f32 v7, v8;
	v8 =	vsub.f32 v30, v28;
	v28 =	vld [tilespmem:s26+$0xC260]  }
0x655: {  	v10 =	vmul.f32 v10, v10;
	v30 =	vmul.f32 v5, v5  }
0x656: {  	v3 =	vsub.f32 v3, v58;
	v13 =	vmul.f32 v22, v22;
	v5 =	vmul.f32 v2, v2;
	v2 =	vld [tilespmem:$0x1E400]  }
0x657: {  	v10 =	vadd.f32 v10, v37;
	v26 =	vsub.f32 v32, v26  }
0x658: {  	v32 =	vmul.f32 v45, v45;
	v1 =	vadd.f32 v13, v1;
	v13 =	vmul.f32 v3, v3  }
0x659: {  	v45 =	vsub.f32 v11, v28;
	v28 =	vmul.f32 v39, v39;
	v12 =	vadd.f32 v27, v12  }
0x65a: {  	v10 =	vadd.f32 v13, v10  }
0x65b: {  	v13 =	vmul.f32 v38, v38;
	v38 =	vadd.f32 v28, v12;
	v28 =	vmul.f32 v2, v2;
	v2 =	vld [tilespmem:$0x1E410];
	_ =	sdelay $0x1  }
0x65c: {  	v0 =	vmul.f32 v0, v0  }
0x65d: {  	v1 =	vadd.f32 v13, v1;
	v13 =	vmul.f32 v50, v50  }
0x65e: {  	v0 =	vadd.f32 v0, v63  }
0x65f: {  	v27 =	vmul.f32 v7, v7;
	v13 =	vadd.f32 v13, v10;
	v10 =	vmul.f32 v2, v2;
	v2 =	vld [tilespmem:$0x1E420];
	_ =	sdelay $0x1  }
0x660: {  	v63 =	vmul.f32 v52, v52;
	v0 =	vadd.f32 v27, v0;
	v12 =	vmul.f32 v51, v51;
	_ =	sdelay $0x1  }
0x661: {  	v0 =	vadd.f32 v12, v0;
	v12 =	vadd.f32 v63, v1;
	v1 =	vld [tilespmem:$0x1E430]  }
0x662: {  	v50 =	vmul.f32 v2, v2;
	v2 =	vld [tilespmem:$0x1E450];
	_ =	sdelay $0x3  }
0x663: {  	v51 =	vmul.f32 v1, v1;
	v1 =	vld [tilespmem:$0x1E440]  }
0x664: {  	v52 =	vmul.f32 v2, v2;
	v2 =	vld [tilespmem:$0x1E460];
	_ =	sdelay $0x3  }
0x665: {  	v1 =	vmul.f32 v1, v1  }
0x666: {  	v63 =	vmul.f32 v2, v2  }
0x667: {  	v34 =	vmul.f32 v54, v54;
	v54 =	vadd.f32 v1, v13;
	v1 =	vld [tilespmem:$0x1E470]  }
0x668: {  	v19 =	vmul.f32 v55, v55;
	v55 =	vadd.f32 v63, v0;
	v0 =	vld [tilespmem:$0x1E480]  }
0x669: {  	v14 =	vld [tilespmem:s26+$0x4370]  }
0x66a: {  	v21 =	vld [tilespmem:s26+$0xC370]  }
0x66b: {  	v42 =	vld [tilespmem:s26+$0x4250]  }
0x66c: {  	v36 =	vld [tilespmem:s26+$0xC250]  }
0x66d: {  	v39 =	vmul.f32 v1, v1;
	v1 =	vmul.f32 v0, v0;
	v0 =	vld [tilespmem:$0x1E490];
	_ =	sdelay $0x2  }
0x66e: {  	v58 =	vmul.f32 v53, v53  }
0x66f: {  	v21 =	vsub.f32 v14, v21;
	v41 =	vmul.f32 v41, v41;
	v42 =	vsub.f32 v42, v36  }
0x670: {  	s26 =	simm.s32 $0x1000;
	v53 =	vadd.f32 v58, v38;
	v38 =	vmul.f32 v35, v35;
	v0 =	vmul.f32 v0, v0  }
.LBB2_8:
0x671: {  	v10 =	vadd.f32 v10, v12;
	_ =	sdelay $0x1  }
0x672: {  	v12 =	vadd.f32 v50, v53;
	v10 =	vadd.f32 v46, v10  }
0x673: {  	v51 =	vadd.f32 v51, v54  }
0x674: {  	v12 =	vadd.f32 v47, v12;
	v10 =	vadd.f32 v30, v10  }
0x675: {  	v52 =	vadd.f32 v52, v55;
	v54 =	vadd.f32 v48, v51  }
0x676: {  	v12 =	vadd.f32 v31, v12;
	v2 =	vadd.f32 v18, v10  }
0x677: {  	v55 =	vadd.f32 v49, v52  }
0x678: {  	v40 =	vadd.f32 v40, v54;
	[tilespmem:$0x1DD90] =	vst v2;
	v2 =	vadd.f32 v32, v12  }
0x679: {  	v44 =	vmul.f32 v44, v44  }
0x67a: {  	v42 =	vmul.f32 v42, v42;
	v41 =	vadd.f32 v41, v55;
	[tilespmem:$0x1DDA0] =	vst v2;
	v2 =	vadd.f32 v33, v40  }
0x67b: {  	v63 =	vmul.f32 v26, v26;
	v35 =	vmul.f32 v29, v29;
	v58 =	vadd.f32 v44, v25  }
0x67c: {  	v3 =	vadd.f32 v42, v56;
	v10 =	vmul.f32 v43, v43;
	[tilespmem:$0x1DDB0] =	vst v2;
	v2 =	vadd.f32 v34, v41  }
0x67d: {  	v13 =	vmul.f32 v60, v60;
	v50 =	vmul.f32 v15, v15;
	v36 =	vadd.f32 v63, v58  }
0x67e: {  	v3 =	vadd.f32 v35, v3;
	[tilespmem:$0x1DDC0] =	vst v2;
	v2 =	vadd.f32 v10, v62;
	v10 =	vmul.f32 v23, v23  }
0x67f: {  	v45 =	vmul.f32 v45, v45;
	v7 =	vld [tilespmem:$0x1E290];
	v13 =	vadd.f32 v13, v36  }
0x680: {  	v3 =	vadd.f32 v50, v3;
	v2 =	vadd.f32 v10, v2;
	v10 =	vmul.f32 v21, v21  }
0x681: {  	v37 =	vmul.f32 v8, v8;
	v11 =	vadd.f32 v45, v59;
	v1 =	vadd.f32 v1, v13  }
0x682: {  	v0 =	vadd.f32 v0, v3;
	v3 =	vld [tilespmem:$0x1E240];
	v2 =	vadd.f32 v10, v2;
	v10 =	vmul.f32 v57, v57  }
0x683: {  	v60 =	vmul.f32 v24, v24;
	v11 =	vadd.f32 v37, v11  }
0x684: {  	v1 =	vadd.f32 v38, v1;
	v2 =	vadd.f32 v10, v2;
	v10 =	vmul.f32 v7, v7;
	v7 =	vld [tilespmem:$0x1E120]  }
0x685: {  	v11 =	vadd.f32 v60, v11;
	v62 =	vmul.f32 v61, v61  }
0x686: {  	v0 =	vadd.f32 v39, v0;
	v1 =	vadd.f32 v5, v1;
	v5 =	vld [tilespmem:$0x1E000]  }
0x687: {  	v3 =	vmul.f32 v3, v3;
	v11 =	vadd.f32 v62, v11  }
0x688: {  	v0 =	vadd.f32 v28, v0  }
0x689: {  	v3 =	vadd.f32 v3, v11;
	v13 =	vmul.f32 v7, v7;
	v7 =	vld [tilespmem:$0x1E170]  }
0x68a: {  	v0 =	vadd.f32 v4, v0;
	v4 =	vld [tilespmem:$0x1DEE0]  }
0x68b: {  	v11 =	vmul.f32 v5, v5;
	v5 =	vld [tilespmem:$0x1E050];
	v3 =	vadd.f32 v13, v3;
	_ =	sdelay $0x1  }
0x68c: {  	v11 =	vadd.f32 v11, v3;
	v3 =	vld [tilespmem:$0x1DF30]  }
0x68d: {  	v2 =	vadd.f32 v10, v2;
	v10 =	vmul.f32 v7, v7  }
0x68e: {  	v0 =	vadd.f32 v20, v0  }
0x68f: {  	v2 =	vadd.f32 v10, v2;
	v10 =	vmul.f32 v5, v5;
	v5 =	vmul.f32 v4, v4;
	_ =	sdelay $0x1  }
0x690: {  	[tilespmem:$0x1DDE0] =	vst v0;
	v2 =	vadd.f32 v10, v2;
	v4 =	vmul.f32 v3, v3;
	v0 =	vadd.f32 v5, v11;
	_ =	sdelay $0x1  }
0x691: {  	[tilespmem:$0x1DE00] =	vst v0;
	v0 =	vadd.f32 v4, v2  }
0x692: {  	s28 =	sshra.s32 s26, $0x2  }
0x693: {  	[tilespmem:$0x1DD60] =	vst v0;
	v0 =	vld [tilespmem:s28+$0x4480];
	_ =	sdelay $0x4  }
0x694: {  	[tilespmem:$0x1DAC0] =	vst v0;
	v0 =	vld [tilespmem:s28+$0xC480];
	_ =	sdelay $0x4  }
0x695: {  	[tilespmem:$0x1DAD0] =	vst v0;
	v0 =	vld [tilespmem:s28+$0x4490];
	_ =	sdelay $0x4  }
0x696: {  	[tilespmem:$0x1DAE0] =	vst v0;
	v0 =	vld [tilespmem:s28+$0xC490];
	_ =	sdelay $0x4  }
0x697: {  	[tilespmem:$0x1DAF0] =	vst v0;
	v0 =	vld [tilespmem:s28+$0x44A0];
	_ =	sdelay $0x4  }
0x698: {  	[tilespmem:$0x1DB00] =	vst v0;
	v0 =	vld [tilespmem:s28+$0xC4A0];
	_ =	sdelay $0x4  }
0x699: {  	[tilespmem:$0x1DB10] =	vst v0;
	v0 =	vld [tilespmem:s28+$0x44B0];
	_ =	sdelay $0x4  }
0x69a: {  	[tilespmem:$0x1DB20] =	vst v0;
	v0 =	vld [tilespmem:s28+$0xC4B0];
	_ =	sdelay $0x4  }
0x69b: {  	[tilespmem:$0x1DB30] =	vst v0;
	v0 =	vld [tilespmem:s28+$0x44C0];
	_ =	sdelay $0x4  }
0x69c: {  	[tilespmem:$0x1DB40] =	vst v0;
	v0 =	vld [tilespmem:s28+$0xC4C0];
	_ =	sdelay $0x4  }
0x69d: {  	[tilespmem:$0x1DB50] =	vst v0;
	v0 =	vld [tilespmem:s28+$0x44D0];
	_ =	sdelay $0x4  }
0x69e: {  	[tilespmem:$0x1DB60] =	vst v0;
	v0 =	vld [tilespmem:s28+$0xC4D0];
	_ =	sdelay $0x4  }
0x69f: {  	[tilespmem:$0x1DB70] =	vst v0;
	v0 =	vld [tilespmem:s28+$0x44E0];
	_ =	sdelay $0x4  }
0x6a0: {  	[tilespmem:$0x1DB80] =	vst v0;
	v0 =	vld [tilespmem:s28+$0xC4E0];
	_ =	sdelay $0x4  }
0x6a1: {  	[tilespmem:$0x1DB90] =	vst v0;
	v0 =	vld [tilespmem:s28+$0x44F0];
	_ =	sdelay $0x4  }
0x6a2: {  	[tilespmem:$0x1DBC0] =	vst v0;
	v0 =	vld [tilespmem:s28+$0xC4F0];
	_ =	sdelay $0x4  }
0x6a3: {  	[tilespmem:$0x1DBD0] =	vst v0;
	v0 =	vld [tilespmem:s28+$0x4400];
	_ =	sdelay $0x4  }
0x6a4: {  	[tilespmem:$0x1DBA0] =	vst v0;
	v0 =	vld [tilespmem:s28+$0xC400];
	_ =	sdelay $0x4  }
0x6a5: {  	[tilespmem:$0x1DBB0] =	vst v0;
	v0 =	vld [tilespmem:s28+$0x4410];
	_ =	sdelay $0x4  }
0x6a6: {  	[tilespmem:$0x1DBE0] =	vst v0;
	v0 =	vld [tilespmem:s28+$0xC410];
	_ =	sdelay $0x4  }
0x6a7: {  	[tilespmem:$0x1DBF0] =	vst v0;
	v0 =	vld [tilespmem:s28+$0x4420];
	_ =	sdelay $0x4  }
0x6a8: {  	[tilespmem:$0x1DC00] =	vst v0;
	v0 =	vld [tilespmem:s28+$0xC420];
	_ =	sdelay $0x4  }
0x6a9: {  	[tilespmem:$0x1DC10] =	vst v0;
	v0 =	vld [tilespmem:s28+$0x4430];
	_ =	sdelay $0x4  }
0x6aa: {  	[tilespmem:$0x1DC20] =	vst v0;
	v0 =	vld [tilespmem:s28+$0xC430];
	_ =	sdelay $0x4  }
0x6ab: {  	[tilespmem:$0x1DC30] =	vst v0;
	v0 =	vld [tilespmem:s28+$0x4440];
	_ =	sdelay $0x4  }
0x6ac: {  	[tilespmem:$0x1DC40] =	vst v0;
	v0 =	vld [tilespmem:s28+$0xC440];
	_ =	sdelay $0x4  }
0x6ad: {  	[tilespmem:$0x1DC50] =	vst v0;
	v0 =	vld [tilespmem:s28+$0x4450];
	_ =	sdelay $0x4  }
0x6ae: {  	[tilespmem:$0x1DC60] =	vst v0;
	v0 =	vld [tilespmem:s28+$0xC450];
	_ =	sdelay $0x4  }
0x6af: {  	[tilespmem:$0x1DC70] =	vst v0;
	v0 =	vld [tilespmem:s28+$0x4460];
	_ =	sdelay $0x4  }
0x6b0: {  	[tilespmem:$0x1DC80] =	vst v0;
	v0 =	vld [tilespmem:s28+$0xC460];
	_ =	sdelay $0x4  }
0x6b1: {  	[tilespmem:$0x1DC90] =	vst v0;
	v0 =	vld [tilespmem:s28+$0x4470];
	_ =	sdelay $0x4  }
0x6b2: {  	[tilespmem:$0x1DCC0] =	vst v0;
	v0 =	vld [tilespmem:s28+$0xC470];
	_ =	sdelay $0x4  }
0x6b3: {  	[tilespmem:$0x1DCD0] =	vst v0;
	v0 =	vld [tilespmem:s28+$0x4380];
	_ =	sdelay $0x4  }
0x6b4: {  	[tilespmem:$0x1DCA0] =	vst v0;
	v0 =	vld [tilespmem:s28+$0xC380];
	_ =	sdelay $0x4  }
0x6b5: {  	[tilespmem:$0x1DCB0] =	vst v0;
	v0 =	vld [tilespmem:s28+$0x4390];
	_ =	sdelay $0x4  }
0x6b6: {  	[tilespmem:$0x1DCE0] =	vst v0;
	v0 =	vld [tilespmem:s28+$0xC390];
	_ =	sdelay $0x4  }
0x6b7: {  	[tilespmem:$0x1DCF0] =	vst v0;
	v0 =	vld [tilespmem:s28+$0x43A0];
	_ =	sdelay $0x4  }
0x6b8: {  	[tilespmem:$0x1DD00] =	vst v0;
	v0 =	vld [tilespmem:s28+$0xC3A0];
	_ =	sdelay $0x4  }
0x6b9: {  	[tilespmem:$0x1DD10] =	vst v0;
	v0 =	vld [tilespmem:s28+$0x43B0];
	_ =	sdelay $0x4  }
0x6ba: {  	[tilespmem:$0x1DD20] =	vst v0;
	v0 =	vld [tilespmem:s28+$0xC3B0];
	_ =	sdelay $0x1  }
0x6bb: {  	v26 =	vld [tilespmem:s28+$0xC5B0]  }
0x6bc: {  	v45 =	vld [tilespmem:s28+$0xC560]  }
0x6bd: {  	v35 =	vld [tilespmem:s28+$0x45E0]  }
0x6be: {  	[tilespmem:$0x1DD30] =	vst v0;
	v0 =	vld [tilespmem:s28+$0x43C0]  }
0x6bf: {  	v37 =	vld [tilespmem:s28+$0xC5E0]  }
0x6c0: {  	v43 =	vld [tilespmem:s28+$0x45F0]  }
0x6c1: {  	v36 =	vld [tilespmem:s28+$0xC5F0]  }
0x6c2: {  	v12 =	vld [tilespmem:s28+$0x45B0];
	v1 =	vadd.f32 v6, v1  }
0x6c3: {  	[tilespmem:$0x1DD40] =	vst v0;
	v0 =	vld [tilespmem:s28+$0x43D0]  }
0x6c4: {  	v28 =	vld [tilespmem:s28+$0x4510];
	v1 =	vadd.f32 v19, v1  }
0x6c5: {  	v19 =	vld [tilespmem:s28+$0x4560]  }
0x6c6: {  	[tilespmem:$0x1DD80] =	vst v1;
	v1 =	vld [tilespmem:s28+$0x4530]  }
0x6c7: {  	v13 =	vld [tilespmem:s28+$0xC510]  }
0x6c8: {  	v2 =	vld [tilespmem:s28+$0xC530];
	[tilespmem:$0x1DD50] =	vst v0;
	v0 =	vsub.f32 v35, v37  }
0x6c9: {  	v56 =	vld [tilespmem:s28+$0xC570]  }
0x6ca: {  	v39 =	vld [tilespmem:s28+$0x4500];
	[tilespmem:$0x1DEE0] =	vst v0;
	v0 =	vsub.f32 v43, v36  }
0x6cb: {  	v20 =	vld [tilespmem:s28+$0x4570]  }
0x6cc: {  	v38 =	vsub.f32 v12, v26;
	v7 =	vld [tilespmem:s28+$0xC500];
	[tilespmem:$0x1DF30] =	vst v0;
	v0 =	vsub.f32 v19, v45  }
0x6cd: {  	v26 =	vsub.f32 v28, v13;
	v28 =	vsub.f32 v1, v2;
	v1 =	vld [tilespmem:$0x1DAD0]  }
0x6ce: {  	[tilespmem:$0x1E000] =	vst v0;
	v0 =	vld [tilespmem:$0x1DAC0];
	_ =	sdelay $0x3  }
0x6cf: {  	v27 =	vld [tilespmem:s28+$0x45D0];
	v46 =	vsub.f32 v39, v7  }
0x6d0: {  	v21 =	vld [tilespmem:s28+$0xC5D0];
	v39 =	vsub.f32 v0, v1;
	v0 =	vsub.f32 v20, v56  }
0x6d1: {  	v1 =	vld [tilespmem:$0x1DAF0]  }
0x6d2: {  	[tilespmem:$0x1E050] =	vst v0;
	v0 =	vld [tilespmem:$0x1DAE0];
	_ =	sdelay $0x4  }
0x6d3: {  	v41 =	vsub.f32 v27, v21;
	v21 =	vsub.f32 v0, v1;
	v0 =	vld [tilespmem:$0x1DB00]  }
0x6d4: {  	v1 =	vld [tilespmem:$0x1DB10];
	_ =	sdelay $0x2  }
0x6d5: {  	v8 =	vld [tilespmem:s28+$0x45C0]  }
0x6d6: {  	v23 =	vld [tilespmem:s28+$0xC5C0]  }
0x6d7: {  	v45 =	vsub.f32 v0, v1;
	v0 =	vld [tilespmem:$0x1DB20]  }
0x6d8: {  	v1 =	vld [tilespmem:$0x1DB30];
	_ =	sdelay $0x4  }
0x6d9: {  	v49 =	vsub.f32 v8, v23;
	v23 =	vsub.f32 v0, v1;
	v0 =	vld [tilespmem:$0x1DB40]  }
0x6da: {  	v1 =	vld [tilespmem:$0x1DB50];
	_ =	sdelay $0x4  }
0x6db: {  	v0 =	vsub.f32 v0, v1  }
0x6dc: {  	v1 =	vld [tilespmem:$0x1DB70]  }
0x6dd: {  	[tilespmem:$0x1DD70] =	vst v0;
	v0 =	vld [tilespmem:$0x1DB60];
	_ =	sdelay $0x4  }
0x6de: {  	v36 =	vsub.f32 v0, v1;
	v0 =	vld [tilespmem:$0x1DB80]  }
0x6df: {  	v1 =	vld [tilespmem:$0x1DB90];
	_ =	sdelay $0x4  }
0x6e0: {  	v0 =	vsub.f32 v0, v1  }
0x6e1: {  	v1 =	vld [tilespmem:$0x1DBB0]  }
0x6e2: {  	[tilespmem:$0x1E120] =	vst v0;
	v0 =	vld [tilespmem:$0x1DBA0];
	_ =	sdelay $0x4  }
0x6e3: {  	v27 =	vsub.f32 v0, v1;
	v0 =	vld [tilespmem:$0x1DBC0]  }
0x6e4: {  	v1 =	vld [tilespmem:$0x1DBD0];
	_ =	sdelay $0x4  }
0x6e5: {  	v0 =	vsub.f32 v0, v1  }
0x6e6: {  	v1 =	vld [tilespmem:$0x1DBF0]  }
0x6e7: {  	[tilespmem:$0x1E170] =	vst v0;
	v0 =	vld [tilespmem:$0x1DBE0];
	_ =	sdelay $0x3  }
0x6e8: {  	v9 =	vld [tilespmem:s28+$0x4580]  }
0x6e9: {  	v19 =	vsub.f32 v0, v1;
	v0 =	vld [tilespmem:$0x1DC00]  }
0x6ea: {  	v1 =	vld [tilespmem:$0x1DC10]  }
0x6eb: {  	v14 =	vld [tilespmem:s28+$0xC580]  }
0x6ec: {  	v16 =	vld [tilespmem:s28+$0xC590]  }
0x6ed: {  	v17 =	vld [tilespmem:s28+$0x45A0]  }
0x6ee: {  	v22 =	vld [tilespmem:s28+$0xC5A0]  }
0x6ef: {  	v35 =	vsub.f32 v0, v1;
	v0 =	vld [tilespmem:$0x1DC20]  }
0x6f0: {  	v1 =	vld [tilespmem:$0x1DC30]  }
0x6f1: {  	v24 =	vld [tilespmem:s28+$0x4310]  }
0x6f2: {  	v53 =	vld [tilespmem:s28+$0xC310]  }
0x6f3: {  	v29 =	vld [tilespmem:s28+$0xC350]  }
0x6f4: {  	v52 =	vld [tilespmem:s28+$0x4320]  }
0x6f5: {  	v20 =	vsub.f32 v0, v1;
	v0 =	vld [tilespmem:$0x1DC40]  }
0x6f6: {  	v1 =	vld [tilespmem:$0x1DC50]  }
0x6f7: {  	v51 =	vld [tilespmem:s28+$0x4330]  }
0x6f8: {  	v47 =	vld [tilespmem:s28+$0x4340]  }
0x6f9: {  	v15 =	vld [tilespmem:s28+$0x4590]  }
0x6fa: {  	v59 =	vld [tilespmem:s28+$0xC330]  }
0x6fb: {  	v43 =	vsub.f32 v0, v1;
	v0 =	vld [tilespmem:$0x1DC60]  }
0x6fc: {  	v1 =	vld [tilespmem:$0x1DC70]  }
0x6fd: {  	v25 =	vld [tilespmem:s28+$0x4360]  }
0x6fe: {  	v55 =	vld [tilespmem:s28+$0x4300]  }
0x6ff: {  	v54 =	vld [tilespmem:s28+$0xC300]  }
0x700: {  	v31 =	vld [tilespmem:s28+$0xC340]  }
0x701: {  	v56 =	vsub.f32 v0, v1;
	v0 =	vld [tilespmem:$0x1DC80]  }
0x702: {  	v1 =	vld [tilespmem:$0x1DC90]  }
0x703: {  	v58 =	vld [tilespmem:s28+$0xC3E0]  }
0x704: {  	v42 =	vsub.f32 v9, v14;
	v14 =	vld [tilespmem:s28+$0xC370]  }
0x705: {  	v18 =	vld [tilespmem:s28+$0xC360]  }
0x706: {  	v60 =	vld [tilespmem:s28+$0x43F0]  }
0x707: {  	v32 =	vld [tilespmem:s28+$0xC320];
	v0 =	vsub.f32 v0, v1  }
0x708: {  	v1 =	vld [tilespmem:$0x1DCB0]  }
0x709: {  	[tilespmem:$0x1E240] =	vst v0;
	v0 =	vld [tilespmem:$0x1DCA0]  }
0x70a: {  	v30 =	vsub.f32 v15, v16;
	v15 =	vld [tilespmem:s28+$0x4280]  }
0x70b: {  	v54 =	vsub.f32 v55, v54;
	v55 =	vld [tilespmem:s28+$0xC200]  }
0x70c: {  	v40 =	vld [tilespmem:s28+$0x4350]  }
0x70d: {  	v34 =	vld [tilespmem:s28+$0x43E0]  }
0x70e: {  	v33 =	vsub.f32 v17, v22;
	v22 =	vsub.f32 v0, v1;
	v0 =	vld [tilespmem:$0x1DCC0]  }
0x70f: {  	v1 =	vld [tilespmem:$0x1DCD0]  }
0x710: {  	v53 =	vsub.f32 v24, v53;
	v24 =	vsub.f32 v52, v32;
	v52 =	vld [tilespmem:s28+$0x4210]  }
0x711: {  	v61 =	vld [tilespmem:s28+$0xC3D0]  }
0x712: {  	v6 =	vld [tilespmem:s28+$0x4520]  }
0x713: {  	v16 =	vld [tilespmem:$0x1DCF0]  }
0x714: {  	v0 =	vsub.f32 v0, v1;
	v1 =	vld [tilespmem:$0x1DCE0]  }
0x715: {  	[tilespmem:$0x1DDD0] =	vst v24;
	v24 =	vsub.f32 v51, v59;
	v51 =	vld [tilespmem:s28+$0xC210]  }
0x716: {  	v62 =	vld [tilespmem:s28+$0xC3C0]  }
0x717: {  	v57 =	vld [tilespmem:s28+$0xC3F0]  }
0x718: {  	[tilespmem:$0x1DDF0] =	vst v24;
	v24 =	vsub.f32 v40, v29;
	v63 =	vld [tilespmem:$0x1DD10]  }
0x719: {  	v16 =	vsub.f32 v1, v16;
	v1 =	vld [tilespmem:$0x1DD00]  }
0x71a: {  	[tilespmem:$0x1DE30] =	vst v24;
	v24 =	vsub.f32 v25, v18;
	v25 =	vld [tilespmem:s28+$0x4220]  }
0x71b: {  	v13 =	vld [tilespmem:s28+$0x4290]  }
0x71c: {  	v10 =	vld [tilespmem:s28+$0xC540]  }
0x71d: {  	v37 =	vld [tilespmem:$0x1DD20]  }
0x71e: {  	v1 =	vsub.f32 v1, v63;
	v63 =	vld [tilespmem:$0x1DD30]  }
0x71f: {  	v5 =	vld [tilespmem:s28+$0x4550]  }
0x720: {  	v11 =	vld [tilespmem:s28+$0xC550]  }
0x721: {  	v4 =	vld [tilespmem:s28+$0x4540]  }
0x722: {  	v3 =	vld [tilespmem:s28+$0xC520]  }
0x723: {  	v37 =	vsub.f32 v37, v63;
	v63 =	vld [tilespmem:$0x1DD40]  }
0x724: {  	v7 =	vld [tilespmem:s28+$0x42C0]  }
0x725: {  	v50 =	vsub.f32 v5, v11;
	v5 =	vld [tilespmem:s28+$0x42D0]  }
0x726: {  	v48 =	vsub.f32 v4, v10;
	v4 =	vld [tilespmem:s28+$0xC2C0]  }
0x727: {  	v2 =	vld [tilespmem:s28+$0xC2D0]  }
0x728: {  	[tilespmem:$0x1DE20] =	vst v37;
	v37 =	vsub.f32 v63, v62;
	v63 =	vld [tilespmem:$0x1DD50]  }
0x729: {  	[tilespmem:$0x1DE10] =	vst v1;
	v1 =	vld [tilespmem:s28+$0x42F0]  }
0x72a: {  	v62 =	vld [tilespmem:s28+$0xC2F0]  }
0x72b: {  	v10 =	vld [tilespmem:s28+$0xC290]  }
0x72c: {  	v29 =	vsub.f32 v5, v2;
	v2 =	vld [tilespmem:s28+$0xC250]  }
0x72d: {  	[tilespmem:$0x1DE40] =	vst v37;
	v37 =	vsub.f32 v63, v61;
	v61 =	vsub.f32 v60, v57;
	v63 =	vmul.f32 v42, v42;
	v42 =	vld [tilespmem:s28+$0xC220]  }
0x72e: {  	v60 =	vsub.f32 v47, v31;
	v31 =	vmul.f32 v26, v26;
	v26 =	vsub.f32 v7, v4;
	v7 =	vld [tilespmem:s28+$0x4250]  }
0x72f: {  	v18 =	vmul.f32 v49, v49;
	v49 =	vmul.f32 v23, v23;
	v23 =	vsub.f32 v1, v62;
	v1 =	vld [tilespmem:$0x1DD70]  }
0x730: {  	[tilespmem:$0x1DE50] =	vst v37;
	v37 =	vsub.f32 v34, v58;
	v58 =	vld [tilespmem:s28+$0x4200]  }
0x731: {  	v12 =	vld [tilespmem:s28+$0xC280]  }
0x732: {  	v8 =	vld [tilespmem:s28+$0xC2A0];
	v13 =	vsub.f32 v13, v10;
	v4 =	vmul.f32 v50, v50  }
0x733: {  	v11 =	vld [tilespmem:s28+$0x42A0];
	v50 =	vmul.f32 v19, v19;
	v19 =	vsub.f32 v52, v51;
	v52 =	vmul.f32 v20, v20  }
0x734: {  	v20 =	vsub.f32 v25, v42;
	v42 =	vsub.f32 v7, v2;
	v7 =	vmul.f32 v13, v13;
	v13 =	vld [tilespmem:$0x1DD90]  }
0x735: {  	v44 =	vsub.f32 v6, v3;
	v3 =	vld [tilespmem:s28+$0x42E0];
	v5 =	vmul.f32 v1, v1;
	v1 =	vsub.f32 v58, v55  }
0x736: {  	[tilespmem:$0x1E290] =	vst v0;
	v0 =	vld [tilespmem:s28+$0xC2E0]  }
0x737: {  	v9 =	vld [tilespmem:s28+$0x42B0];
	v1 =	vmul.f32 v1, v1  }
0x738: {  	v17 =	vld [tilespmem:s28+$0x4370]  }
0x739: {  	v1 =	vadd.f32 v1, v13;
	v13 =	vld [tilespmem:$0x1DDA0]  }
0x73a: {  	v12 =	vsub.f32 v15, v12;
	v6 =	vld [tilespmem:s28+$0xC2B0]  }
0x73b: {  	v11 =	vsub.f32 v11, v8;
	v8 =	vsub.f32 v3, v0;
	v0 =	vld [tilespmem:s28+$0x4260]  }
0x73c: {  	v3 =	vld [tilespmem:s28+$0xC260];
	v2 =	vmul.f32 v12, v12;
	v12 =	vmul.f32 v19, v19  }
0x73d: {  	v59 =	vsub.f32 v17, v14;
	v14 =	vld [tilespmem:s28+$0x4230]  }
0x73e: {  	v12 =	vadd.f32 v12, v13;
	v13 =	vld [tilespmem:$0x1DDB0]  }
0x73f: {  	v15 =	vld [tilespmem:s28+$0xC230]  }
0x740: {  	v9 =	vsub.f32 v9, v6;
	v6 =	vmul.f32 v48, v48  }
0x741: {  	v17 =	vld [tilespmem:s28+$0x4240];
	v48 =	vmul.f32 v45, v45;
	v45 =	vsub.f32 v0, v3;
	v0 =	vmul.f32 v20, v20  }
0x742: {  	v40 =	vmul.f32 v44, v44;
	v44 =	vld [tilespmem:s28+$0xC240]  }
0x743: {  	v0 =	vadd.f32 v0, v13;
	v13 =	vld [tilespmem:$0x1DDC0]  }
0x744: {  	v33 =	vmul.f32 v33, v33;
	v14 =	vsub.f32 v14, v15  }
0x745: {  	v11 =	vmul.f32 v11, v11;
	v1 =	vadd.f32 v2, v1;
	v2 =	vadd.f32 v7, v12;
	v7 =	vld [tilespmem:$0x1DDD0]  }
0x746: {  	v32 =	vmul.f32 v30, v30;
	v3 =	vmul.f32 v14, v14  }
0x747: {  	v30 =	vmul.f32 v46, v46;
	v44 =	vsub.f32 v17, v44;
	v0 =	vadd.f32 v11, v0;
	v11 =	vld [tilespmem:$0x1DE10]  }
0x748: {  	v17 =	vmul.f32 v54, v54;
	v9 =	vmul.f32 v9, v9;
	v3 =	vadd.f32 v3, v13  }
0x749: {  	v46 =	vmul.f32 v39, v39;
	v47 =	vmul.f32 v21, v21;
	v21 =	vld [tilespmem:s28+$0x4270]  }
0x74a: {  	v10 =	vmul.f32 v27, v27;
	v7 =	vmul.f32 v7, v7;
	v3 =	vadd.f32 v9, v3;
	v9 =	vld [tilespmem:$0x1DDF0]  }
0x74b: {  	v39 =	vmul.f32 v56, v56;
	v15 =	vmul.f32 v22, v22;
	v25 =	vld [tilespmem:s28+$0xC270];
	v1 =	vadd.f32 v17, v1  }
0x74c: {  	v22 =	vmul.f32 v53, v53;
	v0 =	vadd.f32 v7, v0;
	v7 =	vld [tilespmem:$0x1DE20];
	v11 =	vmul.f32 v11, v11  }
0x74d: {  	v16 =	vmul.f32 v16, v16;
	v57 =	vmul.f32 v41, v41;
	v12 =	vadd.f32 v15, v1;
	v1 =	vld [tilespmem:$0x1DE40]  }
0x74e: {  	p0 =	sne.s32 s26, $0xF000;
	v41 =	vmul.f32 v28, v28;
	v28 =	vmul.f32 v36, v36;
	v54 =	vadd.f32 v11, v0;
	v0 =	vld [tilespmem:$0x1DE50]  }
.Ltmp3:
0x74f: {  	v56 =	vld [tilespmem:$0x1DDE0];
	v51 =	vmul.f32 v35, v35;
	v9 =	vmul.f32 v9, v9;
	(pc) =	sbr.rel @p0 .LBB2_8-.Ltmp3, $4  }
0x750: {  	v62 =	vld [tilespmem:$0x1DD60];
	v34 =	vmul.f32 v38, v38;
	v38 =	vmul.f32 v43, v43;
	v2 =	vadd.f32 v22, v2  }
0x751: {  	v19 =	vmovc v18;
	v43 =	vsub.f32 v21, v25;
	v25 =	vld [tilespmem:$0x1DD80];
	v7 =	vmul.f32 v7, v7;
	v3 =	vadd.f32 v9, v3  }
0x752: {  	v18 =	vmovc v63;
	v20 =	vmovc v57;
	v57 =	vmov v61;
	v21 =	vmov v59;
	v59 =	vld [tilespmem:$0x1DE00];
	v53 =	vadd.f32 v16, v2  }
0x753: {  	s26 =	sadd.s32 $0x1000, s26;
	v61 =	vmovc v37;
	v15 =	vld [tilespmem:$0x1DE30];
	v1 =	vmul.f32 v1, v1;
	v0 =	vmul.f32 v0, v0;
	v55 =	vadd.f32 v7, v3  }
0x754: {  	v3 =	vadd.f32 v10, v12  }
0x755: {  	v7 =	vadd.f32 v50, v53;
	v35 =	vadd.f32 v51, v54  }
0x756: {  	v36 =	vmul.f32 v26, v26;
	v14 =	vmul.f32 v44, v44;
	v11 =	vadd.f32 v52, v55  }
0x757: {  	v17 =	vmul.f32 v43, v43;
	v3 =	vadd.f32 v46, v3;
	v7 =	vadd.f32 v47, v7  }
0x758: {  	v16 =	vmul.f32 v45, v45;
	v10 =	vadd.f32 v48, v35;
	v14 =	vadd.f32 v14, v25  }
0x759: {  	v37 =	vmul.f32 v42, v42;
	v17 =	vadd.f32 v17, v62;
	v11 =	vadd.f32 v49, v11  }
0x75a: {  	v8 =	vmul.f32 v8, v8;
	v16 =	vadd.f32 v16, v59;
	v3 =	vadd.f32 v30, v3  }
0x75b: {  	v42 =	vmul.f32 v23, v23;
	v7 =	vadd.f32 v31, v7;
	v10 =	vadd.f32 v40, v10  }
0x75c: {  	v9 =	vmul.f32 v15, v15;
	v15 =	vadd.f32 v37, v56;
	v12 =	vadd.f32 v36, v14  }
0x75d: {  	v2 =	vmul.f32 v60, v60;
	v44 =	vadd.f32 v42, v17;
	v11 =	vadd.f32 v41, v11  }
0x75e: {  	v13 =	vmul.f32 v29, v29;
	v51 =	vld [tilespmem:$0x1E290];
	v8 =	vadd.f32 v8, v16;
	v3 =	vadd.f32 v18, v3  }
0x75f: {  	v45 =	vmul.f32 v21, v21;
	v49 =	vld [tilespmem:$0x1E240];
	v7 =	vadd.f32 v32, v7;
	v10 =	vadd.f32 v33, v10  }
0x760: {  	v43 =	vmul.f32 v24, v24;
	v54 =	vld [tilespmem:$0x1E170];
	v13 =	vadd.f32 v13, v15;
	v2 =	vadd.f32 v2, v12  }
0x761: {  	v52 =	vld [tilespmem:$0x1E120];
	v48 =	vmul.f32 v57, v57;
	v47 =	vadd.f32 v45, v44;
	v11 =	vadd.f32 v34, v11  }
0x762: {  	v46 =	vmul.f32 v61, v61;
	v56 =	vld [tilespmem:$0x1E050];
	v8 =	vadd.f32 v43, v8;
	v9 =	vadd.f32 v9, v13  }
0x763: {  	v55 =	vld [tilespmem:$0x1E000];
	v12 =	vmul.f32 v51, v51;
	v1 =	vadd.f32 v1, v2;
	v50 =	vadd.f32 v48, v47  }
0x764: {  	v59 =	vld [tilespmem:$0x1DF30];
	v2 =	vmul.f32 v49, v49;
	v8 =	vadd.f32 v46, v8;
	v0 =	vadd.f32 v0, v9  }
0x765: {  	v57 =	vld [tilespmem:$0x1DEE0];
	v1 =	vadd.f32 v38, v1;
	v53 =	vadd.f32 v12, v50;
	v9 =	vmul.f32 v54, v54  }
0x766: {  	v13 =	vmul.f32 v52, v52;
	v2 =	vadd.f32 v2, v8;
	v0 =	vadd.f32 v39, v0  }
0x767: {  	v1 =	vadd.f32 v5, v1;
	v8 =	vadd.f32 v9, v53;
	v9 =	vmul.f32 v56, v56  }
0x768: {  	v5 =	vmul.f32 v55, v55;
	v2 =	vadd.f32 v13, v2;
	v0 =	vadd.f32 v28, v0  }
0x769: {  	v1 =	vadd.f32 v6, v1;
	v58 =	vadd.f32 v9, v8;
	v6 =	vmul.f32 v59, v59  }
0x76a: {  	v2 =	vadd.f32 v5, v2;
	v0 =	vadd.f32 v4, v0;
	v4 =	vmul.f32 v57, v57  }
0x76b: {  	v1 =	vadd.f32 v19, v1;
	v60 =	vadd.f32 v6, v58  }
0x76c: {  	v0 =	vadd.f32 v20, v0;
	v2 =	vadd.f32 v4, v2  }
0x76d: {  	v3 =	vadd.f32 v7, v3;
	v61 =	vadd.f32 v11, v10  }
0x76e: {  	v0 =	vadd.f32 v0, v1;
	v62 =	vadd.f32 v60, v2;
	_ =	sdelay $0x1  }
0x76f: {  	v63 =	vadd.f32 v61, v3;
	v0 =	vadd.f32 v62, v0;
	_ =	sdelay $0x1  }
0x770: {  	s25 =	sadd.s32 $0x1, s25;
	v0 =	vadd.f32 v0, v63  }
0x771: {  	p0 =	sne.s32 s25, s11  }
.Ltmp4:
0x772: {  	[tilespmem:$0x10200] =	vst v0;
	(pc) =	sbr.rel @p0 .LBB2_1-.Ltmp4, $4  }
0x773: {  	[hbm4b:s10+s3] =	stream.linear.scatter [tilespmem:s24], [sflag:$0x5], $0x80, $0x38;
	[tilespmem:$0x10280] =	vst v63  }
0x774: {  	_ =	swait.ge [sflag:s12], $0x80  }
0x775: {  	[sflag:s12] =	ssyncset.done $0x0  }
0x776: {  	[sflag:s12] =	ssyncadd.s32 $0xFFFFFF80  }
0x777: {  	_ =	sfence.sel $0x180000  }
0x778: {  	[bflag:$0x0] =	sbarrier.arrive $0xFFFF  }
0x779: {  	p0 =	sne.s32 s0, $0x0;
	_ =	strace $0x90000047  }
0x77a: {  	s0 =	sadd.s32 @!p0 $0x100000, s1;
	[bflag:$0x2] =	sbarrier.arrive $0xFFFF  }
0x77b: {  	[sflag:s0] =	ssyncadd.tile.s32 @!p0 $0x1;
	_ =	shalt  }
.Lfunc_end2:
_tile_overlayer_lowered:
.L_overlay_start_2:
0x77c: {  	(tag) =	ssettag $0x2  }
0x77d: {  	s0 =	rddreg [dreg:$0x0];
	s2 =	stileid.u32  }
0x77e: {  	s1 =	rddreg [dreg:$0x1];
	p0 =	sne.s32 s2, $0x0  }
0x77f: {  	s3 =	rddreg [dreg:$0x2];
	[bflag:$0x3] =	sbarrier.arrive $0xFFFF;
	s2 =	simm.s32 @!p0 $0x1C05  }
0x780: {  	[timem:s3], [sflag:s2] =	dma.local @!p0 [hbm:s0], s1  }
0x781: {  	s0 =	simm.s32 @!p0 $0x5  }
0x782: {  	_ =	swait.ge @!p0 [sflag:s0], s1  }
0x783: {  	s1 =	ssub.s32 @!p0 $0x0, s1;
	[sflag:s0] =	ssyncset.done @!p0 $0x0  }
0x784: {  	[sflag:s0] =	ssyncadd.s32 @!p0 s1  }
0x785: {  	[bflag:$0x3] =	sbarrier.arrive $0xFFFF  }
0x786: {  	_ =	shalt  }

</sc_bundles>
